<compile_context>
chip_gen: v7x
topology: tpu7x:2x2x1
jax: 0.10.2.dev20260603
libtpu: 0.0.44.dev20260713+nightly
codegen_flags: <defaults>
</compile_context>

<pallas_src>
import math

import jax
import jax.numpy as jnp
from jax import lax
from jax.experimental import pallas as pl
from jax.experimental.pallas import tpu as pltpu
from jax.experimental.pallas import tpu_sc as plsc

_B, _N, _D, _H, _K = 32, 8192, 128, 32, 256
_EPS = 1e-5
_L = 16
_NCHUNK = _N // _L
_MIN32 = -2147483648


def _ln(x, g, b):
    m = jnp.mean(x, axis=-1, keepdims=True)
    xc = x - m
    v = jnp.mean(xc * xc, axis=-1, keepdims=True)
    return xc * lax.rsqrt(v + _EPS) * g + b


def _dg(a, b, da, db):
    return lax.dot_general(a, b, (((da,), (db,)), ((), ())),
                           preferred_element_type=jnp.float32)


def _tc_body(q_ref, r_ref,
             qg1_ref, qb1_ref, qW_ref, qb_ref, qg2_ref, qb2_ref,
             rg1_ref, rb1_ref, rW_ref, rb_ref, rg2_ref, rb2_ref,
             scores_ref, cp_ref, c4_ref, scalb_ref, scalg_ref):
    i = pl.program_id(0)

    @pl.when(i == 0)
    def _():
        qn = _ln(q_ref[...], qg1_ref[...], qb1_ref[...])
        qv = jnp.dot(qn, qW_ref[...], preferred_element_type=jnp.float32,
                     precision=lax.Precision.HIGHEST) + qb_ref[...]
        qp = _ln(qv, qg2_ref[...], qb2_ref[...])
        wg = rW_ref[...] * rg1_ref[...]
        gw = jnp.sum(wg, axis=0, keepdims=True)
        bw = _dg(rb1_ref[...], rW_ref[...], 1, 0) + rb_ref[...]
        p = qp * rg2_ref[...] * (1.0 / math.sqrt(_H))
        cp_ref[...] = _dg(p, wg, 1, 1)
        c4_ref[0:1, :] = (_dg(jnp.ones((1, _H), jnp.float32), wg, 1, 1) *
                          (1.0 / _H)).astype(jnp.bfloat16)
        c4_ref[1:2, :] = (_dg(gw, wg, 1, 1) *
                          (2.0 / _H)).astype(jnp.bfloat16)
        c4_ref[2:3, :] = (_dg(bw, wg, 1, 1) *
                          (2.0 / _H)).astype(jnp.bfloat16)
        c4_ref[3:4, :] = jnp.full((1, _D), 1.0 / _D, jnp.bfloat16)
        c4_ref[4:8, :] = jnp.zeros((4, _D), jnp.bfloat16)
        c4_ref[8:40, :] = jnp.transpose(wg).astype(jnp.bfloat16)
        scalb_ref[:, 0:1] = jnp.sum(p * gw, axis=1, keepdims=True)
        scalb_ref[:, 1:2] = jnp.sum(p * bw, axis=1, keepdims=True)
        scalb_ref[:, 2:3] = jnp.sum(p, axis=1, keepdims=True)
        scalb_ref[:, 3:4] = jnp.sum(qp * rb2_ref[...], axis=1,
                                    keepdims=True) * (1.0 / math.sqrt(_H))
        scalb_ref[:, 4:8] = jnp.zeros((_B, 4), jnp.float32)
        scalg_ref[0:1, 0:1] = jnp.sum(gw, keepdims=True) * (1.0 / _H)
        scalg_ref[0:1, 1:2] = jnp.sum(bw, keepdims=True) * (1.0 / _H)
        scalg_ref[0:1, 2:3] = jnp.sum(gw * gw, keepdims=True) * (1.0 / _H)
        scalg_ref[0:1, 3:4] = jnp.sum(gw * bw, keepdims=True) * (1.0 / _H)
        scalg_ref[0:1, 4:5] = jnp.sum(bw * bw, keepdims=True) * (1.0 / _H)
        scalg_ref[0:1, 5:8] = jnp.zeros((1, 3), jnp.float32)

    c4_ref[4:5, :] = cp_ref[pl.ds(i, 1), :].astype(jnp.bfloat16)
    x = r_ref[0]
    xb = x.astype(jnp.bfloat16)
    m5 = _dg(c4_ref[...], xb, 1, 1)
    s2 = _dg(jnp.full((1, _D), 1.0 / _D, jnp.float32), x * x, 1, 1)
    y = m5[8:40, :]
    t2 = _dg(jnp.full((1, _H), 1.0 / _H, jnp.float32), y * y, 1, 0)

    m1 = m5[0:1, :]
    m_g = m5[1:2, :]
    m_b = m5[2:3, :]
    mu = m5[3:4, :]
    m_p = m5[4:5, :]

    sb = scalb_ref[pl.ds(i, 1), :]
    pgw_s, pbw_s, sp_s, qb2_s = (sb[:, 0:1], sb[:, 1:2], sb[:, 2:3],
                                 sb[:, 3:4])
    gl = scalg_ref[...]
    s_g, s_b, g2c, gbc, b2c = (gl[0:1, 0:1], gl[0:1, 1:2], gl[0:1, 2:3],
                               gl[0:1, 3:4], gl[0:1, 4:5])

    a = lax.rsqrt(s2 - mu * mu + _EPS)
    am = a * mu
    nu1 = a * m_p - am * pgw_s + pbw_s
    mu2 = a * m1 - am * s_g + s_b
    syc = m_b - am * m_g
    sc2 = am * am * g2c - 2.0 * am * gbc + b2c
    q2 = a * a * t2 + a * syc + sc2
    inv2 = lax.rsqrt(q2 - mu2 * mu2 + _EPS)
    scores_ref[0] = inv2 * (nu1 - mu2 * sp_s) + qb2_s


def _tc_scores(q, r, q_ln1_g, q_ln1_b, q_W, q_b, q_ln2_g, q_ln2_b,
               r_ln1_g, r_ln1_b, r_W, r_b, r_ln2_g, r_ln2_b):
    row = lambda a: a.reshape(1, -1)
    col = lambda a: a.reshape(-1, 1)
    const = lambda shape: pl.BlockSpec(shape, lambda i: (0,) * len(shape))
    return pl.pallas_call(
        _tc_body,
        grid=(_B,),
        in_specs=[
            const((_B, _D)),
            pl.BlockSpec((1, _N, _D), lambda i: (i, 0, 0)),
            const((1, _D)), const((1, _D)),
            const((_D, _H)), const((1, _H)),
            const((1, _H)), const((1, _H)),
            const((_D, 1)), const((1, _D)),
            const((_D, _H)), const((1, _H)),
            const((1, _H)), const((1, _H)),
        ],
        out_specs=pl.BlockSpec((1, 1, _N), lambda i: (i, 0, 0)),
        out_shape=jax.ShapeDtypeStruct((_B, 1, _N), jnp.float32),
        scratch_shapes=[
            pltpu.VMEM((_B, _D), jnp.float32),
            pltpu.VMEM((48, _D), jnp.bfloat16),
            pltpu.VMEM((_B, 8), jnp.float32),
            pltpu.VMEM((1, 8), jnp.float32),
        ],
    )(q, r, row(q_ln1_g), row(q_ln1_b), q_W, row(q_b), row(q_ln2_g),
      row(q_ln2_b), col(r_ln1_g), row(r_ln1_b), r_W, row(r_b),
      row(r_ln2_g), row(r_ln2_b))


def _sc_body(scores_hbm, rv_hbm, tau_hbm, rs_hbm, sc_hbm, out_hbm,
             s_v, r_v, keys_v, ck_v, ck2_v, hist_v, tau_v, rs_v, sc_v,
             res_v, sem):
    wid = lax.axis_index("s") * 2 + lax.axis_index("c")

    pltpu.sync_copy(scores_hbm.at[wid], s_v)
    pltpu.sync_copy(rv_hbm.at[wid], r_v)
    pltpu.sync_copy(tau_hbm, tau_v)
    pltpu.sync_copy(rs_hbm, rs_v)
    pltpu.sync_copy(sc_hbm, sc_v)

    lanes = lax.iota(jnp.int32, _L)
    ones_i = jnp.ones((_L,), jnp.int32)
    zero_i = jnp.zeros((_L,), jnp.int32)
    lane_base = lanes * 256

    def zero_hist():
        def zero(j, _):
            hist_v[pl.ds(j * _L, _L)] = zero_i
            return 0
        lax.fori_loop(0, 256, zero, 0, unroll=8)

    zero_hist()

    def pass_a(c, mx):
        s = s_v[pl.ds(c * _L, _L)]
        b = lax.bitcast_convert_type(s, jnp.int32)
        k = jnp.where(b < 0, b ^ jnp.int32(0x7FFFFFFF), b) ^ jnp.int32(_MIN32)
        keys_v[pl.ds(c * _L, _L)] = k
        plsc.addupdate_scatter(
            hist_v, [lane_base + lax.shift_right_logical(k, 24)], ones_i)
        return jnp.maximum(mx, s)

    mxv = lax.fori_loop(0, _NCHUNK, pass_a,
                        jnp.full((_L,), -jnp.inf, jnp.float32), unroll=8)
    smax = jnp.max(mxv)

    bv = lambda s: jnp.broadcast_to(s, (_L,))

    def bin_select(k_rem_v):
        def chunkscan(j, carry):
            cum, found, chosen, c_ab, c_at = carry
            c = 15 - j
            acc = zero_i
            for l in range(_L):
                acc = acc + hist_v[pl.ds(l * 256 + c * _L, _L)]
            racc = lax.rev(acc, (0,))
            rc = plsc.cumsum(racc)
            tot = bv(jnp.sum(acc))
            mask = (cum + rc) >= k_rem_v
            anyhit = bv(jnp.any(mask))
            hit = jnp.logical_and(jnp.logical_not(found),
                                  anyhit)
            ffs = plsc.all_reduce_ffs(mask)
            above = bv(jnp.sum(jnp.where(lanes < ffs, racc, 0)))
            at = bv(jnp.sum(jnp.where(lanes == ffs, racc, 0)))
            chosen = jnp.where(hit, c * _L + 15 - ffs, chosen)
            c_ab = jnp.where(hit, cum + above, c_ab)
            c_at = jnp.where(hit, at, c_at)
            found = jnp.logical_or(found, hit)
            return cum + tot, found, chosen, c_ab, c_at

        fz = jnp.zeros((_L,), jnp.bool_)
        _, _, chosen, c_ab, c_at = lax.fori_loop(
            0, 16, chunkscan, (zero_i, fz, zero_i, zero_i, zero_i))
        return chosen, c_ab, c_at

    k_rem_v = bv(jnp.int32(_K))
    prefix, c_ab, c_at = bin_select(k_rem_v)
    k_rem_v = k_rem_v - c_ab

    zero_hist()

    def compact1(c, cnt):
        k = keys_v[pl.ds(c * _L, _L)]
        m = lax.shift_right_logical(k, 24) == prefix
        mi = m.astype(jnp.int32)
        pos = cnt + plsc.cumsum(mi) - 1
        plsc.store_scatter(ck_v, [pos], k, mask=m)
        plsc.addupdate_scatter(
            hist_v,
            [lane_base + jnp.bitwise_and(lax.shift_right_logical(k, 16),
                                         255)],
            mi)
        return cnt + jnp.sum(mi)

    cnt1 = lax.fori_loop(0, _NCHUNK, compact1, jnp.int32(0), unroll=8)
    chosen, c_ab, c_at = bin_select(k_rem_v)
    prefix = prefix * 256 + chosen
    k_rem_v = k_rem_v - c_ab

    zero_hist()
    t1 = lax.shift_right_logical(cnt1 + (_L - 1), 4)

    def compact2(c, cnt):
        k = ck_v[pl.ds(c * _L, _L)]
        inb = (c * _L + lanes) < cnt1
        m = jnp.logical_and(inb, lax.shift_right_logical(k, 16) == prefix)
        mi = m.astype(jnp.int32)
        pos = cnt + plsc.cumsum(mi) - 1
        plsc.store_scatter(ck2_v, [pos], k, mask=m)
        plsc.addupdate_scatter(
            hist_v,
            [lane_base + jnp.bitwise_and(lax.shift_right_logical(k, 8),
                                         255)],
            mi)
        return cnt + jnp.sum(mi)

    cnt2 = lax.fori_loop(0, t1, compact2, jnp.int32(0))
    chosen, c_ab, c_at = bin_select(k_rem_v)
    prefix = prefix * 256 + chosen
    k_rem_v = k_rem_v - c_ab

    zero_hist()
    t2 = lax.shift_right_logical(cnt2 + (_L - 1), 4)

    def scan4(c, _):
        k = ck2_v[pl.ds(c * _L, _L)]
        inb = (c * _L + lanes) < cnt2
        m = jnp.logical_and(inb, lax.shift_right_logical(k, 8) == prefix)
        plsc.addupdate_scatter(hist_v, [lane_base + jnp.bitwise_and(k, 255)],
                               m.astype(jnp.int32))
        return 0

    lax.fori_loop(0, t2, scan4, 0)
    chosen, c_ab, c_at = bin_select(k_rem_v)
    prefix = prefix * 256 + chosen
    k_rem_v = k_rem_v - c_ab

    kt = prefix ^ jnp.int32(_MIN32)
    tb = jnp.where(kt < 0, kt ^ jnp.int32(0x7FFFFFFF), kt)
    t_fv = lax.bitcast_convert_type(tb, jnp.float32)

    inv_tau = 1.0 / tau_v[...]
    smax_v = jnp.broadcast_to(smax, (_L,))

    def pass_e(c, carry):
        se, ser, ee, eer = carry
        s = s_v[pl.ds(c * _L, _L)]
        rv = r_v[pl.ds(c * _L, _L)]
        e = jnp.exp((s - smax_v) * inv_tau)
        er = e * rv
        zf = jnp.zeros((_L,), jnp.float32)
        gt = s > t_fv
        eq = s == t_fv
        return (se + jnp.where(gt, e, zf), ser + jnp.where(gt, er, zf),
                ee + jnp.where(eq, e, zf), eer + jnp.where(eq, er, zf))

    zf = jnp.zeros((_L,), jnp.float32)
    se, ser, ee, eer = lax.fori_loop(0, _NCHUNK, pass_e, (zf, zf, zf, zf),
                                     unroll=8)
    frac = (k_rem_v.astype(jnp.float32) /
            jnp.maximum(c_at, 1).astype(jnp.float32))
    den = bv(jnp.sum(se)) + frac * bv(jnp.sum(ee))
    num = bv(jnp.sum(ser)) + frac * bv(jnp.sum(eer))
    pred = num / den

    base = jnp.clip(pred, 0.0001, 1 - 0.0001)
    zq = base / (1.0 - base)
    bi = lax.bitcast_convert_type(zq, jnp.int32)
    ex = lax.shift_right_logical(bi, 23) - 127
    man = lax.bitcast_convert_type(jnp.bitwise_or(jnp.bitwise_and(
        bi, jnp.int32(0x7FFFFF)), jnp.int32(0x3F800000)), jnp.float32)
    big = man > 1.4142135
    man = jnp.where(big, man * 0.5, man)
    ex = ex + jnp.where(big, 1, 0)
    u = (man - 1.0) / (man + 1.0)
    u2 = u * u
    lnm = 2.0 * u * (1.0 + u2 * (1.0 / 3.0 + u2 * (
        1.0 / 5.0 + u2 * (1.0 / 7.0 + u2 * (1.0 / 9.0)))))
    logit = ex.astype(jnp.float32) * 0.6931471805599453 + lnm
    zz = sc_v[...] * logit + rs_v[...]
    res_v[...] = 1.0 / (1.0 + jnp.exp(-zz))
    pltpu.sync_copy(res_v, out_hbm.at[wid])


def _sc_tail(scores, ref_vals, tau, res_scale, scale):
    mesh = plsc.VectorSubcoreMesh(core_axis_name="c", subcore_axis_name="s")
    f = pl.kernel(
        _sc_body,
        out_type=jax.ShapeDtypeStruct((_B, _L), jnp.float32),
        mesh=mesh,
        compiler_params=pltpu.CompilerParams(needs_layout_passes=False),
        scratch_types=[
            pltpu.VMEM((_N,), jnp.float32),
            pltpu.VMEM((_N,), jnp.float32),
            pltpu.VMEM((_N,), jnp.int32),
            pltpu.VMEM((_N,), jnp.int32),
            pltpu.VMEM((_N,), jnp.int32),
            pltpu.VMEM((256 * _L,), jnp.int32),
            pltpu.VMEM((_L,), jnp.float32),
            pltpu.VMEM((_L,), jnp.float32),
            pltpu.VMEM((_L,), jnp.float32),
            pltpu.VMEM((_L,), jnp.float32),
            pltpu.SemaphoreType.DMA,
        ],
    )
    tv = jnp.broadcast_to(tau.reshape(1), (_L,))
    rsv = jnp.broadcast_to(res_scale.reshape(1), (_L,))
    scv = jnp.broadcast_to(scale.reshape(1), (_L,))
    return f(scores, ref_vals, tv, rsv, scv)


@jax.jit
def kernel(q, r, ref_vals, tau,
           q_ln1_g, q_ln1_b, q_W, q_b, q_ln2_g, q_ln2_b,
           r_ln1_g, r_ln1_b, r_W, r_b, r_ln2_g, r_ln2_b,
           res_scale, scale):
    scores = _tc_scores(q, r, q_ln1_g, q_ln1_b, q_W, q_b, q_ln2_g, q_ln2_b,
                        r_ln1_g, r_ln1_b, r_W, r_b, r_ln2_g,
                        r_ln2_b).reshape(_B, _N)
    out = _sc_tail(scores, ref_vals, tau, res_scale, scale)
    return out[:, 0]

# --- scband reference (transcript-rebuilt; emitter-appended) ---
"""Pipeline reference for scband-residual-head-49830210568639 (READ-ONLY COPY).

The authoritative reference and input builder live on the scoring server;
editing this copy changes nothing except your own understanding.
"""

import jax, jax.numpy as jnp
import numpy as np

B, N, D, H, K = 32, 8192, 128, 32, 256


def _layernorm(x, g, b, eps=1e-5):
    m = jnp.mean(x, axis=-1, keepdims=True)
    v = jnp.mean((x - m) ** 2, axis=-1, keepdims=True)
    return (x - m) / jnp.sqrt(v + eps) * g + b


def setup_inputs(seed: int = 0) -> dict:
    key = jax.random.key(seed)
    ks = jax.random.split(key, 8)
    q = jax.random.normal(ks[0], (B, D), dtype=jnp.float32)
    r = jax.random.normal(ks[1], (B, N, D), dtype=jnp.float32)
    ref_vals = jax.random.uniform(ks[2], (B, N), dtype=jnp.float32)
    tau = jnp.ones((1,), dtype=jnp.float32)
    # query_proj params: LayerNorm(D) -> Linear(D,H) -> LayerNorm(H)
    q_ln1_g = jnp.ones((D,), jnp.float32); q_ln1_b = jnp.zeros((D,), jnp.float32)
    q_W = jax.random.normal(ks[3], (D, H), dtype=jnp.float32) * 0.05
    q_b = jnp.zeros((H,), jnp.float32)
    q_ln2_g = jnp.ones((H,), jnp.float32); q_ln2_b = jnp.zeros((H,), jnp.float32)
    # ref_proj params
    r_ln1_g = jnp.ones((D,), jnp.float32); r_ln1_b = jnp.zeros((D,), jnp.float32)
    r_W = jax.random.normal(ks[4], (D, H), dtype=jnp.float32) * 0.05
    r_b = jnp.zeros((H,), jnp.float32)
    r_ln2_g = jnp.ones((H,), jnp.float32); r_ln2_b = jnp.zeros((H,), jnp.float32)
    res_scale = jnp.ones((1,), jnp.float32)
    scale = jnp.ones((1,), jnp.float32)
    return dict(q=q, r=r, ref_vals=ref_vals, tau=tau,
                q_ln1_g=q_ln1_g, q_ln1_b=q_ln1_b, q_W=q_W, q_b=q_b, q_ln2_g=q_ln2_g, q_ln2_b=q_ln2_b,
                r_ln1_g=r_ln1_g, r_ln1_b=r_ln1_b, r_W=r_W, r_b=r_b, r_ln2_g=r_ln2_g, r_ln2_b=r_ln2_b,
                res_scale=res_scale, scale=scale)


def reference(q, r, ref_vals, tau,
              q_ln1_g, q_ln1_b, q_W, q_b, q_ln2_g, q_ln2_b,
              r_ln1_g, r_ln1_b, r_W, r_b, r_ln2_g, r_ln2_b,
              res_scale, scale):
    # RegressionHead.forward
    q_proj = _layernorm(_layernorm(q, q_ln1_g, q_ln1_b) @ q_W + q_b, q_ln2_g, q_ln2_b)      # [B, H]
    r_proj = _layernorm(_layernorm(r, r_ln1_g, r_ln1_b) @ r_W + r_b, r_ln2_g, r_ln2_b)      # [B, N, H]
    scores = jnp.einsum('bnh,bh->bn', r_proj, q_proj) / (r_proj.shape[-1] ** 0.5)            # [B, N]
    # top-k masking (top_k=K < N)
    vals, idx = jax.lax.top_k(scores, K)
    mask = jnp.full(scores.shape, -jnp.inf, dtype=scores.dtype)
    mask = mask.at[jnp.arange(scores.shape[0])[:, None], idx].set(vals)
    scores = mask
    weights = scores / tau
    weights = weights - jnp.max(weights, axis=-1, keepdims=True)
    weights = jax.nn.softmax(weights, axis=-1)
    pred = jnp.sum(weights * ref_vals, axis=-1)                                              # [B]
    # ResidualHead platt scaling
    base = jnp.clip(pred, 0.0001, 1 - 0.0001)
    logit = jnp.log(base / (1.0 - base))
    out = jax.nn.sigmoid(scale * logit + res_scale)
    return out

if __name__ == "__main__":
    import jax
    _d = setup_inputs()
    print(jax.jit(kernel)(*tuple(_d.values())))

</pallas_src>

<mosaic_0001>
#map = affine_map<(d0, d1) -> (0, 0)>
#map1 = affine_map<(d0, d1) -> (0)>
module attributes {stable_mosaic.version = 14 : i64} {
  func.func @_sc_body(%arg0: i32, %arg1: i32, %arg2: memref<32x8192xf32, #tpu.memory_space<hbm>>, %arg3: memref<32x8192xf32, #tpu.memory_space<hbm>>, %arg4: memref<16xf32, #tpu.memory_space<hbm>>, %arg5: memref<16xf32, #tpu.memory_space<hbm>>, %arg6: memref<16xf32, #tpu.memory_space<hbm>>, %arg7: memref<32x16xf32, #tpu.memory_space<hbm>>, %arg8: memref<8192xf32, #tpu.memory_space<vmem>>, %arg9: memref<8192xf32, #tpu.memory_space<vmem>>, %arg10: memref<8192xi32, #tpu.memory_space<vmem>>, %arg11: memref<8192xi32, #tpu.memory_space<vmem>>, %arg12: memref<8192xi32, #tpu.memory_space<vmem>>, %arg13: memref<4096xi32, #tpu.memory_space<vmem>>, %arg14: memref<16xf32, #tpu.memory_space<vmem>>, %arg15: memref<16xf32, #tpu.memory_space<vmem>>, %arg16: memref<16xf32, #tpu.memory_space<vmem>>, %arg17: memref<16xf32, #tpu.memory_space<vmem>>, %arg18: memref<!tpu.dma_semaphore, #tpu.memory_space<semaphore_mem>>) attributes {dimension_semantics = [#tpu.dimension_semantics<core_parallel>, #tpu.dimension_semantics<subcore_parallel>], iteration_bounds = array<i64: 2, 16>, scalar_prefetch = 0 : i64, scratch_operands = 11 : i64, tpu.core_type = #tpu.core_type<sc_vector_subcore>, window_params = [{transform_indices = #map}, {transform_indices = #map}, {transform_indices = #map1}, {transform_indices = #map1}, {transform_indices = #map1}, {transform_indices = #map}]} {
    %mul3A = arith.constant 2 : i32
    %mul3A_0 = arith.muli %arg1, %mul3A : i32
    %add3A = arith.addi %mul3A_0, %arg0 : i32
    "tpu.region"() ({
      %run_scoped3A = tpu.sem_alloc : memref<!tpu.dma_semaphore, #tpu.memory_space<semaphore_mem>>
      %dma_start3A = arith.constant 0 : i32
      %dma_start3A_260 = tpu.memref_slice %arg2[%add3A, %dma_start3A] : memref<32x8192xf32, #tpu.memory_space<hbm>> -> memref<1x8192xf32, #tpu.memory_space<hbm>>
      %dma_start3A_261 = tpu.memref_squeeze %dma_start3A_260 : memref<1x8192xf32, #tpu.memory_space<hbm>> -> memref<8192xf32, #tpu.memory_space<hbm>>
      %dma_start3A_262 = arith.constant 0 : i32
      %dma_start3A_263 = tpu.memref_slice %arg2[%add3A, %dma_start3A_262] : memref<32x8192xf32, #tpu.memory_space<hbm>> -> memref<1x8192xf32, #tpu.memory_space<hbm>>
      %dma_start3A_264 = tpu.memref_squeeze %dma_start3A_263 : memref<1x8192xf32, #tpu.memory_space<hbm>> -> memref<8192xf32, #tpu.memory_space<hbm>>
      tpu.enqueue_dma source(%dma_start3A_264 : memref<8192xf32, #tpu.memory_space<hbm>>) target(%arg8 : memref<8192xf32, #tpu.memory_space<vmem>>) target_semaphore(%run_scoped3A : memref<!tpu.dma_semaphore, #tpu.memory_space<semaphore_mem>>)
      %dma_wait3A = arith.constant 0 : i32
      %dma_wait3A_265 = tpu.memref_slice %arg2[%add3A, %dma_wait3A] : memref<32x8192xf32, #tpu.memory_space<hbm>> -> memref<1x8192xf32, #tpu.memory_space<hbm>>
      %dma_wait3A_266 = tpu.memref_squeeze %dma_wait3A_265 : memref<1x8192xf32, #tpu.memory_space<hbm>> -> memref<8192xf32, #tpu.memory_space<hbm>>
      %dma_wait3A_267 = arith.constant 0 : i32
      %dma_wait3A_268 = tpu.memref_slice %arg2[%add3A, %dma_wait3A_267] : memref<32x8192xf32, #tpu.memory_space<hbm>> -> memref<1x8192xf32, #tpu.memory_space<hbm>>
      %dma_wait3A_269 = tpu.memref_squeeze %dma_wait3A_268 : memref<1x8192xf32, #tpu.memory_space<hbm>> -> memref<8192xf32, #tpu.memory_space<hbm>>
      tpu.wait_dma2 semaphore(%run_scoped3A : memref<!tpu.dma_semaphore, #tpu.memory_space<semaphore_mem>>) src(%dma_wait3A_269 : memref<8192xf32, #tpu.memory_space<hbm>>) dst(%arg8 : memref<8192xf32, #tpu.memory_space<vmem>>)
      tpu.yield
    }) : () -> ()
    "tpu.region"() ({
      %run_scoped3A = tpu.sem_alloc : memref<!tpu.dma_semaphore, #tpu.memory_space<semaphore_mem>>
      %dma_start3A = arith.constant 0 : i32
      %dma_start3A_260 = tpu.memref_slice %arg3[%add3A, %dma_start3A] : memref<32x8192xf32, #tpu.memory_space<hbm>> -> memref<1x8192xf32, #tpu.memory_space<hbm>>
      %dma_start3A_261 = tpu.memref_squeeze %dma_start3A_260 : memref<1x8192xf32, #tpu.memory_space<hbm>> -> memref<8192xf32, #tpu.memory_space<hbm>>
      %dma_start3A_262 = arith.constant 0 : i32
      %dma_start3A_263 = tpu.memref_slice %arg3[%add3A, %dma_start3A_262] : memref<32x8192xf32, #tpu.memory_space<hbm>> -> memref<1x8192xf32, #tpu.memory_space<hbm>>
      %dma_start3A_264 = tpu.memref_squeeze %dma_start3A_263 : memref<1x8192xf32, #tpu.memory_space<hbm>> -> memref<8192xf32, #tpu.memory_space<hbm>>
      tpu.enqueue_dma source(%dma_start3A_264 : memref<8192xf32, #tpu.memory_space<hbm>>) target(%arg9 : memref<8192xf32, #tpu.memory_space<vmem>>) target_semaphore(%run_scoped3A : memref<!tpu.dma_semaphore, #tpu.memory_space<semaphore_mem>>)
      %dma_wait3A = arith.constant 0 : i32
      %dma_wait3A_265 = tpu.memref_slice %arg3[%add3A, %dma_wait3A] : memref<32x8192xf32, #tpu.memory_space<hbm>> -> memref<1x8192xf32, #tpu.memory_space<hbm>>
      %dma_wait3A_266 = tpu.memref_squeeze %dma_wait3A_265 : memref<1x8192xf32, #tpu.memory_space<hbm>> -> memref<8192xf32, #tpu.memory_space<hbm>>
      %dma_wait3A_267 = arith.constant 0 : i32
      %dma_wait3A_268 = tpu.memref_slice %arg3[%add3A, %dma_wait3A_267] : memref<32x8192xf32, #tpu.memory_space<hbm>> -> memref<1x8192xf32, #tpu.memory_space<hbm>>
      %dma_wait3A_269 = tpu.memref_squeeze %dma_wait3A_268 : memref<1x8192xf32, #tpu.memory_space<hbm>> -> memref<8192xf32, #tpu.memory_space<hbm>>
      tpu.wait_dma2 semaphore(%run_scoped3A : memref<!tpu.dma_semaphore, #tpu.memory_space<semaphore_mem>>) src(%dma_wait3A_269 : memref<8192xf32, #tpu.memory_space<hbm>>) dst(%arg9 : memref<8192xf32, #tpu.memory_space<vmem>>)
      tpu.yield
    }) : () -> ()
    "tpu.region"() ({
      %run_scoped3A = tpu.sem_alloc : memref<!tpu.dma_semaphore, #tpu.memory_space<semaphore_mem>>
      tpu.enqueue_dma source(%arg4 : memref<16xf32, #tpu.memory_space<hbm>>) target(%arg14 : memref<16xf32, #tpu.memory_space<vmem>>) target_semaphore(%run_scoped3A : memref<!tpu.dma_semaphore, #tpu.memory_space<semaphore_mem>>)
      tpu.wait_dma2 semaphore(%run_scoped3A : memref<!tpu.dma_semaphore, #tpu.memory_space<semaphore_mem>>) src(%arg4 : memref<16xf32, #tpu.memory_space<hbm>>) dst(%arg14 : memref<16xf32, #tpu.memory_space<vmem>>)
      tpu.yield
    }) : () -> ()
    "tpu.region"() ({
      %run_scoped3A = tpu.sem_alloc : memref<!tpu.dma_semaphore, #tpu.memory_space<semaphore_mem>>
      tpu.enqueue_dma source(%arg5 : memref<16xf32, #tpu.memory_space<hbm>>) target(%arg15 : memref<16xf32, #tpu.memory_space<vmem>>) target_semaphore(%run_scoped3A : memref<!tpu.dma_semaphore, #tpu.memory_space<semaphore_mem>>)
      tpu.wait_dma2 semaphore(%run_scoped3A : memref<!tpu.dma_semaphore, #tpu.memory_space<semaphore_mem>>) src(%arg5 : memref<16xf32, #tpu.memory_space<hbm>>) dst(%arg15 : memref<16xf32, #tpu.memory_space<vmem>>)
      tpu.yield
    }) : () -> ()
    "tpu.region"() ({
      %run_scoped3A = tpu.sem_alloc : memref<!tpu.dma_semaphore, #tpu.memory_space<semaphore_mem>>
      tpu.enqueue_dma source(%arg6 : memref<16xf32, #tpu.memory_space<hbm>>) target(%arg16 : memref<16xf32, #tpu.memory_space<vmem>>) target_semaphore(%run_scoped3A : memref<!tpu.dma_semaphore, #tpu.memory_space<semaphore_mem>>)
      tpu.wait_dma2 semaphore(%run_scoped3A : memref<!tpu.dma_semaphore, #tpu.memory_space<semaphore_mem>>) src(%arg6 : memref<16xf32, #tpu.memory_space<hbm>>) dst(%arg16 : memref<16xf32, #tpu.memory_space<vmem>>)
      tpu.yield
    }) : () -> ()
    %iota3A = tpu.iota {dimensions = array<i32: 0>} : vector<16xi32>
    %broadcast_in_dim3A = arith.constant 1 : i32
    %broadcast_in_dim3A_1 = vector.broadcast %broadcast_in_dim3A : i32 to vector<16xi32>
    %broadcast_in_dim3A_2 = arith.constant 0 : i32
    %broadcast_in_dim3A_3 = vector.broadcast %broadcast_in_dim3A_2 : i32 to vector<16xi32>
    %mul3A_4 = arith.constant 256 : i32
    %mul3A_5 = vector.broadcast %mul3A_4 : i32 to vector<16xi32>
    %mul3A_6 = arith.muli %iota3A, %mul3A_5 : vector<16xi32>
    %scan3A = arith.constant 0 : i32
    %scan3A_7 = arith.constant 0 : i32
    %scan3A_8 = arith.constant 256 : i32
    %scan3A_9 = arith.addi %scan3A_7, %scan3A_8 : i32
    %scan3A_10 = arith.constant 8 : i32
    %scan3A_11 = scf.for %scan3A_260 = %scan3A_7 to %scan3A_9 step %scan3A_10 iter_args(%scan3A_261 = %scan3A) -> (i32)  : i32 {
      %mul3A_262 = arith.constant 16 : i32
      %mul3A_263 = arith.muli %scan3A_260, %mul3A_262 : i32
      %swap3A_264 = arith.index_cast %mul3A_263 : i32 to index
      %swap3A_265 = tpu.vector_load %arg13[%swap3A_264] {strides = array<i32>} : memref<4096xi32, #tpu.memory_space<vmem>>, vector<16xi32>,
      tpu.vector_store %arg13[%swap3A_264], %broadcast_in_dim3A_3 {strides = array<i32>} : memref<4096xi32, #tpu.memory_space<vmem>>, vector<16xi32>,
      %scan3A_266 = arith.constant 0 : i32
      %scan3A_267 = arith.constant 1 : i32
      %scan3A_268 = arith.addi %scan3A_260, %scan3A_267 : i32
      %mul3A_269 = arith.constant 16 : i32
      %mul3A_270 = arith.muli %scan3A_268, %mul3A_269 : i32
      %swap3A_271 = arith.index_cast %mul3A_270 : i32 to index
      %swap3A_272 = tpu.vector_load %arg13[%swap3A_271] {strides = array<i32>} : memref<4096xi32, #tpu.memory_space<vmem>>, vector<16xi32>,
      tpu.vector_store %arg13[%swap3A_271], %broadcast_in_dim3A_3 {strides = array<i32>} : memref<4096xi32, #tpu.memory_space<vmem>>, vector<16xi32>,
      %scan3A_273 = arith.constant 0 : i32
      %scan3A_274 = arith.constant 2 : i32
      %scan3A_275 = arith.addi %scan3A_260, %scan3A_274 : i32
      %mul3A_276 = arith.constant 16 : i32
      %mul3A_277 = arith.muli %scan3A_275, %mul3A_276 : i32
      %swap3A_278 = arith.index_cast %mul3A_277 : i32 to index
      %swap3A_279 = tpu.vector_load %arg13[%swap3A_278] {strides = array<i32>} : memref<4096xi32, #tpu.memory_space<vmem>>, vector<16xi32>,
      tpu.vector_store %arg13[%swap3A_278], %broadcast_in_dim3A_3 {strides = array<i32>} : memref<4096xi32, #tpu.memory_space<vmem>>, vector<16xi32>,
      %scan3A_280 = arith.constant 0 : i32
      %scan3A_281 = arith.constant 3 : i32
      %scan3A_282 = arith.addi %scan3A_260, %scan3A_281 : i32
      %mul3A_283 = arith.constant 16 : i32
      %mul3A_284 = arith.muli %scan3A_282, %mul3A_283 : i32
      %swap3A_285 = arith.index_cast %mul3A_284 : i32 to index
      %swap3A_286 = tpu.vector_load %arg13[%swap3A_285] {strides = array<i32>} : memref<4096xi32, #tpu.memory_space<vmem>>, vector<16xi32>,
      tpu.vector_store %arg13[%swap3A_285], %broadcast_in_dim3A_3 {strides = array<i32>} : memref<4096xi32, #tpu.memory_space<vmem>>, vector<16xi32>,
      %scan3A_287 = arith.constant 0 : i32
      %scan3A_288 = arith.constant 4 : i32
      %scan3A_289 = arith.addi %scan3A_260, %scan3A_288 : i32
      %mul3A_290 = arith.constant 16 : i32
      %mul3A_291 = arith.muli %scan3A_289, %mul3A_290 : i32
      %swap3A_292 = arith.index_cast %mul3A_291 : i32 to index
      %swap3A_293 = tpu.vector_load %arg13[%swap3A_292] {strides = array<i32>} : memref<4096xi32, #tpu.memory_space<vmem>>, vector<16xi32>,
      tpu.vector_store %arg13[%swap3A_292], %broadcast_in_dim3A_3 {strides = array<i32>} : memref<4096xi32, #tpu.memory_space<vmem>>, vector<16xi32>,
      %scan3A_294 = arith.constant 0 : i32
      %scan3A_295 = arith.constant 5 : i32
      %scan3A_296 = arith.addi %scan3A_260, %scan3A_295 : i32
      %mul3A_297 = arith.constant 16 : i32
      %mul3A_298 = arith.muli %scan3A_296, %mul3A_297 : i32
      %swap3A_299 = arith.index_cast %mul3A_298 : i32 to index
      %swap3A_300 = tpu.vector_load %arg13[%swap3A_299] {strides = array<i32>} : memref<4096xi32, #tpu.memory_space<vmem>>, vector<16xi32>,
      tpu.vector_store %arg13[%swap3A_299], %broadcast_in_dim3A_3 {strides = array<i32>} : memref<4096xi32, #tpu.memory_space<vmem>>, vector<16xi32>,
      %scan3A_301 = arith.constant 0 : i32
      %scan3A_302 = arith.constant 6 : i32
      %scan3A_303 = arith.addi %scan3A_260, %scan3A_302 : i32
      %mul3A_304 = arith.constant 16 : i32
      %mul3A_305 = arith.muli %scan3A_303, %mul3A_304 : i32
      %swap3A_306 = arith.index_cast %mul3A_305 : i32 to index
      %swap3A_307 = tpu.vector_load %arg13[%swap3A_306] {strides = array<i32>} : memref<4096xi32, #tpu.memory_space<vmem>>, vector<16xi32>,
      tpu.vector_store %arg13[%swap3A_306], %broadcast_in_dim3A_3 {strides = array<i32>} : memref<4096xi32, #tpu.memory_space<vmem>>, vector<16xi32>,
      %scan3A_308 = arith.constant 0 : i32
      %scan3A_309 = arith.constant 7 : i32
      %scan3A_310 = arith.addi %scan3A_260, %scan3A_309 : i32
      %mul3A_311 = arith.constant 16 : i32
      %mul3A_312 = arith.muli %scan3A_310, %mul3A_311 : i32
      %swap3A_313 = arith.index_cast %mul3A_312 : i32 to index
      %swap3A_314 = tpu.vector_load %arg13[%swap3A_313] {strides = array<i32>} : memref<4096xi32, #tpu.memory_space<vmem>>, vector<16xi32>,
      tpu.vector_store %arg13[%swap3A_313], %broadcast_in_dim3A_3 {strides = array<i32>} : memref<4096xi32, #tpu.memory_space<vmem>>, vector<16xi32>,
      %scan3A_315 = arith.constant 0 : i32
      scf.yield %scan3A_315 : i32
    }
    %scan3A_12 = arith.constant 256 : i32
    %broadcast_in_dim3A_13 = arith.constant 0xFF800000 : f32
    %broadcast_in_dim3A_14 = vector.broadcast %broadcast_in_dim3A_13 : f32 to vector<16xf32>
    %scan3A_15 = arith.constant 0 : i32
    %scan3A_16 = arith.constant 512 : i32
    %scan3A_17 = arith.addi %scan3A_15, %scan3A_16 : i32
    %scan3A_18 = arith.constant 8 : i32
    %scan3A_19 = scf.for %scan3A_260 = %scan3A_15 to %scan3A_17 step %scan3A_18 iter_args(%scan3A_261 = %broadcast_in_dim3A_14) -> (vector<16xf32>)  : i32 {
      %mul3A_262 = arith.constant 16 : i32
      %mul3A_263 = arith.muli %scan3A_260, %mul3A_262 : i32
      %get3A_264 = arith.index_cast %mul3A_263 : i32 to index
      %get3A_265 = tpu.vector_load %arg8[%get3A_264] {strides = array<i32>} : memref<8192xf32, #tpu.memory_space<vmem>>, vector<16xf32>,
      %bitcast_convert_type3A_266 = tpu.bitcast %get3A_265 : vector<16xf32> -> vector<16xi32>
      %lt3A_267 = arith.constant 0 : i32
      %lt3A_268 = vector.broadcast %lt3A_267 : i32 to vector<16xi32>
      %lt3A_269 = arith.cmpi slt, %bitcast_convert_type3A_266, %lt3A_268 : vector<16xi32>
      %xor3A_270 = arith.constant 2147483647 : i32
      %xor3A_271 = vector.broadcast %xor3A_270 : i32 to vector<16xi32>
      %xor3A_272 = arith.xori %bitcast_convert_type3A_266, %xor3A_271 : vector<16xi32>
      %select_n3A_273 = arith.select %lt3A_269, %xor3A_272, %bitcast_convert_type3A_266 : vector<16xi1>, vector<16xi32>
      %xor3A_274 = arith.constant -2147483648 : i32
      %xor3A_275 = vector.broadcast %xor3A_274 : i32 to vector<16xi32>
      %xor3A_276 = arith.xori %select_n3A_273, %xor3A_275 : vector<16xi32>
      %mul3A_277 = arith.constant 16 : i32
      %mul3A_278 = arith.muli %scan3A_260, %mul3A_277 : i32
      %swap3A_279 = arith.index_cast %mul3A_278 : i32 to index
      %swap3A_280 = tpu.vector_load %arg10[%swap3A_279] {strides = array<i32>} : memref<8192xi32, #tpu.memory_space<vmem>>, vector<16xi32>,
      tpu.vector_store %arg10[%swap3A_279], %xor3A_276 {strides = array<i32>} : memref<8192xi32, #tpu.memory_space<vmem>>, vector<16xi32>,
      %shift_right_logical3A_281 = arith.constant 24 : i32
      %shift_right_logical3A_282 = vector.broadcast %shift_right_logical3A_281 : i32 to vector<16xi32>
      %shift_right_logical3A_283 = arith.shrui %xor3A_276, %shift_right_logical3A_282 : vector<16xi32>
      %add3A_284 = arith.addi %mul3A_6, %shift_right_logical3A_283 : vector<16xi32>
      tpu.vector_store_idx %arg13[%add3A_284], %broadcast_in_dim3A_1 {add = true} : memref<4096xi32, #tpu.memory_space<vmem>>[vector<16xi32>], vector<16xi32>,
      %max3A_285 = arith.maximumf %scan3A_261, %get3A_265 : vector<16xf32>
      %scan3A_286 = arith.constant 1 : i32
      %scan3A_287 = arith.addi %scan3A_260, %scan3A_286 : i32
      %mul3A_288 = arith.constant 16 : i32
      %mul3A_289 = arith.muli %scan3A_287, %mul3A_288 : i32
      %get3A_290 = arith.index_cast %mul3A_289 : i32 to index
      %get3A_291 = tpu.vector_load %arg8[%get3A_290] {strides = array<i32>} : memref<8192xf32, #tpu.memory_space<vmem>>, vector<16xf32>,
      %bitcast_convert_type3A_292 = tpu.bitcast %get3A_291 : vector<16xf32> -> vector<16xi32>
      %lt3A_293 = arith.constant 0 : i32
      %lt3A_294 = vector.broadcast %lt3A_293 : i32 to vector<16xi32>
      %lt3A_295 = arith.cmpi slt, %bitcast_convert_type3A_292, %lt3A_294 : vector<16xi32>
      %xor3A_296 = arith.constant 2147483647 : i32
      %xor3A_297 = vector.broadcast %xor3A_296 : i32 to vector<16xi32>
      %xor3A_298 = arith.xori %bitcast_convert_type3A_292, %xor3A_297 : vector<16xi32>
      %select_n3A_299 = arith.select %lt3A_295, %xor3A_298, %bitcast_convert_type3A_292 : vector<16xi1>, vector<16xi32>
      %xor3A_300 = arith.constant -2147483648 : i32
      %xor3A_301 = vector.broadcast %xor3A_300 : i32 to vector<16xi32>
      %xor3A_302 = arith.xori %select_n3A_299, %xor3A_301 : vector<16xi32>
      %mul3A_303 = arith.constant 16 : i32
      %mul3A_304 = arith.muli %scan3A_287, %mul3A_303 : i32
      %swap3A_305 = arith.index_cast %mul3A_304 : i32 to index
      %swap3A_306 = tpu.vector_load %arg10[%swap3A_305] {strides = array<i32>} : memref<8192xi32, #tpu.memory_space<vmem>>, vector<16xi32>,
      tpu.vector_store %arg10[%swap3A_305], %xor3A_302 {strides = array<i32>} : memref<8192xi32, #tpu.memory_space<vmem>>, vector<16xi32>,
      %shift_right_logical3A_307 = arith.constant 24 : i32
      %shift_right_logical3A_308 = vector.broadcast %shift_right_logical3A_307 : i32 to vector<16xi32>
      %shift_right_logical3A_309 = arith.shrui %xor3A_302, %shift_right_logical3A_308 : vector<16xi32>
      %add3A_310 = arith.addi %mul3A_6, %shift_right_logical3A_309 : vector<16xi32>
      tpu.vector_store_idx %arg13[%add3A_310], %broadcast_in_dim3A_1 {add = true} : memref<4096xi32, #tpu.memory_space<vmem>>[vector<16xi32>], vector<16xi32>,
      %max3A_311 = arith.maximumf %max3A_285, %get3A_291 : vector<16xf32>
      %scan3A_312 = arith.constant 2 : i32
      %scan3A_313 = arith.addi %scan3A_260, %scan3A_312 : i32
      %mul3A_314 = arith.constant 16 : i32
      %mul3A_315 = arith.muli %scan3A_313, %mul3A_314 : i32
      %get3A_316 = arith.index_cast %mul3A_315 : i32 to index
      %get3A_317 = tpu.vector_load %arg8[%get3A_316] {strides = array<i32>} : memref<8192xf32, #tpu.memory_space<vmem>>, vector<16xf32>,
      %bitcast_convert_type3A_318 = tpu.bitcast %get3A_317 : vector<16xf32> -> vector<16xi32>
      %lt3A_319 = arith.constant 0 : i32
      %lt3A_320 = vector.broadcast %lt3A_319 : i32 to vector<16xi32>
      %lt3A_321 = arith.cmpi slt, %bitcast_convert_type3A_318, %lt3A_320 : vector<16xi32>
      %xor3A_322 = arith.constant 2147483647 : i32
      %xor3A_323 = vector.broadcast %xor3A_322 : i32 to vector<16xi32>
      %xor3A_324 = arith.xori %bitcast_convert_type3A_318, %xor3A_323 : vector<16xi32>
      %select_n3A_325 = arith.select %lt3A_321, %xor3A_324, %bitcast_convert_type3A_318 : vector<16xi1>, vector<16xi32>
      %xor3A_326 = arith.constant -2147483648 : i32
      %xor3A_327 = vector.broadcast %xor3A_326 : i32 to vector<16xi32>
      %xor3A_328 = arith.xori %select_n3A_325, %xor3A_327 : vector<16xi32>
      %mul3A_329 = arith.constant 16 : i32
      %mul3A_330 = arith.muli %scan3A_313, %mul3A_329 : i32
      %swap3A_331 = arith.index_cast %mul3A_330 : i32 to index
      %swap3A_332 = tpu.vector_load %arg10[%swap3A_331] {strides = array<i32>} : memref<8192xi32, #tpu.memory_space<vmem>>, vector<16xi32>,
      tpu.vector_store %arg10[%swap3A_331], %xor3A_328 {strides = array<i32>} : memref<8192xi32, #tpu.memory_space<vmem>>, vector<16xi32>,
      %shift_right_logical3A_333 = arith.constant 24 : i32
      %shift_right_logical3A_334 = vector.broadcast %shift_right_logical3A_333 : i32 to vector<16xi32>
      %shift_right_logical3A_335 = arith.shrui %xor3A_328, %shift_right_logical3A_334 : vector<16xi32>
      %add3A_336 = arith.addi %mul3A_6, %shift_right_logical3A_335 : vector<16xi32>
      tpu.vector_store_idx %arg13[%add3A_336], %broadcast_in_dim3A_1 {add = true} : memref<4096xi32, #tpu.memory_space<vmem>>[vector<16xi32>], vector<16xi32>,
      %max3A_337 = arith.maximumf %max3A_311, %get3A_317 : vector<16xf32>
      %scan3A_338 = arith.constant 3 : i32
      %scan3A_339 = arith.addi %scan3A_260, %scan3A_338 : i32
      %mul3A_340 = arith.constant 16 : i32
      %mul3A_341 = arith.muli %scan3A_339, %mul3A_340 : i32
      %get3A_342 = arith.index_cast %mul3A_341 : i32 to index
      %get3A_343 = tpu.vector_load %arg8[%get3A_342] {strides = array<i32>} : memref<8192xf32, #tpu.memory_space<vmem>>, vector<16xf32>,
      %bitcast_convert_type3A_344 = tpu.bitcast %get3A_343 : vector<16xf32> -> vector<16xi32>
      %lt3A_345 = arith.constant 0 : i32
      %lt3A_346 = vector.broadcast %lt3A_345 : i32 to vector<16xi32>
      %lt3A_347 = arith.cmpi slt, %bitcast_convert_type3A_344, %lt3A_346 : vector<16xi32>
      %xor3A_348 = arith.constant 2147483647 : i32
      %xor3A_349 = vector.broadcast %xor3A_348 : i32 to vector<16xi32>
      %xor3A_350 = arith.xori %bitcast_convert_type3A_344, %xor3A_349 : vector<16xi32>
      %select_n3A_351 = arith.select %lt3A_347, %xor3A_350, %bitcast_convert_type3A_344 : vector<16xi1>, vector<16xi32>
      %xor3A_352 = arith.constant -2147483648 : i32
      %xor3A_353 = vector.broadcast %xor3A_352 : i32 to vector<16xi32>
      %xor3A_354 = arith.xori %select_n3A_351, %xor3A_353 : vector<16xi32>
      %mul3A_355 = arith.constant 16 : i32
      %mul3A_356 = arith.muli %scan3A_339, %mul3A_355 : i32
      %swap3A_357 = arith.index_cast %mul3A_356 : i32 to index
      %swap3A_358 = tpu.vector_load %arg10[%swap3A_357] {strides = array<i32>} : memref<8192xi32, #tpu.memory_space<vmem>>, vector<16xi32>,
      tpu.vector_store %arg10[%swap3A_357], %xor3A_354 {strides = array<i32>} : memref<8192xi32, #tpu.memory_space<vmem>>, vector<16xi32>,
      %shift_right_logical3A_359 = arith.constant 24 : i32
      %shift_right_logical3A_360 = vector.broadcast %shift_right_logical3A_359 : i32 to vector<16xi32>
      %shift_right_logical3A_361 = arith.shrui %xor3A_354, %shift_right_logical3A_360 : vector<16xi32>
      %add3A_362 = arith.addi %mul3A_6, %shift_right_logical3A_361 : vector<16xi32>
      tpu.vector_store_idx %arg13[%add3A_362], %broadcast_in_dim3A_1 {add = true} : memref<4096xi32, #tpu.memory_space<vmem>>[vector<16xi32>], vector<16xi32>,
      %max3A_363 = arith.maximumf %max3A_337, %get3A_343 : vector<16xf32>
      %scan3A_364 = arith.constant 4 : i32
      %scan3A_365 = arith.addi %scan3A_260, %scan3A_364 : i32
      %mul3A_366 = arith.constant 16 : i32
      %mul3A_367 = arith.muli %scan3A_365, %mul3A_366 : i32
      %get3A_368 = arith.index_cast %mul3A_367 : i32 to index
      %get3A_369 = tpu.vector_load %arg8[%get3A_368] {strides = array<i32>} : memref<8192xf32, #tpu.memory_space<vmem>>, vector<16xf32>,
      %bitcast_convert_type3A_370 = tpu.bitcast %get3A_369 : vector<16xf32> -> vector<16xi32>
      %lt3A_371 = arith.constant 0 : i32
      %lt3A_372 = vector.broadcast %lt3A_371 : i32 to vector<16xi32>
      %lt3A_373 = arith.cmpi slt, %bitcast_convert_type3A_370, %lt3A_372 : vector<16xi32>
      %xor3A_374 = arith.constant 2147483647 : i32
      %xor3A_375 = vector.broadcast %xor3A_374 : i32 to vector<16xi32>
      %xor3A_376 = arith.xori %bitcast_convert_type3A_370, %xor3A_375 : vector<16xi32>
      %select_n3A_377 = arith.select %lt3A_373, %xor3A_376, %bitcast_convert_type3A_370 : vector<16xi1>, vector<16xi32>
      %xor3A_378 = arith.constant -2147483648 : i32
      %xor3A_379 = vector.broadcast %xor3A_378 : i32 to vector<16xi32>
      %xor3A_380 = arith.xori %select_n3A_377, %xor3A_379 : vector<16xi32>
      %mul3A_381 = arith.constant 16 : i32
      %mul3A_382 = arith.muli %scan3A_365, %mul3A_381 : i32
      %swap3A_383 = arith.index_cast %mul3A_382 : i32 to index
      %swap3A_384 = tpu.vector_load %arg10[%swap3A_383] {strides = array<i32>} : memref<8192xi32, #tpu.memory_space<vmem>>, vector<16xi32>,
      tpu.vector_store %arg10[%swap3A_383], %xor3A_380 {strides = array<i32>} : memref<8192xi32, #tpu.memory_space<vmem>>, vector<16xi32>,
      %shift_right_logical3A_385 = arith.constant 24 : i32
      %shift_right_logical3A_386 = vector.broadcast %shift_right_logical3A_385 : i32 to vector<16xi32>
      %shift_right_logical3A_387 = arith.shrui %xor3A_380, %shift_right_logical3A_386 : vector<16xi32>
      %add3A_388 = arith.addi %mul3A_6, %shift_right_logical3A_387 : vector<16xi32>
      tpu.vector_store_idx %arg13[%add3A_388], %broadcast_in_dim3A_1 {add = true} : memref<4096xi32, #tpu.memory_space<vmem>>[vector<16xi32>], vector<16xi32>,
      %max3A_389 = arith.maximumf %max3A_363, %get3A_369 : vector<16xf32>
      %scan3A_390 = arith.constant 5 : i32
      %scan3A_391 = arith.addi %scan3A_260, %scan3A_390 : i32
      %mul3A_392 = arith.constant 16 : i32
      %mul3A_393 = arith.muli %scan3A_391, %mul3A_392 : i32
      %get3A_394 = arith.index_cast %mul3A_393 : i32 to index
      %get3A_395 = tpu.vector_load %arg8[%get3A_394] {strides = array<i32>} : memref<8192xf32, #tpu.memory_space<vmem>>, vector<16xf32>,
      %bitcast_convert_type3A_396 = tpu.bitcast %get3A_395 : vector<16xf32> -> vector<16xi32>
      %lt3A_397 = arith.constant 0 : i32
      %lt3A_398 = vector.broadcast %lt3A_397 : i32 to vector<16xi32>
      %lt3A_399 = arith.cmpi slt, %bitcast_convert_type3A_396, %lt3A_398 : vector<16xi32>
      %xor3A_400 = arith.constant 2147483647 : i32
      %xor3A_401 = vector.broadcast %xor3A_400 : i32 to vector<16xi32>
      %xor3A_402 = arith.xori %bitcast_convert_type3A_396, %xor3A_401 : vector<16xi32>
      %select_n3A_403 = arith.select %lt3A_399, %xor3A_402, %bitcast_convert_type3A_396 : vector<16xi1>, vector<16xi32>
      %xor3A_404 = arith.constant -2147483648 : i32
      %xor3A_405 = vector.broadcast %xor3A_404 : i32 to vector<16xi32>
      %xor3A_406 = arith.xori %select_n3A_403, %xor3A_405 : vector<16xi32>
      %mul3A_407 = arith.constant 16 : i32
      %mul3A_408 = arith.muli %scan3A_391, %mul3A_407 : i32
      %swap3A_409 = arith.index_cast %mul3A_408 : i32 to index
      %swap3A_410 = tpu.vector_load %arg10[%swap3A_409] {strides = array<i32>} : memref<8192xi32, #tpu.memory_space<vmem>>, vector<16xi32>,
      tpu.vector_store %arg10[%swap3A_409], %xor3A_406 {strides = array<i32>} : memref<8192xi32, #tpu.memory_space<vmem>>, vector<16xi32>,
      %shift_right_logical3A_411 = arith.constant 24 : i32
      %shift_right_logical3A_412 = vector.broadcast %shift_right_logical3A_411 : i32 to vector<16xi32>
      %shift_right_logical3A_413 = arith.shrui %xor3A_406, %shift_right_logical3A_412 : vector<16xi32>
      %add3A_414 = arith.addi %mul3A_6, %shift_right_logical3A_413 : vector<16xi32>
      tpu.vector_store_idx %arg13[%add3A_414], %broadcast_in_dim3A_1 {add = true} : memref<4096xi32, #tpu.memory_space<vmem>>[vector<16xi32>], vector<16xi32>,
      %max3A_415 = arith.maximumf %max3A_389, %get3A_395 : vector<16xf32>
      %scan3A_416 = arith.constant 6 : i32
      %scan3A_417 = arith.addi %scan3A_260, %scan3A_416 : i32
      %mul3A_418 = arith.constant 16 : i32
      %mul3A_419 = arith.muli %scan3A_417, %mul3A_418 : i32
      %get3A_420 = arith.index_cast %mul3A_419 : i32 to index
      %get3A_421 = tpu.vector_load %arg8[%get3A_420] {strides = array<i32>} : memref<8192xf32, #tpu.memory_space<vmem>>, vector<16xf32>,
      %bitcast_convert_type3A_422 = tpu.bitcast %get3A_421 : vector<16xf32> -> vector<16xi32>
      %lt3A_423 = arith.constant 0 : i32
      %lt3A_424 = vector.broadcast %lt3A_423 : i32 to vector<16xi32>
      %lt3A_425 = arith.cmpi slt, %bitcast_convert_type3A_422, %lt3A_424 : vector<16xi32>
      %xor3A_426 = arith.constant 2147483647 : i32
      %xor3A_427 = vector.broadcast %xor3A_426 : i32 to vector<16xi32>
      %xor3A_428 = arith.xori %bitcast_convert_type3A_422, %xor3A_427 : vector<16xi32>
      %select_n3A_429 = arith.select %lt3A_425, %xor3A_428, %bitcast_convert_type3A_422 : vector<16xi1>, vector<16xi32>
      %xor3A_430 = arith.constant -2147483648 : i32
      %xor3A_431 = vector.broadcast %xor3A_430 : i32 to vector<16xi32>
      %xor3A_432 = arith.xori %select_n3A_429, %xor3A_431 : vector<16xi32>
      %mul3A_433 = arith.constant 16 : i32
      %mul3A_434 = arith.muli %scan3A_417, %mul3A_433 : i32
      %swap3A_435 = arith.index_cast %mul3A_434 : i32 to index
      %swap3A_436 = tpu.vector_load %arg10[%swap3A_435] {strides = array<i32>} : memref<8192xi32, #tpu.memory_space<vmem>>, vector<16xi32>,
      tpu.vector_store %arg10[%swap3A_435], %xor3A_432 {strides = array<i32>} : memref<8192xi32, #tpu.memory_space<vmem>>, vector<16xi32>,
      %shift_right_logical3A_437 = arith.constant 24 : i32
      %shift_right_logical3A_438 = vector.broadcast %shift_right_logical3A_437 : i32 to vector<16xi32>
      %shift_right_logical3A_439 = arith.shrui %xor3A_432, %shift_right_logical3A_438 : vector<16xi32>
      %add3A_440 = arith.addi %mul3A_6, %shift_right_logical3A_439 : vector<16xi32>
      tpu.vector_store_idx %arg13[%add3A_440], %broadcast_in_dim3A_1 {add = true} : memref<4096xi32, #tpu.memory_space<vmem>>[vector<16xi32>], vector<16xi32>,
      %max3A_441 = arith.maximumf %max3A_415, %get3A_421 : vector<16xf32>
      %scan3A_442 = arith.constant 7 : i32
      %scan3A_443 = arith.addi %scan3A_260, %scan3A_442 : i32
      %mul3A_444 = arith.constant 16 : i32
      %mul3A_445 = arith.muli %scan3A_443, %mul3A_444 : i32
      %get3A_446 = arith.index_cast %mul3A_445 : i32 to index
      %get3A_447 = tpu.vector_load %arg8[%get3A_446] {strides = array<i32>} : memref<8192xf32, #tpu.memory_space<vmem>>, vector<16xf32>,
      %bitcast_convert_type3A_448 = tpu.bitcast %get3A_447 : vector<16xf32> -> vector<16xi32>
      %lt3A_449 = arith.constant 0 : i32
      %lt3A_450 = vector.broadcast %lt3A_449 : i32 to vector<16xi32>
      %lt3A_451 = arith.cmpi slt, %bitcast_convert_type3A_448, %lt3A_450 : vector<16xi32>
      %xor3A_452 = arith.constant 2147483647 : i32
      %xor3A_453 = vector.broadcast %xor3A_452 : i32 to vector<16xi32>
      %xor3A_454 = arith.xori %bitcast_convert_type3A_448, %xor3A_453 : vector<16xi32>
      %select_n3A_455 = arith.select %lt3A_451, %xor3A_454, %bitcast_convert_type3A_448 : vector<16xi1>, vector<16xi32>
      %xor3A_456 = arith.constant -2147483648 : i32
      %xor3A_457 = vector.broadcast %xor3A_456 : i32 to vector<16xi32>
      %xor3A_458 = arith.xori %select_n3A_455, %xor3A_457 : vector<16xi32>
      %mul3A_459 = arith.constant 16 : i32
      %mul3A_460 = arith.muli %scan3A_443, %mul3A_459 : i32
      %swap3A_461 = arith.index_cast %mul3A_460 : i32 to index
      %swap3A_462 = tpu.vector_load %arg10[%swap3A_461] {strides = array<i32>} : memref<8192xi32, #tpu.memory_space<vmem>>, vector<16xi32>,
      tpu.vector_store %arg10[%swap3A_461], %xor3A_458 {strides = array<i32>} : memref<8192xi32, #tpu.memory_space<vmem>>, vector<16xi32>,
      %shift_right_logical3A_463 = arith.constant 24 : i32
      %shift_right_logical3A_464 = vector.broadcast %shift_right_logical3A_463 : i32 to vector<16xi32>
      %shift_right_logical3A_465 = arith.shrui %xor3A_458, %shift_right_logical3A_464 : vector<16xi32>
      %add3A_466 = arith.addi %mul3A_6, %shift_right_logical3A_465 : vector<16xi32>
      tpu.vector_store_idx %arg13[%add3A_466], %broadcast_in_dim3A_1 {add = true} : memref<4096xi32, #tpu.memory_space<vmem>>[vector<16xi32>], vector<16xi32>,
      %max3A_467 = arith.maximumf %max3A_441, %get3A_447 : vector<16xf32>
      scf.yield %max3A_467 : vector<16xf32>
    }
    %scan3A_20 = arith.constant 512 : i32
    %reduce_max3A = arith.constant true
    %reduce_max3A_21 = vector.broadcast %reduce_max3A : i1 to vector<16xi1>
    %reduce_max3A_22 = tpu.scan <max>, %scan3A_19 masked %reduce_max3A_21 : vector<16xf32>, vector<16xi1> -> vector<16xf32>
    %reduce_max3A_23 = vector.extract %reduce_max3A_22[15] : f32 from vector<16xf32>
    %broadcast_in_dim3A_24 = arith.constant 256 : i32
    %broadcast_in_dim3A_25 = vector.broadcast %broadcast_in_dim3A_24 : i32 to vector<16xi32>
    %broadcast_in_dim3A_26 = arith.constant false
    %broadcast_in_dim3A_27 = vector.broadcast %broadcast_in_dim3A_26 : i1 to vector<16xi1>
    %scan3A_28 = arith.constant 0 : i32
    %scan3A_29 = arith.constant 16 : i32
    %scan3A_30 = arith.addi %scan3A_28, %scan3A_29 : i32
    %scan3A_31 = arith.constant 1 : i32
    %scan3A_32:5 = scf.for %scan3A_260 = %scan3A_28 to %scan3A_30 step %scan3A_31 iter_args(%scan3A_261 = %broadcast_in_dim3A_3, %scan3A_262 = %broadcast_in_dim3A_27, %scan3A_263 = %broadcast_in_dim3A_3, %scan3A_264 = %broadcast_in_dim3A_3, %scan3A_265 = %broadcast_in_dim3A_3) -> (vector<16xi32>, vector<16xi1>, vector<16xi32>, vector<16xi32>, vector<16xi32>)  : i32 {
      %sub3A_266 = arith.constant 15 : i32
      %sub3A_267 = arith.subi %sub3A_266, %scan3A_260 : i32
      %mul3A_268 = arith.constant 16 : i32
      %mul3A_269 = arith.muli %sub3A_267, %mul3A_268 : i32
      %add3A_270 = arith.constant 0 : i32
      %add3A_271 = arith.addi %add3A_270, %mul3A_269 : i32
      %get3A_272 = arith.index_cast %add3A_271 : i32 to index
      %get3A_273 = tpu.vector_load %arg13[%get3A_272] {strides = array<i32>} : memref<4096xi32, #tpu.memory_space<vmem>>, vector<16xi32>,
      %add3A_274 = arith.addi %broadcast_in_dim3A_3, %get3A_273 : vector<16xi32>
      %mul3A_275 = arith.constant 16 : i32
      %mul3A_276 = arith.muli %sub3A_267, %mul3A_275 : i32
      %add3A_277 = arith.constant 256 : i32
      %add3A_278 = arith.addi %add3A_277, %mul3A_276 : i32
      %get3A_279 = arith.index_cast %add3A_278 : i32 to index
      %get3A_280 = tpu.vector_load %arg13[%get3A_279] {strides = array<i32>} : memref<4096xi32, #tpu.memory_space<vmem>>, vector<16xi32>,
      %add3A_281 = arith.addi %add3A_274, %get3A_280 : vector<16xi32>
      %mul3A_282 = arith.constant 16 : i32
      %mul3A_283 = arith.muli %sub3A_267, %mul3A_282 : i32
      %add3A_284 = arith.constant 512 : i32
      %add3A_285 = arith.addi %add3A_284, %mul3A_283 : i32
      %get3A_286 = arith.index_cast %add3A_285 : i32 to index
      %get3A_287 = tpu.vector_load %arg13[%get3A_286] {strides = array<i32>} : memref<4096xi32, #tpu.memory_space<vmem>>, vector<16xi32>,
      %add3A_288 = arith.addi %add3A_281, %get3A_287 : vector<16xi32>
      %mul3A_289 = arith.constant 16 : i32
      %mul3A_290 = arith.muli %sub3A_267, %mul3A_289 : i32
      %add3A_291 = arith.constant 768 : i32
      %add3A_292 = arith.addi %add3A_291, %mul3A_290 : i32
      %get3A_293 = arith.index_cast %add3A_292 : i32 to index
      %get3A_294 = tpu.vector_load %arg13[%get3A_293] {strides = array<i32>} : memref<4096xi32, #tpu.memory_space<vmem>>, vector<16xi32>,
      %add3A_295 = arith.addi %add3A_288, %get3A_294 : vector<16xi32>
      %mul3A_296 = arith.constant 16 : i32
      %mul3A_297 = arith.muli %sub3A_267, %mul3A_296 : i32
      %add3A_298 = arith.constant 1024 : i32
      %add3A_299 = arith.addi %add3A_298, %mul3A_297 : i32
      %get3A_300 = arith.index_cast %add3A_299 : i32 to index
      %get3A_301 = tpu.vector_load %arg13[%get3A_300] {strides = array<i32>} : memref<4096xi32, #tpu.memory_space<vmem>>, vector<16xi32>,
      %add3A_302 = arith.addi %add3A_295, %get3A_301 : vector<16xi32>
      %mul3A_303 = arith.constant 16 : i32
      %mul3A_304 = arith.muli %sub3A_267, %mul3A_303 : i32
      %add3A_305 = arith.constant 1280 : i32
      %add3A_306 = arith.addi %add3A_305, %mul3A_304 : i32
      %get3A_307 = arith.index_cast %add3A_306 : i32 to index
      %get3A_308 = tpu.vector_load %arg13[%get3A_307] {strides = array<i32>} : memref<4096xi32, #tpu.memory_space<vmem>>, vector<16xi32>,
      %add3A_309 = arith.addi %add3A_302, %get3A_308 : vector<16xi32>
      %mul3A_310 = arith.constant 16 : i32
      %mul3A_311 = arith.muli %sub3A_267, %mul3A_310 : i32
      %add3A_312 = arith.constant 1536 : i32
      %add3A_313 = arith.addi %add3A_312, %mul3A_311 : i32
      %get3A_314 = arith.index_cast %add3A_313 : i32 to index
      %get3A_315 = tpu.vector_load %arg13[%get3A_314] {strides = array<i32>} : memref<4096xi32, #tpu.memory_space<vmem>>, vector<16xi32>,
      %add3A_316 = arith.addi %add3A_309, %get3A_315 : vector<16xi32>
      %mul3A_317 = arith.constant 16 : i32
      %mul3A_318 = arith.muli %sub3A_267, %mul3A_317 : i32
      %add3A_319 = arith.constant 1792 : i32
      %add3A_320 = arith.addi %add3A_319, %mul3A_318 : i32
      %get3A_321 = arith.index_cast %add3A_320 : i32 to index
      %get3A_322 = tpu.vector_load %arg13[%get3A_321] {strides = array<i32>} : memref<4096xi32, #tpu.memory_space<vmem>>, vector<16xi32>,
      %add3A_323 = arith.addi %add3A_316, %get3A_322 : vector<16xi32>
      %mul3A_324 = arith.constant 16 : i32
      %mul3A_325 = arith.muli %sub3A_267, %mul3A_324 : i32
      %add3A_326 = arith.constant 2048 : i32
      %add3A_327 = arith.addi %add3A_326, %mul3A_325 : i32
      %get3A_328 = arith.index_cast %add3A_327 : i32 to index
      %get3A_329 = tpu.vector_load %arg13[%get3A_328] {strides = array<i32>} : memref<4096xi32, #tpu.memory_space<vmem>>, vector<16xi32>,
      %add3A_330 = arith.addi %add3A_323, %get3A_329 : vector<16xi32>
      %mul3A_331 = arith.constant 16 : i32
      %mul3A_332 = arith.muli %sub3A_267, %mul3A_331 : i32
      %add3A_333 = arith.constant 2304 : i32
      %add3A_334 = arith.addi %add3A_333, %mul3A_332 : i32
      %get3A_335 = arith.index_cast %add3A_334 : i32 to index
      %get3A_336 = tpu.vector_load %arg13[%get3A_335] {strides = array<i32>} : memref<4096xi32, #tpu.memory_space<vmem>>, vector<16xi32>,
      %add3A_337 = arith.addi %add3A_330, %get3A_336 : vector<16xi32>
      %mul3A_338 = arith.constant 16 : i32
      %mul3A_339 = arith.muli %sub3A_267, %mul3A_338 : i32
      %add3A_340 = arith.constant 2560 : i32
      %add3A_341 = arith.addi %add3A_340, %mul3A_339 : i32
      %get3A_342 = arith.index_cast %add3A_341 : i32 to index
      %get3A_343 = tpu.vector_load %arg13[%get3A_342] {strides = array<i32>} : memref<4096xi32, #tpu.memory_space<vmem>>, vector<16xi32>,
      %add3A_344 = arith.addi %add3A_337, %get3A_343 : vector<16xi32>
      %mul3A_345 = arith.constant 16 : i32
      %mul3A_346 = arith.muli %sub3A_267, %mul3A_345 : i32
      %add3A_347 = arith.constant 2816 : i32
      %add3A_348 = arith.addi %add3A_347, %mul3A_346 : i32
      %get3A_349 = arith.index_cast %add3A_348 : i32 to index
      %get3A_350 = tpu.vector_load %arg13[%get3A_349] {strides = array<i32>} : memref<4096xi32, #tpu.memory_space<vmem>>, vector<16xi32>,
      %add3A_351 = arith.addi %add3A_344, %get3A_350 : vector<16xi32>
      %mul3A_352 = arith.constant 16 : i32
      %mul3A_353 = arith.muli %sub3A_267, %mul3A_352 : i32
      %add3A_354 = arith.constant 3072 : i32
      %add3A_355 = arith.addi %add3A_354, %mul3A_353 : i32
      %get3A_356 = arith.index_cast %add3A_355 : i32 to index
      %get3A_357 = tpu.vector_load %arg13[%get3A_356] {strides = array<i32>} : memref<4096xi32, #tpu.memory_space<vmem>>, vector<16xi32>,
      %add3A_358 = arith.addi %add3A_351, %get3A_357 : vector<16xi32>
      %mul3A_359 = arith.constant 16 : i32
      %mul3A_360 = arith.muli %sub3A_267, %mul3A_359 : i32
      %add3A_361 = arith.constant 3328 : i32
      %add3A_362 = arith.addi %add3A_361, %mul3A_360 : i32
      %get3A_363 = arith.index_cast %add3A_362 : i32 to index
      %get3A_364 = tpu.vector_load %arg13[%get3A_363] {strides = array<i32>} : memref<4096xi32, #tpu.memory_space<vmem>>, vector<16xi32>,
      %add3A_365 = arith.addi %add3A_358, %get3A_364 : vector<16xi32>
      %mul3A_366 = arith.constant 16 : i32
      %mul3A_367 = arith.muli %sub3A_267, %mul3A_366 : i32
      %add3A_368 = arith.constant 3584 : i32
      %add3A_369 = arith.addi %add3A_368, %mul3A_367 : i32
      %get3A_370 = arith.index_cast %add3A_369 : i32 to index
      %get3A_371 = tpu.vector_load %arg13[%get3A_370] {strides = array<i32>} : memref<4096xi32, #tpu.memory_space<vmem>>, vector<16xi32>,
      %add3A_372 = arith.addi %add3A_365, %get3A_371 : vector<16xi32>
      %mul3A_373 = arith.constant 16 : i32
      %mul3A_374 = arith.muli %sub3A_267, %mul3A_373 : i32
      %add3A_375 = arith.constant 3840 : i32
      %add3A_376 = arith.addi %add3A_375, %mul3A_374 : i32
      %get3A_377 = arith.index_cast %add3A_376 : i32 to index
      %get3A_378 = tpu.vector_load %arg13[%get3A_377] {strides = array<i32>} : memref<4096xi32, #tpu.memory_space<vmem>>, vector<16xi32>,
      %add3A_379 = arith.addi %add3A_372, %get3A_378 : vector<16xi32>
      %rev3A = arith.constant 15 : i32
      %rev3A_380 = vector.broadcast %rev3A : i32 to vector<16xi32>
      %rev3A_381 = tpu.iota {dimensions = array<i32: 0>} : vector<16xi32>
      %rev3A_382 = arith.subi %rev3A_380, %rev3A_381 : vector<16xi32>
      %rev3A_383 = tpu.dynamic_gather %add3A_379[%rev3A_382] in [0] : vector<16xi32>, vector<16xi32> -> vector<16xi32>
      %broadcast_in_dim3A_384 = arith.constant true
      %broadcast_in_dim3A_385 = vector.broadcast %broadcast_in_dim3A_384 : i1 to vector<16xi1>
      %masked_cumsum3A = tpu.scan <sum>, %rev3A_383 masked %broadcast_in_dim3A_385 : vector<16xi32>, vector<16xi1> -> vector<16xi32>
      %reduce_sum3A_386 = arith.constant true
      %reduce_sum3A_387 = vector.broadcast %reduce_sum3A_386 : i1 to vector<16xi1>
      %reduce_sum3A_388 = tpu.scan <sum>, %add3A_379 masked %reduce_sum3A_387 : vector<16xi32>, vector<16xi1> -> vector<16xi32>
      %reduce_sum3A_389 = vector.extract %reduce_sum3A_388[15] : i32 from vector<16xi32>
      %broadcast_in_dim3A_390 = vector.broadcast %reduce_sum3A_389 : i32 to vector<16xi32>
      %add3A_391 = arith.addi %scan3A_261, %masked_cumsum3A : vector<16xi32>
      %ge3A = arith.cmpi sge, %add3A_391, %broadcast_in_dim3A_25 : vector<16xi32>
      %reduce_or3A = arith.constant 1.000000e+00 : f32
      %reduce_or3A_392 = arith.constant 0.000000e+00 : f32
      %reduce_or3A_393 = vector.broadcast %reduce_or3A : f32 to vector<16xf32>
      %reduce_or3A_394 = vector.broadcast %reduce_or3A_392 : f32 to vector<16xf32>
      %reduce_or3A_395 = arith.select %ge3A, %reduce_or3A_393, %reduce_or3A_394 : vector<16xi1>, vector<16xf32>
      %reduce_or3A_396 = arith.constant true
      %reduce_or3A_397 = vector.broadcast %reduce_or3A_396 : i1 to vector<16xi1>
      %reduce_or3A_398 = tpu.scan <max>, %reduce_or3A_395 masked %reduce_or3A_397 : vector<16xf32>, vector<16xi1> -> vector<16xf32>
      %reduce_or3A_399 = vector.extract %reduce_or3A_398[15] : f32 from vector<16xf32>
      %reduce_or3A_400 = arith.constant 0.000000e+00 : f32
      %reduce_or3A_401 = arith.cmpf ogt, %reduce_or3A_399, %reduce_or3A_400 : f32
      %broadcast_in_dim3A_402 = vector.broadcast %reduce_or3A_401 : i1 to vector<16xi1>
      %not3A = arith.constant dense<true> : vector<16xi1>
      %not3A_403 = arith.xori %scan3A_262, %not3A : vector<16xi1>
      %and3A_404 = arith.andi %not3A_403, %broadcast_in_dim3A_402 : vector<16xi1>
      %all_reduce_ffs3A = tpu.all_reduce %ge3A {dim = 0 : i64, kind = #tpu.reduction_kind<find_first_set>} : vector<16xi1> -> vector<16xi32>
      %lt3A_405 = arith.cmpi slt, %iota3A, %all_reduce_ffs3A : vector<16xi32>
      %jit3A_406 = arith.constant 0 : i32
      %broadcast_in_dim3A_407 = vector.broadcast %jit3A_406 : i32 to vector<16xi32>
      %select_n3A_408 = arith.select %lt3A_405, %rev3A_383, %broadcast_in_dim3A_407 : vector<16xi1>, vector<16xi32>
      %reduce_sum3A_409 = arith.constant true
      %reduce_sum3A_410 = vector.broadcast %reduce_sum3A_409 : i1 to vector<16xi1>
      %reduce_sum3A_411 = tpu.scan <sum>, %select_n3A_408 masked %reduce_sum3A_410 : vector<16xi32>, vector<16xi1> -> vector<16xi32>
      %reduce_sum3A_412 = vector.extract %reduce_sum3A_411[15] : i32 from vector<16xi32>
      %broadcast_in_dim3A_413 = vector.broadcast %reduce_sum3A_412 : i32 to vector<16xi32>
      %eq3A = arith.cmpi eq, %iota3A, %all_reduce_ffs3A : vector<16xi32>
      %jit3A_414 = arith.constant 0 : i32
      %broadcast_in_dim3A_415 = vector.broadcast %jit3A_414 : i32 to vector<16xi32>
      %select_n3A_416 = arith.select %eq3A, %rev3A_383, %broadcast_in_dim3A_415 : vector<16xi1>, vector<16xi32>
      %reduce_sum3A_417 = arith.constant true
      %reduce_sum3A_418 = vector.broadcast %reduce_sum3A_417 : i1 to vector<16xi1>
      %reduce_sum3A_419 = tpu.scan <sum>, %select_n3A_416 masked %reduce_sum3A_418 : vector<16xi32>, vector<16xi1> -> vector<16xi32>
      %reduce_sum3A_420 = vector.extract %reduce_sum3A_419[15] : i32 from vector<16xi32>
      %broadcast_in_dim3A_421 = vector.broadcast %reduce_sum3A_420 : i32 to vector<16xi32>
      %mul3A_422 = arith.constant 16 : i32
      %mul3A_423 = arith.muli %sub3A_267, %mul3A_422 : i32
      %add3A_424 = arith.constant 15 : i32
      %add3A_425 = arith.addi %mul3A_423, %add3A_424 : i32
      %sub3A_426 = vector.broadcast %add3A_425 : i32 to vector<16xi32>
      %sub3A_427 = arith.subi %sub3A_426, %all_reduce_ffs3A : vector<16xi32>
      %select_n3A_428 = arith.select %and3A_404, %sub3A_427, %scan3A_263 : vector<16xi1>, vector<16xi32>
      %add3A_429 = arith.addi %scan3A_261, %broadcast_in_dim3A_413 : vector<16xi32>
      %select_n3A_430 = arith.select %and3A_404, %add3A_429, %scan3A_264 : vector<16xi1>, vector<16xi32>
      %select_n3A_431 = arith.select %and3A_404, %broadcast_in_dim3A_421, %scan3A_265 : vector<16xi1>, vector<16xi32>
      %or3A_432 = arith.ori %scan3A_262, %and3A_404 : vector<16xi1>
      %add3A_433 = arith.addi %scan3A_261, %broadcast_in_dim3A_390 : vector<16xi32>
      scf.yield %add3A_433, %or3A_432, %select_n3A_428, %select_n3A_430, %select_n3A_431 : vector<16xi32>, vector<16xi1>, vector<16xi32>, vector<16xi32>, vector<16xi32>
    }
    %scan3A_33 = arith.constant 16 : i32
    %sub3A = arith.subi %broadcast_in_dim3A_25, %scan3A_32#3 : vector<16xi32>
    %scan3A_34 = arith.constant 0 : i32
    %scan3A_35 = arith.constant 0 : i32
    %scan3A_36 = arith.constant 256 : i32
    %scan3A_37 = arith.addi %scan3A_35, %scan3A_36 : i32
    %scan3A_38 = arith.constant 8 : i32
    %scan3A_39 = scf.for %scan3A_260 = %scan3A_35 to %scan3A_37 step %scan3A_38 iter_args(%scan3A_261 = %scan3A_34) -> (i32)  : i32 {
      %mul3A_262 = arith.constant 16 : i32
      %mul3A_263 = arith.muli %scan3A_260, %mul3A_262 : i32
      %swap3A_264 = arith.index_cast %mul3A_263 : i32 to index
      %swap3A_265 = tpu.vector_load %arg13[%swap3A_264] {strides = array<i32>} : memref<4096xi32, #tpu.memory_space<vmem>>, vector<16xi32>,
      tpu.vector_store %arg13[%swap3A_264], %broadcast_in_dim3A_3 {strides = array<i32>} : memref<4096xi32, #tpu.memory_space<vmem>>, vector<16xi32>,
      %scan3A_266 = arith.constant 0 : i32
      %scan3A_267 = arith.constant 1 : i32
      %scan3A_268 = arith.addi %scan3A_260, %scan3A_267 : i32
      %mul3A_269 = arith.constant 16 : i32
      %mul3A_270 = arith.muli %scan3A_268, %mul3A_269 : i32
      %swap3A_271 = arith.index_cast %mul3A_270 : i32 to index
      %swap3A_272 = tpu.vector_load %arg13[%swap3A_271] {strides = array<i32>} : memref<4096xi32, #tpu.memory_space<vmem>>, vector<16xi32>,
      tpu.vector_store %arg13[%swap3A_271], %broadcast_in_dim3A_3 {strides = array<i32>} : memref<4096xi32, #tpu.memory_space<vmem>>, vector<16xi32>,
      %scan3A_273 = arith.constant 0 : i32
      %scan3A_274 = arith.constant 2 : i32
      %scan3A_275 = arith.addi %scan3A_260, %scan3A_274 : i32
      %mul3A_276 = arith.constant 16 : i32
      %mul3A_277 = arith.muli %scan3A_275, %mul3A_276 : i32
      %swap3A_278 = arith.index_cast %mul3A_277 : i32 to index
      %swap3A_279 = tpu.vector_load %arg13[%swap3A_278] {strides = array<i32>} : memref<4096xi32, #tpu.memory_space<vmem>>, vector<16xi32>,
      tpu.vector_store %arg13[%swap3A_278], %broadcast_in_dim3A_3 {strides = array<i32>} : memref<4096xi32, #tpu.memory_space<vmem>>, vector<16xi32>,
      %scan3A_280 = arith.constant 0 : i32
      %scan3A_281 = arith.constant 3 : i32
      %scan3A_282 = arith.addi %scan3A_260, %scan3A_281 : i32
      %mul3A_283 = arith.constant 16 : i32
      %mul3A_284 = arith.muli %scan3A_282, %mul3A_283 : i32
      %swap3A_285 = arith.index_cast %mul3A_284 : i32 to index
      %swap3A_286 = tpu.vector_load %arg13[%swap3A_285] {strides = array<i32>} : memref<4096xi32, #tpu.memory_space<vmem>>, vector<16xi32>,
      tpu.vector_store %arg13[%swap3A_285], %broadcast_in_dim3A_3 {strides = array<i32>} : memref<4096xi32, #tpu.memory_space<vmem>>, vector<16xi32>,
      %scan3A_287 = arith.constant 0 : i32
      %scan3A_288 = arith.constant 4 : i32
      %scan3A_289 = arith.addi %scan3A_260, %scan3A_288 : i32
      %mul3A_290 = arith.constant 16 : i32
      %mul3A_291 = arith.muli %scan3A_289, %mul3A_290 : i32
      %swap3A_292 = arith.index_cast %mul3A_291 : i32 to index
      %swap3A_293 = tpu.vector_load %arg13[%swap3A_292] {strides = array<i32>} : memref<4096xi32, #tpu.memory_space<vmem>>, vector<16xi32>,
      tpu.vector_store %arg13[%swap3A_292], %broadcast_in_dim3A_3 {strides = array<i32>} : memref<4096xi32, #tpu.memory_space<vmem>>, vector<16xi32>,
      %scan3A_294 = arith.constant 0 : i32
      %scan3A_295 = arith.constant 5 : i32
      %scan3A_296 = arith.addi %scan3A_260, %scan3A_295 : i32
      %mul3A_297 = arith.constant 16 : i32
      %mul3A_298 = arith.muli %scan3A_296, %mul3A_297 : i32
      %swap3A_299 = arith.index_cast %mul3A_298 : i32 to index
      %swap3A_300 = tpu.vector_load %arg13[%swap3A_299] {strides = array<i32>} : memref<4096xi32, #tpu.memory_space<vmem>>, vector<16xi32>,
      tpu.vector_store %arg13[%swap3A_299], %broadcast_in_dim3A_3 {strides = array<i32>} : memref<4096xi32, #tpu.memory_space<vmem>>, vector<16xi32>,
      %scan3A_301 = arith.constant 0 : i32
      %scan3A_302 = arith.constant 6 : i32
      %scan3A_303 = arith.addi %scan3A_260, %scan3A_302 : i32
      %mul3A_304 = arith.constant 16 : i32
      %mul3A_305 = arith.muli %scan3A_303, %mul3A_304 : i32
      %swap3A_306 = arith.index_cast %mul3A_305 : i32 to index
      %swap3A_307 = tpu.vector_load %arg13[%swap3A_306] {strides = array<i32>} : memref<4096xi32, #tpu.memory_space<vmem>>, vector<16xi32>,
      tpu.vector_store %arg13[%swap3A_306], %broadcast_in_dim3A_3 {strides = array<i32>} : memref<4096xi32, #tpu.memory_space<vmem>>, vector<16xi32>,
      %scan3A_308 = arith.constant 0 : i32
      %scan3A_309 = arith.constant 7 : i32
      %scan3A_310 = arith.addi %scan3A_260, %scan3A_309 : i32
      %mul3A_311 = arith.constant 16 : i32
      %mul3A_312 = arith.muli %scan3A_310, %mul3A_311 : i32
      %swap3A_313 = arith.index_cast %mul3A_312 : i32 to index
      %swap3A_314 = tpu.vector_load %arg13[%swap3A_313] {strides = array<i32>} : memref<4096xi32, #tpu.memory_space<vmem>>, vector<16xi32>,
      tpu.vector_store %arg13[%swap3A_313], %broadcast_in_dim3A_3 {strides = array<i32>} : memref<4096xi32, #tpu.memory_space<vmem>>, vector<16xi32>,
      %scan3A_315 = arith.constant 0 : i32
      scf.yield %scan3A_315 : i32
    }
    %scan3A_40 = arith.constant 256 : i32
    %scan3A_41 = arith.constant 0 : i32
    %scan3A_42 = arith.constant 0 : i32
    %scan3A_43 = arith.constant 512 : i32
    %scan3A_44 = arith.addi %scan3A_42, %scan3A_43 : i32
    %scan3A_45 = arith.constant 8 : i32
    %scan3A_46 = scf.for %scan3A_260 = %scan3A_42 to %scan3A_44 step %scan3A_45 iter_args(%scan3A_261 = %scan3A_41) -> (i32)  : i32 {
      %mul3A_262 = arith.constant 16 : i32
      %mul3A_263 = arith.muli %scan3A_260, %mul3A_262 : i32
      %get3A_264 = arith.index_cast %mul3A_263 : i32 to index
      %get3A_265 = tpu.vector_load %arg10[%get3A_264] {strides = array<i32>} : memref<8192xi32, #tpu.memory_space<vmem>>, vector<16xi32>,
      %shift_right_logical3A_266 = arith.constant 24 : i32
      %shift_right_logical3A_267 = vector.broadcast %shift_right_logical3A_266 : i32 to vector<16xi32>
      %shift_right_logical3A_268 = arith.shrui %get3A_265, %shift_right_logical3A_267 : vector<16xi32>
      %eq3A = arith.cmpi eq, %shift_right_logical3A_268, %scan3A_32#2 : vector<16xi32>
      %convert_element_type3A_269 = arith.extui %eq3A : vector<16xi1> to vector<16xi32>
      %broadcast_in_dim3A_270 = arith.constant true
      %broadcast_in_dim3A_271 = vector.broadcast %broadcast_in_dim3A_270 : i1 to vector<16xi1>
      %masked_cumsum3A = tpu.scan <sum>, %convert_element_type3A_269 masked %broadcast_in_dim3A_271 : vector<16xi32>, vector<16xi1> -> vector<16xi32>
      %add3A_272 = vector.broadcast %scan3A_261 : i32 to vector<16xi32>
      %add3A_273 = arith.addi %add3A_272, %masked_cumsum3A : vector<16xi32>
      %sub3A_274 = arith.constant 1 : i32
      %sub3A_275 = vector.broadcast %sub3A_274 : i32 to vector<16xi32>
      %sub3A_276 = arith.subi %add3A_273, %sub3A_275 : vector<16xi32>
      tpu.vector_store_idx %arg11[%sub3A_276], %get3A_265 masked %eq3A : memref<8192xi32, #tpu.memory_space<vmem>>[vector<16xi32>], vector<16xi32>, vector<16xi1>
      %shift_right_logical3A_277 = arith.constant 16 : i32
      %shift_right_logical3A_278 = vector.broadcast %shift_right_logical3A_277 : i32 to vector<16xi32>
      %shift_right_logical3A_279 = arith.shrui %get3A_265, %shift_right_logical3A_278 : vector<16xi32>
      %and3A_280 = arith.constant 255 : i32
      %and3A_281 = vector.broadcast %and3A_280 : i32 to vector<16xi32>
      %and3A_282 = arith.andi %shift_right_logical3A_279, %and3A_281 : vector<16xi32>
      %add3A_283 = arith.addi %mul3A_6, %and3A_282 : vector<16xi32>
      tpu.vector_store_idx %arg13[%add3A_283], %convert_element_type3A_269 {add = true} : memref<4096xi32, #tpu.memory_space<vmem>>[vector<16xi32>], vector<16xi32>,
      %reduce_sum3A_284 = arith.constant true
      %reduce_sum3A_285 = vector.broadcast %reduce_sum3A_284 : i1 to vector<16xi1>
      %reduce_sum3A_286 = tpu.scan <sum>, %convert_element_type3A_269 masked %reduce_sum3A_285 : vector<16xi32>, vector<16xi1> -> vector<16xi32>
      %reduce_sum3A_287 = vector.extract %reduce_sum3A_286[15] : i32 from vector<16xi32>
      %add3A_288 = arith.addi %scan3A_261, %reduce_sum3A_287 : i32
      %scan3A_289 = arith.constant 1 : i32
      %scan3A_290 = arith.addi %scan3A_260, %scan3A_289 : i32
      %mul3A_291 = arith.constant 16 : i32
      %mul3A_292 = arith.muli %scan3A_290, %mul3A_291 : i32
      %get3A_293 = arith.index_cast %mul3A_292 : i32 to index
      %get3A_294 = tpu.vector_load %arg10[%get3A_293] {strides = array<i32>} : memref<8192xi32, #tpu.memory_space<vmem>>, vector<16xi32>,
      %shift_right_logical3A_295 = arith.constant 24 : i32
      %shift_right_logical3A_296 = vector.broadcast %shift_right_logical3A_295 : i32 to vector<16xi32>
      %shift_right_logical3A_297 = arith.shrui %get3A_294, %shift_right_logical3A_296 : vector<16xi32>
      %eq3A_298 = arith.cmpi eq, %shift_right_logical3A_297, %scan3A_32#2 : vector<16xi32>
      %convert_element_type3A_299 = arith.extui %eq3A_298 : vector<16xi1> to vector<16xi32>
      %broadcast_in_dim3A_300 = arith.constant true
      %broadcast_in_dim3A_301 = vector.broadcast %broadcast_in_dim3A_300 : i1 to vector<16xi1>
      %masked_cumsum3A_302 = tpu.scan <sum>, %convert_element_type3A_299 masked %broadcast_in_dim3A_301 : vector<16xi32>, vector<16xi1> -> vector<16xi32>
      %add3A_303 = vector.broadcast %add3A_288 : i32 to vector<16xi32>
      %add3A_304 = arith.addi %add3A_303, %masked_cumsum3A_302 : vector<16xi32>
      %sub3A_305 = arith.constant 1 : i32
      %sub3A_306 = vector.broadcast %sub3A_305 : i32 to vector<16xi32>
      %sub3A_307 = arith.subi %add3A_304, %sub3A_306 : vector<16xi32>
      tpu.vector_store_idx %arg11[%sub3A_307], %get3A_294 masked %eq3A_298 : memref<8192xi32, #tpu.memory_space<vmem>>[vector<16xi32>], vector<16xi32>, vector<16xi1>
      %shift_right_logical3A_308 = arith.constant 16 : i32
      %shift_right_logical3A_309 = vector.broadcast %shift_right_logical3A_308 : i32 to vector<16xi32>
      %shift_right_logical3A_310 = arith.shrui %get3A_294, %shift_right_logical3A_309 : vector<16xi32>
      %and3A_311 = arith.constant 255 : i32
      %and3A_312 = vector.broadcast %and3A_311 : i32 to vector<16xi32>
      %and3A_313 = arith.andi %shift_right_logical3A_310, %and3A_312 : vector<16xi32>
      %add3A_314 = arith.addi %mul3A_6, %and3A_313 : vector<16xi32>
      tpu.vector_store_idx %arg13[%add3A_314], %convert_element_type3A_299 {add = true} : memref<4096xi32, #tpu.memory_space<vmem>>[vector<16xi32>], vector<16xi32>,
      %reduce_sum3A_315 = arith.constant true
      %reduce_sum3A_316 = vector.broadcast %reduce_sum3A_315 : i1 to vector<16xi1>
      %reduce_sum3A_317 = tpu.scan <sum>, %convert_element_type3A_299 masked %reduce_sum3A_316 : vector<16xi32>, vector<16xi1> -> vector<16xi32>
      %reduce_sum3A_318 = vector.extract %reduce_sum3A_317[15] : i32 from vector<16xi32>
      %add3A_319 = arith.addi %add3A_288, %reduce_sum3A_318 : i32
      %scan3A_320 = arith.constant 2 : i32
      %scan3A_321 = arith.addi %scan3A_260, %scan3A_320 : i32
      %mul3A_322 = arith.constant 16 : i32
      %mul3A_323 = arith.muli %scan3A_321, %mul3A_322 : i32
      %get3A_324 = arith.index_cast %mul3A_323 : i32 to index
      %get3A_325 = tpu.vector_load %arg10[%get3A_324] {strides = array<i32>} : memref<8192xi32, #tpu.memory_space<vmem>>, vector<16xi32>,
      %shift_right_logical3A_326 = arith.constant 24 : i32
      %shift_right_logical3A_327 = vector.broadcast %shift_right_logical3A_326 : i32 to vector<16xi32>
      %shift_right_logical3A_328 = arith.shrui %get3A_325, %shift_right_logical3A_327 : vector<16xi32>
      %eq3A_329 = arith.cmpi eq, %shift_right_logical3A_328, %scan3A_32#2 : vector<16xi32>
      %convert_element_type3A_330 = arith.extui %eq3A_329 : vector<16xi1> to vector<16xi32>
      %broadcast_in_dim3A_331 = arith.constant true
      %broadcast_in_dim3A_332 = vector.broadcast %broadcast_in_dim3A_331 : i1 to vector<16xi1>
      %masked_cumsum3A_333 = tpu.scan <sum>, %convert_element_type3A_330 masked %broadcast_in_dim3A_332 : vector<16xi32>, vector<16xi1> -> vector<16xi32>
      %add3A_334 = vector.broadcast %add3A_319 : i32 to vector<16xi32>
      %add3A_335 = arith.addi %add3A_334, %masked_cumsum3A_333 : vector<16xi32>
      %sub3A_336 = arith.constant 1 : i32
      %sub3A_337 = vector.broadcast %sub3A_336 : i32 to vector<16xi32>
      %sub3A_338 = arith.subi %add3A_335, %sub3A_337 : vector<16xi32>
      tpu.vector_store_idx %arg11[%sub3A_338], %get3A_325 masked %eq3A_329 : memref<8192xi32, #tpu.memory_space<vmem>>[vector<16xi32>], vector<16xi32>, vector<16xi1>
      %shift_right_logical3A_339 = arith.constant 16 : i32
      %shift_right_logical3A_340 = vector.broadcast %shift_right_logical3A_339 : i32 to vector<16xi32>
      %shift_right_logical3A_341 = arith.shrui %get3A_325, %shift_right_logical3A_340 : vector<16xi32>
      %and3A_342 = arith.constant 255 : i32
      %and3A_343 = vector.broadcast %and3A_342 : i32 to vector<16xi32>
      %and3A_344 = arith.andi %shift_right_logical3A_341, %and3A_343 : vector<16xi32>
      %add3A_345 = arith.addi %mul3A_6, %and3A_344 : vector<16xi32>
      tpu.vector_store_idx %arg13[%add3A_345], %convert_element_type3A_330 {add = true} : memref<4096xi32, #tpu.memory_space<vmem>>[vector<16xi32>], vector<16xi32>,
      %reduce_sum3A_346 = arith.constant true
      %reduce_sum3A_347 = vector.broadcast %reduce_sum3A_346 : i1 to vector<16xi1>
      %reduce_sum3A_348 = tpu.scan <sum>, %convert_element_type3A_330 masked %reduce_sum3A_347 : vector<16xi32>, vector<16xi1> -> vector<16xi32>
      %reduce_sum3A_349 = vector.extract %reduce_sum3A_348[15] : i32 from vector<16xi32>
      %add3A_350 = arith.addi %add3A_319, %reduce_sum3A_349 : i32
      %scan3A_351 = arith.constant 3 : i32
      %scan3A_352 = arith.addi %scan3A_260, %scan3A_351 : i32
      %mul3A_353 = arith.constant 16 : i32
      %mul3A_354 = arith.muli %scan3A_352, %mul3A_353 : i32
      %get3A_355 = arith.index_cast %mul3A_354 : i32 to index
      %get3A_356 = tpu.vector_load %arg10[%get3A_355] {strides = array<i32>} : memref<8192xi32, #tpu.memory_space<vmem>>, vector<16xi32>,
      %shift_right_logical3A_357 = arith.constant 24 : i32
      %shift_right_logical3A_358 = vector.broadcast %shift_right_logical3A_357 : i32 to vector<16xi32>
      %shift_right_logical3A_359 = arith.shrui %get3A_356, %shift_right_logical3A_358 : vector<16xi32>
      %eq3A_360 = arith.cmpi eq, %shift_right_logical3A_359, %scan3A_32#2 : vector<16xi32>
      %convert_element_type3A_361 = arith.extui %eq3A_360 : vector<16xi1> to vector<16xi32>
      %broadcast_in_dim3A_362 = arith.constant true
      %broadcast_in_dim3A_363 = vector.broadcast %broadcast_in_dim3A_362 : i1 to vector<16xi1>
      %masked_cumsum3A_364 = tpu.scan <sum>, %convert_element_type3A_361 masked %broadcast_in_dim3A_363 : vector<16xi32>, vector<16xi1> -> vector<16xi32>
      %add3A_365 = vector.broadcast %add3A_350 : i32 to vector<16xi32>
      %add3A_366 = arith.addi %add3A_365, %masked_cumsum3A_364 : vector<16xi32>
      %sub3A_367 = arith.constant 1 : i32
      %sub3A_368 = vector.broadcast %sub3A_367 : i32 to vector<16xi32>
      %sub3A_369 = arith.subi %add3A_366, %sub3A_368 : vector<16xi32>
      tpu.vector_store_idx %arg11[%sub3A_369], %get3A_356 masked %eq3A_360 : memref<8192xi32, #tpu.memory_space<vmem>>[vector<16xi32>], vector<16xi32>, vector<16xi1>
      %shift_right_logical3A_370 = arith.constant 16 : i32
      %shift_right_logical3A_371 = vector.broadcast %shift_right_logical3A_370 : i32 to vector<16xi32>
      %shift_right_logical3A_372 = arith.shrui %get3A_356, %shift_right_logical3A_371 : vector<16xi32>
      %and3A_373 = arith.constant 255 : i32
      %and3A_374 = vector.broadcast %and3A_373 : i32 to vector<16xi32>
      %and3A_375 = arith.andi %shift_right_logical3A_372, %and3A_374 : vector<16xi32>
      %add3A_376 = arith.addi %mul3A_6, %and3A_375 : vector<16xi32>
      tpu.vector_store_idx %arg13[%add3A_376], %convert_element_type3A_361 {add = true} : memref<4096xi32, #tpu.memory_space<vmem>>[vector<16xi32>], vector<16xi32>,
      %reduce_sum3A_377 = arith.constant true
      %reduce_sum3A_378 = vector.broadcast %reduce_sum3A_377 : i1 to vector<16xi1>
      %reduce_sum3A_379 = tpu.scan <sum>, %convert_element_type3A_361 masked %reduce_sum3A_378 : vector<16xi32>, vector<16xi1> -> vector<16xi32>
      %reduce_sum3A_380 = vector.extract %reduce_sum3A_379[15] : i32 from vector<16xi32>
      %add3A_381 = arith.addi %add3A_350, %reduce_sum3A_380 : i32
      %scan3A_382 = arith.constant 4 : i32
      %scan3A_383 = arith.addi %scan3A_260, %scan3A_382 : i32
      %mul3A_384 = arith.constant 16 : i32
      %mul3A_385 = arith.muli %scan3A_383, %mul3A_384 : i32
      %get3A_386 = arith.index_cast %mul3A_385 : i32 to index
      %get3A_387 = tpu.vector_load %arg10[%get3A_386] {strides = array<i32>} : memref<8192xi32, #tpu.memory_space<vmem>>, vector<16xi32>,
      %shift_right_logical3A_388 = arith.constant 24 : i32
      %shift_right_logical3A_389 = vector.broadcast %shift_right_logical3A_388 : i32 to vector<16xi32>
      %shift_right_logical3A_390 = arith.shrui %get3A_387, %shift_right_logical3A_389 : vector<16xi32>
      %eq3A_391 = arith.cmpi eq, %shift_right_logical3A_390, %scan3A_32#2 : vector<16xi32>
      %convert_element_type3A_392 = arith.extui %eq3A_391 : vector<16xi1> to vector<16xi32>
      %broadcast_in_dim3A_393 = arith.constant true
      %broadcast_in_dim3A_394 = vector.broadcast %broadcast_in_dim3A_393 : i1 to vector<16xi1>
      %masked_cumsum3A_395 = tpu.scan <sum>, %convert_element_type3A_392 masked %broadcast_in_dim3A_394 : vector<16xi32>, vector<16xi1> -> vector<16xi32>
      %add3A_396 = vector.broadcast %add3A_381 : i32 to vector<16xi32>
      %add3A_397 = arith.addi %add3A_396, %masked_cumsum3A_395 : vector<16xi32>
      %sub3A_398 = arith.constant 1 : i32
      %sub3A_399 = vector.broadcast %sub3A_398 : i32 to vector<16xi32>
      %sub3A_400 = arith.subi %add3A_397, %sub3A_399 : vector<16xi32>
      tpu.vector_store_idx %arg11[%sub3A_400], %get3A_387 masked %eq3A_391 : memref<8192xi32, #tpu.memory_space<vmem>>[vector<16xi32>], vector<16xi32>, vector<16xi1>
      %shift_right_logical3A_401 = arith.constant 16 : i32
      %shift_right_logical3A_402 = vector.broadcast %shift_right_logical3A_401 : i32 to vector<16xi32>
      %shift_right_logical3A_403 = arith.shrui %get3A_387, %shift_right_logical3A_402 : vector<16xi32>
      %and3A_404 = arith.constant 255 : i32
      %and3A_405 = vector.broadcast %and3A_404 : i32 to vector<16xi32>
      %and3A_406 = arith.andi %shift_right_logical3A_403, %and3A_405 : vector<16xi32>
      %add3A_407 = arith.addi %mul3A_6, %and3A_406 : vector<16xi32>
      tpu.vector_store_idx %arg13[%add3A_407], %convert_element_type3A_392 {add = true} : memref<4096xi32, #tpu.memory_space<vmem>>[vector<16xi32>], vector<16xi32>,
      %reduce_sum3A_408 = arith.constant true
      %reduce_sum3A_409 = vector.broadcast %reduce_sum3A_408 : i1 to vector<16xi1>
      %reduce_sum3A_410 = tpu.scan <sum>, %convert_element_type3A_392 masked %reduce_sum3A_409 : vector<16xi32>, vector<16xi1> -> vector<16xi32>
      %reduce_sum3A_411 = vector.extract %reduce_sum3A_410[15] : i32 from vector<16xi32>
      %add3A_412 = arith.addi %add3A_381, %reduce_sum3A_411 : i32
      %scan3A_413 = arith.constant 5 : i32
      %scan3A_414 = arith.addi %scan3A_260, %scan3A_413 : i32
      %mul3A_415 = arith.constant 16 : i32
      %mul3A_416 = arith.muli %scan3A_414, %mul3A_415 : i32
      %get3A_417 = arith.index_cast %mul3A_416 : i32 to index
      %get3A_418 = tpu.vector_load %arg10[%get3A_417] {strides = array<i32>} : memref<8192xi32, #tpu.memory_space<vmem>>, vector<16xi32>,
      %shift_right_logical3A_419 = arith.constant 24 : i32
      %shift_right_logical3A_420 = vector.broadcast %shift_right_logical3A_419 : i32 to vector<16xi32>
      %shift_right_logical3A_421 = arith.shrui %get3A_418, %shift_right_logical3A_420 : vector<16xi32>
      %eq3A_422 = arith.cmpi eq, %shift_right_logical3A_421, %scan3A_32#2 : vector<16xi32>
      %convert_element_type3A_423 = arith.extui %eq3A_422 : vector<16xi1> to vector<16xi32>
      %broadcast_in_dim3A_424 = arith.constant true
      %broadcast_in_dim3A_425 = vector.broadcast %broadcast_in_dim3A_424 : i1 to vector<16xi1>
      %masked_cumsum3A_426 = tpu.scan <sum>, %convert_element_type3A_423 masked %broadcast_in_dim3A_425 : vector<16xi32>, vector<16xi1> -> vector<16xi32>
      %add3A_427 = vector.broadcast %add3A_412 : i32 to vector<16xi32>
      %add3A_428 = arith.addi %add3A_427, %masked_cumsum3A_426 : vector<16xi32>
      %sub3A_429 = arith.constant 1 : i32
      %sub3A_430 = vector.broadcast %sub3A_429 : i32 to vector<16xi32>
      %sub3A_431 = arith.subi %add3A_428, %sub3A_430 : vector<16xi32>
      tpu.vector_store_idx %arg11[%sub3A_431], %get3A_418 masked %eq3A_422 : memref<8192xi32, #tpu.memory_space<vmem>>[vector<16xi32>], vector<16xi32>, vector<16xi1>
      %shift_right_logical3A_432 = arith.constant 16 : i32
      %shift_right_logical3A_433 = vector.broadcast %shift_right_logical3A_432 : i32 to vector<16xi32>
      %shift_right_logical3A_434 = arith.shrui %get3A_418, %shift_right_logical3A_433 : vector<16xi32>
      %and3A_435 = arith.constant 255 : i32
      %and3A_436 = vector.broadcast %and3A_435 : i32 to vector<16xi32>
      %and3A_437 = arith.andi %shift_right_logical3A_434, %and3A_436 : vector<16xi32>
      %add3A_438 = arith.addi %mul3A_6, %and3A_437 : vector<16xi32>
      tpu.vector_store_idx %arg13[%add3A_438], %convert_element_type3A_423 {add = true} : memref<4096xi32, #tpu.memory_space<vmem>>[vector<16xi32>], vector<16xi32>,
      %reduce_sum3A_439 = arith.constant true
      %reduce_sum3A_440 = vector.broadcast %reduce_sum3A_439 : i1 to vector<16xi1>
      %reduce_sum3A_441 = tpu.scan <sum>, %convert_element_type3A_423 masked %reduce_sum3A_440 : vector<16xi32>, vector<16xi1> -> vector<16xi32>
      %reduce_sum3A_442 = vector.extract %reduce_sum3A_441[15] : i32 from vector<16xi32>
      %add3A_443 = arith.addi %add3A_412, %reduce_sum3A_442 : i32
      %scan3A_444 = arith.constant 6 : i32
      %scan3A_445 = arith.addi %scan3A_260, %scan3A_444 : i32
      %mul3A_446 = arith.constant 16 : i32
      %mul3A_447 = arith.muli %scan3A_445, %mul3A_446 : i32
      %get3A_448 = arith.index_cast %mul3A_447 : i32 to index
      %get3A_449 = tpu.vector_load %arg10[%get3A_448] {strides = array<i32>} : memref<8192xi32, #tpu.memory_space<vmem>>, vector<16xi32>,
      %shift_right_logical3A_450 = arith.constant 24 : i32
      %shift_right_logical3A_451 = vector.broadcast %shift_right_logical3A_450 : i32 to vector<16xi32>
      %shift_right_logical3A_452 = arith.shrui %get3A_449, %shift_right_logical3A_451 : vector<16xi32>
      %eq3A_453 = arith.cmpi eq, %shift_right_logical3A_452, %scan3A_32#2 : vector<16xi32>
      %convert_element_type3A_454 = arith.extui %eq3A_453 : vector<16xi1> to vector<16xi32>
      %broadcast_in_dim3A_455 = arith.constant true
      %broadcast_in_dim3A_456 = vector.broadcast %broadcast_in_dim3A_455 : i1 to vector<16xi1>
      %masked_cumsum3A_457 = tpu.scan <sum>, %convert_element_type3A_454 masked %broadcast_in_dim3A_456 : vector<16xi32>, vector<16xi1> -> vector<16xi32>
      %add3A_458 = vector.broadcast %add3A_443 : i32 to vector<16xi32>
      %add3A_459 = arith.addi %add3A_458, %masked_cumsum3A_457 : vector<16xi32>
      %sub3A_460 = arith.constant 1 : i32
      %sub3A_461 = vector.broadcast %sub3A_460 : i32 to vector<16xi32>
      %sub3A_462 = arith.subi %add3A_459, %sub3A_461 : vector<16xi32>
      tpu.vector_store_idx %arg11[%sub3A_462], %get3A_449 masked %eq3A_453 : memref<8192xi32, #tpu.memory_space<vmem>>[vector<16xi32>], vector<16xi32>, vector<16xi1>
      %shift_right_logical3A_463 = arith.constant 16 : i32
      %shift_right_logical3A_464 = vector.broadcast %shift_right_logical3A_463 : i32 to vector<16xi32>
      %shift_right_logical3A_465 = arith.shrui %get3A_449, %shift_right_logical3A_464 : vector<16xi32>
      %and3A_466 = arith.constant 255 : i32
      %and3A_467 = vector.broadcast %and3A_466 : i32 to vector<16xi32>
      %and3A_468 = arith.andi %shift_right_logical3A_465, %and3A_467 : vector<16xi32>
      %add3A_469 = arith.addi %mul3A_6, %and3A_468 : vector<16xi32>
      tpu.vector_store_idx %arg13[%add3A_469], %convert_element_type3A_454 {add = true} : memref<4096xi32, #tpu.memory_space<vmem>>[vector<16xi32>], vector<16xi32>,
      %reduce_sum3A_470 = arith.constant true
      %reduce_sum3A_471 = vector.broadcast %reduce_sum3A_470 : i1 to vector<16xi1>
      %reduce_sum3A_472 = tpu.scan <sum>, %convert_element_type3A_454 masked %reduce_sum3A_471 : vector<16xi32>, vector<16xi1> -> vector<16xi32>
      %reduce_sum3A_473 = vector.extract %reduce_sum3A_472[15] : i32 from vector<16xi32>
      %add3A_474 = arith.addi %add3A_443, %reduce_sum3A_473 : i32
      %scan3A_475 = arith.constant 7 : i32
      %scan3A_476 = arith.addi %scan3A_260, %scan3A_475 : i32
      %mul3A_477 = arith.constant 16 : i32
      %mul3A_478 = arith.muli %scan3A_476, %mul3A_477 : i32
      %get3A_479 = arith.index_cast %mul3A_478 : i32 to index
      %get3A_480 = tpu.vector_load %arg10[%get3A_479] {strides = array<i32>} : memref<8192xi32, #tpu.memory_space<vmem>>, vector<16xi32>,
      %shift_right_logical3A_481 = arith.constant 24 : i32
      %shift_right_logical3A_482 = vector.broadcast %shift_right_logical3A_481 : i32 to vector<16xi32>
      %shift_right_logical3A_483 = arith.shrui %get3A_480, %shift_right_logical3A_482 : vector<16xi32>
      %eq3A_484 = arith.cmpi eq, %shift_right_logical3A_483, %scan3A_32#2 : vector<16xi32>
      %convert_element_type3A_485 = arith.extui %eq3A_484 : vector<16xi1> to vector<16xi32>
      %broadcast_in_dim3A_486 = arith.constant true
      %broadcast_in_dim3A_487 = vector.broadcast %broadcast_in_dim3A_486 : i1 to vector<16xi1>
      %masked_cumsum3A_488 = tpu.scan <sum>, %convert_element_type3A_485 masked %broadcast_in_dim3A_487 : vector<16xi32>, vector<16xi1> -> vector<16xi32>
      %add3A_489 = vector.broadcast %add3A_474 : i32 to vector<16xi32>
      %add3A_490 = arith.addi %add3A_489, %masked_cumsum3A_488 : vector<16xi32>
      %sub3A_491 = arith.constant 1 : i32
      %sub3A_492 = vector.broadcast %sub3A_491 : i32 to vector<16xi32>
      %sub3A_493 = arith.subi %add3A_490, %sub3A_492 : vector<16xi32>
      tpu.vector_store_idx %arg11[%sub3A_493], %get3A_480 masked %eq3A_484 : memref<8192xi32, #tpu.memory_space<vmem>>[vector<16xi32>], vector<16xi32>, vector<16xi1>
      %shift_right_logical3A_494 = arith.constant 16 : i32
      %shift_right_logical3A_495 = vector.broadcast %shift_right_logical3A_494 : i32 to vector<16xi32>
      %shift_right_logical3A_496 = arith.shrui %get3A_480, %shift_right_logical3A_495 : vector<16xi32>
      %and3A_497 = arith.constant 255 : i32
      %and3A_498 = vector.broadcast %and3A_497 : i32 to vector<16xi32>
      %and3A_499 = arith.andi %shift_right_logical3A_496, %and3A_498 : vector<16xi32>
      %add3A_500 = arith.addi %mul3A_6, %and3A_499 : vector<16xi32>
      tpu.vector_store_idx %arg13[%add3A_500], %convert_element_type3A_485 {add = true} : memref<4096xi32, #tpu.memory_space<vmem>>[vector<16xi32>], vector<16xi32>,
      %reduce_sum3A_501 = arith.constant true
      %reduce_sum3A_502 = vector.broadcast %reduce_sum3A_501 : i1 to vector<16xi1>
      %reduce_sum3A_503 = tpu.scan <sum>, %convert_element_type3A_485 masked %reduce_sum3A_502 : vector<16xi32>, vector<16xi1> -> vector<16xi32>
      %reduce_sum3A_504 = vector.extract %reduce_sum3A_503[15] : i32 from vector<16xi32>
      %add3A_505 = arith.addi %add3A_474, %reduce_sum3A_504 : i32
      scf.yield %add3A_505 : i32
    }
    %scan3A_47 = arith.constant 512 : i32
    %broadcast_in_dim3A_48 = arith.constant false
    %broadcast_in_dim3A_49 = vector.broadcast %broadcast_in_dim3A_48 : i1 to vector<16xi1>
    %scan3A_50 = arith.constant 0 : i32
    %scan3A_51 = arith.constant 16 : i32
    %scan3A_52 = arith.addi %scan3A_50, %scan3A_51 : i32
    %scan3A_53 = arith.constant 1 : i32
    %scan3A_54:5 = scf.for %scan3A_260 = %scan3A_50 to %scan3A_52 step %scan3A_53 iter_args(%scan3A_261 = %broadcast_in_dim3A_3, %scan3A_262 = %broadcast_in_dim3A_49, %scan3A_263 = %broadcast_in_dim3A_3, %scan3A_264 = %broadcast_in_dim3A_3, %scan3A_265 = %broadcast_in_dim3A_3) -> (vector<16xi32>, vector<16xi1>, vector<16xi32>, vector<16xi32>, vector<16xi32>)  : i32 {
      %sub3A_266 = arith.constant 15 : i32
      %sub3A_267 = arith.subi %sub3A_266, %scan3A_260 : i32
      %mul3A_268 = arith.constant 16 : i32
      %mul3A_269 = arith.muli %sub3A_267, %mul3A_268 : i32
      %add3A_270 = arith.constant 0 : i32
      %add3A_271 = arith.addi %add3A_270, %mul3A_269 : i32
      %get3A_272 = arith.index_cast %add3A_271 : i32 to index
      %get3A_273 = tpu.vector_load %arg13[%get3A_272] {strides = array<i32>} : memref<4096xi32, #tpu.memory_space<vmem>>, vector<16xi32>,
      %add3A_274 = arith.addi %broadcast_in_dim3A_3, %get3A_273 : vector<16xi32>
      %mul3A_275 = arith.constant 16 : i32
      %mul3A_276 = arith.muli %sub3A_267, %mul3A_275 : i32
      %add3A_277 = arith.constant 256 : i32
      %add3A_278 = arith.addi %add3A_277, %mul3A_276 : i32
      %get3A_279 = arith.index_cast %add3A_278 : i32 to index
      %get3A_280 = tpu.vector_load %arg13[%get3A_279] {strides = array<i32>} : memref<4096xi32, #tpu.memory_space<vmem>>, vector<16xi32>,
      %add3A_281 = arith.addi %add3A_274, %get3A_280 : vector<16xi32>
      %mul3A_282 = arith.constant 16 : i32
      %mul3A_283 = arith.muli %sub3A_267, %mul3A_282 : i32
      %add3A_284 = arith.constant 512 : i32
      %add3A_285 = arith.addi %add3A_284, %mul3A_283 : i32
      %get3A_286 = arith.index_cast %add3A_285 : i32 to index
      %get3A_287 = tpu.vector_load %arg13[%get3A_286] {strides = array<i32>} : memref<4096xi32, #tpu.memory_space<vmem>>, vector<16xi32>,
      %add3A_288 = arith.addi %add3A_281, %get3A_287 : vector<16xi32>
      %mul3A_289 = arith.constant 16 : i32
      %mul3A_290 = arith.muli %sub3A_267, %mul3A_289 : i32
      %add3A_291 = arith.constant 768 : i32
      %add3A_292 = arith.addi %add3A_291, %mul3A_290 : i32
      %get3A_293 = arith.index_cast %add3A_292 : i32 to index
      %get3A_294 = tpu.vector_load %arg13[%get3A_293] {strides = array<i32>} : memref<4096xi32, #tpu.memory_space<vmem>>, vector<16xi32>,
      %add3A_295 = arith.addi %add3A_288, %get3A_294 : vector<16xi32>
      %mul3A_296 = arith.constant 16 : i32
      %mul3A_297 = arith.muli %sub3A_267, %mul3A_296 : i32
      %add3A_298 = arith.constant 1024 : i32
      %add3A_299 = arith.addi %add3A_298, %mul3A_297 : i32
      %get3A_300 = arith.index_cast %add3A_299 : i32 to index
      %get3A_301 = tpu.vector_load %arg13[%get3A_300] {strides = array<i32>} : memref<4096xi32, #tpu.memory_space<vmem>>, vector<16xi32>,
      %add3A_302 = arith.addi %add3A_295, %get3A_301 : vector<16xi32>
      %mul3A_303 = arith.constant 16 : i32
      %mul3A_304 = arith.muli %sub3A_267, %mul3A_303 : i32
      %add3A_305 = arith.constant 1280 : i32
      %add3A_306 = arith.addi %add3A_305, %mul3A_304 : i32
      %get3A_307 = arith.index_cast %add3A_306 : i32 to index
      %get3A_308 = tpu.vector_load %arg13[%get3A_307] {strides = array<i32>} : memref<4096xi32, #tpu.memory_space<vmem>>, vector<16xi32>,
      %add3A_309 = arith.addi %add3A_302, %get3A_308 : vector<16xi32>
      %mul3A_310 = arith.constant 16 : i32
      %mul3A_311 = arith.muli %sub3A_267, %mul3A_310 : i32
      %add3A_312 = arith.constant 1536 : i32
      %add3A_313 = arith.addi %add3A_312, %mul3A_311 : i32
      %get3A_314 = arith.index_cast %add3A_313 : i32 to index
      %get3A_315 = tpu.vector_load %arg13[%get3A_314] {strides = array<i32>} : memref<4096xi32, #tpu.memory_space<vmem>>, vector<16xi32>,
      %add3A_316 = arith.addi %add3A_309, %get3A_315 : vector<16xi32>
      %mul3A_317 = arith.constant 16 : i32
      %mul3A_318 = arith.muli %sub3A_267, %mul3A_317 : i32
      %add3A_319 = arith.constant 1792 : i32
      %add3A_320 = arith.addi %add3A_319, %mul3A_318 : i32
      %get3A_321 = arith.index_cast %add3A_320 : i32 to index
      %get3A_322 = tpu.vector_load %arg13[%get3A_321] {strides = array<i32>} : memref<4096xi32, #tpu.memory_space<vmem>>, vector<16xi32>,
      %add3A_323 = arith.addi %add3A_316, %get3A_322 : vector<16xi32>
      %mul3A_324 = arith.constant 16 : i32
      %mul3A_325 = arith.muli %sub3A_267, %mul3A_324 : i32
      %add3A_326 = arith.constant 2048 : i32
      %add3A_327 = arith.addi %add3A_326, %mul3A_325 : i32
      %get3A_328 = arith.index_cast %add3A_327 : i32 to index
      %get3A_329 = tpu.vector_load %arg13[%get3A_328] {strides = array<i32>} : memref<4096xi32, #tpu.memory_space<vmem>>, vector<16xi32>,
      %add3A_330 = arith.addi %add3A_323, %get3A_329 : vector<16xi32>
      %mul3A_331 = arith.constant 16 : i32
      %mul3A_332 = arith.muli %sub3A_267, %mul3A_331 : i32
      %add3A_333 = arith.constant 2304 : i32
      %add3A_334 = arith.addi %add3A_333, %mul3A_332 : i32
      %get3A_335 = arith.index_cast %add3A_334 : i32 to index
      %get3A_336 = tpu.vector_load %arg13[%get3A_335] {strides = array<i32>} : memref<4096xi32, #tpu.memory_space<vmem>>, vector<16xi32>,
      %add3A_337 = arith.addi %add3A_330, %get3A_336 : vector<16xi32>
      %mul3A_338 = arith.constant 16 : i32
      %mul3A_339 = arith.muli %sub3A_267, %mul3A_338 : i32
      %add3A_340 = arith.constant 2560 : i32
      %add3A_341 = arith.addi %add3A_340, %mul3A_339 : i32
      %get3A_342 = arith.index_cast %add3A_341 : i32 to index
      %get3A_343 = tpu.vector_load %arg13[%get3A_342] {strides = array<i32>} : memref<4096xi32, #tpu.memory_space<vmem>>, vector<16xi32>,
      %add3A_344 = arith.addi %add3A_337, %get3A_343 : vector<16xi32>
      %mul3A_345 = arith.constant 16 : i32
      %mul3A_346 = arith.muli %sub3A_267, %mul3A_345 : i32
      %add3A_347 = arith.constant 2816 : i32
      %add3A_348 = arith.addi %add3A_347, %mul3A_346 : i32
      %get3A_349 = arith.index_cast %add3A_348 : i32 to index
      %get3A_350 = tpu.vector_load %arg13[%get3A_349] {strides = array<i32>} : memref<4096xi32, #tpu.memory_space<vmem>>, vector<16xi32>,
      %add3A_351 = arith.addi %add3A_344, %get3A_350 : vector<16xi32>
      %mul3A_352 = arith.constant 16 : i32
      %mul3A_353 = arith.muli %sub3A_267, %mul3A_352 : i32
      %add3A_354 = arith.constant 3072 : i32
      %add3A_355 = arith.addi %add3A_354, %mul3A_353 : i32
      %get3A_356 = arith.index_cast %add3A_355 : i32 to index
      %get3A_357 = tpu.vector_load %arg13[%get3A_356] {strides = array<i32>} : memref<4096xi32, #tpu.memory_space<vmem>>, vector<16xi32>,
      %add3A_358 = arith.addi %add3A_351, %get3A_357 : vector<16xi32>
      %mul3A_359 = arith.constant 16 : i32
      %mul3A_360 = arith.muli %sub3A_267, %mul3A_359 : i32
      %add3A_361 = arith.constant 3328 : i32
      %add3A_362 = arith.addi %add3A_361, %mul3A_360 : i32
      %get3A_363 = arith.index_cast %add3A_362 : i32 to index
      %get3A_364 = tpu.vector_load %arg13[%get3A_363] {strides = array<i32>} : memref<4096xi32, #tpu.memory_space<vmem>>, vector<16xi32>,
      %add3A_365 = arith.addi %add3A_358, %get3A_364 : vector<16xi32>
      %mul3A_366 = arith.constant 16 : i32
      %mul3A_367 = arith.muli %sub3A_267, %mul3A_366 : i32
      %add3A_368 = arith.constant 3584 : i32
      %add3A_369 = arith.addi %add3A_368, %mul3A_367 : i32
      %get3A_370 = arith.index_cast %add3A_369 : i32 to index
      %get3A_371 = tpu.vector_load %arg13[%get3A_370] {strides = array<i32>} : memref<4096xi32, #tpu.memory_space<vmem>>, vector<16xi32>,
      %add3A_372 = arith.addi %add3A_365, %get3A_371 : vector<16xi32>
      %mul3A_373 = arith.constant 16 : i32
      %mul3A_374 = arith.muli %sub3A_267, %mul3A_373 : i32
      %add3A_375 = arith.constant 3840 : i32
      %add3A_376 = arith.addi %add3A_375, %mul3A_374 : i32
      %get3A_377 = arith.index_cast %add3A_376 : i32 to index
      %get3A_378 = tpu.vector_load %arg13[%get3A_377] {strides = array<i32>} : memref<4096xi32, #tpu.memory_space<vmem>>, vector<16xi32>,
      %add3A_379 = arith.addi %add3A_372, %get3A_378 : vector<16xi32>
      %rev3A = arith.constant 15 : i32
      %rev3A_380 = vector.broadcast %rev3A : i32 to vector<16xi32>
      %rev3A_381 = tpu.iota {dimensions = array<i32: 0>} : vector<16xi32>
      %rev3A_382 = arith.subi %rev3A_380, %rev3A_381 : vector<16xi32>
      %rev3A_383 = tpu.dynamic_gather %add3A_379[%rev3A_382] in [0] : vector<16xi32>, vector<16xi32> -> vector<16xi32>
      %broadcast_in_dim3A_384 = arith.constant true
      %broadcast_in_dim3A_385 = vector.broadcast %broadcast_in_dim3A_384 : i1 to vector<16xi1>
      %masked_cumsum3A = tpu.scan <sum>, %rev3A_383 masked %broadcast_in_dim3A_385 : vector<16xi32>, vector<16xi1> -> vector<16xi32>
      %reduce_sum3A_386 = arith.constant true
      %reduce_sum3A_387 = vector.broadcast %reduce_sum3A_386 : i1 to vector<16xi1>
      %reduce_sum3A_388 = tpu.scan <sum>, %add3A_379 masked %reduce_sum3A_387 : vector<16xi32>, vector<16xi1> -> vector<16xi32>
      %reduce_sum3A_389 = vector.extract %reduce_sum3A_388[15] : i32 from vector<16xi32>
      %broadcast_in_dim3A_390 = vector.broadcast %reduce_sum3A_389 : i32 to vector<16xi32>
      %add3A_391 = arith.addi %scan3A_261, %masked_cumsum3A : vector<16xi32>
      %ge3A = arith.cmpi sge, %add3A_391, %sub3A : vector<16xi32>
      %reduce_or3A = arith.constant 1.000000e+00 : f32
      %reduce_or3A_392 = arith.constant 0.000000e+00 : f32
      %reduce_or3A_393 = vector.broadcast %reduce_or3A : f32 to vector<16xf32>
      %reduce_or3A_394 = vector.broadcast %reduce_or3A_392 : f32 to vector<16xf32>
      %reduce_or3A_395 = arith.select %ge3A, %reduce_or3A_393, %reduce_or3A_394 : vector<16xi1>, vector<16xf32>
      %reduce_or3A_396 = arith.constant true
      %reduce_or3A_397 = vector.broadcast %reduce_or3A_396 : i1 to vector<16xi1>
      %reduce_or3A_398 = tpu.scan <max>, %reduce_or3A_395 masked %reduce_or3A_397 : vector<16xf32>, vector<16xi1> -> vector<16xf32>
      %reduce_or3A_399 = vector.extract %reduce_or3A_398[15] : f32 from vector<16xf32>
      %reduce_or3A_400 = arith.constant 0.000000e+00 : f32
      %reduce_or3A_401 = arith.cmpf ogt, %reduce_or3A_399, %reduce_or3A_400 : f32
      %broadcast_in_dim3A_402 = vector.broadcast %reduce_or3A_401 : i1 to vector<16xi1>
      %not3A = arith.constant dense<true> : vector<16xi1>
      %not3A_403 = arith.xori %scan3A_262, %not3A : vector<16xi1>
      %and3A_404 = arith.andi %not3A_403, %broadcast_in_dim3A_402 : vector<16xi1>
      %all_reduce_ffs3A = tpu.all_reduce %ge3A {dim = 0 : i64, kind = #tpu.reduction_kind<find_first_set>} : vector<16xi1> -> vector<16xi32>
      %lt3A_405 = arith.cmpi slt, %iota3A, %all_reduce_ffs3A : vector<16xi32>
      %jit3A_406 = arith.constant 0 : i32
      %broadcast_in_dim3A_407 = vector.broadcast %jit3A_406 : i32 to vector<16xi32>
      %select_n3A_408 = arith.select %lt3A_405, %rev3A_383, %broadcast_in_dim3A_407 : vector<16xi1>, vector<16xi32>
      %reduce_sum3A_409 = arith.constant true
      %reduce_sum3A_410 = vector.broadcast %reduce_sum3A_409 : i1 to vector<16xi1>
      %reduce_sum3A_411 = tpu.scan <sum>, %select_n3A_408 masked %reduce_sum3A_410 : vector<16xi32>, vector<16xi1> -> vector<16xi32>
      %reduce_sum3A_412 = vector.extract %reduce_sum3A_411[15] : i32 from vector<16xi32>
      %broadcast_in_dim3A_413 = vector.broadcast %reduce_sum3A_412 : i32 to vector<16xi32>
      %eq3A = arith.cmpi eq, %iota3A, %all_reduce_ffs3A : vector<16xi32>
      %jit3A_414 = arith.constant 0 : i32
      %broadcast_in_dim3A_415 = vector.broadcast %jit3A_414 : i32 to vector<16xi32>
      %select_n3A_416 = arith.select %eq3A, %rev3A_383, %broadcast_in_dim3A_415 : vector<16xi1>, vector<16xi32>
      %reduce_sum3A_417 = arith.constant true
      %reduce_sum3A_418 = vector.broadcast %reduce_sum3A_417 : i1 to vector<16xi1>
      %reduce_sum3A_419 = tpu.scan <sum>, %select_n3A_416 masked %reduce_sum3A_418 : vector<16xi32>, vector<16xi1> -> vector<16xi32>
      %reduce_sum3A_420 = vector.extract %reduce_sum3A_419[15] : i32 from vector<16xi32>
      %broadcast_in_dim3A_421 = vector.broadcast %reduce_sum3A_420 : i32 to vector<16xi32>
      %mul3A_422 = arith.constant 16 : i32
      %mul3A_423 = arith.muli %sub3A_267, %mul3A_422 : i32
      %add3A_424 = arith.constant 15 : i32
      %add3A_425 = arith.addi %mul3A_423, %add3A_424 : i32
      %sub3A_426 = vector.broadcast %add3A_425 : i32 to vector<16xi32>
      %sub3A_427 = arith.subi %sub3A_426, %all_reduce_ffs3A : vector<16xi32>
      %select_n3A_428 = arith.select %and3A_404, %sub3A_427, %scan3A_263 : vector<16xi1>, vector<16xi32>
      %add3A_429 = arith.addi %scan3A_261, %broadcast_in_dim3A_413 : vector<16xi32>
      %select_n3A_430 = arith.select %and3A_404, %add3A_429, %scan3A_264 : vector<16xi1>, vector<16xi32>
      %select_n3A_431 = arith.select %and3A_404, %broadcast_in_dim3A_421, %scan3A_265 : vector<16xi1>, vector<16xi32>
      %or3A_432 = arith.ori %scan3A_262, %and3A_404 : vector<16xi1>
      %add3A_433 = arith.addi %scan3A_261, %broadcast_in_dim3A_390 : vector<16xi32>
      scf.yield %add3A_433, %or3A_432, %select_n3A_428, %select_n3A_430, %select_n3A_431 : vector<16xi32>, vector<16xi1>, vector<16xi32>, vector<16xi32>, vector<16xi32>
    }
    %scan3A_55 = arith.constant 16 : i32
    %mul3A_56 = arith.constant 256 : i32
    %mul3A_57 = vector.broadcast %mul3A_56 : i32 to vector<16xi32>
    %mul3A_58 = arith.muli %scan3A_32#2, %mul3A_57 : vector<16xi32>
    %add3A_59 = arith.addi %mul3A_58, %scan3A_54#2 : vector<16xi32>
    %sub3A_60 = arith.subi %sub3A, %scan3A_54#3 : vector<16xi32>
    %scan3A_61 = arith.constant 0 : i32
    %scan3A_62 = arith.constant 0 : i32
    %scan3A_63 = arith.constant 256 : i32
    %scan3A_64 = arith.addi %scan3A_62, %scan3A_63 : i32
    %scan3A_65 = arith.constant 8 : i32
    %scan3A_66 = scf.for %scan3A_260 = %scan3A_62 to %scan3A_64 step %scan3A_65 iter_args(%scan3A_261 = %scan3A_61) -> (i32)  : i32 {
      %mul3A_262 = arith.constant 16 : i32
      %mul3A_263 = arith.muli %scan3A_260, %mul3A_262 : i32
      %swap3A_264 = arith.index_cast %mul3A_263 : i32 to index
      %swap3A_265 = tpu.vector_load %arg13[%swap3A_264] {strides = array<i32>} : memref<4096xi32, #tpu.memory_space<vmem>>, vector<16xi32>,
      tpu.vector_store %arg13[%swap3A_264], %broadcast_in_dim3A_3 {strides = array<i32>} : memref<4096xi32, #tpu.memory_space<vmem>>, vector<16xi32>,
      %scan3A_266 = arith.constant 0 : i32
      %scan3A_267 = arith.constant 1 : i32
      %scan3A_268 = arith.addi %scan3A_260, %scan3A_267 : i32
      %mul3A_269 = arith.constant 16 : i32
      %mul3A_270 = arith.muli %scan3A_268, %mul3A_269 : i32
      %swap3A_271 = arith.index_cast %mul3A_270 : i32 to index
      %swap3A_272 = tpu.vector_load %arg13[%swap3A_271] {strides = array<i32>} : memref<4096xi32, #tpu.memory_space<vmem>>, vector<16xi32>,
      tpu.vector_store %arg13[%swap3A_271], %broadcast_in_dim3A_3 {strides = array<i32>} : memref<4096xi32, #tpu.memory_space<vmem>>, vector<16xi32>,
      %scan3A_273 = arith.constant 0 : i32
      %scan3A_274 = arith.constant 2 : i32
      %scan3A_275 = arith.addi %scan3A_260, %scan3A_274 : i32
      %mul3A_276 = arith.constant 16 : i32
      %mul3A_277 = arith.muli %scan3A_275, %mul3A_276 : i32
      %swap3A_278 = arith.index_cast %mul3A_277 : i32 to index
      %swap3A_279 = tpu.vector_load %arg13[%swap3A_278] {strides = array<i32>} : memref<4096xi32, #tpu.memory_space<vmem>>, vector<16xi32>,
      tpu.vector_store %arg13[%swap3A_278], %broadcast_in_dim3A_3 {strides = array<i32>} : memref<4096xi32, #tpu.memory_space<vmem>>, vector<16xi32>,
      %scan3A_280 = arith.constant 0 : i32
      %scan3A_281 = arith.constant 3 : i32
      %scan3A_282 = arith.addi %scan3A_260, %scan3A_281 : i32
      %mul3A_283 = arith.constant 16 : i32
      %mul3A_284 = arith.muli %scan3A_282, %mul3A_283 : i32
      %swap3A_285 = arith.index_cast %mul3A_284 : i32 to index
      %swap3A_286 = tpu.vector_load %arg13[%swap3A_285] {strides = array<i32>} : memref<4096xi32, #tpu.memory_space<vmem>>, vector<16xi32>,
      tpu.vector_store %arg13[%swap3A_285], %broadcast_in_dim3A_3 {strides = array<i32>} : memref<4096xi32, #tpu.memory_space<vmem>>, vector<16xi32>,
      %scan3A_287 = arith.constant 0 : i32
      %scan3A_288 = arith.constant 4 : i32
      %scan3A_289 = arith.addi %scan3A_260, %scan3A_288 : i32
      %mul3A_290 = arith.constant 16 : i32
      %mul3A_291 = arith.muli %scan3A_289, %mul3A_290 : i32
      %swap3A_292 = arith.index_cast %mul3A_291 : i32 to index
      %swap3A_293 = tpu.vector_load %arg13[%swap3A_292] {strides = array<i32>} : memref<4096xi32, #tpu.memory_space<vmem>>, vector<16xi32>,
      tpu.vector_store %arg13[%swap3A_292], %broadcast_in_dim3A_3 {strides = array<i32>} : memref<4096xi32, #tpu.memory_space<vmem>>, vector<16xi32>,
      %scan3A_294 = arith.constant 0 : i32
      %scan3A_295 = arith.constant 5 : i32
      %scan3A_296 = arith.addi %scan3A_260, %scan3A_295 : i32
      %mul3A_297 = arith.constant 16 : i32
      %mul3A_298 = arith.muli %scan3A_296, %mul3A_297 : i32
      %swap3A_299 = arith.index_cast %mul3A_298 : i32 to index
      %swap3A_300 = tpu.vector_load %arg13[%swap3A_299] {strides = array<i32>} : memref<4096xi32, #tpu.memory_space<vmem>>, vector<16xi32>,
      tpu.vector_store %arg13[%swap3A_299], %broadcast_in_dim3A_3 {strides = array<i32>} : memref<4096xi32, #tpu.memory_space<vmem>>, vector<16xi32>,
      %scan3A_301 = arith.constant 0 : i32
      %scan3A_302 = arith.constant 6 : i32
      %scan3A_303 = arith.addi %scan3A_260, %scan3A_302 : i32
      %mul3A_304 = arith.constant 16 : i32
      %mul3A_305 = arith.muli %scan3A_303, %mul3A_304 : i32
      %swap3A_306 = arith.index_cast %mul3A_305 : i32 to index
      %swap3A_307 = tpu.vector_load %arg13[%swap3A_306] {strides = array<i32>} : memref<4096xi32, #tpu.memory_space<vmem>>, vector<16xi32>,
      tpu.vector_store %arg13[%swap3A_306], %broadcast_in_dim3A_3 {strides = array<i32>} : memref<4096xi32, #tpu.memory_space<vmem>>, vector<16xi32>,
      %scan3A_308 = arith.constant 0 : i32
      %scan3A_309 = arith.constant 7 : i32
      %scan3A_310 = arith.addi %scan3A_260, %scan3A_309 : i32
      %mul3A_311 = arith.constant 16 : i32
      %mul3A_312 = arith.muli %scan3A_310, %mul3A_311 : i32
      %swap3A_313 = arith.index_cast %mul3A_312 : i32 to index
      %swap3A_314 = tpu.vector_load %arg13[%swap3A_313] {strides = array<i32>} : memref<4096xi32, #tpu.memory_space<vmem>>, vector<16xi32>,
      tpu.vector_store %arg13[%swap3A_313], %broadcast_in_dim3A_3 {strides = array<i32>} : memref<4096xi32, #tpu.memory_space<vmem>>, vector<16xi32>,
      %scan3A_315 = arith.constant 0 : i32
      scf.yield %scan3A_315 : i32
    }
    %scan3A_67 = arith.constant 256 : i32
    %add3A_68 = arith.constant 15 : i32
    %add3A_69 = arith.addi %scan3A_46, %add3A_68 : i32
    %shift_right_logical3A = arith.constant 4 : i32
    %shift_right_logical3A_70 = arith.shrui %add3A_69, %shift_right_logical3A : i32
    %while3A = arith.constant 0 : i32
    %while3A_71 = arith.constant 0 : i32
    %while3A_72 = arith.subi %shift_right_logical3A_70, %while3A : i32
    %while3A_73 = arith.addi %while3A, %while3A_72 : i32
    %while3A_74 = arith.constant 1 : i32
    %while3A_75 = arith.divsi %while3A_72, %while3A_74 : i32
    %while3A_76 = arith.muli %while3A_75, %while3A_74 : i32
    %while3A_77 = arith.addi %while3A, %while3A_76 : i32
    %while3A_78 = arith.constant 1 : i32
    %while3A_79 = scf.for %while3A_260 = %while3A to %while3A_77 step %while3A_78 iter_args(%while3A_261 = %while3A_71) -> (i32)  : i32 {
      %mul3A_262 = arith.constant 16 : i32
      %mul3A_263 = arith.muli %while3A_260, %mul3A_262 : i32
      %get3A_264 = arith.index_cast %mul3A_263 : i32 to index
      %get3A_265 = tpu.vector_load %arg11[%get3A_264] {strides = array<i32>} : memref<8192xi32, #tpu.memory_space<vmem>>, vector<16xi32>,
      %mul3A_266 = arith.constant 16 : i32
      %mul3A_267 = arith.muli %while3A_260, %mul3A_266 : i32
      %add3A_268 = vector.broadcast %mul3A_267 : i32 to vector<16xi32>
      %add3A_269 = arith.addi %add3A_268, %iota3A : vector<16xi32>
      %lt3A_270 = vector.broadcast %scan3A_46 : i32 to vector<16xi32>
      %lt3A_271 = arith.cmpi slt, %add3A_269, %lt3A_270 : vector<16xi32>
      %shift_right_logical3A_272 = arith.constant 16 : i32
      %shift_right_logical3A_273 = vector.broadcast %shift_right_logical3A_272 : i32 to vector<16xi32>
      %shift_right_logical3A_274 = arith.shrui %get3A_265, %shift_right_logical3A_273 : vector<16xi32>
      %eq3A = arith.cmpi eq, %shift_right_logical3A_274, %add3A_59 : vector<16xi32>
      %and3A_275 = arith.andi %lt3A_271, %eq3A : vector<16xi1>
      %convert_element_type3A_276 = arith.extui %and3A_275 : vector<16xi1> to vector<16xi32>
      %broadcast_in_dim3A_277 = arith.constant true
      %broadcast_in_dim3A_278 = vector.broadcast %broadcast_in_dim3A_277 : i1 to vector<16xi1>
      %masked_cumsum3A = tpu.scan <sum>, %convert_element_type3A_276 masked %broadcast_in_dim3A_278 : vector<16xi32>, vector<16xi1> -> vector<16xi32>
      %add3A_279 = vector.broadcast %while3A_261 : i32 to vector<16xi32>
      %add3A_280 = arith.addi %add3A_279, %masked_cumsum3A : vector<16xi32>
      %sub3A_281 = arith.constant 1 : i32
      %sub3A_282 = vector.broadcast %sub3A_281 : i32 to vector<16xi32>
      %sub3A_283 = arith.subi %add3A_280, %sub3A_282 : vector<16xi32>
      tpu.vector_store_idx %arg12[%sub3A_283], %get3A_265 masked %and3A_275 : memref<8192xi32, #tpu.memory_space<vmem>>[vector<16xi32>], vector<16xi32>, vector<16xi1>
      %shift_right_logical3A_284 = arith.constant 8 : i32
      %shift_right_logical3A_285 = vector.broadcast %shift_right_logical3A_284 : i32 to vector<16xi32>
      %shift_right_logical3A_286 = arith.shrui %get3A_265, %shift_right_logical3A_285 : vector<16xi32>
      %and3A_287 = arith.constant 255 : i32
      %and3A_288 = vector.broadcast %and3A_287 : i32 to vector<16xi32>
      %and3A_289 = arith.andi %shift_right_logical3A_286, %and3A_288 : vector<16xi32>
      %add3A_290 = arith.addi %mul3A_6, %and3A_289 : vector<16xi32>
      tpu.vector_store_idx %arg13[%add3A_290], %convert_element_type3A_276 {add = true} : memref<4096xi32, #tpu.memory_space<vmem>>[vector<16xi32>], vector<16xi32>,
      %reduce_sum3A_291 = arith.constant true
      %reduce_sum3A_292 = vector.broadcast %reduce_sum3A_291 : i1 to vector<16xi1>
      %reduce_sum3A_293 = tpu.scan <sum>, %convert_element_type3A_276 masked %reduce_sum3A_292 : vector<16xi32>, vector<16xi1> -> vector<16xi32>
      %reduce_sum3A_294 = vector.extract %reduce_sum3A_293[15] : i32 from vector<16xi32>
      %add3A_295 = arith.addi %while3A_261, %reduce_sum3A_294 : i32
      scf.yield %add3A_295 : i32
    }
    %while3A_80 = arith.constant 1 : i32
    %while3A_81 = scf.for %while3A_260 = %while3A_77 to %while3A_73 step %while3A_80 iter_args(%while3A_261 = %while3A_79) -> (i32)  : i32 {
      %mul3A_262 = arith.constant 16 : i32
      %mul3A_263 = arith.muli %while3A_260, %mul3A_262 : i32
      %get3A_264 = arith.index_cast %mul3A_263 : i32 to index
      %get3A_265 = tpu.vector_load %arg11[%get3A_264] {strides = array<i32>} : memref<8192xi32, #tpu.memory_space<vmem>>, vector<16xi32>,
      %mul3A_266 = arith.constant 16 : i32
      %mul3A_267 = arith.muli %while3A_260, %mul3A_266 : i32
      %add3A_268 = vector.broadcast %mul3A_267 : i32 to vector<16xi32>
      %add3A_269 = arith.addi %add3A_268, %iota3A : vector<16xi32>
      %lt3A_270 = vector.broadcast %scan3A_46 : i32 to vector<16xi32>
      %lt3A_271 = arith.cmpi slt, %add3A_269, %lt3A_270 : vector<16xi32>
      %shift_right_logical3A_272 = arith.constant 16 : i32
      %shift_right_logical3A_273 = vector.broadcast %shift_right_logical3A_272 : i32 to vector<16xi32>
      %shift_right_logical3A_274 = arith.shrui %get3A_265, %shift_right_logical3A_273 : vector<16xi32>
      %eq3A = arith.cmpi eq, %shift_right_logical3A_274, %add3A_59 : vector<16xi32>
      %and3A_275 = arith.andi %lt3A_271, %eq3A : vector<16xi1>
      %convert_element_type3A_276 = arith.extui %and3A_275 : vector<16xi1> to vector<16xi32>
      %broadcast_in_dim3A_277 = arith.constant true
      %broadcast_in_dim3A_278 = vector.broadcast %broadcast_in_dim3A_277 : i1 to vector<16xi1>
      %masked_cumsum3A = tpu.scan <sum>, %convert_element_type3A_276 masked %broadcast_in_dim3A_278 : vector<16xi32>, vector<16xi1> -> vector<16xi32>
      %add3A_279 = vector.broadcast %while3A_261 : i32 to vector<16xi32>
      %add3A_280 = arith.addi %add3A_279, %masked_cumsum3A : vector<16xi32>
      %sub3A_281 = arith.constant 1 : i32
      %sub3A_282 = vector.broadcast %sub3A_281 : i32 to vector<16xi32>
      %sub3A_283 = arith.subi %add3A_280, %sub3A_282 : vector<16xi32>
      tpu.vector_store_idx %arg12[%sub3A_283], %get3A_265 masked %and3A_275 : memref<8192xi32, #tpu.memory_space<vmem>>[vector<16xi32>], vector<16xi32>, vector<16xi1>
      %shift_right_logical3A_284 = arith.constant 8 : i32
      %shift_right_logical3A_285 = vector.broadcast %shift_right_logical3A_284 : i32 to vector<16xi32>
      %shift_right_logical3A_286 = arith.shrui %get3A_265, %shift_right_logical3A_285 : vector<16xi32>
      %and3A_287 = arith.constant 255 : i32
      %and3A_288 = vector.broadcast %and3A_287 : i32 to vector<16xi32>
      %and3A_289 = arith.andi %shift_right_logical3A_286, %and3A_288 : vector<16xi32>
      %add3A_290 = arith.addi %mul3A_6, %and3A_289 : vector<16xi32>
      tpu.vector_store_idx %arg13[%add3A_290], %convert_element_type3A_276 {add = true} : memref<4096xi32, #tpu.memory_space<vmem>>[vector<16xi32>], vector<16xi32>,
      %reduce_sum3A_291 = arith.constant true
      %reduce_sum3A_292 = vector.broadcast %reduce_sum3A_291 : i1 to vector<16xi1>
      %reduce_sum3A_293 = tpu.scan <sum>, %convert_element_type3A_276 masked %reduce_sum3A_292 : vector<16xi32>, vector<16xi1> -> vector<16xi32>
      %reduce_sum3A_294 = vector.extract %reduce_sum3A_293[15] : i32 from vector<16xi32>
      %add3A_295 = arith.addi %while3A_261, %reduce_sum3A_294 : i32
      scf.yield %add3A_295 : i32
    }
    %broadcast_in_dim3A_82 = arith.constant false
    %broadcast_in_dim3A_83 = vector.broadcast %broadcast_in_dim3A_82 : i1 to vector<16xi1>
    %scan3A_84 = arith.constant 0 : i32
    %scan3A_85 = arith.constant 16 : i32
    %scan3A_86 = arith.addi %scan3A_84, %scan3A_85 : i32
    %scan3A_87 = arith.constant 1 : i32
    %scan3A_88:5 = scf.for %scan3A_260 = %scan3A_84 to %scan3A_86 step %scan3A_87 iter_args(%scan3A_261 = %broadcast_in_dim3A_3, %scan3A_262 = %broadcast_in_dim3A_83, %scan3A_263 = %broadcast_in_dim3A_3, %scan3A_264 = %broadcast_in_dim3A_3, %scan3A_265 = %broadcast_in_dim3A_3) -> (vector<16xi32>, vector<16xi1>, vector<16xi32>, vector<16xi32>, vector<16xi32>)  : i32 {
      %sub3A_266 = arith.constant 15 : i32
      %sub3A_267 = arith.subi %sub3A_266, %scan3A_260 : i32
      %mul3A_268 = arith.constant 16 : i32
      %mul3A_269 = arith.muli %sub3A_267, %mul3A_268 : i32
      %add3A_270 = arith.constant 0 : i32
      %add3A_271 = arith.addi %add3A_270, %mul3A_269 : i32
      %get3A_272 = arith.index_cast %add3A_271 : i32 to index
      %get3A_273 = tpu.vector_load %arg13[%get3A_272] {strides = array<i32>} : memref<4096xi32, #tpu.memory_space<vmem>>, vector<16xi32>,
      %add3A_274 = arith.addi %broadcast_in_dim3A_3, %get3A_273 : vector<16xi32>
      %mul3A_275 = arith.constant 16 : i32
      %mul3A_276 = arith.muli %sub3A_267, %mul3A_275 : i32
      %add3A_277 = arith.constant 256 : i32
      %add3A_278 = arith.addi %add3A_277, %mul3A_276 : i32
      %get3A_279 = arith.index_cast %add3A_278 : i32 to index
      %get3A_280 = tpu.vector_load %arg13[%get3A_279] {strides = array<i32>} : memref<4096xi32, #tpu.memory_space<vmem>>, vector<16xi32>,
      %add3A_281 = arith.addi %add3A_274, %get3A_280 : vector<16xi32>
      %mul3A_282 = arith.constant 16 : i32
      %mul3A_283 = arith.muli %sub3A_267, %mul3A_282 : i32
      %add3A_284 = arith.constant 512 : i32
      %add3A_285 = arith.addi %add3A_284, %mul3A_283 : i32
      %get3A_286 = arith.index_cast %add3A_285 : i32 to index
      %get3A_287 = tpu.vector_load %arg13[%get3A_286] {strides = array<i32>} : memref<4096xi32, #tpu.memory_space<vmem>>, vector<16xi32>,
      %add3A_288 = arith.addi %add3A_281, %get3A_287 : vector<16xi32>
      %mul3A_289 = arith.constant 16 : i32
      %mul3A_290 = arith.muli %sub3A_267, %mul3A_289 : i32
      %add3A_291 = arith.constant 768 : i32
      %add3A_292 = arith.addi %add3A_291, %mul3A_290 : i32
      %get3A_293 = arith.index_cast %add3A_292 : i32 to index
      %get3A_294 = tpu.vector_load %arg13[%get3A_293] {strides = array<i32>} : memref<4096xi32, #tpu.memory_space<vmem>>, vector<16xi32>,
      %add3A_295 = arith.addi %add3A_288, %get3A_294 : vector<16xi32>
      %mul3A_296 = arith.constant 16 : i32
      %mul3A_297 = arith.muli %sub3A_267, %mul3A_296 : i32
      %add3A_298 = arith.constant 1024 : i32
      %add3A_299 = arith.addi %add3A_298, %mul3A_297 : i32
      %get3A_300 = arith.index_cast %add3A_299 : i32 to index
      %get3A_301 = tpu.vector_load %arg13[%get3A_300] {strides = array<i32>} : memref<4096xi32, #tpu.memory_space<vmem>>, vector<16xi32>,
      %add3A_302 = arith.addi %add3A_295, %get3A_301 : vector<16xi32>
      %mul3A_303 = arith.constant 16 : i32
      %mul3A_304 = arith.muli %sub3A_267, %mul3A_303 : i32
      %add3A_305 = arith.constant 1280 : i32
      %add3A_306 = arith.addi %add3A_305, %mul3A_304 : i32
      %get3A_307 = arith.index_cast %add3A_306 : i32 to index
      %get3A_308 = tpu.vector_load %arg13[%get3A_307] {strides = array<i32>} : memref<4096xi32, #tpu.memory_space<vmem>>, vector<16xi32>,
      %add3A_309 = arith.addi %add3A_302, %get3A_308 : vector<16xi32>
      %mul3A_310 = arith.constant 16 : i32
      %mul3A_311 = arith.muli %sub3A_267, %mul3A_310 : i32
      %add3A_312 = arith.constant 1536 : i32
      %add3A_313 = arith.addi %add3A_312, %mul3A_311 : i32
      %get3A_314 = arith.index_cast %add3A_313 : i32 to index
      %get3A_315 = tpu.vector_load %arg13[%get3A_314] {strides = array<i32>} : memref<4096xi32, #tpu.memory_space<vmem>>, vector<16xi32>,
      %add3A_316 = arith.addi %add3A_309, %get3A_315 : vector<16xi32>
      %mul3A_317 = arith.constant 16 : i32
      %mul3A_318 = arith.muli %sub3A_267, %mul3A_317 : i32
      %add3A_319 = arith.constant 1792 : i32
      %add3A_320 = arith.addi %add3A_319, %mul3A_318 : i32
      %get3A_321 = arith.index_cast %add3A_320 : i32 to index
      %get3A_322 = tpu.vector_load %arg13[%get3A_321] {strides = array<i32>} : memref<4096xi32, #tpu.memory_space<vmem>>, vector<16xi32>,
      %add3A_323 = arith.addi %add3A_316, %get3A_322 : vector<16xi32>
      %mul3A_324 = arith.constant 16 : i32
      %mul3A_325 = arith.muli %sub3A_267, %mul3A_324 : i32
      %add3A_326 = arith.constant 2048 : i32
      %add3A_327 = arith.addi %add3A_326, %mul3A_325 : i32
      %get3A_328 = arith.index_cast %add3A_327 : i32 to index
      %get3A_329 = tpu.vector_load %arg13[%get3A_328] {strides = array<i32>} : memref<4096xi32, #tpu.memory_space<vmem>>, vector<16xi32>,
      %add3A_330 = arith.addi %add3A_323, %get3A_329 : vector<16xi32>
      %mul3A_331 = arith.constant 16 : i32
      %mul3A_332 = arith.muli %sub3A_267, %mul3A_331 : i32
      %add3A_333 = arith.constant 2304 : i32
      %add3A_334 = arith.addi %add3A_333, %mul3A_332 : i32
      %get3A_335 = arith.index_cast %add3A_334 : i32 to index
      %get3A_336 = tpu.vector_load %arg13[%get3A_335] {strides = array<i32>} : memref<4096xi32, #tpu.memory_space<vmem>>, vector<16xi32>,
      %add3A_337 = arith.addi %add3A_330, %get3A_336 : vector<16xi32>
      %mul3A_338 = arith.constant 16 : i32
      %mul3A_339 = arith.muli %sub3A_267, %mul3A_338 : i32
      %add3A_340 = arith.constant 2560 : i32
      %add3A_341 = arith.addi %add3A_340, %mul3A_339 : i32
      %get3A_342 = arith.index_cast %add3A_341 : i32 to index
      %get3A_343 = tpu.vector_load %arg13[%get3A_342] {strides = array<i32>} : memref<4096xi32, #tpu.memory_space<vmem>>, vector<16xi32>,
      %add3A_344 = arith.addi %add3A_337, %get3A_343 : vector<16xi32>
      %mul3A_345 = arith.constant 16 : i32
      %mul3A_346 = arith.muli %sub3A_267, %mul3A_345 : i32
      %add3A_347 = arith.constant 2816 : i32
      %add3A_348 = arith.addi %add3A_347, %mul3A_346 : i32
      %get3A_349 = arith.index_cast %add3A_348 : i32 to index
      %get3A_350 = tpu.vector_load %arg13[%get3A_349] {strides = array<i32>} : memref<4096xi32, #tpu.memory_space<vmem>>, vector<16xi32>,
      %add3A_351 = arith.addi %add3A_344, %get3A_350 : vector<16xi32>
      %mul3A_352 = arith.constant 16 : i32
      %mul3A_353 = arith.muli %sub3A_267, %mul3A_352 : i32
      %add3A_354 = arith.constant 3072 : i32
      %add3A_355 = arith.addi %add3A_354, %mul3A_353 : i32
      %get3A_356 = arith.index_cast %add3A_355 : i32 to index
      %get3A_357 = tpu.vector_load %arg13[%get3A_356] {strides = array<i32>} : memref<4096xi32, #tpu.memory_space<vmem>>, vector<16xi32>,
      %add3A_358 = arith.addi %add3A_351, %get3A_357 : vector<16xi32>
      %mul3A_359 = arith.constant 16 : i32
      %mul3A_360 = arith.muli %sub3A_267, %mul3A_359 : i32
      %add3A_361 = arith.constant 3328 : i32
      %add3A_362 = arith.addi %add3A_361, %mul3A_360 : i32
      %get3A_363 = arith.index_cast %add3A_362 : i32 to index
      %get3A_364 = tpu.vector_load %arg13[%get3A_363] {strides = array<i32>} : memref<4096xi32, #tpu.memory_space<vmem>>, vector<16xi32>,
      %add3A_365 = arith.addi %add3A_358, %get3A_364 : vector<16xi32>
      %mul3A_366 = arith.constant 16 : i32
      %mul3A_367 = arith.muli %sub3A_267, %mul3A_366 : i32
      %add3A_368 = arith.constant 3584 : i32
      %add3A_369 = arith.addi %add3A_368, %mul3A_367 : i32
      %get3A_370 = arith.index_cast %add3A_369 : i32 to index
      %get3A_371 = tpu.vector_load %arg13[%get3A_370] {strides = array<i32>} : memref<4096xi32, #tpu.memory_space<vmem>>, vector<16xi32>,
      %add3A_372 = arith.addi %add3A_365, %get3A_371 : vector<16xi32>
      %mul3A_373 = arith.constant 16 : i32
      %mul3A_374 = arith.muli %sub3A_267, %mul3A_373 : i32
      %add3A_375 = arith.constant 3840 : i32
      %add3A_376 = arith.addi %add3A_375, %mul3A_374 : i32
      %get3A_377 = arith.index_cast %add3A_376 : i32 to index
      %get3A_378 = tpu.vector_load %arg13[%get3A_377] {strides = array<i32>} : memref<4096xi32, #tpu.memory_space<vmem>>, vector<16xi32>,
      %add3A_379 = arith.addi %add3A_372, %get3A_378 : vector<16xi32>
      %rev3A = arith.constant 15 : i32
      %rev3A_380 = vector.broadcast %rev3A : i32 to vector<16xi32>
      %rev3A_381 = tpu.iota {dimensions = array<i32: 0>} : vector<16xi32>
      %rev3A_382 = arith.subi %rev3A_380, %rev3A_381 : vector<16xi32>
      %rev3A_383 = tpu.dynamic_gather %add3A_379[%rev3A_382] in [0] : vector<16xi32>, vector<16xi32> -> vector<16xi32>
      %broadcast_in_dim3A_384 = arith.constant true
      %broadcast_in_dim3A_385 = vector.broadcast %broadcast_in_dim3A_384 : i1 to vector<16xi1>
      %masked_cumsum3A = tpu.scan <sum>, %rev3A_383 masked %broadcast_in_dim3A_385 : vector<16xi32>, vector<16xi1> -> vector<16xi32>
      %reduce_sum3A_386 = arith.constant true
      %reduce_sum3A_387 = vector.broadcast %reduce_sum3A_386 : i1 to vector<16xi1>
      %reduce_sum3A_388 = tpu.scan <sum>, %add3A_379 masked %reduce_sum3A_387 : vector<16xi32>, vector<16xi1> -> vector<16xi32>
      %reduce_sum3A_389 = vector.extract %reduce_sum3A_388[15] : i32 from vector<16xi32>
      %broadcast_in_dim3A_390 = vector.broadcast %reduce_sum3A_389 : i32 to vector<16xi32>
      %add3A_391 = arith.addi %scan3A_261, %masked_cumsum3A : vector<16xi32>
      %ge3A = arith.cmpi sge, %add3A_391, %sub3A_60 : vector<16xi32>
      %reduce_or3A = arith.constant 1.000000e+00 : f32
      %reduce_or3A_392 = arith.constant 0.000000e+00 : f32
      %reduce_or3A_393 = vector.broadcast %reduce_or3A : f32 to vector<16xf32>
      %reduce_or3A_394 = vector.broadcast %reduce_or3A_392 : f32 to vector<16xf32>
      %reduce_or3A_395 = arith.select %ge3A, %reduce_or3A_393, %reduce_or3A_394 : vector<16xi1>, vector<16xf32>
      %reduce_or3A_396 = arith.constant true
      %reduce_or3A_397 = vector.broadcast %reduce_or3A_396 : i1 to vector<16xi1>
      %reduce_or3A_398 = tpu.scan <max>, %reduce_or3A_395 masked %reduce_or3A_397 : vector<16xf32>, vector<16xi1> -> vector<16xf32>
      %reduce_or3A_399 = vector.extract %reduce_or3A_398[15] : f32 from vector<16xf32>
      %reduce_or3A_400 = arith.constant 0.000000e+00 : f32
      %reduce_or3A_401 = arith.cmpf ogt, %reduce_or3A_399, %reduce_or3A_400 : f32
      %broadcast_in_dim3A_402 = vector.broadcast %reduce_or3A_401 : i1 to vector<16xi1>
      %not3A = arith.constant dense<true> : vector<16xi1>
      %not3A_403 = arith.xori %scan3A_262, %not3A : vector<16xi1>
      %and3A_404 = arith.andi %not3A_403, %broadcast_in_dim3A_402 : vector<16xi1>
      %all_reduce_ffs3A = tpu.all_reduce %ge3A {dim = 0 : i64, kind = #tpu.reduction_kind<find_first_set>} : vector<16xi1> -> vector<16xi32>
      %lt3A_405 = arith.cmpi slt, %iota3A, %all_reduce_ffs3A : vector<16xi32>
      %jit3A_406 = arith.constant 0 : i32
      %broadcast_in_dim3A_407 = vector.broadcast %jit3A_406 : i32 to vector<16xi32>
      %select_n3A_408 = arith.select %lt3A_405, %rev3A_383, %broadcast_in_dim3A_407 : vector<16xi1>, vector<16xi32>
      %reduce_sum3A_409 = arith.constant true
      %reduce_sum3A_410 = vector.broadcast %reduce_sum3A_409 : i1 to vector<16xi1>
      %reduce_sum3A_411 = tpu.scan <sum>, %select_n3A_408 masked %reduce_sum3A_410 : vector<16xi32>, vector<16xi1> -> vector<16xi32>
      %reduce_sum3A_412 = vector.extract %reduce_sum3A_411[15] : i32 from vector<16xi32>
      %broadcast_in_dim3A_413 = vector.broadcast %reduce_sum3A_412 : i32 to vector<16xi32>
      %eq3A = arith.cmpi eq, %iota3A, %all_reduce_ffs3A : vector<16xi32>
      %jit3A_414 = arith.constant 0 : i32
      %broadcast_in_dim3A_415 = vector.broadcast %jit3A_414 : i32 to vector<16xi32>
      %select_n3A_416 = arith.select %eq3A, %rev3A_383, %broadcast_in_dim3A_415 : vector<16xi1>, vector<16xi32>
      %reduce_sum3A_417 = arith.constant true
      %reduce_sum3A_418 = vector.broadcast %reduce_sum3A_417 : i1 to vector<16xi1>
      %reduce_sum3A_419 = tpu.scan <sum>, %select_n3A_416 masked %reduce_sum3A_418 : vector<16xi32>, vector<16xi1> -> vector<16xi32>
      %reduce_sum3A_420 = vector.extract %reduce_sum3A_419[15] : i32 from vector<16xi32>
      %broadcast_in_dim3A_421 = vector.broadcast %reduce_sum3A_420 : i32 to vector<16xi32>
      %mul3A_422 = arith.constant 16 : i32
      %mul3A_423 = arith.muli %sub3A_267, %mul3A_422 : i32
      %add3A_424 = arith.constant 15 : i32
      %add3A_425 = arith.addi %mul3A_423, %add3A_424 : i32
      %sub3A_426 = vector.broadcast %add3A_425 : i32 to vector<16xi32>
      %sub3A_427 = arith.subi %sub3A_426, %all_reduce_ffs3A : vector<16xi32>
      %select_n3A_428 = arith.select %and3A_404, %sub3A_427, %scan3A_263 : vector<16xi1>, vector<16xi32>
      %add3A_429 = arith.addi %scan3A_261, %broadcast_in_dim3A_413 : vector<16xi32>
      %select_n3A_430 = arith.select %and3A_404, %add3A_429, %scan3A_264 : vector<16xi1>, vector<16xi32>
      %select_n3A_431 = arith.select %and3A_404, %broadcast_in_dim3A_421, %scan3A_265 : vector<16xi1>, vector<16xi32>
      %or3A_432 = arith.ori %scan3A_262, %and3A_404 : vector<16xi1>
      %add3A_433 = arith.addi %scan3A_261, %broadcast_in_dim3A_390 : vector<16xi32>
      scf.yield %add3A_433, %or3A_432, %select_n3A_428, %select_n3A_430, %select_n3A_431 : vector<16xi32>, vector<16xi1>, vector<16xi32>, vector<16xi32>, vector<16xi32>
    }
    %scan3A_89 = arith.constant 16 : i32
    %mul3A_90 = arith.constant 256 : i32
    %mul3A_91 = vector.broadcast %mul3A_90 : i32 to vector<16xi32>
    %mul3A_92 = arith.muli %add3A_59, %mul3A_91 : vector<16xi32>
    %add3A_93 = arith.addi %mul3A_92, %scan3A_88#2 : vector<16xi32>
    %sub3A_94 = arith.subi %sub3A_60, %scan3A_88#3 : vector<16xi32>
    %scan3A_95 = arith.constant 0 : i32
    %scan3A_96 = arith.constant 0 : i32
    %scan3A_97 = arith.constant 256 : i32
    %scan3A_98 = arith.addi %scan3A_96, %scan3A_97 : i32
    %scan3A_99 = arith.constant 8 : i32
    %scan3A_100 = scf.for %scan3A_260 = %scan3A_96 to %scan3A_98 step %scan3A_99 iter_args(%scan3A_261 = %scan3A_95) -> (i32)  : i32 {
      %mul3A_262 = arith.constant 16 : i32
      %mul3A_263 = arith.muli %scan3A_260, %mul3A_262 : i32
      %swap3A_264 = arith.index_cast %mul3A_263 : i32 to index
      %swap3A_265 = tpu.vector_load %arg13[%swap3A_264] {strides = array<i32>} : memref<4096xi32, #tpu.memory_space<vmem>>, vector<16xi32>,
      tpu.vector_store %arg13[%swap3A_264], %broadcast_in_dim3A_3 {strides = array<i32>} : memref<4096xi32, #tpu.memory_space<vmem>>, vector<16xi32>,
      %scan3A_266 = arith.constant 0 : i32
      %scan3A_267 = arith.constant 1 : i32
      %scan3A_268 = arith.addi %scan3A_260, %scan3A_267 : i32
      %mul3A_269 = arith.constant 16 : i32
      %mul3A_270 = arith.muli %scan3A_268, %mul3A_269 : i32
      %swap3A_271 = arith.index_cast %mul3A_270 : i32 to index
      %swap3A_272 = tpu.vector_load %arg13[%swap3A_271] {strides = array<i32>} : memref<4096xi32, #tpu.memory_space<vmem>>, vector<16xi32>,
      tpu.vector_store %arg13[%swap3A_271], %broadcast_in_dim3A_3 {strides = array<i32>} : memref<4096xi32, #tpu.memory_space<vmem>>, vector<16xi32>,
      %scan3A_273 = arith.constant 0 : i32
      %scan3A_274 = arith.constant 2 : i32
      %scan3A_275 = arith.addi %scan3A_260, %scan3A_274 : i32
      %mul3A_276 = arith.constant 16 : i32
      %mul3A_277 = arith.muli %scan3A_275, %mul3A_276 : i32
      %swap3A_278 = arith.index_cast %mul3A_277 : i32 to index
      %swap3A_279 = tpu.vector_load %arg13[%swap3A_278] {strides = array<i32>} : memref<4096xi32, #tpu.memory_space<vmem>>, vector<16xi32>,
      tpu.vector_store %arg13[%swap3A_278], %broadcast_in_dim3A_3 {strides = array<i32>} : memref<4096xi32, #tpu.memory_space<vmem>>, vector<16xi32>,
      %scan3A_280 = arith.constant 0 : i32
      %scan3A_281 = arith.constant 3 : i32
      %scan3A_282 = arith.addi %scan3A_260, %scan3A_281 : i32
      %mul3A_283 = arith.constant 16 : i32
      %mul3A_284 = arith.muli %scan3A_282, %mul3A_283 : i32
      %swap3A_285 = arith.index_cast %mul3A_284 : i32 to index
      %swap3A_286 = tpu.vector_load %arg13[%swap3A_285] {strides = array<i32>} : memref<4096xi32, #tpu.memory_space<vmem>>, vector<16xi32>,
      tpu.vector_store %arg13[%swap3A_285], %broadcast_in_dim3A_3 {strides = array<i32>} : memref<4096xi32, #tpu.memory_space<vmem>>, vector<16xi32>,
      %scan3A_287 = arith.constant 0 : i32
      %scan3A_288 = arith.constant 4 : i32
      %scan3A_289 = arith.addi %scan3A_260, %scan3A_288 : i32
      %mul3A_290 = arith.constant 16 : i32
      %mul3A_291 = arith.muli %scan3A_289, %mul3A_290 : i32
      %swap3A_292 = arith.index_cast %mul3A_291 : i32 to index
      %swap3A_293 = tpu.vector_load %arg13[%swap3A_292] {strides = array<i32>} : memref<4096xi32, #tpu.memory_space<vmem>>, vector<16xi32>,
      tpu.vector_store %arg13[%swap3A_292], %broadcast_in_dim3A_3 {strides = array<i32>} : memref<4096xi32, #tpu.memory_space<vmem>>, vector<16xi32>,
      %scan3A_294 = arith.constant 0 : i32
      %scan3A_295 = arith.constant 5 : i32
      %scan3A_296 = arith.addi %scan3A_260, %scan3A_295 : i32
      %mul3A_297 = arith.constant 16 : i32
      %mul3A_298 = arith.muli %scan3A_296, %mul3A_297 : i32
      %swap3A_299 = arith.index_cast %mul3A_298 : i32 to index
      %swap3A_300 = tpu.vector_load %arg13[%swap3A_299] {strides = array<i32>} : memref<4096xi32, #tpu.memory_space<vmem>>, vector<16xi32>,
      tpu.vector_store %arg13[%swap3A_299], %broadcast_in_dim3A_3 {strides = array<i32>} : memref<4096xi32, #tpu.memory_space<vmem>>, vector<16xi32>,
      %scan3A_301 = arith.constant 0 : i32
      %scan3A_302 = arith.constant 6 : i32
      %scan3A_303 = arith.addi %scan3A_260, %scan3A_302 : i32
      %mul3A_304 = arith.constant 16 : i32
      %mul3A_305 = arith.muli %scan3A_303, %mul3A_304 : i32
      %swap3A_306 = arith.index_cast %mul3A_305 : i32 to index
      %swap3A_307 = tpu.vector_load %arg13[%swap3A_306] {strides = array<i32>} : memref<4096xi32, #tpu.memory_space<vmem>>, vector<16xi32>,
      tpu.vector_store %arg13[%swap3A_306], %broadcast_in_dim3A_3 {strides = array<i32>} : memref<4096xi32, #tpu.memory_space<vmem>>, vector<16xi32>,
      %scan3A_308 = arith.constant 0 : i32
      %scan3A_309 = arith.constant 7 : i32
      %scan3A_310 = arith.addi %scan3A_260, %scan3A_309 : i32
      %mul3A_311 = arith.constant 16 : i32
      %mul3A_312 = arith.muli %scan3A_310, %mul3A_311 : i32
      %swap3A_313 = arith.index_cast %mul3A_312 : i32 to index
      %swap3A_314 = tpu.vector_load %arg13[%swap3A_313] {strides = array<i32>} : memref<4096xi32, #tpu.memory_space<vmem>>, vector<16xi32>,
      tpu.vector_store %arg13[%swap3A_313], %broadcast_in_dim3A_3 {strides = array<i32>} : memref<4096xi32, #tpu.memory_space<vmem>>, vector<16xi32>,
      %scan3A_315 = arith.constant 0 : i32
      scf.yield %scan3A_315 : i32
    }
    %scan3A_101 = arith.constant 256 : i32
    %add3A_102 = arith.constant 15 : i32
    %add3A_103 = arith.addi %while3A_81, %add3A_102 : i32
    %shift_right_logical3A_104 = arith.constant 4 : i32
    %shift_right_logical3A_105 = arith.shrui %add3A_103, %shift_right_logical3A_104 : i32
    %while3A_106 = arith.constant 0 : i32
    %while3A_107 = arith.constant 0 : i32
    %while3A_108 = arith.subi %shift_right_logical3A_105, %while3A_106 : i32
    %while3A_109 = arith.addi %while3A_106, %while3A_108 : i32
    %while3A_110 = arith.constant 1 : i32
    %while3A_111 = arith.divsi %while3A_108, %while3A_110 : i32
    %while3A_112 = arith.muli %while3A_111, %while3A_110 : i32
    %while3A_113 = arith.addi %while3A_106, %while3A_112 : i32
    %while3A_114 = arith.constant 1 : i32
    %while3A_115 = scf.for %while3A_260 = %while3A_106 to %while3A_113 step %while3A_114 iter_args(%while3A_261 = %while3A_107) -> (i32)  : i32 {
      %mul3A_262 = arith.constant 16 : i32
      %mul3A_263 = arith.muli %while3A_260, %mul3A_262 : i32
      %get3A_264 = arith.index_cast %mul3A_263 : i32 to index
      %get3A_265 = tpu.vector_load %arg12[%get3A_264] {strides = array<i32>} : memref<8192xi32, #tpu.memory_space<vmem>>, vector<16xi32>,
      %mul3A_266 = arith.constant 16 : i32
      %mul3A_267 = arith.muli %while3A_260, %mul3A_266 : i32
      %add3A_268 = vector.broadcast %mul3A_267 : i32 to vector<16xi32>
      %add3A_269 = arith.addi %add3A_268, %iota3A : vector<16xi32>
      %lt3A_270 = vector.broadcast %while3A_81 : i32 to vector<16xi32>
      %lt3A_271 = arith.cmpi slt, %add3A_269, %lt3A_270 : vector<16xi32>
      %shift_right_logical3A_272 = arith.constant 8 : i32
      %shift_right_logical3A_273 = vector.broadcast %shift_right_logical3A_272 : i32 to vector<16xi32>
      %shift_right_logical3A_274 = arith.shrui %get3A_265, %shift_right_logical3A_273 : vector<16xi32>
      %eq3A = arith.cmpi eq, %shift_right_logical3A_274, %add3A_93 : vector<16xi32>
      %and3A_275 = arith.andi %lt3A_271, %eq3A : vector<16xi1>
      %and3A_276 = arith.constant 255 : i32
      %and3A_277 = vector.broadcast %and3A_276 : i32 to vector<16xi32>
      %and3A_278 = arith.andi %get3A_265, %and3A_277 : vector<16xi32>
      %add3A_279 = arith.addi %mul3A_6, %and3A_278 : vector<16xi32>
      %convert_element_type3A_280 = arith.extui %and3A_275 : vector<16xi1> to vector<16xi32>
      tpu.vector_store_idx %arg13[%add3A_279], %convert_element_type3A_280 {add = true} : memref<4096xi32, #tpu.memory_space<vmem>>[vector<16xi32>], vector<16xi32>,
      %while3A_281 = arith.constant 0 : i32
      scf.yield %while3A_281 : i32
    }
    %while3A_116 = arith.constant 1 : i32
    %while3A_117 = scf.for %while3A_260 = %while3A_113 to %while3A_109 step %while3A_116 iter_args(%while3A_261 = %while3A_115) -> (i32)  : i32 {
      %mul3A_262 = arith.constant 16 : i32
      %mul3A_263 = arith.muli %while3A_260, %mul3A_262 : i32
      %get3A_264 = arith.index_cast %mul3A_263 : i32 to index
      %get3A_265 = tpu.vector_load %arg12[%get3A_264] {strides = array<i32>} : memref<8192xi32, #tpu.memory_space<vmem>>, vector<16xi32>,
      %mul3A_266 = arith.constant 16 : i32
      %mul3A_267 = arith.muli %while3A_260, %mul3A_266 : i32
      %add3A_268 = vector.broadcast %mul3A_267 : i32 to vector<16xi32>
      %add3A_269 = arith.addi %add3A_268, %iota3A : vector<16xi32>
      %lt3A_270 = vector.broadcast %while3A_81 : i32 to vector<16xi32>
      %lt3A_271 = arith.cmpi slt, %add3A_269, %lt3A_270 : vector<16xi32>
      %shift_right_logical3A_272 = arith.constant 8 : i32
      %shift_right_logical3A_273 = vector.broadcast %shift_right_logical3A_272 : i32 to vector<16xi32>
      %shift_right_logical3A_274 = arith.shrui %get3A_265, %shift_right_logical3A_273 : vector<16xi32>
      %eq3A = arith.cmpi eq, %shift_right_logical3A_274, %add3A_93 : vector<16xi32>
      %and3A_275 = arith.andi %lt3A_271, %eq3A : vector<16xi1>
      %and3A_276 = arith.constant 255 : i32
      %and3A_277 = vector.broadcast %and3A_276 : i32 to vector<16xi32>
      %and3A_278 = arith.andi %get3A_265, %and3A_277 : vector<16xi32>
      %add3A_279 = arith.addi %mul3A_6, %and3A_278 : vector<16xi32>
      %convert_element_type3A_280 = arith.extui %and3A_275 : vector<16xi1> to vector<16xi32>
      tpu.vector_store_idx %arg13[%add3A_279], %convert_element_type3A_280 {add = true} : memref<4096xi32, #tpu.memory_space<vmem>>[vector<16xi32>], vector<16xi32>,
      %while3A_281 = arith.constant 0 : i32
      scf.yield %while3A_281 : i32
    }
    %broadcast_in_dim3A_118 = arith.constant false
    %broadcast_in_dim3A_119 = vector.broadcast %broadcast_in_dim3A_118 : i1 to vector<16xi1>
    %scan3A_120 = arith.constant 0 : i32
    %scan3A_121 = arith.constant 16 : i32
    %scan3A_122 = arith.addi %scan3A_120, %scan3A_121 : i32
    %scan3A_123 = arith.constant 1 : i32
    %scan3A_124:5 = scf.for %scan3A_260 = %scan3A_120 to %scan3A_122 step %scan3A_123 iter_args(%scan3A_261 = %broadcast_in_dim3A_3, %scan3A_262 = %broadcast_in_dim3A_119, %scan3A_263 = %broadcast_in_dim3A_3, %scan3A_264 = %broadcast_in_dim3A_3, %scan3A_265 = %broadcast_in_dim3A_3) -> (vector<16xi32>, vector<16xi1>, vector<16xi32>, vector<16xi32>, vector<16xi32>)  : i32 {
      %sub3A_266 = arith.constant 15 : i32
      %sub3A_267 = arith.subi %sub3A_266, %scan3A_260 : i32
      %mul3A_268 = arith.constant 16 : i32
      %mul3A_269 = arith.muli %sub3A_267, %mul3A_268 : i32
      %add3A_270 = arith.constant 0 : i32
      %add3A_271 = arith.addi %add3A_270, %mul3A_269 : i32
      %get3A_272 = arith.index_cast %add3A_271 : i32 to index
      %get3A_273 = tpu.vector_load %arg13[%get3A_272] {strides = array<i32>} : memref<4096xi32, #tpu.memory_space<vmem>>, vector<16xi32>,
      %add3A_274 = arith.addi %broadcast_in_dim3A_3, %get3A_273 : vector<16xi32>
      %mul3A_275 = arith.constant 16 : i32
      %mul3A_276 = arith.muli %sub3A_267, %mul3A_275 : i32
      %add3A_277 = arith.constant 256 : i32
      %add3A_278 = arith.addi %add3A_277, %mul3A_276 : i32
      %get3A_279 = arith.index_cast %add3A_278 : i32 to index
      %get3A_280 = tpu.vector_load %arg13[%get3A_279] {strides = array<i32>} : memref<4096xi32, #tpu.memory_space<vmem>>, vector<16xi32>,
      %add3A_281 = arith.addi %add3A_274, %get3A_280 : vector<16xi32>
      %mul3A_282 = arith.constant 16 : i32
      %mul3A_283 = arith.muli %sub3A_267, %mul3A_282 : i32
      %add3A_284 = arith.constant 512 : i32
      %add3A_285 = arith.addi %add3A_284, %mul3A_283 : i32
      %get3A_286 = arith.index_cast %add3A_285 : i32 to index
      %get3A_287 = tpu.vector_load %arg13[%get3A_286] {strides = array<i32>} : memref<4096xi32, #tpu.memory_space<vmem>>, vector<16xi32>,
      %add3A_288 = arith.addi %add3A_281, %get3A_287 : vector<16xi32>
      %mul3A_289 = arith.constant 16 : i32
      %mul3A_290 = arith.muli %sub3A_267, %mul3A_289 : i32
      %add3A_291 = arith.constant 768 : i32
      %add3A_292 = arith.addi %add3A_291, %mul3A_290 : i32
      %get3A_293 = arith.index_cast %add3A_292 : i32 to index
      %get3A_294 = tpu.vector_load %arg13[%get3A_293] {strides = array<i32>} : memref<4096xi32, #tpu.memory_space<vmem>>, vector<16xi32>,
      %add3A_295 = arith.addi %add3A_288, %get3A_294 : vector<16xi32>
      %mul3A_296 = arith.constant 16 : i32
      %mul3A_297 = arith.muli %sub3A_267, %mul3A_296 : i32
      %add3A_298 = arith.constant 1024 : i32
      %add3A_299 = arith.addi %add3A_298, %mul3A_297 : i32
      %get3A_300 = arith.index_cast %add3A_299 : i32 to index
      %get3A_301 = tpu.vector_load %arg13[%get3A_300] {strides = array<i32>} : memref<4096xi32, #tpu.memory_space<vmem>>, vector<16xi32>,
      %add3A_302 = arith.addi %add3A_295, %get3A_301 : vector<16xi32>
      %mul3A_303 = arith.constant 16 : i32
      %mul3A_304 = arith.muli %sub3A_267, %mul3A_303 : i32
      %add3A_305 = arith.constant 1280 : i32
      %add3A_306 = arith.addi %add3A_305, %mul3A_304 : i32
      %get3A_307 = arith.index_cast %add3A_306 : i32 to index
      %get3A_308 = tpu.vector_load %arg13[%get3A_307] {strides = array<i32>} : memref<4096xi32, #tpu.memory_space<vmem>>, vector<16xi32>,
      %add3A_309 = arith.addi %add3A_302, %get3A_308 : vector<16xi32>
      %mul3A_310 = arith.constant 16 : i32
      %mul3A_311 = arith.muli %sub3A_267, %mul3A_310 : i32
      %add3A_312 = arith.constant 1536 : i32
      %add3A_313 = arith.addi %add3A_312, %mul3A_311 : i32
      %get3A_314 = arith.index_cast %add3A_313 : i32 to index
      %get3A_315 = tpu.vector_load %arg13[%get3A_314] {strides = array<i32>} : memref<4096xi32, #tpu.memory_space<vmem>>, vector<16xi32>,
      %add3A_316 = arith.addi %add3A_309, %get3A_315 : vector<16xi32>
      %mul3A_317 = arith.constant 16 : i32
      %mul3A_318 = arith.muli %sub3A_267, %mul3A_317 : i32
      %add3A_319 = arith.constant 1792 : i32
      %add3A_320 = arith.addi %add3A_319, %mul3A_318 : i32
      %get3A_321 = arith.index_cast %add3A_320 : i32 to index
      %get3A_322 = tpu.vector_load %arg13[%get3A_321] {strides = array<i32>} : memref<4096xi32, #tpu.memory_space<vmem>>, vector<16xi32>,
      %add3A_323 = arith.addi %add3A_316, %get3A_322 : vector<16xi32>
      %mul3A_324 = arith.constant 16 : i32
      %mul3A_325 = arith.muli %sub3A_267, %mul3A_324 : i32
      %add3A_326 = arith.constant 2048 : i32
      %add3A_327 = arith.addi %add3A_326, %mul3A_325 : i32
      %get3A_328 = arith.index_cast %add3A_327 : i32 to index
      %get3A_329 = tpu.vector_load %arg13[%get3A_328] {strides = array<i32>} : memref<4096xi32, #tpu.memory_space<vmem>>, vector<16xi32>,
      %add3A_330 = arith.addi %add3A_323, %get3A_329 : vector<16xi32>
      %mul3A_331 = arith.constant 16 : i32
      %mul3A_332 = arith.muli %sub3A_267, %mul3A_331 : i32
      %add3A_333 = arith.constant 2304 : i32
      %add3A_334 = arith.addi %add3A_333, %mul3A_332 : i32
      %get3A_335 = arith.index_cast %add3A_334 : i32 to index
      %get3A_336 = tpu.vector_load %arg13[%get3A_335] {strides = array<i32>} : memref<4096xi32, #tpu.memory_space<vmem>>, vector<16xi32>,
      %add3A_337 = arith.addi %add3A_330, %get3A_336 : vector<16xi32>
      %mul3A_338 = arith.constant 16 : i32
      %mul3A_339 = arith.muli %sub3A_267, %mul3A_338 : i32
      %add3A_340 = arith.constant 2560 : i32
      %add3A_341 = arith.addi %add3A_340, %mul3A_339 : i32
      %get3A_342 = arith.index_cast %add3A_341 : i32 to index
      %get3A_343 = tpu.vector_load %arg13[%get3A_342] {strides = array<i32>} : memref<4096xi32, #tpu.memory_space<vmem>>, vector<16xi32>,
      %add3A_344 = arith.addi %add3A_337, %get3A_343 : vector<16xi32>
      %mul3A_345 = arith.constant 16 : i32
      %mul3A_346 = arith.muli %sub3A_267, %mul3A_345 : i32
      %add3A_347 = arith.constant 2816 : i32
      %add3A_348 = arith.addi %add3A_347, %mul3A_346 : i32
      %get3A_349 = arith.index_cast %add3A_348 : i32 to index
      %get3A_350 = tpu.vector_load %arg13[%get3A_349] {strides = array<i32>} : memref<4096xi32, #tpu.memory_space<vmem>>, vector<16xi32>,
      %add3A_351 = arith.addi %add3A_344, %get3A_350 : vector<16xi32>
      %mul3A_352 = arith.constant 16 : i32
      %mul3A_353 = arith.muli %sub3A_267, %mul3A_352 : i32
      %add3A_354 = arith.constant 3072 : i32
      %add3A_355 = arith.addi %add3A_354, %mul3A_353 : i32
      %get3A_356 = arith.index_cast %add3A_355 : i32 to index
      %get3A_357 = tpu.vector_load %arg13[%get3A_356] {strides = array<i32>} : memref<4096xi32, #tpu.memory_space<vmem>>, vector<16xi32>,
      %add3A_358 = arith.addi %add3A_351, %get3A_357 : vector<16xi32>
      %mul3A_359 = arith.constant 16 : i32
      %mul3A_360 = arith.muli %sub3A_267, %mul3A_359 : i32
      %add3A_361 = arith.constant 3328 : i32
      %add3A_362 = arith.addi %add3A_361, %mul3A_360 : i32
      %get3A_363 = arith.index_cast %add3A_362 : i32 to index
      %get3A_364 = tpu.vector_load %arg13[%get3A_363] {strides = array<i32>} : memref<4096xi32, #tpu.memory_space<vmem>>, vector<16xi32>,
      %add3A_365 = arith.addi %add3A_358, %get3A_364 : vector<16xi32>
      %mul3A_366 = arith.constant 16 : i32
      %mul3A_367 = arith.muli %sub3A_267, %mul3A_366 : i32
      %add3A_368 = arith.constant 3584 : i32
      %add3A_369 = arith.addi %add3A_368, %mul3A_367 : i32
      %get3A_370 = arith.index_cast %add3A_369 : i32 to index
      %get3A_371 = tpu.vector_load %arg13[%get3A_370] {strides = array<i32>} : memref<4096xi32, #tpu.memory_space<vmem>>, vector<16xi32>,
      %add3A_372 = arith.addi %add3A_365, %get3A_371 : vector<16xi32>
      %mul3A_373 = arith.constant 16 : i32
      %mul3A_374 = arith.muli %sub3A_267, %mul3A_373 : i32
      %add3A_375 = arith.constant 3840 : i32
      %add3A_376 = arith.addi %add3A_375, %mul3A_374 : i32
      %get3A_377 = arith.index_cast %add3A_376 : i32 to index
      %get3A_378 = tpu.vector_load %arg13[%get3A_377] {strides = array<i32>} : memref<4096xi32, #tpu.memory_space<vmem>>, vector<16xi32>,
      %add3A_379 = arith.addi %add3A_372, %get3A_378 : vector<16xi32>
      %rev3A = arith.constant 15 : i32
      %rev3A_380 = vector.broadcast %rev3A : i32 to vector<16xi32>
      %rev3A_381 = tpu.iota {dimensions = array<i32: 0>} : vector<16xi32>
      %rev3A_382 = arith.subi %rev3A_380, %rev3A_381 : vector<16xi32>
      %rev3A_383 = tpu.dynamic_gather %add3A_379[%rev3A_382] in [0] : vector<16xi32>, vector<16xi32> -> vector<16xi32>
      %broadcast_in_dim3A_384 = arith.constant true
      %broadcast_in_dim3A_385 = vector.broadcast %broadcast_in_dim3A_384 : i1 to vector<16xi1>
      %masked_cumsum3A = tpu.scan <sum>, %rev3A_383 masked %broadcast_in_dim3A_385 : vector<16xi32>, vector<16xi1> -> vector<16xi32>
      %reduce_sum3A_386 = arith.constant true
      %reduce_sum3A_387 = vector.broadcast %reduce_sum3A_386 : i1 to vector<16xi1>
      %reduce_sum3A_388 = tpu.scan <sum>, %add3A_379 masked %reduce_sum3A_387 : vector<16xi32>, vector<16xi1> -> vector<16xi32>
      %reduce_sum3A_389 = vector.extract %reduce_sum3A_388[15] : i32 from vector<16xi32>
      %broadcast_in_dim3A_390 = vector.broadcast %reduce_sum3A_389 : i32 to vector<16xi32>
      %add3A_391 = arith.addi %scan3A_261, %masked_cumsum3A : vector<16xi32>
      %ge3A = arith.cmpi sge, %add3A_391, %sub3A_94 : vector<16xi32>
      %reduce_or3A = arith.constant 1.000000e+00 : f32
      %reduce_or3A_392 = arith.constant 0.000000e+00 : f32
      %reduce_or3A_393 = vector.broadcast %reduce_or3A : f32 to vector<16xf32>
      %reduce_or3A_394 = vector.broadcast %reduce_or3A_392 : f32 to vector<16xf32>
      %reduce_or3A_395 = arith.select %ge3A, %reduce_or3A_393, %reduce_or3A_394 : vector<16xi1>, vector<16xf32>
      %reduce_or3A_396 = arith.constant true
      %reduce_or3A_397 = vector.broadcast %reduce_or3A_396 : i1 to vector<16xi1>
      %reduce_or3A_398 = tpu.scan <max>, %reduce_or3A_395 masked %reduce_or3A_397 : vector<16xf32>, vector<16xi1> -> vector<16xf32>
      %reduce_or3A_399 = vector.extract %reduce_or3A_398[15] : f32 from vector<16xf32>
      %reduce_or3A_400 = arith.constant 0.000000e+00 : f32
      %reduce_or3A_401 = arith.cmpf ogt, %reduce_or3A_399, %reduce_or3A_400 : f32
      %broadcast_in_dim3A_402 = vector.broadcast %reduce_or3A_401 : i1 to vector<16xi1>
      %not3A = arith.constant dense<true> : vector<16xi1>
      %not3A_403 = arith.xori %scan3A_262, %not3A : vector<16xi1>
      %and3A_404 = arith.andi %not3A_403, %broadcast_in_dim3A_402 : vector<16xi1>
      %all_reduce_ffs3A = tpu.all_reduce %ge3A {dim = 0 : i64, kind = #tpu.reduction_kind<find_first_set>} : vector<16xi1> -> vector<16xi32>
      %lt3A_405 = arith.cmpi slt, %iota3A, %all_reduce_ffs3A : vector<16xi32>
      %jit3A_406 = arith.constant 0 : i32
      %broadcast_in_dim3A_407 = vector.broadcast %jit3A_406 : i32 to vector<16xi32>
      %select_n3A_408 = arith.select %lt3A_405, %rev3A_383, %broadcast_in_dim3A_407 : vector<16xi1>, vector<16xi32>
      %reduce_sum3A_409 = arith.constant true
      %reduce_sum3A_410 = vector.broadcast %reduce_sum3A_409 : i1 to vector<16xi1>
      %reduce_sum3A_411 = tpu.scan <sum>, %select_n3A_408 masked %reduce_sum3A_410 : vector<16xi32>, vector<16xi1> -> vector<16xi32>
      %reduce_sum3A_412 = vector.extract %reduce_sum3A_411[15] : i32 from vector<16xi32>
      %broadcast_in_dim3A_413 = vector.broadcast %reduce_sum3A_412 : i32 to vector<16xi32>
      %eq3A = arith.cmpi eq, %iota3A, %all_reduce_ffs3A : vector<16xi32>
      %jit3A_414 = arith.constant 0 : i32
      %broadcast_in_dim3A_415 = vector.broadcast %jit3A_414 : i32 to vector<16xi32>
      %select_n3A_416 = arith.select %eq3A, %rev3A_383, %broadcast_in_dim3A_415 : vector<16xi1>, vector<16xi32>
      %reduce_sum3A_417 = arith.constant true
      %reduce_sum3A_418 = vector.broadcast %reduce_sum3A_417 : i1 to vector<16xi1>
      %reduce_sum3A_419 = tpu.scan <sum>, %select_n3A_416 masked %reduce_sum3A_418 : vector<16xi32>, vector<16xi1> -> vector<16xi32>
      %reduce_sum3A_420 = vector.extract %reduce_sum3A_419[15] : i32 from vector<16xi32>
      %broadcast_in_dim3A_421 = vector.broadcast %reduce_sum3A_420 : i32 to vector<16xi32>
      %mul3A_422 = arith.constant 16 : i32
      %mul3A_423 = arith.muli %sub3A_267, %mul3A_422 : i32
      %add3A_424 = arith.constant 15 : i32
      %add3A_425 = arith.addi %mul3A_423, %add3A_424 : i32
      %sub3A_426 = vector.broadcast %add3A_425 : i32 to vector<16xi32>
      %sub3A_427 = arith.subi %sub3A_426, %all_reduce_ffs3A : vector<16xi32>
      %select_n3A_428 = arith.select %and3A_404, %sub3A_427, %scan3A_263 : vector<16xi1>, vector<16xi32>
      %add3A_429 = arith.addi %scan3A_261, %broadcast_in_dim3A_413 : vector<16xi32>
      %select_n3A_430 = arith.select %and3A_404, %add3A_429, %scan3A_264 : vector<16xi1>, vector<16xi32>
      %select_n3A_431 = arith.select %and3A_404, %broadcast_in_dim3A_421, %scan3A_265 : vector<16xi1>, vector<16xi32>
      %or3A_432 = arith.ori %scan3A_262, %and3A_404 : vector<16xi1>
      %add3A_433 = arith.addi %scan3A_261, %broadcast_in_dim3A_390 : vector<16xi32>
      scf.yield %add3A_433, %or3A_432, %select_n3A_428, %select_n3A_430, %select_n3A_431 : vector<16xi32>, vector<16xi1>, vector<16xi32>, vector<16xi32>, vector<16xi32>
    }
    %scan3A_125 = arith.constant 16 : i32
    %mul3A_126 = arith.constant 256 : i32
    %mul3A_127 = vector.broadcast %mul3A_126 : i32 to vector<16xi32>
    %mul3A_128 = arith.muli %add3A_93, %mul3A_127 : vector<16xi32>
    %add3A_129 = arith.addi %mul3A_128, %scan3A_124#2 : vector<16xi32>
    %sub3A_130 = arith.subi %sub3A_94, %scan3A_124#3 : vector<16xi32>
    %xor3A = arith.constant -2147483648 : i32
    %xor3A_131 = vector.broadcast %xor3A : i32 to vector<16xi32>
    %xor3A_132 = arith.xori %add3A_129, %xor3A_131 : vector<16xi32>
    %lt3A = arith.constant 0 : i32
    %lt3A_133 = vector.broadcast %lt3A : i32 to vector<16xi32>
    %lt3A_134 = arith.cmpi slt, %xor3A_132, %lt3A_133 : vector<16xi32>
    %xor3A_135 = arith.constant 2147483647 : i32
    %xor3A_136 = vector.broadcast %xor3A_135 : i32 to vector<16xi32>
    %xor3A_137 = arith.xori %xor3A_132, %xor3A_136 : vector<16xi32>
    %select_n3A = arith.select %lt3A_134, %xor3A_137, %xor3A_132 : vector<16xi1>, vector<16xi32>
    %bitcast_convert_type3A = tpu.bitcast %select_n3A : vector<16xi32> -> vector<16xf32>
    %get3A = arith.constant 0 : index
    %get3A_138 = tpu.vector_load %arg14[%get3A] {strides = array<i32>} : memref<16xf32, #tpu.memory_space<vmem>>, vector<16xf32>,
    %div3A = arith.constant 1.000000e+00 : f32
    %div3A_139 = vector.broadcast %div3A : f32 to vector<16xf32>
    %div3A_140 = arith.divf %div3A_139, %get3A_138 : vector<16xf32>
    %broadcast_in_dim3A_141 = vector.broadcast %reduce_max3A_23 : f32 to vector<16xf32>
    %broadcast_in_dim3A_142 = arith.constant 0.000000e+00 : f32
    %broadcast_in_dim3A_143 = vector.broadcast %broadcast_in_dim3A_142 : f32 to vector<16xf32>
    %scan3A_144 = arith.constant 0 : i32
    %scan3A_145 = arith.constant 512 : i32
    %scan3A_146 = arith.addi %scan3A_144, %scan3A_145 : i32
    %scan3A_147 = arith.constant 8 : i32
    %scan3A_148:4 = scf.for %scan3A_260 = %scan3A_144 to %scan3A_146 step %scan3A_147 iter_args(%scan3A_261 = %broadcast_in_dim3A_143, %scan3A_262 = %broadcast_in_dim3A_143, %scan3A_263 = %broadcast_in_dim3A_143, %scan3A_264 = %broadcast_in_dim3A_143) -> (vector<16xf32>, vector<16xf32>, vector<16xf32>, vector<16xf32>)  : i32 {
      %mul3A_265 = arith.constant 16 : i32
      %mul3A_266 = arith.muli %scan3A_260, %mul3A_265 : i32
      %get3A_267 = arith.index_cast %mul3A_266 : i32 to index
      %get3A_268 = tpu.vector_load %arg8[%get3A_267] {strides = array<i32>} : memref<8192xf32, #tpu.memory_space<vmem>>, vector<16xf32>,
      %mul3A_269 = arith.constant 16 : i32
      %mul3A_270 = arith.muli %scan3A_260, %mul3A_269 : i32
      %get3A_271 = arith.index_cast %mul3A_270 : i32 to index
      %get3A_272 = tpu.vector_load %arg9[%get3A_271] {strides = array<i32>} : memref<8192xf32, #tpu.memory_space<vmem>>, vector<16xf32>,
      %sub3A_273 = arith.subf %get3A_268, %broadcast_in_dim3A_141 : vector<16xf32>
      %mul3A_274 = arith.mulf %sub3A_273, %div3A_140 : vector<16xf32>
      %exp3A_275 = math.exp %mul3A_274 : vector<16xf32>
      %mul3A_276 = arith.mulf %exp3A_275, %get3A_272 : vector<16xf32>
      %broadcast_in_dim3A_277 = arith.constant 0.000000e+00 : f32
      %broadcast_in_dim3A_278 = vector.broadcast %broadcast_in_dim3A_277 : f32 to vector<16xf32>
      %gt3A_279 = arith.cmpf ogt, %get3A_268, %bitcast_convert_type3A : vector<16xf32>
      %eq3A = arith.cmpf oeq, %get3A_268, %bitcast_convert_type3A : vector<16xf32>
      %select_n3A_280 = arith.select %gt3A_279, %exp3A_275, %broadcast_in_dim3A_278 : vector<16xi1>, vector<16xf32>
      %add3A_281 = arith.addf %scan3A_261, %select_n3A_280 : vector<16xf32>
      %select_n3A_282 = arith.select %gt3A_279, %mul3A_276, %broadcast_in_dim3A_278 : vector<16xi1>, vector<16xf32>
      %add3A_283 = arith.addf %scan3A_262, %select_n3A_282 : vector<16xf32>
      %select_n3A_284 = arith.select %eq3A, %exp3A_275, %broadcast_in_dim3A_278 : vector<16xi1>, vector<16xf32>
      %add3A_285 = arith.addf %scan3A_263, %select_n3A_284 : vector<16xf32>
      %select_n3A_286 = arith.select %eq3A, %mul3A_276, %broadcast_in_dim3A_278 : vector<16xi1>, vector<16xf32>
      %add3A_287 = arith.addf %scan3A_264, %select_n3A_286 : vector<16xf32>
      %scan3A_288 = arith.constant 1 : i32
      %scan3A_289 = arith.addi %scan3A_260, %scan3A_288 : i32
      %mul3A_290 = arith.constant 16 : i32
      %mul3A_291 = arith.muli %scan3A_289, %mul3A_290 : i32
      %get3A_292 = arith.index_cast %mul3A_291 : i32 to index
      %get3A_293 = tpu.vector_load %arg8[%get3A_292] {strides = array<i32>} : memref<8192xf32, #tpu.memory_space<vmem>>, vector<16xf32>,
      %mul3A_294 = arith.constant 16 : i32
      %mul3A_295 = arith.muli %scan3A_289, %mul3A_294 : i32
      %get3A_296 = arith.index_cast %mul3A_295 : i32 to index
      %get3A_297 = tpu.vector_load %arg9[%get3A_296] {strides = array<i32>} : memref<8192xf32, #tpu.memory_space<vmem>>, vector<16xf32>,
      %sub3A_298 = arith.subf %get3A_293, %broadcast_in_dim3A_141 : vector<16xf32>
      %mul3A_299 = arith.mulf %sub3A_298, %div3A_140 : vector<16xf32>
      %exp3A_300 = math.exp %mul3A_299 : vector<16xf32>
      %mul3A_301 = arith.mulf %exp3A_300, %get3A_297 : vector<16xf32>
      %broadcast_in_dim3A_302 = arith.constant 0.000000e+00 : f32
      %broadcast_in_dim3A_303 = vector.broadcast %broadcast_in_dim3A_302 : f32 to vector<16xf32>
      %gt3A_304 = arith.cmpf ogt, %get3A_293, %bitcast_convert_type3A : vector<16xf32>
      %eq3A_305 = arith.cmpf oeq, %get3A_293, %bitcast_convert_type3A : vector<16xf32>
      %select_n3A_306 = arith.select %gt3A_304, %exp3A_300, %broadcast_in_dim3A_303 : vector<16xi1>, vector<16xf32>
      %add3A_307 = arith.addf %add3A_281, %select_n3A_306 : vector<16xf32>
      %select_n3A_308 = arith.select %gt3A_304, %mul3A_301, %broadcast_in_dim3A_303 : vector<16xi1>, vector<16xf32>
      %add3A_309 = arith.addf %add3A_283, %select_n3A_308 : vector<16xf32>
      %select_n3A_310 = arith.select %eq3A_305, %exp3A_300, %broadcast_in_dim3A_303 : vector<16xi1>, vector<16xf32>
      %add3A_311 = arith.addf %add3A_285, %select_n3A_310 : vector<16xf32>
      %select_n3A_312 = arith.select %eq3A_305, %mul3A_301, %broadcast_in_dim3A_303 : vector<16xi1>, vector<16xf32>
      %add3A_313 = arith.addf %add3A_287, %select_n3A_312 : vector<16xf32>
      %scan3A_314 = arith.constant 2 : i32
      %scan3A_315 = arith.addi %scan3A_260, %scan3A_314 : i32
      %mul3A_316 = arith.constant 16 : i32
      %mul3A_317 = arith.muli %scan3A_315, %mul3A_316 : i32
      %get3A_318 = arith.index_cast %mul3A_317 : i32 to index
      %get3A_319 = tpu.vector_load %arg8[%get3A_318] {strides = array<i32>} : memref<8192xf32, #tpu.memory_space<vmem>>, vector<16xf32>,
      %mul3A_320 = arith.constant 16 : i32
      %mul3A_321 = arith.muli %scan3A_315, %mul3A_320 : i32
      %get3A_322 = arith.index_cast %mul3A_321 : i32 to index
      %get3A_323 = tpu.vector_load %arg9[%get3A_322] {strides = array<i32>} : memref<8192xf32, #tpu.memory_space<vmem>>, vector<16xf32>,
      %sub3A_324 = arith.subf %get3A_319, %broadcast_in_dim3A_141 : vector<16xf32>
      %mul3A_325 = arith.mulf %sub3A_324, %div3A_140 : vector<16xf32>
      %exp3A_326 = math.exp %mul3A_325 : vector<16xf32>
      %mul3A_327 = arith.mulf %exp3A_326, %get3A_323 : vector<16xf32>
      %broadcast_in_dim3A_328 = arith.constant 0.000000e+00 : f32
      %broadcast_in_dim3A_329 = vector.broadcast %broadcast_in_dim3A_328 : f32 to vector<16xf32>
      %gt3A_330 = arith.cmpf ogt, %get3A_319, %bitcast_convert_type3A : vector<16xf32>
      %eq3A_331 = arith.cmpf oeq, %get3A_319, %bitcast_convert_type3A : vector<16xf32>
      %select_n3A_332 = arith.select %gt3A_330, %exp3A_326, %broadcast_in_dim3A_329 : vector<16xi1>, vector<16xf32>
      %add3A_333 = arith.addf %add3A_307, %select_n3A_332 : vector<16xf32>
      %select_n3A_334 = arith.select %gt3A_330, %mul3A_327, %broadcast_in_dim3A_329 : vector<16xi1>, vector<16xf32>
      %add3A_335 = arith.addf %add3A_309, %select_n3A_334 : vector<16xf32>
      %select_n3A_336 = arith.select %eq3A_331, %exp3A_326, %broadcast_in_dim3A_329 : vector<16xi1>, vector<16xf32>
      %add3A_337 = arith.addf %add3A_311, %select_n3A_336 : vector<16xf32>
      %select_n3A_338 = arith.select %eq3A_331, %mul3A_327, %broadcast_in_dim3A_329 : vector<16xi1>, vector<16xf32>
      %add3A_339 = arith.addf %add3A_313, %select_n3A_338 : vector<16xf32>
      %scan3A_340 = arith.constant 3 : i32
      %scan3A_341 = arith.addi %scan3A_260, %scan3A_340 : i32
      %mul3A_342 = arith.constant 16 : i32
      %mul3A_343 = arith.muli %scan3A_341, %mul3A_342 : i32
      %get3A_344 = arith.index_cast %mul3A_343 : i32 to index
      %get3A_345 = tpu.vector_load %arg8[%get3A_344] {strides = array<i32>} : memref<8192xf32, #tpu.memory_space<vmem>>, vector<16xf32>,
      %mul3A_346 = arith.constant 16 : i32
      %mul3A_347 = arith.muli %scan3A_341, %mul3A_346 : i32
      %get3A_348 = arith.index_cast %mul3A_347 : i32 to index
      %get3A_349 = tpu.vector_load %arg9[%get3A_348] {strides = array<i32>} : memref<8192xf32, #tpu.memory_space<vmem>>, vector<16xf32>,
      %sub3A_350 = arith.subf %get3A_345, %broadcast_in_dim3A_141 : vector<16xf32>
      %mul3A_351 = arith.mulf %sub3A_350, %div3A_140 : vector<16xf32>
      %exp3A_352 = math.exp %mul3A_351 : vector<16xf32>
      %mul3A_353 = arith.mulf %exp3A_352, %get3A_349 : vector<16xf32>
      %broadcast_in_dim3A_354 = arith.constant 0.000000e+00 : f32
      %broadcast_in_dim3A_355 = vector.broadcast %broadcast_in_dim3A_354 : f32 to vector<16xf32>
      %gt3A_356 = arith.cmpf ogt, %get3A_345, %bitcast_convert_type3A : vector<16xf32>
      %eq3A_357 = arith.cmpf oeq, %get3A_345, %bitcast_convert_type3A : vector<16xf32>
      %select_n3A_358 = arith.select %gt3A_356, %exp3A_352, %broadcast_in_dim3A_355 : vector<16xi1>, vector<16xf32>
      %add3A_359 = arith.addf %add3A_333, %select_n3A_358 : vector<16xf32>
      %select_n3A_360 = arith.select %gt3A_356, %mul3A_353, %broadcast_in_dim3A_355 : vector<16xi1>, vector<16xf32>
      %add3A_361 = arith.addf %add3A_335, %select_n3A_360 : vector<16xf32>
      %select_n3A_362 = arith.select %eq3A_357, %exp3A_352, %broadcast_in_dim3A_355 : vector<16xi1>, vector<16xf32>
      %add3A_363 = arith.addf %add3A_337, %select_n3A_362 : vector<16xf32>
      %select_n3A_364 = arith.select %eq3A_357, %mul3A_353, %broadcast_in_dim3A_355 : vector<16xi1>, vector<16xf32>
      %add3A_365 = arith.addf %add3A_339, %select_n3A_364 : vector<16xf32>
      %scan3A_366 = arith.constant 4 : i32
      %scan3A_367 = arith.addi %scan3A_260, %scan3A_366 : i32
      %mul3A_368 = arith.constant 16 : i32
      %mul3A_369 = arith.muli %scan3A_367, %mul3A_368 : i32
      %get3A_370 = arith.index_cast %mul3A_369 : i32 to index
      %get3A_371 = tpu.vector_load %arg8[%get3A_370] {strides = array<i32>} : memref<8192xf32, #tpu.memory_space<vmem>>, vector<16xf32>,
      %mul3A_372 = arith.constant 16 : i32
      %mul3A_373 = arith.muli %scan3A_367, %mul3A_372 : i32
      %get3A_374 = arith.index_cast %mul3A_373 : i32 to index
      %get3A_375 = tpu.vector_load %arg9[%get3A_374] {strides = array<i32>} : memref<8192xf32, #tpu.memory_space<vmem>>, vector<16xf32>,
      %sub3A_376 = arith.subf %get3A_371, %broadcast_in_dim3A_141 : vector<16xf32>
      %mul3A_377 = arith.mulf %sub3A_376, %div3A_140 : vector<16xf32>
      %exp3A_378 = math.exp %mul3A_377 : vector<16xf32>
      %mul3A_379 = arith.mulf %exp3A_378, %get3A_375 : vector<16xf32>
      %broadcast_in_dim3A_380 = arith.constant 0.000000e+00 : f32
      %broadcast_in_dim3A_381 = vector.broadcast %broadcast_in_dim3A_380 : f32 to vector<16xf32>
      %gt3A_382 = arith.cmpf ogt, %get3A_371, %bitcast_convert_type3A : vector<16xf32>
      %eq3A_383 = arith.cmpf oeq, %get3A_371, %bitcast_convert_type3A : vector<16xf32>
      %select_n3A_384 = arith.select %gt3A_382, %exp3A_378, %broadcast_in_dim3A_381 : vector<16xi1>, vector<16xf32>
      %add3A_385 = arith.addf %add3A_359, %select_n3A_384 : vector<16xf32>
      %select_n3A_386 = arith.select %gt3A_382, %mul3A_379, %broadcast_in_dim3A_381 : vector<16xi1>, vector<16xf32>
      %add3A_387 = arith.addf %add3A_361, %select_n3A_386 : vector<16xf32>
      %select_n3A_388 = arith.select %eq3A_383, %exp3A_378, %broadcast_in_dim3A_381 : vector<16xi1>, vector<16xf32>
      %add3A_389 = arith.addf %add3A_363, %select_n3A_388 : vector<16xf32>
      %select_n3A_390 = arith.select %eq3A_383, %mul3A_379, %broadcast_in_dim3A_381 : vector<16xi1>, vector<16xf32>
      %add3A_391 = arith.addf %add3A_365, %select_n3A_390 : vector<16xf32>
      %scan3A_392 = arith.constant 5 : i32
      %scan3A_393 = arith.addi %scan3A_260, %scan3A_392 : i32
      %mul3A_394 = arith.constant 16 : i32
      %mul3A_395 = arith.muli %scan3A_393, %mul3A_394 : i32
      %get3A_396 = arith.index_cast %mul3A_395 : i32 to index
      %get3A_397 = tpu.vector_load %arg8[%get3A_396] {strides = array<i32>} : memref<8192xf32, #tpu.memory_space<vmem>>, vector<16xf32>,
      %mul3A_398 = arith.constant 16 : i32
      %mul3A_399 = arith.muli %scan3A_393, %mul3A_398 : i32
      %get3A_400 = arith.index_cast %mul3A_399 : i32 to index
      %get3A_401 = tpu.vector_load %arg9[%get3A_400] {strides = array<i32>} : memref<8192xf32, #tpu.memory_space<vmem>>, vector<16xf32>,
      %sub3A_402 = arith.subf %get3A_397, %broadcast_in_dim3A_141 : vector<16xf32>
      %mul3A_403 = arith.mulf %sub3A_402, %div3A_140 : vector<16xf32>
      %exp3A_404 = math.exp %mul3A_403 : vector<16xf32>
      %mul3A_405 = arith.mulf %exp3A_404, %get3A_401 : vector<16xf32>
      %broadcast_in_dim3A_406 = arith.constant 0.000000e+00 : f32
      %broadcast_in_dim3A_407 = vector.broadcast %broadcast_in_dim3A_406 : f32 to vector<16xf32>
      %gt3A_408 = arith.cmpf ogt, %get3A_397, %bitcast_convert_type3A : vector<16xf32>
      %eq3A_409 = arith.cmpf oeq, %get3A_397, %bitcast_convert_type3A : vector<16xf32>
      %select_n3A_410 = arith.select %gt3A_408, %exp3A_404, %broadcast_in_dim3A_407 : vector<16xi1>, vector<16xf32>
      %add3A_411 = arith.addf %add3A_385, %select_n3A_410 : vector<16xf32>
      %select_n3A_412 = arith.select %gt3A_408, %mul3A_405, %broadcast_in_dim3A_407 : vector<16xi1>, vector<16xf32>
      %add3A_413 = arith.addf %add3A_387, %select_n3A_412 : vector<16xf32>
      %select_n3A_414 = arith.select %eq3A_409, %exp3A_404, %broadcast_in_dim3A_407 : vector<16xi1>, vector<16xf32>
      %add3A_415 = arith.addf %add3A_389, %select_n3A_414 : vector<16xf32>
      %select_n3A_416 = arith.select %eq3A_409, %mul3A_405, %broadcast_in_dim3A_407 : vector<16xi1>, vector<16xf32>
      %add3A_417 = arith.addf %add3A_391, %select_n3A_416 : vector<16xf32>
      %scan3A_418 = arith.constant 6 : i32
      %scan3A_419 = arith.addi %scan3A_260, %scan3A_418 : i32
      %mul3A_420 = arith.constant 16 : i32
      %mul3A_421 = arith.muli %scan3A_419, %mul3A_420 : i32
      %get3A_422 = arith.index_cast %mul3A_421 : i32 to index
      %get3A_423 = tpu.vector_load %arg8[%get3A_422] {strides = array<i32>} : memref<8192xf32, #tpu.memory_space<vmem>>, vector<16xf32>,
      %mul3A_424 = arith.constant 16 : i32
      %mul3A_425 = arith.muli %scan3A_419, %mul3A_424 : i32
      %get3A_426 = arith.index_cast %mul3A_425 : i32 to index
      %get3A_427 = tpu.vector_load %arg9[%get3A_426] {strides = array<i32>} : memref<8192xf32, #tpu.memory_space<vmem>>, vector<16xf32>,
      %sub3A_428 = arith.subf %get3A_423, %broadcast_in_dim3A_141 : vector<16xf32>
      %mul3A_429 = arith.mulf %sub3A_428, %div3A_140 : vector<16xf32>
      %exp3A_430 = math.exp %mul3A_429 : vector<16xf32>
      %mul3A_431 = arith.mulf %exp3A_430, %get3A_427 : vector<16xf32>
      %broadcast_in_dim3A_432 = arith.constant 0.000000e+00 : f32
      %broadcast_in_dim3A_433 = vector.broadcast %broadcast_in_dim3A_432 : f32 to vector<16xf32>
      %gt3A_434 = arith.cmpf ogt, %get3A_423, %bitcast_convert_type3A : vector<16xf32>
      %eq3A_435 = arith.cmpf oeq, %get3A_423, %bitcast_convert_type3A : vector<16xf32>
      %select_n3A_436 = arith.select %gt3A_434, %exp3A_430, %broadcast_in_dim3A_433 : vector<16xi1>, vector<16xf32>
      %add3A_437 = arith.addf %add3A_411, %select_n3A_436 : vector<16xf32>
      %select_n3A_438 = arith.select %gt3A_434, %mul3A_431, %broadcast_in_dim3A_433 : vector<16xi1>, vector<16xf32>
      %add3A_439 = arith.addf %add3A_413, %select_n3A_438 : vector<16xf32>
      %select_n3A_440 = arith.select %eq3A_435, %exp3A_430, %broadcast_in_dim3A_433 : vector<16xi1>, vector<16xf32>
      %add3A_441 = arith.addf %add3A_415, %select_n3A_440 : vector<16xf32>
      %select_n3A_442 = arith.select %eq3A_435, %mul3A_431, %broadcast_in_dim3A_433 : vector<16xi1>, vector<16xf32>
      %add3A_443 = arith.addf %add3A_417, %select_n3A_442 : vector<16xf32>
      %scan3A_444 = arith.constant 7 : i32
      %scan3A_445 = arith.addi %scan3A_260, %scan3A_444 : i32
      %mul3A_446 = arith.constant 16 : i32
      %mul3A_447 = arith.muli %scan3A_445, %mul3A_446 : i32
      %get3A_448 = arith.index_cast %mul3A_447 : i32 to index
      %get3A_449 = tpu.vector_load %arg8[%get3A_448] {strides = array<i32>} : memref<8192xf32, #tpu.memory_space<vmem>>, vector<16xf32>,
      %mul3A_450 = arith.constant 16 : i32
      %mul3A_451 = arith.muli %scan3A_445, %mul3A_450 : i32
      %get3A_452 = arith.index_cast %mul3A_451 : i32 to index
      %get3A_453 = tpu.vector_load %arg9[%get3A_452] {strides = array<i32>} : memref<8192xf32, #tpu.memory_space<vmem>>, vector<16xf32>,
      %sub3A_454 = arith.subf %get3A_449, %broadcast_in_dim3A_141 : vector<16xf32>
      %mul3A_455 = arith.mulf %sub3A_454, %div3A_140 : vector<16xf32>
      %exp3A_456 = math.exp %mul3A_455 : vector<16xf32>
      %mul3A_457 = arith.mulf %exp3A_456, %get3A_453 : vector<16xf32>
      %broadcast_in_dim3A_458 = arith.constant 0.000000e+00 : f32
      %broadcast_in_dim3A_459 = vector.broadcast %broadcast_in_dim3A_458 : f32 to vector<16xf32>
      %gt3A_460 = arith.cmpf ogt, %get3A_449, %bitcast_convert_type3A : vector<16xf32>
      %eq3A_461 = arith.cmpf oeq, %get3A_449, %bitcast_convert_type3A : vector<16xf32>
      %select_n3A_462 = arith.select %gt3A_460, %exp3A_456, %broadcast_in_dim3A_459 : vector<16xi1>, vector<16xf32>
      %add3A_463 = arith.addf %add3A_437, %select_n3A_462 : vector<16xf32>
      %select_n3A_464 = arith.select %gt3A_460, %mul3A_457, %broadcast_in_dim3A_459 : vector<16xi1>, vector<16xf32>
      %add3A_465 = arith.addf %add3A_439, %select_n3A_464 : vector<16xf32>
      %select_n3A_466 = arith.select %eq3A_461, %exp3A_456, %broadcast_in_dim3A_459 : vector<16xi1>, vector<16xf32>
      %add3A_467 = arith.addf %add3A_441, %select_n3A_466 : vector<16xf32>
      %select_n3A_468 = arith.select %eq3A_461, %mul3A_457, %broadcast_in_dim3A_459 : vector<16xi1>, vector<16xf32>
      %add3A_469 = arith.addf %add3A_443, %select_n3A_468 : vector<16xf32>
      scf.yield %add3A_463, %add3A_465, %add3A_467, %add3A_469 : vector<16xf32>, vector<16xf32>, vector<16xf32>, vector<16xf32>
    }
    %scan3A_149 = arith.constant 512 : i32
    %convert_element_type3A = arith.sitofp %sub3A_130 : vector<16xi32> to vector<16xf32>
    %max3A = arith.constant 1 : i32
    %max3A_150 = vector.broadcast %max3A : i32 to vector<16xi32>
    %max3A_151 = arith.maxsi %scan3A_124#4, %max3A_150 : vector<16xi32>
    %convert_element_type3A_152 = arith.sitofp %max3A_151 : vector<16xi32> to vector<16xf32>
    %div3A_153 = arith.divf %convert_element_type3A, %convert_element_type3A_152 : vector<16xf32>
    %reduce_sum3A = arith.constant true
    %reduce_sum3A_154 = vector.broadcast %reduce_sum3A : i1 to vector<16xi1>
    %reduce_sum3A_155 = tpu.scan <sum>, %scan3A_148#0 masked %reduce_sum3A_154 : vector<16xf32>, vector<16xi1> -> vector<16xf32>
    %reduce_sum3A_156 = vector.extract %reduce_sum3A_155[15] : f32 from vector<16xf32>
    %broadcast_in_dim3A_157 = vector.broadcast %reduce_sum3A_156 : f32 to vector<16xf32>
    %reduce_sum3A_158 = arith.constant true
    %reduce_sum3A_159 = vector.broadcast %reduce_sum3A_158 : i1 to vector<16xi1>
    %reduce_sum3A_160 = tpu.scan <sum>, %scan3A_148#2 masked %reduce_sum3A_159 : vector<16xf32>, vector<16xi1> -> vector<16xf32>
    %reduce_sum3A_161 = vector.extract %reduce_sum3A_160[15] : f32 from vector<16xf32>
    %broadcast_in_dim3A_162 = vector.broadcast %reduce_sum3A_161 : f32 to vector<16xf32>
    %mul3A_163 = arith.mulf %div3A_153, %broadcast_in_dim3A_162 : vector<16xf32>
    %add3A_164 = arith.addf %broadcast_in_dim3A_157, %mul3A_163 : vector<16xf32>
    %reduce_sum3A_165 = arith.constant true
    %reduce_sum3A_166 = vector.broadcast %reduce_sum3A_165 : i1 to vector<16xi1>
    %reduce_sum3A_167 = tpu.scan <sum>, %scan3A_148#1 masked %reduce_sum3A_166 : vector<16xf32>, vector<16xi1> -> vector<16xf32>
    %reduce_sum3A_168 = vector.extract %reduce_sum3A_167[15] : f32 from vector<16xf32>
    %broadcast_in_dim3A_169 = vector.broadcast %reduce_sum3A_168 : f32 to vector<16xf32>
    %reduce_sum3A_170 = arith.constant true
    %reduce_sum3A_171 = vector.broadcast %reduce_sum3A_170 : i1 to vector<16xi1>
    %reduce_sum3A_172 = tpu.scan <sum>, %scan3A_148#3 masked %reduce_sum3A_171 : vector<16xf32>, vector<16xi1> -> vector<16xf32>
    %reduce_sum3A_173 = vector.extract %reduce_sum3A_172[15] : f32 from vector<16xf32>
    %broadcast_in_dim3A_174 = vector.broadcast %reduce_sum3A_173 : f32 to vector<16xf32>
    %mul3A_175 = arith.mulf %div3A_153, %broadcast_in_dim3A_174 : vector<16xf32>
    %add3A_176 = arith.addf %broadcast_in_dim3A_169, %mul3A_175 : vector<16xf32>
    %div3A_177 = arith.divf %add3A_176, %add3A_164 : vector<16xf32>
    %jit3A = arith.constant 9.99999974E-5 : f32
    %jit3A_178 = arith.constant 0.999899983 : f32
    %max3A_179 = vector.broadcast %jit3A : f32 to vector<16xf32>
    %max3A_180 = arith.maximumf %max3A_179, %div3A_177 : vector<16xf32>
    %min3A = vector.broadcast %jit3A_178 : f32 to vector<16xf32>
    %min3A_181 = arith.minimumf %min3A, %max3A_180 : vector<16xf32>
    %sub3A_182 = arith.constant 1.000000e+00 : f32
    %sub3A_183 = vector.broadcast %sub3A_182 : f32 to vector<16xf32>
    %sub3A_184 = arith.subf %sub3A_183, %min3A_181 : vector<16xf32>
    %div3A_185 = arith.divf %min3A_181, %sub3A_184 : vector<16xf32>
    %bitcast_convert_type3A_186 = tpu.bitcast %div3A_185 : vector<16xf32> -> vector<16xi32>
    %shift_right_logical3A_187 = arith.constant 23 : i32
    %shift_right_logical3A_188 = vector.broadcast %shift_right_logical3A_187 : i32 to vector<16xi32>
    %shift_right_logical3A_189 = arith.shrui %bitcast_convert_type3A_186, %shift_right_logical3A_188 : vector<16xi32>
    %sub3A_190 = arith.constant 127 : i32
    %sub3A_191 = vector.broadcast %sub3A_190 : i32 to vector<16xi32>
    %sub3A_192 = arith.subi %shift_right_logical3A_189, %sub3A_191 : vector<16xi32>
    %and3A = arith.constant 8388607 : i32
    %and3A_193 = vector.broadcast %and3A : i32 to vector<16xi32>
    %and3A_194 = arith.andi %bitcast_convert_type3A_186, %and3A_193 : vector<16xi32>
    %or3A = arith.constant 1065353216 : i32
    %or3A_195 = vector.broadcast %or3A : i32 to vector<16xi32>
    %or3A_196 = arith.ori %and3A_194, %or3A_195 : vector<16xi32>
    %bitcast_convert_type3A_197 = tpu.bitcast %or3A_196 : vector<16xi32> -> vector<16xf32>
    %gt3A = arith.constant 1.41421354 : f32
    %gt3A_198 = vector.broadcast %gt3A : f32 to vector<16xf32>
    %gt3A_199 = arith.cmpf ogt, %bitcast_convert_type3A_197, %gt3A_198 : vector<16xf32>
    %mul3A_200 = arith.constant 5.000000e-01 : f32
    %mul3A_201 = vector.broadcast %mul3A_200 : f32 to vector<16xf32>
    %mul3A_202 = arith.mulf %bitcast_convert_type3A_197, %mul3A_201 : vector<16xf32>
    %select_n3A_203 = arith.select %gt3A_199, %mul3A_202, %bitcast_convert_type3A_197 : vector<16xi1>, vector<16xf32>
    %jit3A_204 = arith.constant 1 : i32
    %jit3A_205 = arith.constant 0 : i32
    %broadcast_in_dim3A_206 = vector.broadcast %jit3A_204 : i32 to vector<16xi32>
    %broadcast_in_dim3A_207 = vector.broadcast %jit3A_205 : i32 to vector<16xi32>
    %select_n3A_208 = arith.select %gt3A_199, %broadcast_in_dim3A_206, %broadcast_in_dim3A_207 : vector<16xi1>, vector<16xi32>
    %add3A_209 = arith.addi %sub3A_192, %select_n3A_208 : vector<16xi32>
    %sub3A_210 = arith.constant 1.000000e+00 : f32
    %sub3A_211 = vector.broadcast %sub3A_210 : f32 to vector<16xf32>
    %sub3A_212 = arith.subf %select_n3A_203, %sub3A_211 : vector<16xf32>
    %add3A_213 = arith.constant 1.000000e+00 : f32
    %add3A_214 = vector.broadcast %add3A_213 : f32 to vector<16xf32>
    %add3A_215 = arith.addf %select_n3A_203, %add3A_214 : vector<16xf32>
    %div3A_216 = arith.divf %sub3A_212, %add3A_215 : vector<16xf32>
    %mul3A_217 = arith.mulf %div3A_216, %div3A_216 : vector<16xf32>
    %mul3A_218 = arith.constant 2.000000e+00 : f32
    %mul3A_219 = vector.broadcast %mul3A_218 : f32 to vector<16xf32>
    %mul3A_220 = arith.mulf %mul3A_219, %div3A_216 : vector<16xf32>
    %mul3A_221 = arith.constant 0.111111112 : f32
    %mul3A_222 = vector.broadcast %mul3A_221 : f32 to vector<16xf32>
    %mul3A_223 = arith.mulf %mul3A_217, %mul3A_222 : vector<16xf32>
    %add3A_224 = arith.constant 0.142857149 : f32
    %add3A_225 = vector.broadcast %add3A_224 : f32 to vector<16xf32>
    %add3A_226 = arith.addf %add3A_225, %mul3A_223 : vector<16xf32>
    %mul3A_227 = arith.mulf %mul3A_217, %add3A_226 : vector<16xf32>
    %add3A_228 = arith.constant 2.000000e-01 : f32
    %add3A_229 = vector.broadcast %add3A_228 : f32 to vector<16xf32>
    %add3A_230 = arith.addf %add3A_229, %mul3A_227 : vector<16xf32>
    %mul3A_231 = arith.mulf %mul3A_217, %add3A_230 : vector<16xf32>
    %add3A_232 = arith.constant 0.333333343 : f32
    %add3A_233 = vector.broadcast %add3A_232 : f32 to vector<16xf32>
    %add3A_234 = arith.addf %add3A_233, %mul3A_231 : vector<16xf32>
    %mul3A_235 = arith.mulf %mul3A_217, %add3A_234 : vector<16xf32>
    %add3A_236 = arith.constant 1.000000e+00 : f32
    %add3A_237 = vector.broadcast %add3A_236 : f32 to vector<16xf32>
    %add3A_238 = arith.addf %add3A_237, %mul3A_235 : vector<16xf32>
    %mul3A_239 = arith.mulf %mul3A_220, %add3A_238 : vector<16xf32>
    %convert_element_type3A_240 = arith.sitofp %add3A_209 : vector<16xi32> to vector<16xf32>
    %mul3A_241 = arith.constant 0.693147182 : f32
    %mul3A_242 = vector.broadcast %mul3A_241 : f32 to vector<16xf32>
    %mul3A_243 = arith.mulf %convert_element_type3A_240, %mul3A_242 : vector<16xf32>
    %add3A_244 = arith.addf %mul3A_243, %mul3A_239 : vector<16xf32>
    %get3A_245 = arith.constant 0 : index
    %get3A_246 = tpu.vector_load %arg16[%get3A_245] {strides = array<i32>} : memref<16xf32, #tpu.memory_space<vmem>>, vector<16xf32>,
    %mul3A_247 = arith.mulf %get3A_246, %add3A_244 : vector<16xf32>
    %get3A_248 = arith.constant 0 : index
    %get3A_249 = tpu.vector_load %arg15[%get3A_248] {strides = array<i32>} : memref<16xf32, #tpu.memory_space<vmem>>, vector<16xf32>,
    %add3A_250 = arith.addf %mul3A_247, %get3A_249 : vector<16xf32>
    %neg3A = arith.constant 0.000000e+00 : f32
    %neg3A_251 = vector.broadcast %neg3A : f32 to vector<16xf32>
    %neg3A_252 = arith.subf %neg3A_251, %add3A_250 : vector<16xf32>
    %exp3A = math.exp %neg3A_252 : vector<16xf32>
    %add3A_253 = arith.constant 1.000000e+00 : f32
    %add3A_254 = vector.broadcast %add3A_253 : f32 to vector<16xf32>
    %add3A_255 = arith.addf %add3A_254, %exp3A : vector<16xf32>
    %div3A_256 = arith.constant 1.000000e+00 : f32
    %div3A_257 = vector.broadcast %div3A_256 : f32 to vector<16xf32>
    %div3A_258 = arith.divf %div3A_257, %add3A_255 : vector<16xf32>
    %swap3A = arith.constant 0 : index
    %swap3A_259 = tpu.vector_load %arg17[%swap3A] {strides = array<i32>} : memref<16xf32, #tpu.memory_space<vmem>>, vector<16xf32>,
    tpu.vector_store %arg17[%swap3A], %div3A_258 {strides = array<i32>} : memref<16xf32, #tpu.memory_space<vmem>>, vector<16xf32>,
    "tpu.region"() ({
      %run_scoped3A = tpu.sem_alloc : memref<!tpu.dma_semaphore, #tpu.memory_space<semaphore_mem>>
      %dma_start3A = arith.constant 0 : i32
      %dma_start3A_260 = tpu.memref_slice %arg7[%add3A, %dma_start3A] : memref<32x16xf32, #tpu.memory_space<hbm>> -> memref<1x16xf32, #tpu.memory_space<hbm>>
      %dma_start3A_261 = tpu.memref_squeeze %dma_start3A_260 : memref<1x16xf32, #tpu.memory_space<hbm>> -> memref<16xf32, #tpu.memory_space<hbm>>
      %dma_start3A_262 = arith.constant 0 : i32
      %dma_start3A_263 = tpu.memref_slice %arg7[%add3A, %dma_start3A_262] : memref<32x16xf32, #tpu.memory_space<hbm>> -> memref<1x16xf32, #tpu.memory_space<hbm>>
      %dma_start3A_264 = tpu.memref_squeeze %dma_start3A_263 : memref<1x16xf32, #tpu.memory_space<hbm>> -> memref<16xf32, #tpu.memory_space<hbm>>
      tpu.enqueue_dma source(%arg17 : memref<16xf32, #tpu.memory_space<vmem>>) target(%dma_start3A_264 : memref<16xf32, #tpu.memory_space<hbm>>) target_semaphore(%run_scoped3A : memref<!tpu.dma_semaphore, #tpu.memory_space<semaphore_mem>>)
      %dma_wait3A = arith.constant 0 : i32
      %dma_wait3A_265 = tpu.memref_slice %arg7[%add3A, %dma_wait3A] : memref<32x16xf32, #tpu.memory_space<hbm>> -> memref<1x16xf32, #tpu.memory_space<hbm>>
      %dma_wait3A_266 = tpu.memref_squeeze %dma_wait3A_265 : memref<1x16xf32, #tpu.memory_space<hbm>> -> memref<16xf32, #tpu.memory_space<hbm>>
      %dma_wait3A_267 = arith.constant 0 : i32
      %dma_wait3A_268 = tpu.memref_slice %arg7[%add3A, %dma_wait3A_267] : memref<32x16xf32, #tpu.memory_space<hbm>> -> memref<1x16xf32, #tpu.memory_space<hbm>>
      %dma_wait3A_269 = tpu.memref_squeeze %dma_wait3A_268 : memref<1x16xf32, #tpu.memory_space<hbm>> -> memref<16xf32, #tpu.memory_space<hbm>>
      tpu.wait_dma2 semaphore(%run_scoped3A : memref<!tpu.dma_semaphore, #tpu.memory_space<semaphore_mem>>) src(%arg17 : memref<16xf32, #tpu.memory_space<vmem>>) dst(%dma_wait3A_269 : memref<16xf32, #tpu.memory_space<hbm>>)
      tpu.yield
    }) : () -> ()
    return
  }
}

module attributes {stable_mosaic.version = 14 : i64} {
  func.func @_tc_body(%arg0: i32, %arg1: memref<32x128xf32, #tpu.memory_space<vmem>>, %arg2: memref<1x8192x128xf32, #tpu.memory_space<vmem>>, %arg3: memref<1x128xf32, #tpu.memory_space<vmem>>, %arg4: memref<1x128xf32, #tpu.memory_space<vmem>>, %arg5: memref<128x32xf32, #tpu.memory_space<vmem>>, %arg6: memref<1x32xf32, #tpu.memory_space<vmem>>, %arg7: memref<1x32xf32, #tpu.memory_space<vmem>>, %arg8: memref<1x32xf32, #tpu.memory_space<vmem>>, %arg9: memref<128x1xf32, #tpu.memory_space<vmem>>, %arg10: memref<1x128xf32, #tpu.memory_space<vmem>>, %arg11: memref<128x32xf32, #tpu.memory_space<vmem>>, %arg12: memref<1x32xf32, #tpu.memory_space<vmem>>, %arg13: memref<1x32xf32, #tpu.memory_space<vmem>>, %arg14: memref<1x32xf32, #tpu.memory_space<vmem>>, %arg15: memref<1x1x8192xf32, #tpu.memory_space<vmem>>, %arg16: memref<32x128xf32, #tpu.memory_space<vmem>>, %arg17: memref<48x128xbf16, #tpu.memory_space<vmem>>, %arg18: memref<32x8xf32, #tpu.memory_space<vmem>>, %arg19: memref<1x8xf32, #tpu.memory_space<vmem>>) attributes {dimension_semantics = [#tpu.dimension_semantics<arbitrary>], iteration_bounds = array<i64: 32>, scalar_prefetch = 0 : i64, scratch_operands = 4 : i64, tpu.core_type = #tpu.core_type<tc>, window_params = [{pipeline_mode = #tpu.pipeline_mode<synchronous>, transform_indices = @transform_0, window_bounds = array<i64: 32, 128>}, {transform_indices = @transform_1, window_bounds = array<i64: 1, 8192, 128>}, {pipeline_mode = #tpu.pipeline_mode<synchronous>, transform_indices = @transform_2, window_bounds = array<i64: 1, 128>}, {pipeline_mode = #tpu.pipeline_mode<synchronous>, transform_indices = @transform_3, window_bounds = array<i64: 1, 128>}, {pipeline_mode = #tpu.pipeline_mode<synchronous>, transform_indices = @transform_4, window_bounds = array<i64: 128, 32>}, {pipeline_mode = #tpu.pipeline_mode<synchronous>, transform_indices = @transform_5, window_bounds = array<i64: 1, 32>}, {pipeline_mode = #tpu.pipeline_mode<synchronous>, transform_indices = @transform_6, window_bounds = array<i64: 1, 32>}, {pipeline_mode = #tpu.pipeline_mode<synchronous>, transform_indices = @transform_7, window_bounds = array<i64: 1, 32>}, {pipeline_mode = #tpu.pipeline_mode<synchronous>, transform_indices = @transform_8, window_bounds = array<i64: 128, 1>}, {pipeline_mode = #tpu.pipeline_mode<synchronous>, transform_indices = @transform_9, window_bounds = array<i64: 1, 128>}, {pipeline_mode = #tpu.pipeline_mode<synchronous>, transform_indices = @transform_10, window_bounds = array<i64: 128, 32>}, {pipeline_mode = #tpu.pipeline_mode<synchronous>, transform_indices = @transform_11, window_bounds = array<i64: 1, 32>}, {pipeline_mode = #tpu.pipeline_mode<synchronous>, transform_indices = @transform_12, window_bounds = array<i64: 1, 32>}, {pipeline_mode = #tpu.pipeline_mode<synchronous>, transform_indices = @transform_13, window_bounds = array<i64: 1, 32>}, {transform_indices = @transform_14, window_bounds = array<i64: 1, 1, 8192>}]} {
    %eq3A = arith.constant 0 : i32
    %eq3A_0 = arith.cmpi eq, %arg0, %eq3A : i32
    %convert_element_type3A = arith.extui %eq3A_0 : i1 to i32
    %cond3A = arith.constant 0 : i32
    %cond3A_1 = arith.cmpi ne, %convert_element_type3A, %cond3A : i32
    scf.if %cond3A_1 {
      %get3A_97 = arith.constant 0 : index
      %get3A_98 = arith.constant 0 : index
      %get3A_99 = vector.load %arg1[%get3A_97, %get3A_98] : memref<32x128xf32, #tpu.memory_space<vmem>>, vector<32x128xf32>
      %get3A_100 = arith.constant 0 : index
      %get3A_101 = arith.constant 0 : index
      %get3A_102 = vector.load %arg3[%get3A_100, %get3A_101] : memref<1x128xf32, #tpu.memory_space<vmem>>, vector<1x128xf32>
      %get3A_103 = arith.constant 0 : index
      %get3A_104 = arith.constant 0 : index
      %get3A_105 = vector.load %arg4[%get3A_103, %get3A_104] : memref<1x128xf32, #tpu.memory_space<vmem>>, vector<1x128xf32>
      %reduce_sum3A = arith.constant dense<0.000000e+00> : vector<32xf32>
      %reduce_sum3A_106 = vector.multi_reduction <add>, %get3A_99, %reduce_sum3A [1] : vector<32x128xf32> to vector<32xf32>
      %broadcast_in_dim3A_107 = vector.shape_cast %reduce_sum3A_106 : vector<32xf32> to vector<32x1xf32>
      %div3A = arith.constant 1.280000e+02 : f32
      %div3A_108 = vector.broadcast %div3A : f32 to vector<32x1xf32>
      %div3A_109 = arith.divf %broadcast_in_dim3A_107, %div3A_108 : vector<32x1xf32>
      %sub3A_110 = vector.broadcast %div3A_109 : vector<32x1xf32> to vector<32x128xf32>
      %sub3A_111 = arith.subf %get3A_99, %sub3A_110 : vector<32x128xf32>
      %mul3A_112 = arith.mulf %sub3A_111, %sub3A_111 : vector<32x128xf32>
      %reduce_sum3A_113 = arith.constant dense<0.000000e+00> : vector<32xf32>
      %reduce_sum3A_114 = vector.multi_reduction <add>, %mul3A_112, %reduce_sum3A_113 [1] : vector<32x128xf32> to vector<32xf32>
      %broadcast_in_dim3A_115 = vector.shape_cast %reduce_sum3A_114 : vector<32xf32> to vector<32x1xf32>
      %div3A_116 = arith.constant 1.280000e+02 : f32
      %div3A_117 = vector.broadcast %div3A_116 : f32 to vector<32x1xf32>
      %div3A_118 = arith.divf %broadcast_in_dim3A_115, %div3A_117 : vector<32x1xf32>
      %add3A_119 = arith.constant 9.99999974E-6 : f32
      %add3A_120 = vector.broadcast %add3A_119 : f32 to vector<32x1xf32>
      %add3A_121 = arith.addf %div3A_118, %add3A_120 : vector<32x1xf32>
      %rsqrt3A_122 = math.rsqrt %add3A_121 : vector<32x1xf32>
      %mul3A_123 = vector.broadcast %rsqrt3A_122 : vector<32x1xf32> to vector<32x128xf32>
      %mul3A_124 = arith.mulf %sub3A_111, %mul3A_123 : vector<32x128xf32>
      %mul3A_125 = vector.broadcast %get3A_102 : vector<1x128xf32> to vector<32x128xf32>
      %mul3A_126 = arith.mulf %mul3A_124, %mul3A_125 : vector<32x128xf32>
      %add3A_127 = vector.broadcast %get3A_105 : vector<1x128xf32> to vector<32x128xf32>
      %add3A_128 = arith.addf %mul3A_126, %add3A_127 : vector<32x128xf32>
      %get3A_129 = arith.constant 0 : index
      %get3A_130 = arith.constant 0 : index
      %get3A_131 = vector.load %arg5[%get3A_129, %get3A_130] : memref<128x32xf32, #tpu.memory_space<vmem>>, vector<128x32xf32>
      %dot_general3A_132 = arith.constant dense<0.000000e+00> : vector<32x32xf32>
      %dot_general3A_133 = tpu.matmul %add3A_128, %get3A_131, %dot_general3A_132 {dimension_numbers = #tpu.dot_dimension_numbers<[1], [0], [0], [1], [0, 0, 1, 1], [], []>, precision = #tpu.contract_precision<fp32>, transpose_lhs_hint = false} : vector<32x128xf32>, vector<128x32xf32>, vector<32x32xf32> -> vector<32x32xf32>
      %get3A_134 = arith.constant 0 : index
      %get3A_135 = arith.constant 0 : index
      %get3A_136 = vector.load %arg6[%get3A_134, %get3A_135] : memref<1x32xf32, #tpu.memory_space<vmem>>, vector<1x32xf32>
      %add3A_137 = vector.broadcast %get3A_136 : vector<1x32xf32> to vector<32x32xf32>
      %add3A_138 = arith.addf %dot_general3A_133, %add3A_137 : vector<32x32xf32>
      %get3A_139 = arith.constant 0 : index
      %get3A_140 = arith.constant 0 : index
      %get3A_141 = vector.load %arg7[%get3A_139, %get3A_140] : memref<1x32xf32, #tpu.memory_space<vmem>>, vector<1x32xf32>
      %get3A_142 = arith.constant 0 : index
      %get3A_143 = arith.constant 0 : index
      %get3A_144 = vector.load %arg8[%get3A_142, %get3A_143] : memref<1x32xf32, #tpu.memory_space<vmem>>, vector<1x32xf32>
      %reduce_sum3A_145 = arith.constant dense<0.000000e+00> : vector<32xf32>
      %reduce_sum3A_146 = vector.multi_reduction <add>, %add3A_138, %reduce_sum3A_145 [1] : vector<32x32xf32> to vector<32xf32>
      %broadcast_in_dim3A_147 = vector.shape_cast %reduce_sum3A_146 : vector<32xf32> to vector<32x1xf32>
      %div3A_148 = arith.constant 3.200000e+01 : f32
      %div3A_149 = vector.broadcast %div3A_148 : f32 to vector<32x1xf32>
      %div3A_150 = arith.divf %broadcast_in_dim3A_147, %div3A_149 : vector<32x1xf32>
      %sub3A_151 = vector.broadcast %div3A_150 : vector<32x1xf32> to vector<32x32xf32>
      %sub3A_152 = arith.subf %add3A_138, %sub3A_151 : vector<32x32xf32>
      %mul3A_153 = arith.mulf %sub3A_152, %sub3A_152 : vector<32x32xf32>
      %reduce_sum3A_154 = arith.constant dense<0.000000e+00> : vector<32xf32>
      %reduce_sum3A_155 = vector.multi_reduction <add>, %mul3A_153, %reduce_sum3A_154 [1] : vector<32x32xf32> to vector<32xf32>
      %broadcast_in_dim3A_156 = vector.shape_cast %reduce_sum3A_155 : vector<32xf32> to vector<32x1xf32>
      %div3A_157 = arith.constant 3.200000e+01 : f32
      %div3A_158 = vector.broadcast %div3A_157 : f32 to vector<32x1xf32>
      %div3A_159 = arith.divf %broadcast_in_dim3A_156, %div3A_158 : vector<32x1xf32>
      %add3A_160 = arith.constant 9.99999974E-6 : f32
      %add3A_161 = vector.broadcast %add3A_160 : f32 to vector<32x1xf32>
      %add3A_162 = arith.addf %div3A_159, %add3A_161 : vector<32x1xf32>
      %rsqrt3A_163 = math.rsqrt %add3A_162 : vector<32x1xf32>
      %mul3A_164 = vector.broadcast %rsqrt3A_163 : vector<32x1xf32> to vector<32x32xf32>
      %mul3A_165 = arith.mulf %sub3A_152, %mul3A_164 : vector<32x32xf32>
      %mul3A_166 = vector.broadcast %get3A_141 : vector<1x32xf32> to vector<32x32xf32>
      %mul3A_167 = arith.mulf %mul3A_165, %mul3A_166 : vector<32x32xf32>
      %add3A_168 = vector.broadcast %get3A_144 : vector<1x32xf32> to vector<32x32xf32>
      %add3A_169 = arith.addf %mul3A_167, %add3A_168 : vector<32x32xf32>
      %get3A_170 = arith.constant 0 : index
      %get3A_171 = arith.constant 0 : index
      %get3A_172 = vector.load %arg11[%get3A_170, %get3A_171] : memref<128x32xf32, #tpu.memory_space<vmem>>, vector<128x32xf32>
      %get3A_173 = arith.constant 0 : index
      %get3A_174 = arith.constant 0 : index
      %get3A_175 = vector.load %arg9[%get3A_173, %get3A_174] : memref<128x1xf32, #tpu.memory_space<vmem>>, vector<128x1xf32>
      %mul3A_176 = vector.broadcast %get3A_175 : vector<128x1xf32> to vector<128x32xf32>
      %mul3A_177 = arith.mulf %get3A_172, %mul3A_176 : vector<128x32xf32>
      %reduce_sum3A_178 = arith.constant dense<0.000000e+00> : vector<32xf32>
      %reduce_sum3A_179 = vector.multi_reduction <add>, %mul3A_177, %reduce_sum3A_178 [0] : vector<128x32xf32> to vector<32xf32>
      %broadcast_in_dim3A_180 = vector.shape_cast %reduce_sum3A_179 : vector<32xf32> to vector<1x32xf32>
      %get3A_181 = arith.constant 0 : index
      %get3A_182 = arith.constant 0 : index
      %get3A_183 = vector.load %arg10[%get3A_181, %get3A_182] : memref<1x128xf32, #tpu.memory_space<vmem>>, vector<1x128xf32>
      %get3A_184 = arith.constant 0 : index
      %get3A_185 = arith.constant 0 : index
      %get3A_186 = vector.load %arg11[%get3A_184, %get3A_185] : memref<128x32xf32, #tpu.memory_space<vmem>>, vector<128x32xf32>
      %dot_general3A_187 = arith.constant dense<0.000000e+00> : vector<1x32xf32>
      %dot_general3A_188 = tpu.matmul %get3A_183, %get3A_186, %dot_general3A_187 {dimension_numbers = #tpu.dot_dimension_numbers<[1], [0], [0], [1], [0, 0, 1, 1], [], []>, transpose_lhs_hint = false} : vector<1x128xf32>, vector<128x32xf32>, vector<1x32xf32> -> vector<1x32xf32>
      %get3A_189 = arith.constant 0 : index
      %get3A_190 = arith.constant 0 : index
      %get3A_191 = vector.load %arg12[%get3A_189, %get3A_190] : memref<1x32xf32, #tpu.memory_space<vmem>>, vector<1x32xf32>
      %add3A_192 = arith.addf %dot_general3A_188, %get3A_191 : vector<1x32xf32>
      %get3A_193 = arith.constant 0 : index
      %get3A_194 = arith.constant 0 : index
      %get3A_195 = vector.load %arg13[%get3A_193, %get3A_194] : memref<1x32xf32, #tpu.memory_space<vmem>>, vector<1x32xf32>
      %mul3A_196 = vector.broadcast %get3A_195 : vector<1x32xf32> to vector<32x32xf32>
      %mul3A_197 = arith.mulf %add3A_169, %mul3A_196 : vector<32x32xf32>
      %mul3A_198 = arith.constant 0.176776692 : f32
      %mul3A_199 = vector.broadcast %mul3A_198 : f32 to vector<32x32xf32>
      %mul3A_200 = arith.mulf %mul3A_197, %mul3A_199 : vector<32x32xf32>
      %dot_general3A_201 = arith.constant dense<0.000000e+00> : vector<32x128xf32>
      %dot_general3A_202 = tpu.matmul %mul3A_200, %mul3A_177, %dot_general3A_201 {dimension_numbers = #tpu.dot_dimension_numbers<[1], [1], [0], [0], [0, 0, 1, 0], [], []>, transpose_lhs_hint = false} : vector<32x32xf32>, vector<128x32xf32>, vector<32x128xf32> -> vector<32x128xf32>
      %swap3A_203 = arith.constant 0 : index
      %swap3A_204 = arith.constant 0 : index
      %swap3A_205 = vector.load %arg16[%swap3A_203, %swap3A_204] : memref<32x128xf32, #tpu.memory_space<vmem>>, vector<32x128xf32>
      tpu.vector_store %arg16[%swap3A_203, %swap3A_204], %dot_general3A_202 {strides = array<i32>} : memref<32x128xf32, #tpu.memory_space<vmem>>, vector<32x128xf32>,
      %broadcast_in_dim3A_206 = arith.constant 1.000000e+00 : f32
      %broadcast_in_dim3A_207 = vector.broadcast %broadcast_in_dim3A_206 : f32 to vector<1x32xf32>
      %dot_general3A_208 = arith.constant dense<0.000000e+00> : vector<1x128xf32>
      %dot_general3A_209 = tpu.matmul %broadcast_in_dim3A_207, %mul3A_177, %dot_general3A_208 {dimension_numbers = #tpu.dot_dimension_numbers<[1], [1], [0], [0], [0, 0, 1, 0], [], []>, transpose_lhs_hint = false} : vector<1x32xf32>, vector<128x32xf32>, vector<1x128xf32> -> vector<1x128xf32>
      %mul3A_210 = arith.constant 3.125000e-02 : f32
      %mul3A_211 = vector.broadcast %mul3A_210 : f32 to vector<1x128xf32>
      %mul3A_212 = arith.mulf %dot_general3A_209, %mul3A_211 : vector<1x128xf32>
      %convert_element_type3A_213 = arith.truncf %mul3A_212 : vector<1x128xf32> to vector<1x128xbf16>
      %swap3A_214 = arith.constant 0 : index
      %swap3A_215 = arith.constant 0 : index
      %swap3A_216 = vector.load %arg17[%swap3A_214, %swap3A_215] : memref<48x128xbf16, #tpu.memory_space<vmem>>, vector<1x128xbf16>
      tpu.vector_store %arg17[%swap3A_214, %swap3A_215], %convert_element_type3A_213 {strides = array<i32>} : memref<48x128xbf16, #tpu.memory_space<vmem>>, vector<1x128xbf16>,
      %dot_general3A_217 = arith.constant dense<0.000000e+00> : vector<1x128xf32>
      %dot_general3A_218 = tpu.matmul %broadcast_in_dim3A_180, %mul3A_177, %dot_general3A_217 {dimension_numbers = #tpu.dot_dimension_numbers<[1], [1], [0], [0], [0, 0, 1, 0], [], []>, transpose_lhs_hint = false} : vector<1x32xf32>, vector<128x32xf32>, vector<1x128xf32> -> vector<1x128xf32>
      %mul3A_219 = arith.constant 6.250000e-02 : f32
      %mul3A_220 = vector.broadcast %mul3A_219 : f32 to vector<1x128xf32>
      %mul3A_221 = arith.mulf %dot_general3A_218, %mul3A_220 : vector<1x128xf32>
      %convert_element_type3A_222 = arith.truncf %mul3A_221 : vector<1x128xf32> to vector<1x128xbf16>
      %swap3A_223 = arith.constant 1 : index
      %swap3A_224 = arith.constant 0 : index
      %swap3A_225 = vector.load %arg17[%swap3A_223, %swap3A_224] : memref<48x128xbf16, #tpu.memory_space<vmem>>, vector<1x128xbf16>
      tpu.vector_store %arg17[%swap3A_223, %swap3A_224], %convert_element_type3A_222 {strides = array<i32>} : memref<48x128xbf16, #tpu.memory_space<vmem>>, vector<1x128xbf16>,
      %dot_general3A_226 = arith.constant dense<0.000000e+00> : vector<1x128xf32>
      %dot_general3A_227 = tpu.matmul %add3A_192, %mul3A_177, %dot_general3A_226 {dimension_numbers = #tpu.dot_dimension_numbers<[1], [1], [0], [0], [0, 0, 1, 0], [], []>, transpose_lhs_hint = false} : vector<1x32xf32>, vector<128x32xf32>, vector<1x128xf32> -> vector<1x128xf32>
      %mul3A_228 = arith.constant 6.250000e-02 : f32
      %mul3A_229 = vector.broadcast %mul3A_228 : f32 to vector<1x128xf32>
      %mul3A_230 = arith.mulf %dot_general3A_227, %mul3A_229 : vector<1x128xf32>
      %convert_element_type3A_231 = arith.truncf %mul3A_230 : vector<1x128xf32> to vector<1x128xbf16>
      %swap3A_232 = arith.constant 2 : index
      %swap3A_233 = arith.constant 0 : index
      %swap3A_234 = vector.load %arg17[%swap3A_232, %swap3A_233] : memref<48x128xbf16, #tpu.memory_space<vmem>>, vector<1x128xbf16>
      tpu.vector_store %arg17[%swap3A_232, %swap3A_233], %convert_element_type3A_231 {strides = array<i32>} : memref<48x128xbf16, #tpu.memory_space<vmem>>, vector<1x128xbf16>,
      %broadcast_in_dim3A_235 = arith.constant 7.812500e-03 : bf16
      %broadcast_in_dim3A_236 = vector.broadcast %broadcast_in_dim3A_235 : bf16 to vector<1x128xbf16>
      %swap3A_237 = arith.constant 3 : index
      %swap3A_238 = arith.constant 0 : index
      %swap3A_239 = vector.load %arg17[%swap3A_237, %swap3A_238] : memref<48x128xbf16, #tpu.memory_space<vmem>>, vector<1x128xbf16>
      tpu.vector_store %arg17[%swap3A_237, %swap3A_238], %broadcast_in_dim3A_236 {strides = array<i32>} : memref<48x128xbf16, #tpu.memory_space<vmem>>, vector<1x128xbf16>,
      %broadcast_in_dim3A_240 = arith.constant 0.000000e+00 : bf16
      %broadcast_in_dim3A_241 = vector.broadcast %broadcast_in_dim3A_240 : bf16 to vector<4x128xbf16>
      %swap3A_242 = arith.constant 4 : index
      %swap3A_243 = arith.constant 0 : index
      %swap3A_244 = vector.load %arg17[%swap3A_242, %swap3A_243] : memref<48x128xbf16, #tpu.memory_space<vmem>>, vector<4x128xbf16>
      tpu.vector_store %arg17[%swap3A_242, %swap3A_243], %broadcast_in_dim3A_241 {strides = array<i32>} : memref<48x128xbf16, #tpu.memory_space<vmem>>, vector<4x128xbf16>,
      %transpose3A = tpu.transpose %mul3A_177, [1, 0] : vector<128x32xf32> -> vector<32x128xf32>
      %convert_element_type3A_245 = arith.truncf %transpose3A : vector<32x128xf32> to vector<32x128xbf16>
      %swap3A_246 = arith.constant 8 : index
      %swap3A_247 = arith.constant 0 : index
      %swap3A_248 = vector.load %arg17[%swap3A_246, %swap3A_247] : memref<48x128xbf16, #tpu.memory_space<vmem>>, vector<32x128xbf16>
      tpu.vector_store %arg17[%swap3A_246, %swap3A_247], %convert_element_type3A_245 {strides = array<i32>} : memref<48x128xbf16, #tpu.memory_space<vmem>>, vector<32x128xbf16>,
      %mul3A_249 = vector.broadcast %broadcast_in_dim3A_180 : vector<1x32xf32> to vector<32x32xf32>
      %mul3A_250 = arith.mulf %mul3A_200, %mul3A_249 : vector<32x32xf32>
      %reduce_sum3A_251 = arith.constant dense<0.000000e+00> : vector<32xf32>
      %reduce_sum3A_252 = vector.multi_reduction <add>, %mul3A_250, %reduce_sum3A_251 [1] : vector<32x32xf32> to vector<32xf32>
      %broadcast_in_dim3A_253 = vector.shape_cast %reduce_sum3A_252 : vector<32xf32> to vector<32x1xf32>
      %swap3A_254 = arith.constant 0 : index
      %swap3A_255 = arith.constant 0 : index
      %swap3A_256 = vector.load %arg18[%swap3A_254, %swap3A_255] : memref<32x8xf32, #tpu.memory_space<vmem>>, vector<32x1xf32>
      tpu.vector_store %arg18[%swap3A_254, %swap3A_255], %broadcast_in_dim3A_253 {strides = array<i32>} : memref<32x8xf32, #tpu.memory_space<vmem>>, vector<32x1xf32>,
      %mul3A_257 = vector.broadcast %add3A_192 : vector<1x32xf32> to vector<32x32xf32>
      %mul3A_258 = arith.mulf %mul3A_200, %mul3A_257 : vector<32x32xf32>
      %reduce_sum3A_259 = arith.constant dense<0.000000e+00> : vector<32xf32>
      %reduce_sum3A_260 = vector.multi_reduction <add>, %mul3A_258, %reduce_sum3A_259 [1] : vector<32x32xf32> to vector<32xf32>
      %broadcast_in_dim3A_261 = vector.shape_cast %reduce_sum3A_260 : vector<32xf32> to vector<32x1xf32>
      %swap3A_262 = arith.constant 0 : index
      %swap3A_263 = arith.constant 1 : index
      %swap3A_264 = vector.load %arg18[%swap3A_262, %swap3A_263] : memref<32x8xf32, #tpu.memory_space<vmem>>, vector<32x1xf32>
      tpu.vector_store %arg18[%swap3A_262, %swap3A_263], %broadcast_in_dim3A_261 {strides = array<i32>} : memref<32x8xf32, #tpu.memory_space<vmem>>, vector<32x1xf32>,
      %reduce_sum3A_265 = arith.constant dense<0.000000e+00> : vector<32xf32>
      %reduce_sum3A_266 = vector.multi_reduction <add>, %mul3A_200, %reduce_sum3A_265 [1] : vector<32x32xf32> to vector<32xf32>
      %broadcast_in_dim3A_267 = vector.shape_cast %reduce_sum3A_266 : vector<32xf32> to vector<32x1xf32>
      %swap3A_268 = arith.constant 0 : index
      %swap3A_269 = arith.constant 2 : index
      %swap3A_270 = vector.load %arg18[%swap3A_268, %swap3A_269] : memref<32x8xf32, #tpu.memory_space<vmem>>, vector<32x1xf32>
      tpu.vector_store %arg18[%swap3A_268, %swap3A_269], %broadcast_in_dim3A_267 {strides = array<i32>} : memref<32x8xf32, #tpu.memory_space<vmem>>, vector<32x1xf32>,
      %get3A_271 = arith.constant 0 : index
      %get3A_272 = arith.constant 0 : index
      %get3A_273 = vector.load %arg14[%get3A_271, %get3A_272] : memref<1x32xf32, #tpu.memory_space<vmem>>, vector<1x32xf32>
      %mul3A_274 = vector.broadcast %get3A_273 : vector<1x32xf32> to vector<32x32xf32>
      %mul3A_275 = arith.mulf %add3A_169, %mul3A_274 : vector<32x32xf32>
      %reduce_sum3A_276 = arith.constant dense<0.000000e+00> : vector<32xf32>
      %reduce_sum3A_277 = vector.multi_reduction <add>, %mul3A_275, %reduce_sum3A_276 [1] : vector<32x32xf32> to vector<32xf32>
      %broadcast_in_dim3A_278 = vector.shape_cast %reduce_sum3A_277 : vector<32xf32> to vector<32x1xf32>
      %mul3A_279 = arith.constant 0.176776692 : f32
      %mul3A_280 = vector.broadcast %mul3A_279 : f32 to vector<32x1xf32>
      %mul3A_281 = arith.mulf %broadcast_in_dim3A_278, %mul3A_280 : vector<32x1xf32>
      %swap3A_282 = arith.constant 0 : index
      %swap3A_283 = arith.constant 3 : index
      %swap3A_284 = vector.load %arg18[%swap3A_282, %swap3A_283] : memref<32x8xf32, #tpu.memory_space<vmem>>, vector<32x1xf32>
      tpu.vector_store %arg18[%swap3A_282, %swap3A_283], %mul3A_281 {strides = array<i32>} : memref<32x8xf32, #tpu.memory_space<vmem>>, vector<32x1xf32>,
      %broadcast_in_dim3A_285 = arith.constant 0.000000e+00 : f32
      %broadcast_in_dim3A_286 = vector.broadcast %broadcast_in_dim3A_285 : f32 to vector<32x4xf32>
      %swap3A_287 = arith.constant 0 : index
      %swap3A_288 = arith.constant 4 : index
      %swap3A_289 = vector.load %arg18[%swap3A_287, %swap3A_288] : memref<32x8xf32, #tpu.memory_space<vmem>>, vector<32x4xf32>
      tpu.vector_store %arg18[%swap3A_287, %swap3A_288], %broadcast_in_dim3A_286 {strides = array<i32>} : memref<32x8xf32, #tpu.memory_space<vmem>>, vector<32x4xf32>,
      %reduce_sum3A_290 = vector.shape_cast %broadcast_in_dim3A_180 : vector<1x32xf32> to vector<1x1x32xf32>
      %reduce_sum3A_291 = arith.constant dense<0.000000e+00> : vector<1xf32>
      %reduce_sum3A_292 = vector.multi_reduction <add>, %reduce_sum3A_290, %reduce_sum3A_291 [1, 2] : vector<1x1x32xf32> to vector<1xf32>
      %reduce_sum3A_293 = vector.shape_cast %reduce_sum3A_292 : vector<1xf32> to vector<1x1x1xf32>
      %reduce_sum3A_294 = vector.extract %reduce_sum3A_293[0, 0, 0] : f32 from vector<1x1x1xf32>
      %broadcast_in_dim3A_295 = vector.broadcast %reduce_sum3A_294 : f32 to vector<1x1xf32>
      %mul3A_296 = arith.constant 3.125000e-02 : f32
      %mul3A_297 = vector.broadcast %mul3A_296 : f32 to vector<1x1xf32>
      %mul3A_298 = arith.mulf %broadcast_in_dim3A_295, %mul3A_297 : vector<1x1xf32>
      %swap3A_299 = arith.constant 0 : index
      %swap3A_300 = arith.constant 0 : index
      %swap3A_301 = vector.load %arg19[%swap3A_299, %swap3A_300] : memref<1x8xf32, #tpu.memory_space<vmem>>, vector<1x1xf32>
      tpu.vector_store %arg19[%swap3A_299, %swap3A_300], %mul3A_298 {strides = array<i32>} : memref<1x8xf32, #tpu.memory_space<vmem>>, vector<1x1xf32>,
      %reduce_sum3A_302 = vector.shape_cast %add3A_192 : vector<1x32xf32> to vector<1x1x32xf32>
      %reduce_sum3A_303 = arith.constant dense<0.000000e+00> : vector<1xf32>
      %reduce_sum3A_304 = vector.multi_reduction <add>, %reduce_sum3A_302, %reduce_sum3A_303 [1, 2] : vector<1x1x32xf32> to vector<1xf32>
      %reduce_sum3A_305 = vector.shape_cast %reduce_sum3A_304 : vector<1xf32> to vector<1x1x1xf32>
      %reduce_sum3A_306 = vector.extract %reduce_sum3A_305[0, 0, 0] : f32 from vector<1x1x1xf32>
      %broadcast_in_dim3A_307 = vector.broadcast %reduce_sum3A_306 : f32 to vector<1x1xf32>
      %mul3A_308 = arith.constant 3.125000e-02 : f32
      %mul3A_309 = vector.broadcast %mul3A_308 : f32 to vector<1x1xf32>
      %mul3A_310 = arith.mulf %broadcast_in_dim3A_307, %mul3A_309 : vector<1x1xf32>
      %swap3A_311 = arith.constant 0 : index
      %swap3A_312 = arith.constant 1 : index
      %swap3A_313 = vector.load %arg19[%swap3A_311, %swap3A_312] : memref<1x8xf32, #tpu.memory_space<vmem>>, vector<1x1xf32>
      tpu.vector_store %arg19[%swap3A_311, %swap3A_312], %mul3A_310 {strides = array<i32>} : memref<1x8xf32, #tpu.memory_space<vmem>>, vector<1x1xf32>,
      %mul3A_314 = arith.mulf %broadcast_in_dim3A_180, %broadcast_in_dim3A_180 : vector<1x32xf32>
      %reduce_sum3A_315 = vector.shape_cast %mul3A_314 : vector<1x32xf32> to vector<1x1x32xf32>
      %reduce_sum3A_316 = arith.constant dense<0.000000e+00> : vector<1xf32>
      %reduce_sum3A_317 = vector.multi_reduction <add>, %reduce_sum3A_315, %reduce_sum3A_316 [1, 2] : vector<1x1x32xf32> to vector<1xf32>
      %reduce_sum3A_318 = vector.shape_cast %reduce_sum3A_317 : vector<1xf32> to vector<1x1x1xf32>
      %reduce_sum3A_319 = vector.extract %reduce_sum3A_318[0, 0, 0] : f32 from vector<1x1x1xf32>
      %broadcast_in_dim3A_320 = vector.broadcast %reduce_sum3A_319 : f32 to vector<1x1xf32>
      %mul3A_321 = arith.constant 3.125000e-02 : f32
      %mul3A_322 = vector.broadcast %mul3A_321 : f32 to vector<1x1xf32>
      %mul3A_323 = arith.mulf %broadcast_in_dim3A_320, %mul3A_322 : vector<1x1xf32>
      %swap3A_324 = arith.constant 0 : index
      %swap3A_325 = arith.constant 2 : index
      %swap3A_326 = vector.load %arg19[%swap3A_324, %swap3A_325] : memref<1x8xf32, #tpu.memory_space<vmem>>, vector<1x1xf32>
      tpu.vector_store %arg19[%swap3A_324, %swap3A_325], %mul3A_323 {strides = array<i32>} : memref<1x8xf32, #tpu.memory_space<vmem>>, vector<1x1xf32>,
      %mul3A_327 = arith.mulf %broadcast_in_dim3A_180, %add3A_192 : vector<1x32xf32>
      %reduce_sum3A_328 = vector.shape_cast %mul3A_327 : vector<1x32xf32> to vector<1x1x32xf32>
      %reduce_sum3A_329 = arith.constant dense<0.000000e+00> : vector<1xf32>
      %reduce_sum3A_330 = vector.multi_reduction <add>, %reduce_sum3A_328, %reduce_sum3A_329 [1, 2] : vector<1x1x32xf32> to vector<1xf32>
      %reduce_sum3A_331 = vector.shape_cast %reduce_sum3A_330 : vector<1xf32> to vector<1x1x1xf32>
      %reduce_sum3A_332 = vector.extract %reduce_sum3A_331[0, 0, 0] : f32 from vector<1x1x1xf32>
      %broadcast_in_dim3A_333 = vector.broadcast %reduce_sum3A_332 : f32 to vector<1x1xf32>
      %mul3A_334 = arith.constant 3.125000e-02 : f32
      %mul3A_335 = vector.broadcast %mul3A_334 : f32 to vector<1x1xf32>
      %mul3A_336 = arith.mulf %broadcast_in_dim3A_333, %mul3A_335 : vector<1x1xf32>
      %swap3A_337 = arith.constant 0 : index
      %swap3A_338 = arith.constant 3 : index
      %swap3A_339 = vector.load %arg19[%swap3A_337, %swap3A_338] : memref<1x8xf32, #tpu.memory_space<vmem>>, vector<1x1xf32>
      tpu.vector_store %arg19[%swap3A_337, %swap3A_338], %mul3A_336 {strides = array<i32>} : memref<1x8xf32, #tpu.memory_space<vmem>>, vector<1x1xf32>,
      %mul3A_340 = arith.mulf %add3A_192, %add3A_192 : vector<1x32xf32>
      %reduce_sum3A_341 = vector.shape_cast %mul3A_340 : vector<1x32xf32> to vector<1x1x32xf32>
      %reduce_sum3A_342 = arith.constant dense<0.000000e+00> : vector<1xf32>
      %reduce_sum3A_343 = vector.multi_reduction <add>, %reduce_sum3A_341, %reduce_sum3A_342 [1, 2] : vector<1x1x32xf32> to vector<1xf32>
      %reduce_sum3A_344 = vector.shape_cast %reduce_sum3A_343 : vector<1xf32> to vector<1x1x1xf32>
      %reduce_sum3A_345 = vector.extract %reduce_sum3A_344[0, 0, 0] : f32 from vector<1x1x1xf32>
      %broadcast_in_dim3A_346 = vector.broadcast %reduce_sum3A_345 : f32 to vector<1x1xf32>
      %mul3A_347 = arith.constant 3.125000e-02 : f32
      %mul3A_348 = vector.broadcast %mul3A_347 : f32 to vector<1x1xf32>
      %mul3A_349 = arith.mulf %broadcast_in_dim3A_346, %mul3A_348 : vector<1x1xf32>
      %swap3A_350 = arith.constant 0 : index
      %swap3A_351 = arith.constant 4 : index
      %swap3A_352 = vector.load %arg19[%swap3A_350, %swap3A_351] : memref<1x8xf32, #tpu.memory_space<vmem>>, vector<1x1xf32>
      tpu.vector_store %arg19[%swap3A_350, %swap3A_351], %mul3A_349 {strides = array<i32>} : memref<1x8xf32, #tpu.memory_space<vmem>>, vector<1x1xf32>,
      %broadcast_in_dim3A_353 = arith.constant 0.000000e+00 : f32
      %broadcast_in_dim3A_354 = vector.broadcast %broadcast_in_dim3A_353 : f32 to vector<1x3xf32>
      %swap3A_355 = arith.constant 0 : index
      %swap3A_356 = arith.constant 5 : index
      %swap3A_357 = vector.load %arg19[%swap3A_355, %swap3A_356] : memref<1x8xf32, #tpu.memory_space<vmem>>, vector<1x3xf32>
      tpu.vector_store %arg19[%swap3A_355, %swap3A_356], %broadcast_in_dim3A_354 {strides = array<i32>} : memref<1x8xf32, #tpu.memory_space<vmem>>, vector<1x3xf32>,
    } else {
    }
    %get3A = arith.index_cast %arg0 : i32 to index
    %get3A_2 = arith.constant 0 : index
    %get3A_3 = vector.load %arg16[%get3A, %get3A_2] : memref<32x128xf32, #tpu.memory_space<vmem>>, vector<1x128xf32>
    %convert_element_type3A_4 = arith.truncf %get3A_3 : vector<1x128xf32> to vector<1x128xbf16>
    %swap3A = arith.constant 4 : index
    %swap3A_5 = arith.constant 0 : index
    %swap3A_6 = vector.load %arg17[%swap3A, %swap3A_5] : memref<48x128xbf16, #tpu.memory_space<vmem>>, vector<1x128xbf16>
    tpu.vector_store %arg17[%swap3A, %swap3A_5], %convert_element_type3A_4 {strides = array<i32>} : memref<48x128xbf16, #tpu.memory_space<vmem>>, vector<1x128xbf16>,
    %get3A_7 = arith.constant 0 : index
    %get3A_8 = arith.constant 0 : index
    %get3A_9 = arith.constant 0 : index
    %get3A_10 = vector.load %arg2[%get3A_7, %get3A_8, %get3A_9] : memref<1x8192x128xf32, #tpu.memory_space<vmem>>, vector<1x8192x128xf32>
    %get3A_11 = vector.shape_cast %get3A_10 : vector<1x8192x128xf32> to vector<8192x128xf32>
    %convert_element_type3A_12 = arith.truncf %get3A_11 : vector<8192x128xf32> to vector<8192x128xbf16>
    %get3A_13 = arith.constant 0 : index
    %get3A_14 = arith.constant 0 : index
    %get3A_15 = vector.load %arg17[%get3A_13, %get3A_14] : memref<48x128xbf16, #tpu.memory_space<vmem>>, vector<48x128xbf16>
    %dot_general3A = arith.constant dense<0.000000e+00> : vector<48x8192xf32>
    %dot_general3A_16 = tpu.matmul %get3A_15, %convert_element_type3A_12, %dot_general3A {dimension_numbers = #tpu.dot_dimension_numbers<[1], [1], [0], [0], [0, 0, 1, 0], [], []>, transpose_lhs_hint = false} : vector<48x128xbf16>, vector<8192x128xbf16>, vector<48x8192xf32> -> vector<48x8192xf32>
    %broadcast_in_dim3A = arith.constant 7.812500e-03 : f32
    %broadcast_in_dim3A_17 = vector.broadcast %broadcast_in_dim3A : f32 to vector<1x128xf32>
    %mul3A = arith.mulf %get3A_11, %get3A_11 : vector<8192x128xf32>
    %dot_general3A_18 = arith.constant dense<0.000000e+00> : vector<1x8192xf32>
    %dot_general3A_19 = tpu.matmul %broadcast_in_dim3A_17, %mul3A, %dot_general3A_18 {dimension_numbers = #tpu.dot_dimension_numbers<[1], [1], [0], [0], [0, 0, 1, 0], [], []>, transpose_lhs_hint = false} : vector<1x128xf32>, vector<8192x128xf32>, vector<1x8192xf32> -> vector<1x8192xf32>
    %slice3A = vector.extract_strided_slice %dot_general3A_16 {offsets = [8, 0], sizes = [32, 8192], strides = [1, 1]} : vector<48x8192xf32> to vector<32x8192xf32>
    %broadcast_in_dim3A_20 = arith.constant 3.125000e-02 : f32
    %broadcast_in_dim3A_21 = vector.broadcast %broadcast_in_dim3A_20 : f32 to vector<1x32xf32>
    %mul3A_22 = arith.mulf %slice3A, %slice3A : vector<32x8192xf32>
    %dot_general3A_23 = arith.constant dense<0.000000e+00> : vector<1x8192xf32>
    %dot_general3A_24 = tpu.matmul %broadcast_in_dim3A_21, %mul3A_22, %dot_general3A_23 {dimension_numbers = #tpu.dot_dimension_numbers<[1], [0], [0], [1], [0, 0, 1, 1], [], []>, transpose_lhs_hint = false} : vector<1x32xf32>, vector<32x8192xf32>, vector<1x8192xf32> -> vector<1x8192xf32>
    %slice3A_25 = vector.extract_strided_slice %dot_general3A_16 {offsets = [0, 0], sizes = [1, 8192], strides = [1, 1]} : vector<48x8192xf32> to vector<1x8192xf32>
    %slice3A_26 = vector.extract_strided_slice %dot_general3A_16 {offsets = [1, 0], sizes = [1, 8192], strides = [1, 1]} : vector<48x8192xf32> to vector<1x8192xf32>
    %slice3A_27 = vector.extract_strided_slice %dot_general3A_16 {offsets = [2, 0], sizes = [1, 8192], strides = [1, 1]} : vector<48x8192xf32> to vector<1x8192xf32>
    %slice3A_28 = vector.extract_strided_slice %dot_general3A_16 {offsets = [3, 0], sizes = [1, 8192], strides = [1, 1]} : vector<48x8192xf32> to vector<1x8192xf32>
    %slice3A_29 = vector.extract_strided_slice %dot_general3A_16 {offsets = [4, 0], sizes = [1, 8192], strides = [1, 1]} : vector<48x8192xf32> to vector<1x8192xf32>
    %get3A_30 = arith.index_cast %arg0 : i32 to index
    %get3A_31 = arith.constant 0 : index
    %get3A_32 = vector.load %arg18[%get3A_30, %get3A_31] : memref<32x8xf32, #tpu.memory_space<vmem>>, vector<1x8xf32>
    %slice3A_33 = vector.extract_strided_slice %get3A_32 {offsets = [0, 0], sizes = [1, 1], strides = [1, 1]} : vector<1x8xf32> to vector<1x1xf32>
    %slice3A_34 = vector.extract_strided_slice %get3A_32 {offsets = [0, 1], sizes = [1, 1], strides = [1, 1]} : vector<1x8xf32> to vector<1x1xf32>
    %slice3A_35 = vector.extract_strided_slice %get3A_32 {offsets = [0, 2], sizes = [1, 1], strides = [1, 1]} : vector<1x8xf32> to vector<1x1xf32>
    %slice3A_36 = vector.extract_strided_slice %get3A_32 {offsets = [0, 3], sizes = [1, 1], strides = [1, 1]} : vector<1x8xf32> to vector<1x1xf32>
    %get3A_37 = arith.constant 0 : index
    %get3A_38 = arith.constant 0 : index
    %get3A_39 = vector.load %arg19[%get3A_37, %get3A_38] : memref<1x8xf32, #tpu.memory_space<vmem>>, vector<1x8xf32>
    %slice3A_40 = vector.extract_strided_slice %get3A_39 {offsets = [0, 0], sizes = [1, 1], strides = [1, 1]} : vector<1x8xf32> to vector<1x1xf32>
    %slice3A_41 = vector.extract_strided_slice %get3A_39 {offsets = [0, 1], sizes = [1, 1], strides = [1, 1]} : vector<1x8xf32> to vector<1x1xf32>
    %slice3A_42 = vector.extract_strided_slice %get3A_39 {offsets = [0, 2], sizes = [1, 1], strides = [1, 1]} : vector<1x8xf32> to vector<1x1xf32>
    %slice3A_43 = vector.extract_strided_slice %get3A_39 {offsets = [0, 3], sizes = [1, 1], strides = [1, 1]} : vector<1x8xf32> to vector<1x1xf32>
    %slice3A_44 = vector.extract_strided_slice %get3A_39 {offsets = [0, 4], sizes = [1, 1], strides = [1, 1]} : vector<1x8xf32> to vector<1x1xf32>
    %mul3A_45 = arith.mulf %slice3A_28, %slice3A_28 : vector<1x8192xf32>
    %sub3A = arith.subf %dot_general3A_19, %mul3A_45 : vector<1x8192xf32>
    %add3A = arith.constant 9.99999974E-6 : f32
    %add3A_46 = vector.broadcast %add3A : f32 to vector<1x8192xf32>
    %add3A_47 = arith.addf %sub3A, %add3A_46 : vector<1x8192xf32>
    %rsqrt3A = math.rsqrt %add3A_47 : vector<1x8192xf32>
    %mul3A_48 = arith.mulf %rsqrt3A, %slice3A_28 : vector<1x8192xf32>
    %mul3A_49 = arith.mulf %rsqrt3A, %slice3A_29 : vector<1x8192xf32>
    %mul3A_50 = vector.broadcast %slice3A_33 : vector<1x1xf32> to vector<1x8192xf32>
    %mul3A_51 = arith.mulf %mul3A_48, %mul3A_50 : vector<1x8192xf32>
    %sub3A_52 = arith.subf %mul3A_49, %mul3A_51 : vector<1x8192xf32>
    %add3A_53 = vector.broadcast %slice3A_34 : vector<1x1xf32> to vector<1x8192xf32>
    %add3A_54 = arith.addf %sub3A_52, %add3A_53 : vector<1x8192xf32>
    %mul3A_55 = arith.mulf %rsqrt3A, %slice3A_25 : vector<1x8192xf32>
    %mul3A_56 = vector.broadcast %slice3A_40 : vector<1x1xf32> to vector<1x8192xf32>
    %mul3A_57 = arith.mulf %mul3A_48, %mul3A_56 : vector<1x8192xf32>
    %sub3A_58 = arith.subf %mul3A_55, %mul3A_57 : vector<1x8192xf32>
    %add3A_59 = vector.broadcast %slice3A_41 : vector<1x1xf32> to vector<1x8192xf32>
    %add3A_60 = arith.addf %sub3A_58, %add3A_59 : vector<1x8192xf32>
    %mul3A_61 = arith.mulf %mul3A_48, %slice3A_26 : vector<1x8192xf32>
    %sub3A_62 = arith.subf %slice3A_27, %mul3A_61 : vector<1x8192xf32>
    %mul3A_63 = arith.mulf %mul3A_48, %mul3A_48 : vector<1x8192xf32>
    %mul3A_64 = vector.broadcast %slice3A_42 : vector<1x1xf32> to vector<1x8192xf32>
    %mul3A_65 = arith.mulf %mul3A_63, %mul3A_64 : vector<1x8192xf32>
    %mul3A_66 = arith.constant 2.000000e+00 : f32
    %mul3A_67 = vector.broadcast %mul3A_66 : f32 to vector<1x8192xf32>
    %mul3A_68 = arith.mulf %mul3A_67, %mul3A_48 : vector<1x8192xf32>
    %mul3A_69 = vector.broadcast %slice3A_43 : vector<1x1xf32> to vector<1x8192xf32>
    %mul3A_70 = arith.mulf %mul3A_68, %mul3A_69 : vector<1x8192xf32>
    %sub3A_71 = arith.subf %mul3A_65, %mul3A_70 : vector<1x8192xf32>
    %add3A_72 = vector.broadcast %slice3A_44 : vector<1x1xf32> to vector<1x8192xf32>
    %add3A_73 = arith.addf %sub3A_71, %add3A_72 : vector<1x8192xf32>
    %mul3A_74 = arith.mulf %rsqrt3A, %rsqrt3A : vector<1x8192xf32>
    %mul3A_75 = arith.mulf %mul3A_74, %dot_general3A_24 : vector<1x8192xf32>
    %mul3A_76 = arith.mulf %rsqrt3A, %sub3A_62 : vector<1x8192xf32>
    %add3A_77 = arith.addf %mul3A_75, %mul3A_76 : vector<1x8192xf32>
    %add3A_78 = arith.addf %add3A_77, %add3A_73 : vector<1x8192xf32>
    %mul3A_79 = arith.mulf %add3A_60, %add3A_60 : vector<1x8192xf32>
    %sub3A_80 = arith.subf %add3A_78, %mul3A_79 : vector<1x8192xf32>
    %add3A_81 = arith.constant 9.99999974E-6 : f32
    %add3A_82 = vector.broadcast %add3A_81 : f32 to vector<1x8192xf32>
    %add3A_83 = arith.addf %sub3A_80, %add3A_82 : vector<1x8192xf32>
    %rsqrt3A_84 = math.rsqrt %add3A_83 : vector<1x8192xf32>
    %mul3A_85 = vector.broadcast %slice3A_35 : vector<1x1xf32> to vector<1x8192xf32>
    %mul3A_86 = arith.mulf %add3A_60, %mul3A_85 : vector<1x8192xf32>
    %sub3A_87 = arith.subf %add3A_54, %mul3A_86 : vector<1x8192xf32>
    %mul3A_88 = arith.mulf %rsqrt3A_84, %sub3A_87 : vector<1x8192xf32>
    %add3A_89 = vector.broadcast %slice3A_36 : vector<1x1xf32> to vector<1x8192xf32>
    %add3A_90 = arith.addf %mul3A_88, %add3A_89 : vector<1x8192xf32>
    %swap3A_91 = arith.constant 0 : index
    %swap3A_92 = arith.constant 0 : index
    %swap3A_93 = arith.constant 0 : index
    %swap3A_94 = vector.load %arg15[%swap3A_91, %swap3A_92, %swap3A_93] : memref<1x1x8192xf32, #tpu.memory_space<vmem>>, vector<1x1x8192xf32>
    %swap3A_95 = vector.shape_cast %swap3A_94 : vector<1x1x8192xf32> to vector<1x8192xf32>
    %swap3A_96 = vector.shape_cast %add3A_90 : vector<1x8192xf32> to vector<1x1x8192xf32>
    tpu.vector_store %arg15[%swap3A_91, %swap3A_92, %swap3A_93], %swap3A_96 {strides = array<i32>} : memref<1x1x8192xf32, #tpu.memory_space<vmem>>, vector<1x1x8192xf32>,
    return
  }
  func.func @transform_0(%arg0: i32) -> (i32, i32) {
    %c0_i32 = arith.constant 0 : i32
    %c0_i32_0 = arith.constant 0 : i32
    %c0_i32_1 = arith.constant 0 : i32
    return %c0_i32, %c0_i32_0 : i32, i32
  }
  func.func @transform_1(%arg0: i32) -> (i32, i32, i32) {
    %c0_i32 = arith.constant 0 : i32
    %c0_i32_0 = arith.constant 0 : i32
    %c0_i32_1 = arith.constant 0 : i32
    return %arg0, %c0_i32, %c0_i32_0 : i32, i32, i32
  }
  func.func @transform_2(%arg0: i32) -> (i32, i32) {
    %c0_i32 = arith.constant 0 : i32
    %c0_i32_0 = arith.constant 0 : i32
    %c0_i32_1 = arith.constant 0 : i32
    return %c0_i32, %c0_i32_0 : i32, i32
  }
  func.func @transform_3(%arg0: i32) -> (i32, i32) {
    %c0_i32 = arith.constant 0 : i32
    %c0_i32_0 = arith.constant 0 : i32
    %c0_i32_1 = arith.constant 0 : i32
    return %c0_i32, %c0_i32_0 : i32, i32
  }
  func.func @transform_4(%arg0: i32) -> (i32, i32) {
    %c0_i32 = arith.constant 0 : i32
    %c0_i32_0 = arith.constant 0 : i32
    %c0_i32_1 = arith.constant 0 : i32
    return %c0_i32, %c0_i32_0 : i32, i32
  }
  func.func @transform_5(%arg0: i32) -> (i32, i32) {
    %c0_i32 = arith.constant 0 : i32
    %c0_i32_0 = arith.constant 0 : i32
    %c0_i32_1 = arith.constant 0 : i32
    return %c0_i32, %c0_i32_0 : i32, i32
  }
  func.func @transform_6(%arg0: i32) -> (i32, i32) {
    %c0_i32 = arith.constant 0 : i32
    %c0_i32_0 = arith.constant 0 : i32
    %c0_i32_1 = arith.constant 0 : i32
    return %c0_i32, %c0_i32_0 : i32, i32
  }
  func.func @transform_7(%arg0: i32) -> (i32, i32) {
    %c0_i32 = arith.constant 0 : i32
    %c0_i32_0 = arith.constant 0 : i32
    %c0_i32_1 = arith.constant 0 : i32
    return %c0_i32, %c0_i32_0 : i32, i32
  }
  func.func @transform_8(%arg0: i32) -> (i32, i32) {
    %c0_i32 = arith.constant 0 : i32
    %c0_i32_0 = arith.constant 0 : i32
    %c0_i32_1 = arith.constant 0 : i32
    return %c0_i32, %c0_i32_0 : i32, i32
  }
  func.func @transform_9(%arg0: i32) -> (i32, i32) {
    %c0_i32 = arith.constant 0 : i32
    %c0_i32_0 = arith.constant 0 : i32
    %c0_i32_1 = arith.constant 0 : i32
    return %c0_i32, %c0_i32_0 : i32, i32
  }
  func.func @transform_10(%arg0: i32) -> (i32, i32) {
    %c0_i32 = arith.constant 0 : i32
    %c0_i32_0 = arith.constant 0 : i32
    %c0_i32_1 = arith.constant 0 : i32
    return %c0_i32, %c0_i32_0 : i32, i32
  }
  func.func @transform_11(%arg0: i32) -> (i32, i32) {
    %c0_i32 = arith.constant 0 : i32
    %c0_i32_0 = arith.constant 0 : i32
    %c0_i32_1 = arith.constant 0 : i32
    return %c0_i32, %c0_i32_0 : i32, i32
  }
  func.func @transform_12(%arg0: i32) -> (i32, i32) {
    %c0_i32 = arith.constant 0 : i32
    %c0_i32_0 = arith.constant 0 : i32
    %c0_i32_1 = arith.constant 0 : i32
    return %c0_i32, %c0_i32_0 : i32, i32
  }
  func.func @transform_13(%arg0: i32) -> (i32, i32) {
    %c0_i32 = arith.constant 0 : i32
    %c0_i32_0 = arith.constant 0 : i32
    %c0_i32_1 = arith.constant 0 : i32
    return %c0_i32, %c0_i32_0 : i32, i32
  }
  func.func @transform_14(%arg0: i32) -> (i32, i32, i32) {
    %c0_i32 = arith.constant 0 : i32
    %c0_i32_0 = arith.constant 0 : i32
    %c0_i32_1 = arith.constant 0 : i32
    return %arg0, %c0_i32, %c0_i32_0 : i32, i32, i32
  }
}

</mosaic_0001>

<sc_bundles>
// kernel: kernel.4.cloned.1.call-start
scs
__scs_entry_jumppad:
0x0: {  	(pc) =	sbr.rel $0x88, $3  }
0x1: {  	(tag) =	ssettag $0x0;
	lr =	simm.s32 $0x1  }
0x2: {  	[smem:$0x3F8F] =	sst lr;
	_ =	strace $0xD0000000  }
0x3: {  	_ = 	snop  }
0x4: {  	_ = 	snop  }
0x5: {  	_ = 	snop  }
0x6: {  	_ = 	snop  }
0x7: {  	_ = 	snop  }
__scs_overlays_trampoline_lowered:
0x8: {  	[smem:$0x3F9E] =	sst s0  }
0x9: {  	[smem:$0x3F9F] =	sst s1  }
0xa: {  	[smem:$0x3FA0] =	sst s2  }
0xb: {  	[smem:$0x3FA1] =	sst s3  }
0xc: {  	[smem:$0x3FA2] =	sst s4  }
0xd: {  	[smem:$0x3FA3] =	sst s5  }
0xe: {  	[smem:$0x3FA4] =	sst s6  }
0xf: {  	[smem:$0x3FA5] =	sst s7  }
0x10: {  	[smem:$0x3FA6] =	sst s8  }
0x11: {  	[smem:$0x3FA7] =	sst s9;
	s0 =	simm.s32 @!p0 $0x0  }
0x12: {  	s1 =	sld [smem:$0x3F8D];
	s0 =	simm.s32 @p0 $0x1  }
0x13: {  	[smem:$0x3FA8] =	sst s0;
	s0 =	simm.s32 @!p1 $0x0  }
0x14: {  	s2 =	sld [smem:$0x3F8C];
	s0 =	simm.s32 @p1 $0x1  }
0x15: {  	[smem:$0x3FA9] =	sst s0;
	s0 =	simm.s32 @!p2 $0x0  }
0x16: {  	s3 =	sld [smem:$0x3FDB];
	s0 =	simm.s32 @p2 $0x1  }
0x17: {  	s4 =	simm.s32 $0x1BF5;
	[smem:$0x3FAB] =	sst s0  }
0x18: {  	s0 =	sld [smem:$0x3F8E];
	_ =	swait.ge [sflag:s4], $0x0  }
0x19: {  	s7 =	sld [smem:$0x3F8F]  }
0x1a: {  	s8 =	sadd.s32 $0xFFFFE003, lr  }
0x1b: {  	s9 =	sadd.s32 $0xFFFFFEF7, lr;
	s5 =	simm.s32 $0xFFFFFFFF;
	p2 =	slt.u32 s8, $0xFFFFF086  }
0x1c: {  	p1 =	slt.u32 s9, $0xF7A;
	s5 =	simm.s32 @!p2 $0x0  }
0x1d: {  	s5 =	simm.s32 @p1 $0x1;
	p0 =	seq.s32 s7, s2  }
0x1e: {  	s7 =	smul.u32 @!p0 $0xF7A, s2;
	p2 =	seq.s32 @!p0 s5, $0x0  }
0x1f: {  	s9 =	smul.u32 $0xF7A, s1;
	s8 =	simm.s32 @!p0 $0x1BF5;
	p2 =	por !p2, p0  }
0x20: {  	[sflag:s8] =	ssyncset.s32 @!p0 $0xFFFFF086;
	s6 =	sadd.s32 @!p0 s3, s7;
	s7 =	simm.s32 @!p0 $0x108  }
0x21: {  	s3 =	sadd.s32 s3, s9;
	s6 =	sadd.s32 @!p0 $0x88, s6;
	s7 =	simm.s32 @p2 $0x1082  }
0x22: {  	[simem:s7], [sflag:s8] =	dma.local @!p0 [hbm:s6], $0xF7A  }
0x23: {  	s9 =	sor.u32 $0xD0000000, s2;
	s6 =	simm.s32 $0x108;
	_ =	swait.ge @!p0 [sflag:s8], $0x0  }
0x24: {  	s3 =	sadd.s32 $0x88, s3;
	s6 =	simm.s32 @!p1 $0x1082;
	[sflag:s4] =	ssyncset.s32 $0xFFFFF086  }
0x25: {  	[simem:s6], [sflag:s4] =	dma.local [hbm:s3], $0xF7A  }
0x26: {  	[smem:$0x3F8F] =	sst s1;
	(tag) =	ssettag s2;
	_ =	strace s9  }
0x27: {  	s1 =	sld [smem:$0x3F9F]  }
0x28: {  	s2 =	sld [smem:$0x3FA0]  }
0x29: {  	s4 =	sld [smem:$0x3FA2]  }
0x2a: {  	p0 =	seq.s32 s5, $0x0;
	s5 =	sld [smem:$0x3FA3]  }
0x2b: {  	s6 =	sld [smem:$0x3FA4]  }
0x2c: {  	s7 =	sld [smem:$0x3FA5]  }
0x2d: {  	s3 =	simm.s32 $0x108;
	s8 =	sld [smem:$0x3FA6]  }
0x2e: {  	s3 =	simm.s32 @!p0 $0x1082;
	s9 =	sld [smem:$0x3FA7]  }
0x2f: {  	lr =	sadd.s32 s0, s3;
	s0 =	sld [smem:$0x3F9E]  }
0x30: {  	s3 =	sld [smem:$0x3FA1]  }
0x31: {  	[smem:$0x3FAA] =	sst s10  }
0x32: {  	s10 =	sld [smem:$0x3FA8];
	_ =	sdelay $0x3  }
0x33: {  	p0 =	seq.s32 s10, $0x1;
	s10 =	sld [smem:$0x3FAA];
	_ =	sdelay $0x3  }
0x34: {  	[smem:$0x3FAA] =	sst s10  }
0x35: {  	s10 =	sld [smem:$0x3FA9];
	_ =	sdelay $0x3  }
0x36: {  	p1 =	seq.s32 s10, $0x1;
	s10 =	sld [smem:$0x3FAA];
	_ =	sdelay $0x3  }
0x37: {  	[smem:$0x3FAA] =	sst s10  }
0x38: {  	s10 =	sld [smem:$0x3FAB]  }
0x39: {  	_ = 	snop;
	(pc) =	sbr.ind lr, $3  }
0x3a: {  	_ = 	snop  }
0x3b: {  	_ = 	snop  }
0x3c: {  	p2 =	seq.s32 s10, $0x1;
	s10 =	sld [smem:$0x3FAA]  }
0x3d: {  	_ =	shalt  }
0x3e: {  	_ =	shalt  }
0x3f: {  	_ =	shalt  }
0x40: {  	_ =	shalt  }
0x41: {  	_ =	shalt  }
0x42: {  	_ =	shalt  }
0x43: {  	_ =	shalt  }
0x44: {  	_ =	shalt  }
0x45: {  	_ =	shalt  }
0x46: {  	_ =	shalt  }
0x47: {  	_ =	shalt  }
0x48: {  	_ =	shalt  }
0x49: {  	_ =	shalt  }
0x4a: {  	_ =	shalt  }
0x4b: {  	_ =	shalt  }
0x4c: {  	_ =	shalt  }
0x4d: {  	_ =	shalt  }
0x4e: {  	_ =	shalt  }
0x4f: {  	_ =	shalt  }
0x50: {  	_ =	shalt  }
0x51: {  	_ =	shalt  }
0x52: {  	_ =	shalt  }
0x53: {  	_ =	shalt  }
0x54: {  	_ =	shalt  }
0x55: {  	_ =	shalt  }
0x56: {  	_ =	shalt  }
0x57: {  	_ =	shalt  }
0x58: {  	_ =	shalt  }
0x59: {  	_ =	shalt  }
0x5a: {  	_ =	shalt  }
0x5b: {  	_ =	shalt  }
0x5c: {  	_ =	shalt  }
0x5d: {  	_ =	shalt  }
0x5e: {  	_ =	shalt  }
0x5f: {  	_ =	shalt  }
0x60: {  	_ =	shalt  }
0x61: {  	_ =	shalt  }
0x62: {  	_ =	shalt  }
0x63: {  	_ =	shalt  }
0x64: {  	_ =	shalt  }
0x65: {  	_ =	shalt  }
0x66: {  	_ =	shalt  }
0x67: {  	_ =	shalt  }
0x68: {  	_ =	shalt  }
0x69: {  	_ =	shalt  }
0x6a: {  	_ =	shalt  }
0x6b: {  	_ =	shalt  }
0x6c: {  	_ =	shalt  }
0x6d: {  	_ =	shalt  }
0x6e: {  	_ =	shalt  }
0x6f: {  	_ =	shalt  }
0x70: {  	_ =	shalt  }
0x71: {  	_ =	shalt  }
0x72: {  	_ =	shalt  }
0x73: {  	_ =	shalt  }
0x74: {  	_ =	shalt  }
0x75: {  	_ =	shalt  }
0x76: {  	_ =	shalt  }
0x77: {  	_ =	shalt  }
0x78: {  	_ =	shalt  }
0x79: {  	_ =	shalt  }
0x7a: {  	_ =	shalt  }
0x7b: {  	_ =	shalt  }
0x7c: {  	_ =	shalt  }
0x7d: {  	_ =	shalt  }
0x7e: {  	_ =	shalt  }
0x7f: {  	_ =	shalt  }
0x80: {  	_ =	shalt  }
0x81: {  	_ =	shalt  }
0x82: {  	_ =	shalt  }
0x83: {  	_ =	shalt  }
0x84: {  	_ =	shalt  }
0x85: {  	_ =	shalt  }
0x86: {  	_ =	shalt  }
0x87: {  	_ =	shalt  }
.Lfunc_end0:
.L_simem_size_0:
called_computation_lowered:
.L_overlay_start_0:
0x88: {  	s2 =	sld [smem:$0x3FD9]  }
0x89: {  	s3 =	sld [smem:$0x3FFE];
	_ =	sdelay $0x1  }
0x8a: {  	s1 =	srdreg.scid  }
0x8b: {  	s0 =	sand.u32 $0x1, s1  }
0x8c: {  	s17 =	sshll.u32 s0, $0xA;
	s2 =	sadd.s32 s3, s2  }
0x8d: {  	s2 =	sadd.s32 s2, s17  }
0x8e: {  	[smem:$0x3FB6] =	sst s2  }
0x8f: {  	_ = 	snop  }
0x90: {  	s2 =	sld [smem:$0x3FC7]  }
0x91: {  	s18 =	sld [smem:$0x3FD0];
	(tm) =	ssettm $0x1  }
0x92: {  	s4 =	sld [smem:$0x3FFB];
	_ =	sdelay $0x3  }
0x93: {  	_ =	strace s4  }
0x94: {  	s4 =	sld [smem:$0x3FFC];
	_ =	sdelay $0x3  }
0x95: {  	_ =	strace s4  }
0x96: {  	s4 =	sld [smem:$0x3FFD];
	_ =	sdelay $0x3  }
0x97: {  	_ =	strace s4  }
0x98: {  	_ =	strace $0x8FFFFFFF  }
0x99: {  	s19 =	sld [smem:$0x3FDB];
	_ =	sdelay $0x1  }
0x9a: {  	s5 =	simm.s32 $_scs_section_size  }
0x9b: {  	s6 =	simm.s32 $_size__tile_overlayer_lowered;
	s7 =	simm.s32 $_tile_overlayer_lowered  }
0x9c: {  	s22 =	simm.s32 $0x1BFF;
	s21 =	sshll.u32 s7, $0x1;
	s4 =	sadd.s32 s5, s19  }
0x9d: {  	s8 =	simm.s32 $0x0;
	s20 =	sshll.u32 s6, $0x1;
	s6 =	sadd.s32 s21, s4  }
0x9e: {  	[timem:s8], [sflag:s22] =	dma.local [hbm:s6], s20  }
0x9f: {  	_ =	swait.ge [sflag:s22], s20  }
0xa0: {  	s5 =	ssub.s32 $0x0, s20;
	[sflag:s22] =	ssyncset.done $0x0  }
0xa1: {  	[sflag:s22] =	ssyncadd.s32 s5;
	_ =	sdelay $0x1  }
0xa2: {  	s23 =	simm.s32 $0x1B8B  }
0xa3: {  	_ =	swait.ge [sflag:s23], $0x1  }
0xa4: {  	[sflag:s23] =	ssyncset.done $0x0  }
0xa5: {  	s25 =	simm.s32 $0x1B8E;
	s24 =	sld [smem:$0x3FFE];
	[sflag:s23] =	ssyncadd.s32 $0xFFFFFFFF  }
0xa6: {  	s26 =	simm.s32 $execute0_lowered;
	[smem:$0x3FD2] =	sst s25  }
0xa7: {  	s6 =	sshll.u32 s26, $0x1;
	_ =	strace $0x80000046;
	[dreg:$0x1] =	wrdreg $0xFFFFFFFF  }
0xa8: {  	s28 =	simm.s32 $_size_execute0_lowered;
	s4 =	sadd.s32 s4, s6;
	[dreg:$0x0] =	wrdreg $0x0  }
0xa9: {  	s6 =	sshll.u32 s28, $0x1;
	[dreg:$0x2] =	wrdreg s4  }
0xaa: {  	[dreg:$0x3] =	wrdreg s6  }
0xab: {  	[dreg:$0x4] =	wrdreg $0xC0  }
0xac: {  	_ =	task [dreg:s8], $0x5FFFF  }
0xad: {  	[dreg:$0x1] =	wrdreg $0xFFFFFFFF  }
0xae: {  	[dreg:$0x0] =	wrdreg $0x60  }
0xaf: {  	[dreg:$0x2] =	wrdreg s24  }
0xb0: {  	[dreg:$0x3] =	wrdreg s2  }
0xb1: {  	[dreg:$0x4] =	wrdreg s18  }
0xb2: {  	[dreg:$0x5] =	wrdreg $0x9  }
0xb3: {  	_ =	task.clear_ibuf [dreg:s8], $0x6FFFF;
	_ =	strace $0x90000046  }
0xb4: {  	s29 =	simm.s32 $0x9;
	_ =	strace $0x80000048  }
0xb5: {  	_ =	swait.ge [sflag:s29], $0x1  }
0xb6: {  	[sflag:s29] =	ssyncadd.s32 $0xFFFFFFFF  }
0xb7: {  	_ =	strace $0x90000048  }
0xb8: {  	_ =	sfence  }
0xb9: {  	s30 =	sld [smem:$0x0];
	_ =	sdelay $0x2  }
0xba: {  	s31 =	sshll.u32 s1, $0xD;
	s1 =	sshrl.u32 s1, $0x2  }
0xbb: {  	s3 =	sand.u32 $0x4000, s31;
	s1 =	sadd.s32 s1, s30  }
0xbc: {  	s0 =	sor.u32 s3, s0;
	s1 =	sshll.u32 s1, $0x11  }
0xbd: {  	s0 =	sor.u32 s1, s0  }
0xbe: {  	s0 =	sadd.s32 $0x8F2B, s0  }
0xbf: {  	[sflag:s0] =	ssyncadd.remote.s32 $0x1  }
0xc0: {  	_ =	sfence.sel $0xFFFF  }
0xc1: {  	[dreg:$0x0] =	wrdreg $0xFFFFFFFF;
	(pc) =	sbr.abs _section_cstart, $3  }
0xc2: {  	[dreg:$0x1] =	wrdreg $0xFFFFFFFF  }
0xc3: {  	_ =	task.clear_ibuf [dreg:s8], $0x2FFFF;
	_ =	strace $0x9FFFFFFF  }
0xc4: {  	(tm) =	ssettm $0x7FFFFFFF  }
0xc5: {  	_ =	shalt  }
tec
execute0_lowered:
.L_overlay_start_1:
0x0: {  	(tag) =	ssettag $0x1  }
0x1: {  	s6 =	rddreg [dreg:$0x0]  }
0x2: {  	s1 =	srdreg.scid;
	s7 =	rddreg [dreg:$0x1]  }
0x3: {  	s0 =	stileid.u32;
	s2 =	rddreg [dreg:$0x2]  }
0x4: {  	s13 =	simm.s32 $0x2000;
	s14 =	simm.s32 $0xB000;
	s15 =	simm.s32 $0xB080  }
0x5: {  	s16 =	simm.s32 $0xB100;
	s17 =	simm.s32 $0xA000;
	s18 =	simm.s32 $0x6000  }
0x6: {  	s19 =	simm.s32 $0xB180;
	s20 =	simm.s32 $0x8000;
	s21 =	simm.s32 $0x0  }
0x7: {  	s5 =	sand.u32 $0x1, s1;
	s30 =	sshll.u32 s0, $0x8;
	s4 =	sshrl.u32 s0, $0x2  }
0x8: {  	s3 =	sshll.u32 s5, $0x7;
	s1 =	sand.u32 $0x300, s30;
	s9 =	sshll.u32 s4, $0x10  }
0x9: {  	s11 =	sshll.u32 s4, $0xA;
	s4 =	sadd.s32 $0x9800, s6;
	s31 =	ssub.s32 $0x2, s5  }
0xa: {  	s5 =	sadd.s32 $0x9400, s6;
	s8 =	sor.u32 s3, s1;
	s1 =	rddreg [dreg:$0x3]  }
0xb: {  	s3 =	simm.s32 $0x0;
	s12 =	sshrl.u32 s31, $0x1;
	s9 =	sor.u32 s9, s8  }
0xc: {  	[smem:$0x7FF] =	sst s3;
	s8 =	sor.u32 s11, s8;
	s11 =	ssub.s32 s31, s12  }
0xd: {  	v0 =	vlaneseq.u32;
	s12 =	simm.s32 $0x1;
	s9 =	sshrl.u32 s9, $0x3;
	s8 =	sshrl.u32 s8, $0x3  }
0xe: {  	v1 =	vimm.s32 $0x0;
	v4 =	vmul.u32 $0xFFFFFFFF, v0;
	_ =	strace $0x80000047;
	s10 =	sadd.s32 s9, s6;
	s8 =	sadd.s32 s8, s6  }
0xf: {  	v3 =	vimm.s32 $0x1;
	vm5 =	vmxor vm5, vm5;
	v5 =	vimm.f32 $0.0e+00;
	s7 =	sadd.s32 s7, s9;
	s9 =	smax.u32 s11, $0x1;
	s11 =	simm.s32 $0x400  }
0x10: {  	v6 =	vimm.s32 $0x80000000;
	v2 =	vmul.u32 $0x100, v0;
	v4 =	vadd.s32 $0xF, v4;
	s6 =	sadd.s32 $0x1400, s10;
	s8 =	sadd.s32 $0x9A00, s8;
	s10 =	simm.s32 $0x80  }
.LBB2_1:
0x11: {  	[tilespmem:s3], [sflag:$0x1] =	stream.strided.gather [hbm4b:s6+s10], $0x2000, s11, s10, $0x38;
	[tilespmem:$0xB200] =	vst v63  }
0x12: {  	_ =	swait.ge [sflag:s12], $0x2000  }
0x13: {  	[sflag:s12] =	ssyncset.done $0x0  }
0x14: {  	[sflag:s12] =	ssyncadd.s32 $0xFFFFE000  }
0x15: {  	[tilespmem:s13], [sflag:$0x1] =	stream.strided.gather [hbm4b:s7+s10], $0x2000, s11, s10, $0x38;
	[tilespmem:$0xB200] =	vst v63  }
0x16: {  	_ =	swait.ge [sflag:s12], $0x2000  }
0x17: {  	[sflag:s12] =	ssyncset.done $0x0  }
0x18: {  	[sflag:s12] =	ssyncadd.s32 $0xFFFFE000  }
0x19: {  	[tilespmem:s14], [sflag:$0x1] =	stream.linear.gather [hbm4b:s4+s3], $0x80, $0x38;
	[tilespmem:$0xB200] =	vst v63  }
0x1a: {  	_ =	swait.ge [sflag:s12], $0x80  }
0x1b: {  	[sflag:s12] =	ssyncset.done $0x0  }
0x1c: {  	[sflag:s12] =	ssyncadd.s32 $0xFFFFFF80  }
0x1d: {  	[tilespmem:s15], [sflag:$0x1] =	stream.linear.gather [hbm4b:s2+s3], $0x80, $0x38;
	[tilespmem:$0xB200] =	vst v63  }
0x1e: {  	_ =	swait.ge [sflag:s12], $0x80  }
0x1f: {  	[sflag:s12] =	ssyncset.done $0x0  }
0x20: {  	[sflag:s12] =	ssyncadd.s32 $0xFFFFFF80  }
0x21: {  	[tilespmem:s16], [sflag:$0x1] =	stream.linear.gather [hbm4b:s5+s3], $0x80, $0x38;
	[tilespmem:$0xB200] =	vst v63  }
0x22: {  	_ =	swait.ge [sflag:s12], $0x80  }
0x23: {  	[sflag:s12] =	ssyncset.done $0x0  }
0x24: {  	s24 =	simm.s32 $0xA040;
	[sflag:s12] =	ssyncadd.s32 $0xFFFFFF80  }
0x25: {  	[tilespmem:s24+$0xFFFFFFC0] =	vst v1  }
0x26: {  	[tilespmem:s24+$0x30] =	vst v1  }
0x27: {  	[tilespmem:s24+$0x20] =	vst v1  }
0x28: {  	[tilespmem:s24+$0x10] =	vst v1  }
0x29: {  	[tilespmem:s24+$0x0] =	vst v1  }
0x2a: {  	[tilespmem:s24+$0xFFFFFFF0] =	vst v1  }
0x2b: {  	s22 =	simm.s32 $0xFFFFFFF8;
	s26 =	simm.s32 $0x0;
	s23 =	simm.s32 $0x4040;
	[tilespmem:s24+$0xFFFFFFE0] =	vst v1  }
.LBB2_2:
0x2c: {  	s26 =	sadd.s32 $0x8, s26;
	[tilespmem:s24+$0xFFFFFFD0] =	vst v1;
	s24 =	sadd.s32 $0x80, s24;
	v7 =	vimm.f32 $-Inf;
	s25 =	simm.s32 $0x40  }
0x2d: {  	[tilespmem:s24+$0xFFFFFFC0] =	vst v1;
	p0 =	slt.u32 s26, $0xF8  }
0x2e: {  	[tilespmem:s24+$0x30] =	vst v1  }
.Ltmp0:
0x2f: {  	[tilespmem:s24+$0x20] =	vst v1;
	(pc) =	sbr.rel @p0 .LBB2_2-.Ltmp0, $4  }
0x30: {  	[tilespmem:s24+$0x10] =	vst v1  }
0x31: {  	[tilespmem:s24+$0x0] =	vst v1  }
0x32: {  	[tilespmem:s24+$0xFFFFFFF0] =	vst v1  }
0x33: {  	[tilespmem:s24+$0xFFFFFFE0] =	vst v1  }
0x34: {  	[tilespmem:s24+$0xFFFFFFD0] =	vst v1  }
.LBB2_4:
0x35: {  	v8 =	vld [tilespmem:s25+$0xFFFFFFC0];
	_ =	sdelay $0x4  }
0x36: {  	vm0 =	vlt.s32 v8, $0x0;
	v9 =	vxor.u32 $0x7FFFFFFF, v8  }
0x37: {  	v9 =	vsel vm0, v9, v8  }
0x38: {  	v10 =	vxor.u32 $0x80000000, v9  }
0x39: {  	v11 =	vshrl.u32 v10, $0x18  }
0x3a: {  	v9 =	vshrl.u32 v9, $0x18;
	v11 =	vand.u32 $0x80, v11  }
0x3b: {  	v9 =	vand.u32 $0x7F, v9;
	v11 =	vor.u32 v2, v11  }
0x3c: {  	v9 =	vor.u32 v9, v11;
	_ =	sdelay $0x3  }
0x3d: {  	[tilespmem:s23+$0xFFFFFFC0] =	vst v10  }
0x3e: {  	[tilespmem:v9+s17+$0x0] =	vst.idx.add.s32.msk $0xffff, v3  }
0x3f: {  	v9 =	vld [tilespmem:s25+$0xFFFFFFD0];
	_ =	sdelay $0x4  }
0x40: {  	vm9 =	vlt.s32 v9, $0x0;
	v10 =	vxor.u32 $0x7FFFFFFF, v9  }
0x41: {  	v10 =	vsel vm9, v10, v9  }
0x42: {  	v11 =	vxor.u32 $0x80000000, v10  }
0x43: {  	v12 =	vshrl.u32 v11, $0x18  }
0x44: {  	v10 =	vshrl.u32 v10, $0x18;
	v12 =	vand.u32 $0x80, v12  }
0x45: {  	v10 =	vand.u32 $0x7F, v10;
	v12 =	vor.u32 v2, v12  }
0x46: {  	v10 =	vor.u32 v10, v12;
	_ =	sdelay $0x3  }
0x47: {  	[tilespmem:s23+$0xFFFFFFD0] =	vst v11  }
0x48: {  	[tilespmem:v10+s17+$0x0] =	vst.idx.add.s32.msk $0xffff, v3  }
0x49: {  	v10 =	vld [tilespmem:s25+$0xFFFFFFE0];
	_ =	sdelay $0x4  }
0x4a: {  	vm10 =	vlt.s32 v10, $0x0;
	v11 =	vxor.u32 $0x7FFFFFFF, v10  }
0x4b: {  	v11 =	vsel vm10, v11, v10  }
0x4c: {  	v52 =	vxor.u32 $0x80000000, v11  }
0x4d: {  	v13 =	vshrl.u32 v52, $0x18  }
0x4e: {  	v11 =	vshrl.u32 v11, $0x18;
	v13 =	vand.u32 $0x80, v13  }
0x4f: {  	v11 =	vand.u32 $0x7F, v11;
	v13 =	vor.u32 v2, v13  }
0x50: {  	v11 =	vor.u32 v11, v13;
	_ =	sdelay $0x3  }
0x51: {  	[tilespmem:s23+$0xFFFFFFE0] =	vst v52  }
0x52: {  	[tilespmem:v11+s17+$0x0] =	vst.idx.add.s32.msk $0xffff, v3  }
0x53: {  	v11 =	vld [tilespmem:s25+$0xFFFFFFF0];
	_ =	sdelay $0x4  }
0x54: {  	vm11 =	vlt.s32 v11, $0x0;
	v53 =	vxor.u32 $0x7FFFFFFF, v11  }
0x55: {  	v12 =	vsel vm11, v53, v11  }
0x56: {  	v54 =	vxor.u32 $0x80000000, v12  }
0x57: {  	v14 =	vshrl.u32 v54, $0x18  }
0x58: {  	v12 =	vshrl.u32 v12, $0x18;
	v14 =	vand.u32 $0x80, v14  }
0x59: {  	v12 =	vand.u32 $0x7F, v12;
	v14 =	vor.u32 v2, v14  }
0x5a: {  	v12 =	vor.u32 v12, v14;
	_ =	sdelay $0x3  }
0x5b: {  	[tilespmem:s23+$0xFFFFFFF0] =	vst v54  }
0x5c: {  	[tilespmem:v12+s17+$0x0] =	vst.idx.add.s32.msk $0xffff, v3  }
0x5d: {  	v12 =	vld [tilespmem:s25+$0x0];
	_ =	sdelay $0x4  }
0x5e: {  	vm12 =	vlt.s32 v12, $0x0;
	v55 =	vxor.u32 $0x7FFFFFFF, v12  }
0x5f: {  	v13 =	vsel vm12, v55, v12  }
0x60: {  	v56 =	vxor.u32 $0x80000000, v13  }
0x61: {  	v15 =	vshrl.u32 v56, $0x18  }
0x62: {  	v13 =	vshrl.u32 v13, $0x18;
	v15 =	vand.u32 $0x80, v15  }
0x63: {  	v13 =	vand.u32 $0x7F, v13;
	v15 =	vor.u32 v2, v15  }
0x64: {  	v13 =	vor.u32 v13, v15;
	_ =	sdelay $0x3  }
0x65: {  	[tilespmem:s23+$0x0] =	vst v56  }
0x66: {  	[tilespmem:v13+s17+$0x0] =	vst.idx.add.s32.msk $0xffff, v3  }
0x67: {  	v13 =	vld [tilespmem:s25+$0x10];
	_ =	sdelay $0x4  }
0x68: {  	vm13 =	vlt.s32 v13, $0x0;
	v57 =	vxor.u32 $0x7FFFFFFF, v13  }
0x69: {  	v14 =	vsel vm13, v57, v13  }
0x6a: {  	v58 =	vxor.u32 $0x80000000, v14  }
0x6b: {  	v16 =	vshrl.u32 v58, $0x18  }
0x6c: {  	v14 =	vshrl.u32 v14, $0x18;
	v16 =	vand.u32 $0x80, v16  }
0x6d: {  	v14 =	vand.u32 $0x7F, v14;
	v16 =	vor.u32 v2, v16  }
0x6e: {  	v14 =	vor.u32 v14, v16;
	_ =	sdelay $0x3  }
0x6f: {  	[tilespmem:s23+$0x10] =	vst v58  }
0x70: {  	[tilespmem:v14+s17+$0x0] =	vst.idx.add.s32.msk $0xffff, v3  }
0x71: {  	v14 =	vld [tilespmem:s25+$0x20];
	_ =	sdelay $0x4  }
0x72: {  	vm14 =	vlt.s32 v14, $0x0;
	v59 =	vxor.u32 $0x7FFFFFFF, v14  }
0x73: {  	v15 =	vsel vm14, v59, v14  }
0x74: {  	v60 =	vxor.u32 $0x80000000, v15  }
0x75: {  	v17 =	vshrl.u32 v60, $0x18  }
0x76: {  	v15 =	vshrl.u32 v15, $0x18;
	v17 =	vand.u32 $0x80, v17  }
0x77: {  	v15 =	vand.u32 $0x7F, v15;
	v17 =	vor.u32 v2, v17  }
0x78: {  	v15 =	vor.u32 v15, v17;
	_ =	sdelay $0x3  }
0x79: {  	[tilespmem:s23+$0x20] =	vst v60  }
0x7a: {  	[tilespmem:v15+s17+$0x0] =	vst.idx.add.s32.msk $0xffff, v3  }
0x7b: {  	v15 =	vld [tilespmem:s25+$0x30];
	_ =	sdelay $0x4  }
0x7c: {  	vm15 =	vlt.s32 v15, $0x0;
	v61 =	vxor.u32 $0x7FFFFFFF, v15  }
0x7d: {  	v16 =	vsel vm15, v61, v15  }
0x7e: {  	v62 =	vxor.u32 $0x80000000, v16  }
0x7f: {  	v18 =	vshrl.u32 v62, $0x18  }
0x80: {  	v7 =	vmax.f32 v7, v8;
	v8 =	vshrl.u32 v16, $0x18;
	v63 =	vand.u32 $0x80, v18  }
0x81: {  	s22 =	sadd.s32 $0x8, s22;
	v7 =	vmax.f32 v7, v9;
	v8 =	vand.u32 $0x7F, v8;
	v9 =	vor.u32 v2, v63  }
0x82: {  	p0 =	slt.u32 s22, $0x1F8;
	v7 =	vmax.f32 v7, v10;
	v8 =	vor.u32 v8, v9  }
.Ltmp1:
0x83: {  	v7 =	vmax.f32 v7, v11;
	(pc) =	sbr.rel @p0 .LBB2_4-.Ltmp1, $4  }
0x84: {  	v7 =	vmax.f32 v7, v12  }
0x85: {  	v7 =	vmax.f32 v7, v13  }
0x86: {  	s24 =	simm.s32 $0xFF;
	v7 =	vmax.f32 v7, v14;
	[tilespmem:s23+$0x30] =	vst v62  }
0x87: {  	s26 =	simm.s32 $0xA8F0;
	v11 =	vimm.s32 $0x0;
	s25 =	sadd.s32 $0x80, s25;
	v7 =	vmax.f32 v7, v15;
	s23 =	sadd.s32 $0x80, s23;
	[tilespmem:v8+s17+$0x0] =	vst.idx.add.s32.msk $0xffff, v3  }
0x88: {  	v8 =	vld [tilespmem:s26+$0xFFFFF800]  }
0x89: {  	v9 =	vld [tilespmem:s26+$0xFFFFF900]  }
0x8a: {  	v10 =	vld [tilespmem:s26+$0xFFFFFA00]  }
0x8b: {  	v12 =	vld [tilespmem:s26+$0xFFFFFB00]  }
0x8c: {  	v13 =	vld [tilespmem:s26+$0xFFFFFC00]  }
0x8d: {  	v14 =	vld [tilespmem:s26+$0xFFFFFD00]  }
0x8e: {  	v15 =	vld [tilespmem:s26+$0xFFFFFE00]  }
0x8f: {  	v16 =	vld [tilespmem:s26+$0x700];
	s22 =	simm.s32 $0xA8E0  }
0x90: {  	v18 =	vld [tilespmem:s22+$0x700];
	v8 =	vadd.s32 v8, v9  }
0x91: {  	v9 =	vld [tilespmem:s26+$0xFFFFFF00];
	v8 =	vadd.s32 v10, v8  }
0x92: {  	v10 =	vld [tilespmem:s26+$0x0];
	v8 =	vadd.s32 v12, v8  }
0x93: {  	v12 =	vld [tilespmem:s26+$0x100];
	v8 =	vadd.s32 v13, v8  }
0x94: {  	v13 =	vld [tilespmem:s26+$0x200];
	v8 =	vadd.s32 v14, v8  }
0x95: {  	v14 =	vld [tilespmem:s26+$0x300];
	v8 =	vadd.s32 v15, v8  }
0x96: {  	v15 =	vld [tilespmem:s26+$0x400];
	v8 =	vadd.s32 v9, v8  }
0x97: {  	v9 =	vld [tilespmem:s26+$0x500];
	v8 =	vadd.s32 v10, v8  }
0x98: {  	v10 =	vld [tilespmem:s26+$0x600];
	v8 =	vadd.s32 v12, v8  }
0x99: {  	v19 =	vld [tilespmem:s22+$0x600];
	v8 =	vadd.s32 v13, v8  }
0x9a: {  	v12 =	vld [tilespmem:s22+$0xFFFFF800];
	v8 =	vadd.s32 v14, v8  }
0x9b: {  	v13 =	vld [tilespmem:s22+$0xFFFFF900];
	v8 =	vadd.s32 v15, v8  }
0x9c: {  	v14 =	vld [tilespmem:s22+$0xFFFFFA00];
	v8 =	vadd.s32 v9, v8  }
0x9d: {  	v15 =	vld [tilespmem:s22+$0xFFFFFB00];
	v8 =	vadd.s32 v10, v8  }
0x9e: {  	v9 =	vld [tilespmem:s22+$0xFFFFFC00];
	v8 =	vadd.s32 v16, v8  }
0x9f: {  	v10 =	vld [tilespmem:s22+$0xFFFFFD00];
	v17 =	vperm.xlane v8, v4  }
0xa0: {  	v16 =	vld [tilespmem:s22+$0xFFFFFE00];
	v12 =	vadd.s32 v12, v13  }
0xa1: {  	v13 =	vld [tilespmem:s22+$0xFFFFFF00];
	v12 =	vadd.s32 v14, v12;
	(xrf0) =	vadd.scan.msk.s32 $0xffff, v17  }
0xa2: {  	v14 =	vld [tilespmem:s22+$0x0];
	v12 =	vadd.s32 v15, v12  }
0xa3: {  	v15 =	vld [tilespmem:s22+$0x100];
	v9 =	vadd.s32 v9, v12  }
0xa4: {  	v12 =	vld [tilespmem:s22+$0x200];
	v9 =	vadd.s32 v10, v9  }
0xa5: {  	v10 =	vld [tilespmem:s22+$0x300];
	v9 =	vadd.s32 v16, v9  }
0xa6: {  	v16 =	vld [tilespmem:s22+$0x400];
	v9 =	vadd.s32 v13, v9  }
0xa7: {  	s30 =	simm.s32 $0xA8D0;
	v13 =	vld [tilespmem:s22+$0x500];
	v9 =	vadd.s32 v14, v9;
	v14, _, _ =	vpop (xrf0)  }
0xa8: {  	v9 =	vadd.s32 v15, v9;
	v15 =	vld [tilespmem:s30+$0xFFFFF800];
	v14 =	vadd.s32 v11, v14  }
0xa9: {  	v9 =	vadd.s32 v12, v9;
	v12 =	vld [tilespmem:s30+$0xFFFFF900];
	vm0 =	vgt.s32 v14, $0xFF  }
0xaa: {  	v9 =	vadd.s32 v10, v9;
	v14 =	vld [tilespmem:s30+$0xFFFFFA00];
	v10 =	vsel vm0, $0x3F800000, v5  }
0xab: {  	v9 =	vadd.s32 v16, v9;
	(xrf0) =	vmax.scan.msk.f32 $0xffff, v10;
	v10 =	vld [tilespmem:s30+$0xFFFFFB00]  }
0xac: {  	v9 =	vadd.s32 v13, v9;
	v13 =	vld [tilespmem:s30+$0xFFFFFC00]  }
0xad: {  	v16 =	vld [tilespmem:s30+$0xFFFFFD00]  }
0xae: {  	v9 =	vadd.s32 v19, v9;
	v12 =	vadd.s32 v15, v12  }
0xaf: {  	v9 =	vadd.s32 v18, v9;
	(xrf0) =	vadd.scan.msk.s32 $0xffff, v8;
	v12 =	vadd.s32 v14, v12  }
0xb0: {  	s31 =	simm.s32 $0xA8C0;
	v8 =	vld [tilespmem:s30+$0xFFFFFE00];
	v22 =	vperm.xlane v9, v4;
	v10 =	vadd.s32 v10, v12  }
0xb1: {  	v21 =	vld [tilespmem:s31+$0xFFFFF800];
	v10 =	vadd.s32 v13, v10  }
0xb2: {  	v14 =	vld [tilespmem:s30+$0xFFFFFF00];
	(xrf0) =	vadd.scan.msk.s32 $0xffff, v22;
	v10 =	vadd.s32 v16, v10  }
0xb3: {  	v18 =	vld [tilespmem:s30+$0x0];
	v12, _, _ =	vpop (xrf0)  }
0xb4: {  	(v2sf) =	vpush v12, $0xF;
	v12 =	vld [tilespmem:s30+$0x100]  }
0xb5: {  	v13 =	vld [tilespmem:s30+$0x200];
	v8 =	vadd.s32 v8, v10;
	v10, _, _ =	vpop (xrf0)  }
0xb6: {  	v16 =	vld [tilespmem:s30+$0x300];
	v10 =	vbroadcast v10, $0xF  }
0xb7: {  	v8 =	vadd.s32 v14, v8;
	v14 =	vld [tilespmem:s30+$0x400]  }
0xb8: {  	v19 =	vld [tilespmem:s30+$0x500];
	v18 =	vadd.s32 v18, v8;
	v20, _, _ =	vpop (xrf0);
	v8 =	vadd.s32 v11, v10  }
0xb9: {  	v10 =	vadd.s32 v12, v18;
	v12 =	vld [tilespmem:s30+$0x600];
	v18 =	vadd.s32 v8, v20  }
0xba: {  	v15 =	vld [tilespmem:s30+$0x700];
	v20 =	vmctz.xlane vm0;
	v10 =	vadd.s32 v13, v10;
	vm3 =	vgt.s32 v18, $0xFF  }
0xbb: {  	v18 =	vld [tilespmem:s31+$0xFFFFF900];
	v10 =	vadd.s32 v16, v10;
	v13 =	vsel vm3, $0x3F800000, v5  }
0xbc: {  	v16 =	vld [tilespmem:s31+$0xFFFFFA00];
	vm0 =	vgt.s32 v20, v0;
	v10 =	vadd.s32 v14, v10;
	(xrf0) =	vmax.scan.msk.f32 $0xffff, v13  }
0xbd: {  	v14 =	vld [tilespmem:s31+$0xFFFFFB00];
	v13 =	vnsel vm0, $0x0, v17;
	v10 =	vadd.s32 v19, v10  }
0xbe: {  	v17 =	vld [tilespmem:s31+$0xFFFFFC00];
	(xrf0) =	vadd.scan.msk.s32 $0xffff, v13;
	v10 =	vadd.s32 v12, v10  }
0xbf: {  	v19 =	vld [tilespmem:s31+$0xFFFFFD00];
	v13 =	vadd.s32 v15, v10;
	(xrf0) =	vadd.scan.msk.s32 $0xffff, v9  }
0xc0: {  	v10 =	vld [tilespmem:s31+$0xFFFFFE00];
	v9 =	vadd.s32 v21, v18;
	v12 =	vperm.xlane v13, v4  }
0xc1: {  	v15 =	vld [tilespmem:s31+$0x700];
	v9 =	vadd.s32 v16, v9  }
0xc2: {  	v9 =	vadd.s32 v14, v9;
	v14 =	vld [tilespmem:s31+$0xFFFFFF00];
	(xrf0) =	vadd.scan.msk.s32 $0xffff, v12;
	v16, _, _ =	vpop (xrf0)  }
0xc3: {  	s23 =	spop (v2sf);
	v9 =	vadd.s32 v17, v9;
	v17 =	vld [tilespmem:s31+$0x0];
	(v2sf) =	vpush v16, $0xF  }
0xc4: {  	vm2 =	vmmov vm5;
	v18 =	vsub.s32 s24, v20;
	p0 =	sgt.f32 s23, $0.0e+00;
	v20, _, _ =	vpop (xrf0);
	v9 =	vadd.s32 v19, v9;
	v19 =	vld [tilespmem:s31+$0x100]  }
0xc5: {  	vm1 =	vmneg vm5;
	v16 =	vbroadcast v20, $0xF;
	v9 =	vadd.s32 v10, v9;
	v20 =	vld [tilespmem:s31+$0x200];
	v10, _, _ =	vpop (xrf0)  }
0xc6: {  	v25 =	vmctz.xlane vm3;
	v21 =	vld [tilespmem:s31+$0x300];
	vm2 =	vmneg @p0 vm2;
	v23 =	vbroadcast v10, $0xF  }
0xc7: {  	vm0 =	vmand vm2, vm1;
	v24 =	vadd.s32 v11, v16;
	v9 =	vadd.s32 v14, v9;
	v14 =	vld [tilespmem:s31+$0x400]  }
0xc8: {  	v10 =	vsel vm0, v18, v11;
	v16 =	vld [tilespmem:s31+$0x500];
	v17 =	vadd.s32 v17, v9;
	v18, _, _ =	vpop (xrf0);
	v9 =	vadd.s32 v8, v23  }
0xc9: {  	s25 =	simm.s32 $0xA8B0;
	vm3 =	vmmov vm5;
	v19 =	vadd.s32 v19, v17;
	v17 =	vld [tilespmem:s31+$0x600];
	v23 =	vadd.s32 v9, v18  }
0xca: {  	v11 =	vsel vm0, v24, v11;
	v18 =	vld [tilespmem:s25+$0xFFFFF800];
	v20 =	vadd.s32 v20, v19;
	vm4 =	vgt.s32 v23, $0xFF  }
0xcb: {  	s28 =	simm.s32 $0xEF;
	s26 =	simm.s32 $0xAF;
	vm0 =	vgt.s32 v25, v0;
	v19 =	vld [tilespmem:s25+$0xFFFFF900];
	v21 =	vadd.s32 v21, v20;
	v23 =	vsel vm4, $0x3F800000, v5  }
0xcc: {  	s22 =	simm.s32 $0xBF;
	s24 =	simm.s32 $0xDF;
	s23 =	simm.s32 $0xCF;
	v22 =	vnsel vm0, $0x0, v22;
	v20 =	vld [tilespmem:s25+$0xFFFFFA00];
	v21 =	vadd.s32 v14, v21;
	(xrf0) =	vmax.scan.msk.f32 $0xffff, v23;
	v14 =	vsub.s32 s28, v25  }
.LBB2_6:
0xcd: {  	p0 =	sne.s32 s26, $0xF;
	v23 =	vld [tilespmem:s25+$0xFFFFFB00];
	v16 =	vadd.s32 v16, v21;
	(xrf0) =	vadd.scan.msk.s32 $0xffff, v22;
	s28 =	smov.u32 s22;
	s22 =	smov.u32 s26  }
0xce: {  	v21 =	vld [tilespmem:s25+$0xFFFFFC00];
	v16 =	vadd.s32 v17, v16  }
0xcf: {  	v17 =	vld [tilespmem:s25+$0xFFFFFD00];
	(xrf0) =	vadd.scan.msk.s32 $0xffff, v13;
	v13 =	vadd.s32 v15, v16  }
0xd0: {  	v15 =	vadd.s32 v18, v19;
	v16 =	vld [tilespmem:s25+$0xFFFFFE00];
	v24 =	vperm.xlane v13, v4  }
0xd1: {  	v18 =	vadd.s32 v20, v15;
	v15 =	vld [tilespmem:s25+$0x700]  }
0xd2: {  	v18 =	vadd.s32 v23, v18;
	v19 =	vld [tilespmem:s25+$0xFFFFFF00];
	(xrf0) =	vadd.scan.msk.s32 $0xffff, v24;
	v20, _, _ =	vpop (xrf0);
	s29 =	spop (v2sf)  }
0xd3: {  	vm3 =	vmor vm3, vm2;
	v18 =	vadd.s32 v21, v18;
	v21 =	vld [tilespmem:s25+$0x0];
	(v2sf) =	vpush v20, $0xF;
	p1 =	sgt.f32 s29, $0.0e+00;
	v20, _, _ =	vpop (xrf0)  }
0xd4: {  	vm2 =	vmmov vm5;
	v23 =	vadd.s32 v17, v18;
	v18 =	vld [tilespmem:s25+$0x100];
	v20 =	vbroadcast v20, $0xF  }
0xd5: {  	vm0 =	vmneg vm3;
	v16 =	vadd.s32 v16, v23;
	v22 =	vld [tilespmem:s25+$0x200];
	v17, _, _ =	vpop (xrf0);
	vm2 =	vmneg @p1 vm2  }
0xd6: {  	v23 =	vld [tilespmem:s25+$0x300];
	v17 =	vbroadcast v17, $0xF;
	vm0 =	vmand vm2, vm0;
	v20 =	vadd.s32 v8, v20;
	v8 =	vmovc v9  }
0xd7: {  	v16 =	vadd.s32 v19, v16;
	v25 =	vld [tilespmem:s25+$0x400];
	v10 =	vsel vm0, v14, v10;
	v11 =	vsel vm0, v20, v11  }
.Ltmp2:
0xd8: {  	v14 =	vadd.s32 v21, v16;
	v16 =	vld [tilespmem:s25+$0x500];
	v19, _, _ =	vpop (xrf0);
	v9 =	vadd.s32 v9, v17;
	(pc) =	sbr.rel @p0 .LBB2_6-.Ltmp2, $4  }
0xd9: {  	v26 =	vmctz.xlane vm4;
	v14 =	vadd.s32 v18, v14;
	v17 =	vld [tilespmem:s25+$0x600];
	s25 =	sadd.s32 $0xFFFFFFF0, s25;
	v19 =	vadd.s32 v9, v19  }
0xda: {  	v18 =	vld [tilespmem:s25+$0xFFFFF800];
	v14 =	vadd.s32 v22, v14;
	vm4 =	vgt.s32 v19, $0xFF  }
0xdb: {  	vm0 =	vgt.s32 v26, v0;
	v19 =	vld [tilespmem:s25+$0xFFFFF900];
	v14 =	vadd.s32 v23, v14;
	v22 =	vsel vm4, $0x3F800000, v5  }
0xdc: {  	s26 =	sadd.s32 $0xFFFFFFF0, s26;
	v20 =	vld [tilespmem:s25+$0xFFFFFA00];
	v21 =	vadd.s32 v25, v14;
	(xrf0) =	vmax.scan.msk.f32 $0xffff, v22;
	v22 =	vnsel vm0, $0x0, v12;
	v14 =	vsub.s32 s24, v26;
	v12 =	vmovc v24;
	s24 =	smov.u32 s23;
	s23 =	smov.u32 s28  }
0xdd: {  	v23 =	vld [tilespmem:s25+$0xFFFFFB00];
	v16 =	vadd.s32 v16, v21  }
0xde: {  	(xrf0) =	vadd.scan.msk.s32 $0xffff, v22;
	v33 =	vld [tilespmem:s25+$0xFFFFFC00];
	v16 =	vadd.s32 v17, v16  }
0xdf: {  	v34 =	vld [tilespmem:s25+$0xFFFFFD00];
	(xrf0) =	vadd.scan.msk.s32 $0xffff, v13;
	v15 =	vadd.s32 v15, v16  }
0xe0: {  	v36 =	vld [tilespmem:s25+$0xFFFFFE00];
	v35 =	vadd.s32 v18, v19;
	v37 =	vperm.xlane v15, v4  }
0xe1: {  	v38 =	vld [tilespmem:s25+$0xFFFFFF00];
	v13 =	vadd.s32 v20, v35  }
0xe2: {  	v39 =	vld [tilespmem:s25+$0x0];
	v13 =	vadd.s32 v23, v13;
	(xrf0) =	vadd.scan.msk.s32 $0xffff, v37  }
0xe3: {  	v41 =	vld [tilespmem:s25+$0x100];
	v40, _, _ =	vpop (xrf0);
	v13 =	vadd.s32 v33, v13  }
0xe4: {  	v43 =	vld [tilespmem:s25+$0x200];
	v42, _, _ =	vpop (xrf0);
	v13 =	vadd.s32 v34, v13  }
0xe5: {  	v24 =	vld [tilespmem:s25+$0x300];
	v44, _, _ =	vpop (xrf0);
	v13 =	vadd.s32 v36, v13  }
0xe6: {  	v45 =	vld [tilespmem:s25+$0x400];
	v16 =	vbroadcast v44, $0xF;
	v13 =	vadd.s32 v38, v13  }
0xe7: {  	v46 =	vld [tilespmem:s25+$0x500];
	v13 =	vadd.s32 v39, v13  }
0xe8: {  	v47 =	vld [tilespmem:s25+$0x600];
	v16 =	vadd.s32 v9, v16;
	v25, _, _ =	vpop (xrf0);
	v13 =	vadd.s32 v41, v13  }
0xe9: {  	v48 =	vld [tilespmem:s25+$0x700];
	v26 =	vmctz.xlane vm4;
	v13 =	vadd.s32 v43, v13;
	v25 =	vadd.s32 v16, v25  }
0xea: {  	vm0 =	vgt.s32 v25, $0xFF;
	v13 =	vadd.s32 v24, v13  }
0xeb: {  	vm4 =	vgt.s32 v26, v0;
	v13 =	vadd.s32 v45, v13;
	v49 =	vsel vm0, $0x3F800000, v5  }
0xec: {  	v12 =	vnsel vm4, $0x0, v12;
	(xrf0) =	vmax.scan.msk.f32 $0xffff, v49;
	v13 =	vadd.s32 v46, v13  }
0xed: {  	(xrf0) =	vadd.scan.msk.s32 $0xffff, v12;
	v50 =	vadd.s32 v47, v13  }
0xee: {  	v12 =	vadd.s32 v48, v50;
	(xrf0) =	vadd.scan.msk.s32 $0xffff, v15  }
0xef: {  	v51 =	vperm.xlane v12, v4;
	_ =	sdelay $0x1  }
0xf0: {  	(xrf0) =	vadd.scan.msk.s32 $0xffff, v51  }
0xf1: {  	v52, _, _ =	vpop (xrf0)  }
0xf2: {  	v53, _, _ =	vpop (xrf0)  }
0xf3: {  	v54, _, _ =	vpop (xrf0)  }
0xf4: {  	v19 =	vbroadcast v54, $0xF;
	_ =	sdelay $0x1  }
0xf5: {  	v55, _, _ =	vpop (xrf0);
	v19 =	vadd.s32 v16, v19  }
0xf6: {  	v20 =	vadd.s32 v19, v55  }
0xf7: {  	vm4 =	vgt.s32 v20, $0xFF  }
0xf8: {  	v20 =	vsel vm4, $0x3F800000, v5  }
0xf9: {  	(xrf0) =	vmax.scan.msk.f32 $0xffff, v20  }
0xfa: {  	(v2sf) =	vpush v40, $0xF;
	_ =	sdelay $0x2  }
0xfb: {  	(v2sf) =	vpush v52, $0xF;
	_ =	sdelay $0x1  }
0xfc: {  	v56, _, _ =	vpop (xrf0)  }
0xfd: {  	(v2sf) =	vpush v56, $0xF;
	_ =	sdelay $0x2  }
0xfe: {  	v57 =	vmctz.xlane vm0;
	_ =	sdelay $0x1  }
0xff: {  	v59 =	vbroadcast v42, $0xF;
	vm0 =	vgt.s32 v57, v0  }
0x100: {  	s28 =	spop (v2sf);
	v18 =	vnsel vm0, $0x0, v37;
	v58 =	vmctz.xlane vm4  }
0x101: {  	p0 =	sgt.f32 s28, $0.0e+00;
	v8 =	vadd.s32 v8, v59;
	vm0 =	vmor vm3, vm2;
	(xrf0) =	vadd.scan.msk.s32 $0xffff, v18  }
0x102: {  	vm2 =	vmmov vm5;
	v61 =	vbroadcast v53, $0xF;
	vm3 =	vgt.s32 v58, v0;
	(xrf0) =	vadd.scan.msk.s32 $0xffff, v12  }
0x103: {  	vm2 =	vmneg @p0 vm2;
	s29 =	spop (v2sf);
	vm4 =	vmneg vm0;
	v60 =	vnsel vm3, $0x0, v51  }
0x104: {  	p0 =	sgt.f32 s29, $0.0e+00;
	v9 =	vadd.s32 v9, v61;
	vm0 =	vmor vm0, vm2;
	vm3 =	vmand vm2, vm4;
	(xrf0) =	vadd.scan.msk.s32 $0xffff, v60  }
0x105: {  	vm2 =	vmmov vm5;
	v10 =	vsel vm3, v14, v10;
	v8 =	vsel vm3, v8, v11  }
0x106: {  	vm2 =	vmneg @p0 vm2;
	vm3 =	vmneg vm0;
	v11 =	vsub.s32 s24, v26;
	s30 =	spop (v2sf)  }
0x107: {  	s25 =	simm.s32 $0xA040;
	vm3 =	vmand vm2, vm3;
	vm0 =	vmor vm0, vm2;
	vm2 =	vmmov vm5;
	v62, _, _ =	vpop (xrf0);
	p0 =	sgt.f32 s30, $0.0e+00  }
0x108: {  	[tilespmem:s25+$0xFFFFFFC0] =	vst v1;
	v10 =	vsel vm3, v11, v10;
	v8 =	vsel vm3, v9, v8;
	v11 =	vbroadcast v62, $0xF;
	v9, _, _ =	vpop (xrf0)  }
0x109: {  	[tilespmem:s25+$0x30] =	vst v1;
	vm3 =	vmneg vm0;
	v9 =	vsub.s32 s23, v57;
	vm2 =	vmneg @p0 vm2;
	s31 =	spop (v2sf)  }
0x10a: {  	[tilespmem:s25+$0x20] =	vst v1;
	v11 =	vadd.s32 v16, v11;
	vm3 =	vmand vm2, vm3;
	vm0 =	vmor vm0, vm2;
	v63, _, _ =	vpop (xrf0);
	p0 =	sgt.f32 s31, $0.0e+00  }
0x10b: {  	[tilespmem:s25+$0x10] =	vst v1;
	vm2 =	vmmov vm5;
	v9 =	vsel vm3, v9, v10;
	v10 =	vbroadcast v63, $0xF  }
0x10c: {  	[tilespmem:s25+$0x0] =	vst v1;
	v11 =	vsel vm3, v11, v8;
	vm0 =	vmneg vm0;
	vm2 =	vmneg @p0 vm2  }
0x10d: {  	[tilespmem:s25+$0xFFFFFFF0] =	vst v1;
	v8 =	vsub.s32 s22, v58;
	v10 =	vadd.s32 v19, v10;
	vm0 =	vmand vm2, vm0  }
0x10e: {  	[tilespmem:s25+$0xFFFFFFE0] =	vst v1;
	s23 =	simm.s32 $0xFFFFFFF8;
	s22 =	simm.s32 $0x0;
	v8 =	vsel vm0, v8, v9;
	v9 =	vsel vm0, v10, v11  }
.LBB2_8:
0x10f: {  	s22 =	sadd.s32 $0x8, s22;
	[tilespmem:s25+$0xFFFFFFD0] =	vst v1;
	s25 =	sadd.s32 $0x80, s25  }
0x110: {  	[tilespmem:s25+$0xFFFFFFC0] =	vst v1;
	p0 =	slt.u32 s22, $0xF8  }
0x111: {  	[tilespmem:s25+$0x30] =	vst v1  }
.Ltmp3:
0x112: {  	[tilespmem:s25+$0x20] =	vst v1;
	(pc) =	sbr.rel @p0 .LBB2_8-.Ltmp3, $4  }
0x113: {  	[tilespmem:s25+$0x10] =	vst v1  }
0x114: {  	[tilespmem:s25+$0x0] =	vst v1  }
0x115: {  	[tilespmem:s25+$0xFFFFFFF0] =	vst v1  }
0x116: {  	s24 =	simm.s32 $0x4040;
	[tilespmem:s25+$0xFFFFFFE0] =	vst v1  }
0x117: {  	[tilespmem:s25+$0xFFFFFFD0] =	vst v1;
	s22 =	simm.s32 $0x0  }
.LBB2_10:
0x118: {  	v10 =	vld [tilespmem:s24+$0xFFFFFFC0];
	_ =	sdelay $0x4  }
0x119: {  	v11 =	vshrl.u32 v10, $0x18  }
0x11a: {  	vm0 =	veq.s32 v11, v8  }
0x11b: {  	v11 =	vsel vm0, $0x1, v1  }
0x11c: {  	(xrf0) =	vadd.scan.msk.s32 $0xffff, v11;
	_ =	sdelay $0x2  }
0x11d: {  	v12 =	vmov s22  }
0x11e: {  	v12 =	vadd.s32 $0xFFFFFFFF, v12  }
0x11f: {  	v12 =	vbroadcast v12, $0x0  }
0x120: {  	v14 =	vshrl.u32 v10, $0x10;
	v13, _, _ =	vpop (xrf0)  }
0x121: {  	v14 =	vand.u32 $0xFF, v14;
	v12 =	vadd.s32 v13, v12  }
0x122: {  	v14 =	vor.u32 v2, v14;
	(v2sf) =	vpush v13, $0xF;
	_ =	sdelay $0x3  }
0x123: {  	[tilespmem:v12+s18+$0x0] =	vst.idx.msk vm0, v10  }
0x124: {  	[tilespmem:v14+s17+$0x0] =	vst.idx.add.s32.msk $0xffff, v11  }
0x125: {  	v10 =	vld [tilespmem:s24+$0xFFFFFFD0];
	_ =	sdelay $0x4  }
0x126: {  	v11 =	vshrl.u32 v10, $0x18  }
0x127: {  	vm0 =	veq.s32 v11, v8  }
0x128: {  	v11 =	vsel vm0, $0x1, v1  }
0x129: {  	(xrf0) =	vadd.scan.msk.s32 $0xffff, v11  }
0x12a: {  	s25 =	spop (v2sf)  }
0x12b: {  	s29 =	sadd.s32 s22, s25  }
0x12c: {  	v42 =	vmov s29  }
0x12d: {  	v12 =	vadd.s32 $0xFFFFFFFF, v42  }
0x12e: {  	v12 =	vbroadcast v12, $0x0  }
0x12f: {  	v44 =	vshrl.u32 v10, $0x10;
	v43, _, _ =	vpop (xrf0)  }
0x130: {  	v14 =	vand.u32 $0xFF, v44;
	v12 =	vadd.s32 v43, v12  }
0x131: {  	v14 =	vor.u32 v2, v14;
	(v2sf) =	vpush v43, $0xF;
	_ =	sdelay $0x3  }
0x132: {  	[tilespmem:v12+s18+$0x0] =	vst.idx.msk vm0, v10  }
0x133: {  	[tilespmem:v14+s17+$0x0] =	vst.idx.add.s32.msk $0xffff, v11  }
0x134: {  	v10 =	vld [tilespmem:s24+$0xFFFFFFE0];
	_ =	sdelay $0x4  }
0x135: {  	v11 =	vshrl.u32 v10, $0x18  }
0x136: {  	vm0 =	veq.s32 v11, v8  }
0x137: {  	v11 =	vsel vm0, $0x1, v1  }
0x138: {  	(xrf0) =	vadd.scan.msk.s32 $0xffff, v11  }
0x139: {  	s30 =	spop (v2sf)  }
0x13a: {  	s22 =	sadd.s32 s29, s30  }
0x13b: {  	v45 =	vmov s22  }
0x13c: {  	v12 =	vadd.s32 $0xFFFFFFFF, v45  }
0x13d: {  	v12 =	vbroadcast v12, $0x0  }
0x13e: {  	v47 =	vshrl.u32 v10, $0x10;
	v46, _, _ =	vpop (xrf0)  }
0x13f: {  	v14 =	vand.u32 $0xFF, v47;
	v12 =	vadd.s32 v46, v12  }
0x140: {  	v14 =	vor.u32 v2, v14;
	(v2sf) =	vpush v46, $0xF;
	_ =	sdelay $0x3  }
0x141: {  	[tilespmem:v12+s18+$0x0] =	vst.idx.msk vm0, v10  }
0x142: {  	[tilespmem:v14+s17+$0x0] =	vst.idx.add.s32.msk $0xffff, v11  }
0x143: {  	v10 =	vld [tilespmem:s24+$0xFFFFFFF0];
	_ =	sdelay $0x4  }
0x144: {  	v11 =	vshrl.u32 v10, $0x18  }
0x145: {  	vm0 =	veq.s32 v11, v8  }
0x146: {  	v11 =	vsel vm0, $0x1, v1  }
0x147: {  	(xrf0) =	vadd.scan.msk.s32 $0xffff, v11  }
0x148: {  	s31 =	spop (v2sf)  }
0x149: {  	s22 =	sadd.s32 s22, s31  }
0x14a: {  	v48 =	vmov s22  }
0x14b: {  	v12 =	vadd.s32 $0xFFFFFFFF, v48  }
0x14c: {  	v12 =	vbroadcast v12, $0x0  }
0x14d: {  	v50 =	vshrl.u32 v10, $0x10;
	v49, _, _ =	vpop (xrf0)  }
0x14e: {  	v14 =	vand.u32 $0xFF, v50;
	v12 =	vadd.s32 v49, v12  }
0x14f: {  	v14 =	vor.u32 v2, v14;
	(v2sf) =	vpush v49, $0xF;
	_ =	sdelay $0x3  }
0x150: {  	[tilespmem:v12+s18+$0x0] =	vst.idx.msk vm0, v10  }
0x151: {  	[tilespmem:v14+s17+$0x0] =	vst.idx.add.s32.msk $0xffff, v11  }
0x152: {  	v10 =	vld [tilespmem:s24+$0x0];
	_ =	sdelay $0x4  }
0x153: {  	v11 =	vshrl.u32 v10, $0x18  }
0x154: {  	vm0 =	veq.s32 v11, v8  }
0x155: {  	v11 =	vsel vm0, $0x1, v1  }
0x156: {  	(xrf0) =	vadd.scan.msk.s32 $0xffff, v11  }
0x157: {  	s26 =	spop (v2sf)  }
0x158: {  	s22 =	sadd.s32 s22, s26  }
0x159: {  	v51 =	vmov s22  }
0x15a: {  	v12 =	vadd.s32 $0xFFFFFFFF, v51  }
0x15b: {  	v12 =	vbroadcast v12, $0x0  }
0x15c: {  	v53 =	vshrl.u32 v10, $0x10;
	v52, _, _ =	vpop (xrf0)  }
0x15d: {  	v14 =	vand.u32 $0xFF, v53;
	v12 =	vadd.s32 v52, v12  }
0x15e: {  	v14 =	vor.u32 v2, v14;
	(v2sf) =	vpush v52, $0xF;
	_ =	sdelay $0x3  }
0x15f: {  	[tilespmem:v12+s18+$0x0] =	vst.idx.msk vm0, v10  }
0x160: {  	[tilespmem:v14+s17+$0x0] =	vst.idx.add.s32.msk $0xffff, v11  }
0x161: {  	v10 =	vld [tilespmem:s24+$0x10];
	_ =	sdelay $0x4  }
0x162: {  	v11 =	vshrl.u32 v10, $0x18  }
0x163: {  	vm0 =	veq.s32 v11, v8  }
0x164: {  	v11 =	vsel vm0, $0x1, v1  }
0x165: {  	(xrf0) =	vadd.scan.msk.s32 $0xffff, v11  }
0x166: {  	s28 =	spop (v2sf)  }
0x167: {  	s22 =	sadd.s32 s22, s28  }
0x168: {  	v54 =	vmov s22  }
0x169: {  	v12 =	vadd.s32 $0xFFFFFFFF, v54  }
0x16a: {  	v12 =	vbroadcast v12, $0x0  }
0x16b: {  	v56 =	vshrl.u32 v10, $0x10;
	v55, _, _ =	vpop (xrf0)  }
0x16c: {  	v14 =	vand.u32 $0xFF, v56;
	v12 =	vadd.s32 v55, v12  }
0x16d: {  	v14 =	vor.u32 v2, v14;
	(v2sf) =	vpush v55, $0xF;
	_ =	sdelay $0x3  }
0x16e: {  	[tilespmem:v12+s18+$0x0] =	vst.idx.msk vm0, v10  }
0x16f: {  	[tilespmem:v14+s17+$0x0] =	vst.idx.add.s32.msk $0xffff, v11  }
0x170: {  	v10 =	vld [tilespmem:s24+$0x20];
	_ =	sdelay $0x4  }
0x171: {  	v11 =	vshrl.u32 v10, $0x18  }
0x172: {  	vm0 =	veq.s32 v11, v8  }
0x173: {  	v11 =	vsel vm0, $0x1, v1  }
0x174: {  	(xrf0) =	vadd.scan.msk.s32 $0xffff, v11  }
0x175: {  	s29 =	spop (v2sf)  }
0x176: {  	s22 =	sadd.s32 s22, s29  }
0x177: {  	v57 =	vmov s22  }
0x178: {  	v12 =	vadd.s32 $0xFFFFFFFF, v57  }
0x179: {  	v12 =	vbroadcast v12, $0x0  }
0x17a: {  	v59 =	vshrl.u32 v10, $0x10;
	v58, _, _ =	vpop (xrf0)  }
0x17b: {  	v14 =	vand.u32 $0xFF, v59;
	v12 =	vadd.s32 v58, v12  }
0x17c: {  	v14 =	vor.u32 v2, v14;
	_ =	sdelay $0x3  }
0x17d: {  	[tilespmem:v12+s18+$0x0] =	vst.idx.msk vm0, v10  }
0x17e: {  	[tilespmem:v14+s17+$0x0] =	vst.idx.add.s32.msk $0xffff, v11  }
0x17f: {  	v10 =	vld [tilespmem:s24+$0x30];
	_ =	sdelay $0x3  }
0x180: {  	(v2sf) =	vpush v58, $0xF  }
0x181: {  	v11 =	vshrl.u32 v10, $0x18  }
0x182: {  	vm0 =	veq.s32 v11, v8  }
0x183: {  	v11 =	vsel vm0, $0x1, v1  }
0x184: {  	(xrf0) =	vadd.scan.msk.s32 $0xffff, v11;
	_ =	sdelay $0x5  }
0x185: {  	v60, _, _ =	vpop (xrf0)  }
0x186: {  	(v2sf) =	vpush v60, $0xF;
	_ =	sdelay $0x3  }
0x187: {  	s30 =	spop (v2sf)  }
0x188: {  	s22 =	sadd.s32 s22, s30  }
0x189: {  	v61 =	vmov s22  }
0x18a: {  	v13 =	vadd.s32 $0xFFFFFFFF, v61  }
0x18b: {  	v13 =	vbroadcast v13, $0x0  }
0x18c: {  	v62 =	vshrl.u32 v10, $0x10  }
0x18d: {  	s23 =	sadd.s32 $0x8, s23;
	v63 =	vand.u32 $0xFF, v62;
	v12 =	vadd.s32 v60, v13  }
0x18e: {  	p0 =	slt.u32 s23, $0x1F8;
	v13 =	vor.u32 v2, v63  }
.Ltmp4:
0x18f: {  	_ = 	snop;
	(pc) =	sbr.rel @p0 .LBB2_10-.Ltmp4, $3  }
0x190: {  	_ =	sdelay $0x1  }
0x191: {  	[tilespmem:v12+s18+$0x0] =	vst.idx.msk vm0, v10;
	s31 =	spop (v2sf)  }
0x192: {  	s24 =	sadd.s32 $0x80, s24;
	[tilespmem:v13+s17+$0x0] =	vst.idx.add.s32.msk $0xffff, v11;
	s22 =	sadd.s32 s22, s31  }
0x193: {  	s24 =	simm.s32 $0xA8F0  }
0x194: {  	v10 =	vld [tilespmem:s24+$0xFFFFF800]  }
0x195: {  	v11 =	vld [tilespmem:s24+$0xFFFFF900]  }
0x196: {  	v12 =	vld [tilespmem:s24+$0xFFFFFA00]  }
0x197: {  	v14 =	vld [tilespmem:s24+$0xFFFFFB00]  }
0x198: {  	v15 =	vld [tilespmem:s24+$0xFFFFFC00]  }
0x199: {  	v16 =	vld [tilespmem:s24+$0xFFFFFD00]  }
0x19a: {  	v17 =	vld [tilespmem:s24+$0xFFFFFE00]  }
0x19b: {  	s29 =	simm.s32 $0xA8E0;
	v18 =	vld [tilespmem:s24+$0x700]  }
0x19c: {  	v20 =	vld [tilespmem:s29+$0x700];
	v10 =	vadd.s32 v10, v11  }
0x19d: {  	v11 =	vld [tilespmem:s24+$0xFFFFFF00];
	v10 =	vadd.s32 v12, v10  }
0x19e: {  	v12 =	vld [tilespmem:s24+$0x0];
	v10 =	vadd.s32 v14, v10  }
0x19f: {  	v14 =	vld [tilespmem:s24+$0x100];
	v10 =	vadd.s32 v15, v10  }
0x1a0: {  	v15 =	vld [tilespmem:s24+$0x200];
	v10 =	vadd.s32 v16, v10  }
0x1a1: {  	v16 =	vld [tilespmem:s24+$0x300];
	v10 =	vadd.s32 v17, v10  }
0x1a2: {  	v17 =	vld [tilespmem:s24+$0x400];
	v10 =	vadd.s32 v11, v10  }
0x1a3: {  	v11 =	vld [tilespmem:s24+$0x500];
	v10 =	vadd.s32 v12, v10  }
0x1a4: {  	v12 =	vld [tilespmem:s24+$0x600];
	v10 =	vadd.s32 v14, v10  }
0x1a5: {  	v21 =	vld [tilespmem:s29+$0x600];
	v10 =	vadd.s32 v15, v10  }
0x1a6: {  	v14 =	vld [tilespmem:s29+$0xFFFFF800];
	v10 =	vadd.s32 v16, v10  }
0x1a7: {  	v15 =	vld [tilespmem:s29+$0xFFFFF900];
	v10 =	vadd.s32 v17, v10  }
0x1a8: {  	v16 =	vld [tilespmem:s29+$0xFFFFFA00];
	v10 =	vadd.s32 v11, v10  }
0x1a9: {  	v17 =	vld [tilespmem:s29+$0xFFFFFB00];
	v10 =	vadd.s32 v12, v10  }
0x1aa: {  	v11 =	vld [tilespmem:s29+$0xFFFFFC00];
	v10 =	vadd.s32 v18, v10  }
0x1ab: {  	v12 =	vld [tilespmem:s29+$0xFFFFFD00];
	v19 =	vperm.xlane v10, v4  }
0x1ac: {  	v18 =	vld [tilespmem:s29+$0xFFFFFE00];
	v14 =	vadd.s32 v14, v15  }
0x1ad: {  	v15 =	vld [tilespmem:s29+$0xFFFFFF00];
	v14 =	vadd.s32 v16, v14;
	(xrf0) =	vadd.scan.msk.s32 $0xffff, v19  }
0x1ae: {  	v16 =	vld [tilespmem:s29+$0x0];
	v14 =	vadd.s32 v17, v14  }
0x1af: {  	v17 =	vld [tilespmem:s29+$0x100];
	v11 =	vadd.s32 v11, v14  }
0x1b0: {  	v14 =	vld [tilespmem:s29+$0x200];
	v11 =	vadd.s32 v12, v11  }
0x1b1: {  	v12 =	vld [tilespmem:s29+$0x300];
	v11 =	vadd.s32 v18, v11  }
0x1b2: {  	v18 =	vld [tilespmem:s29+$0x400];
	v11 =	vadd.s32 v15, v11  }
0x1b3: {  	v13 =	vimm.s32 $0x0;
	s30 =	simm.s32 $0xA8D0;
	v15 =	vld [tilespmem:s29+$0x500];
	v11 =	vadd.s32 v16, v11;
	v16, _, _ =	vpop (xrf0)  }
0x1b4: {  	v9 =	vsub.s32 $0x100, v9;
	v11 =	vadd.s32 v17, v11;
	v17 =	vld [tilespmem:s30+$0xFFFFF800];
	v16 =	vadd.s32 v13, v16  }
0x1b5: {  	v11 =	vadd.s32 v14, v11;
	v14 =	vld [tilespmem:s30+$0xFFFFF900];
	vm0 =	vge.s32 v16, v9  }
0x1b6: {  	v11 =	vadd.s32 v12, v11;
	v16 =	vld [tilespmem:s30+$0xFFFFFA00];
	v12 =	vsel vm0, $0x3F800000, v5  }
0x1b7: {  	v11 =	vadd.s32 v18, v11;
	(xrf0) =	vmax.scan.msk.f32 $0xffff, v12;
	v12 =	vld [tilespmem:s30+$0xFFFFFB00]  }
0x1b8: {  	v11 =	vadd.s32 v15, v11;
	v15 =	vld [tilespmem:s30+$0xFFFFFC00]  }
0x1b9: {  	v18 =	vld [tilespmem:s30+$0xFFFFFD00]  }
0x1ba: {  	v11 =	vadd.s32 v21, v11;
	v14 =	vadd.s32 v17, v14  }
0x1bb: {  	v11 =	vadd.s32 v20, v11;
	(xrf0) =	vadd.scan.msk.s32 $0xffff, v10;
	v14 =	vadd.s32 v16, v14  }
0x1bc: {  	s31 =	simm.s32 $0xA8C0;
	v10 =	vld [tilespmem:s30+$0xFFFFFE00];
	v24 =	vperm.xlane v11, v4;
	v12 =	vadd.s32 v12, v14  }
0x1bd: {  	v23 =	vld [tilespmem:s31+$0xFFFFF800];
	v12 =	vadd.s32 v15, v12  }
0x1be: {  	v16 =	vld [tilespmem:s30+$0xFFFFFF00];
	(xrf0) =	vadd.scan.msk.s32 $0xffff, v24;
	v12 =	vadd.s32 v18, v12  }
0x1bf: {  	v20 =	vld [tilespmem:s30+$0x0];
	v14, _, _ =	vpop (xrf0)  }
0x1c0: {  	(v2sf) =	vpush v14, $0xF;
	v14 =	vld [tilespmem:s30+$0x100]  }
0x1c1: {  	v15 =	vld [tilespmem:s30+$0x200];
	v10 =	vadd.s32 v10, v12;
	v12, _, _ =	vpop (xrf0)  }
0x1c2: {  	v18 =	vld [tilespmem:s30+$0x300];
	v12 =	vbroadcast v12, $0xF  }
0x1c3: {  	v10 =	vadd.s32 v16, v10;
	v16 =	vld [tilespmem:s30+$0x400]  }
0x1c4: {  	v21 =	vld [tilespmem:s30+$0x500];
	v20 =	vadd.s32 v20, v10;
	v22, _, _ =	vpop (xrf0);
	v10 =	vadd.s32 v13, v12  }
0x1c5: {  	v12 =	vadd.s32 v14, v20;
	v14 =	vld [tilespmem:s30+$0x600];
	v20 =	vadd.s32 v10, v22  }
0x1c6: {  	v17 =	vld [tilespmem:s30+$0x700];
	v22 =	vmctz.xlane vm0;
	v12 =	vadd.s32 v15, v12;
	vm3 =	vge.s32 v20, v9  }
0x1c7: {  	v20 =	vld [tilespmem:s31+$0xFFFFF900];
	v12 =	vadd.s32 v18, v12;
	v15 =	vsel vm3, $0x3F800000, v5  }
0x1c8: {  	v18 =	vld [tilespmem:s31+$0xFFFFFA00];
	vm0 =	vgt.s32 v22, v0;
	v12 =	vadd.s32 v16, v12;
	(xrf0) =	vmax.scan.msk.f32 $0xffff, v15  }
0x1c9: {  	v16 =	vld [tilespmem:s31+$0xFFFFFB00];
	v15 =	vnsel vm0, $0x0, v19;
	v12 =	vadd.s32 v21, v12  }
0x1ca: {  	v25 =	vld [tilespmem:s31+$0x300];
	(xrf0) =	vadd.scan.msk.s32 $0xffff, v15;
	v12 =	vadd.s32 v14, v12  }
0x1cb: {  	v19 =	vld [tilespmem:s31+$0xFFFFFC00];
	v15 =	vadd.s32 v17, v12;
	(xrf0) =	vadd.scan.msk.s32 $0xffff, v11  }
0x1cc: {  	v21 =	vld [tilespmem:s31+$0xFFFFFD00];
	v14 =	vperm.xlane v15, v4;
	v12 =	vadd.s32 v23, v20  }
0x1cd: {  	v11 =	vld [tilespmem:s31+$0xFFFFFE00];
	v12 =	vadd.s32 v18, v12  }
0x1ce: {  	v18 =	vld [tilespmem:s31+$0xFFFFFF00];
	(xrf0) =	vadd.scan.msk.s32 $0xffff, v14;
	v12 =	vadd.s32 v16, v12;
	v16, _, _ =	vpop (xrf0)  }
0x1cf: {  	s23 =	simm.s32 $0xFF;
	v20 =	vld [tilespmem:s31+$0x0];
	s25 =	spop (v2sf);
	(v2sf) =	vpush v16, $0xF  }
0x1d0: {  	vm2 =	vmmov vm5;
	v22 =	vsub.s32 s23, v22;
	v23 =	vld [tilespmem:s31+$0x100];
	v12 =	vadd.s32 v19, v12;
	p0 =	sgt.f32 s25, $0.0e+00;
	v19, _, _ =	vpop (xrf0)  }
0x1d1: {  	v27 =	vmctz.xlane vm3;
	v12 =	vadd.s32 v21, v12;
	v21 =	vld [tilespmem:s31+$0x200];
	v16 =	vbroadcast v19, $0xF;
	v19, _, _ =	vpop (xrf0)  }
0x1d2: {  	v26 =	vld [tilespmem:s31+$0x400];
	v11 =	vadd.s32 v11, v12;
	vm2 =	vmneg @p0 vm2;
	v19 =	vbroadcast v19, $0xF  }
0x1d3: {  	vm3 =	vmmov vm5;
	v17 =	vld [tilespmem:s31+$0x700];
	vm0 =	vmand vm2, vm1;
	v11 =	vadd.s32 v18, v11  }
0x1d4: {  	v18 =	vld [tilespmem:s31+$0x500];
	v12 =	vsel vm0, v22, v13;
	v20 =	vadd.s32 v20, v11;
	v22, _, _ =	vpop (xrf0);
	v11 =	vadd.s32 v10, v19  }
0x1d5: {  	s26 =	simm.s32 $0xA8B0;
	v16 =	vadd.s32 v13, v16;
	v23 =	vadd.s32 v23, v20;
	v19 =	vld [tilespmem:s31+$0x600];
	v22 =	vadd.s32 v11, v22  }
0x1d6: {  	v13 =	vsel vm0, v16, v13;
	v20 =	vld [tilespmem:s26+$0xFFFFF800];
	v16 =	vadd.s32 v21, v23;
	vm4 =	vge.s32 v22, v9  }
0x1d7: {  	s28 =	simm.s32 $0xAF;
	s29 =	simm.s32 $0xEF;
	vm0 =	vgt.s32 v27, v0;
	v21 =	vld [tilespmem:s26+$0xFFFFF900];
	v16 =	vadd.s32 v25, v16;
	v25 =	vsel vm4, $0x3F800000, v5  }
0x1d8: {  	s24 =	simm.s32 $0xCF;
	s23 =	simm.s32 $0xBF;
	s25 =	simm.s32 $0xDF;
	v24 =	vnsel vm0, $0x0, v24;
	v22 =	vld [tilespmem:s26+$0xFFFFFA00];
	v23 =	vadd.s32 v26, v16;
	v16 =	vsub.s32 s29, v27;
	(xrf0) =	vmax.scan.msk.f32 $0xffff, v25  }
.LBB2_12:
0x1d9: {  	p0 =	sne.s32 s28, $0xF;
	v25 =	vld [tilespmem:s26+$0xFFFFFB00];
	v18 =	vadd.s32 v18, v23;
	(xrf0) =	vadd.scan.msk.s32 $0xffff, v24;
	s29 =	smov.u32 s23;
	s23 =	smov.u32 s28  }
0x1da: {  	v23 =	vld [tilespmem:s26+$0xFFFFFC00];
	v18 =	vadd.s32 v19, v18  }
0x1db: {  	v19 =	vld [tilespmem:s26+$0xFFFFFD00];
	(xrf0) =	vadd.scan.msk.s32 $0xffff, v15;
	v15 =	vadd.s32 v17, v18  }
0x1dc: {  	v17 =	vadd.s32 v20, v21;
	v18 =	vld [tilespmem:s26+$0xFFFFFE00];
	v26 =	vperm.xlane v15, v4  }
0x1dd: {  	v20 =	vadd.s32 v22, v17;
	v17 =	vld [tilespmem:s26+$0x700]  }
0x1de: {  	v20 =	vadd.s32 v25, v20;
	v21 =	vld [tilespmem:s26+$0xFFFFFF00];
	(xrf0) =	vadd.scan.msk.s32 $0xffff, v26;
	v22, _, _ =	vpop (xrf0);
	s30 =	spop (v2sf)  }
0x1df: {  	vm3 =	vmor vm3, vm2;
	v20 =	vadd.s32 v23, v20;
	v23 =	vld [tilespmem:s26+$0x0];
	(v2sf) =	vpush v22, $0xF;
	p1 =	sgt.f32 s30, $0.0e+00;
	v22, _, _ =	vpop (xrf0)  }
0x1e0: {  	vm2 =	vmmov vm5;
	v25 =	vadd.s32 v19, v20;
	v20 =	vld [tilespmem:s26+$0x100];
	v22 =	vbroadcast v22, $0xF  }
0x1e1: {  	vm0 =	vmneg vm3;
	v18 =	vadd.s32 v18, v25;
	v24 =	vld [tilespmem:s26+$0x200];
	v19, _, _ =	vpop (xrf0);
	vm2 =	vmneg @p1 vm2  }
0x1e2: {  	v25 =	vld [tilespmem:s26+$0x300];
	v19 =	vbroadcast v19, $0xF;
	vm0 =	vmand vm2, vm0;
	v22 =	vadd.s32 v10, v22;
	v10 =	vmovc v11  }
0x1e3: {  	v18 =	vadd.s32 v21, v18;
	v27 =	vld [tilespmem:s26+$0x400];
	v12 =	vsel vm0, v16, v12;
	v13 =	vsel vm0, v22, v13  }
.Ltmp5:
0x1e4: {  	v16 =	vadd.s32 v23, v18;
	v18 =	vld [tilespmem:s26+$0x500];
	v21, _, _ =	vpop (xrf0);
	v11 =	vadd.s32 v11, v19;
	(pc) =	sbr.rel @p0 .LBB2_12-.Ltmp5, $4  }
0x1e5: {  	v28 =	vmctz.xlane vm4;
	v16 =	vadd.s32 v20, v16;
	v19 =	vld [tilespmem:s26+$0x600];
	s26 =	sadd.s32 $0xFFFFFFF0, s26;
	v21 =	vadd.s32 v11, v21  }
0x1e6: {  	v20 =	vld [tilespmem:s26+$0xFFFFF800];
	v16 =	vadd.s32 v24, v16;
	vm4 =	vge.s32 v21, v9  }
0x1e7: {  	vm0 =	vgt.s32 v28, v0;
	v21 =	vld [tilespmem:s26+$0xFFFFF900];
	v16 =	vadd.s32 v25, v16;
	v24 =	vsel vm4, $0x3F800000, v5  }
0x1e8: {  	s28 =	sadd.s32 $0xFFFFFFF0, s28;
	v22 =	vld [tilespmem:s26+$0xFFFFFA00];
	v23 =	vadd.s32 v27, v16;
	(xrf0) =	vmax.scan.msk.f32 $0xffff, v24;
	v24 =	vnsel vm0, $0x0, v14;
	v16 =	vsub.s32 s25, v28;
	v14 =	vmovc v26;
	s25 =	smov.u32 s24;
	s24 =	smov.u32 s29  }
0x1e9: {  	v25 =	vld [tilespmem:s26+$0xFFFFFB00];
	v18 =	vadd.s32 v18, v23  }
0x1ea: {  	(xrf0) =	vadd.scan.msk.s32 $0xffff, v24;
	v30 =	vld [tilespmem:s26+$0xFFFFFC00];
	v18 =	vadd.s32 v19, v18  }
0x1eb: {  	v31 =	vld [tilespmem:s26+$0xFFFFFD00];
	(xrf0) =	vadd.scan.msk.s32 $0xffff, v15;
	v17 =	vadd.s32 v17, v18  }
0x1ec: {  	v33 =	vld [tilespmem:s26+$0xFFFFFE00];
	v32 =	vadd.s32 v20, v21;
	v34 =	vperm.xlane v17, v4  }
0x1ed: {  	v35 =	vld [tilespmem:s26+$0xFFFFFF00];
	v15 =	vadd.s32 v22, v32  }
0x1ee: {  	v36 =	vld [tilespmem:s26+$0x0];
	v15 =	vadd.s32 v25, v15;
	(xrf0) =	vadd.scan.msk.s32 $0xffff, v34  }
0x1ef: {  	v38 =	vld [tilespmem:s26+$0x100];
	v37, _, _ =	vpop (xrf0);
	v15 =	vadd.s32 v30, v15  }
0x1f0: {  	v40 =	vld [tilespmem:s26+$0x200];
	v39, _, _ =	vpop (xrf0);
	v15 =	vadd.s32 v31, v15  }
0x1f1: {  	v26 =	vld [tilespmem:s26+$0x300];
	v41, _, _ =	vpop (xrf0);
	v15 =	vadd.s32 v33, v15  }
0x1f2: {  	v42 =	vld [tilespmem:s26+$0x400];
	v18 =	vbroadcast v41, $0xF;
	v15 =	vadd.s32 v35, v15  }
0x1f3: {  	v43 =	vld [tilespmem:s26+$0x500];
	v15 =	vadd.s32 v36, v15  }
0x1f4: {  	v44 =	vld [tilespmem:s26+$0x600];
	v18 =	vadd.s32 v11, v18;
	v27, _, _ =	vpop (xrf0);
	v15 =	vadd.s32 v38, v15  }
0x1f5: {  	v45 =	vld [tilespmem:s26+$0x700];
	v28 =	vmctz.xlane vm4;
	v15 =	vadd.s32 v40, v15;
	v27 =	vadd.s32 v18, v27  }
0x1f6: {  	vm0 =	vge.s32 v27, v9;
	v15 =	vadd.s32 v26, v15  }
0x1f7: {  	vm4 =	vgt.s32 v28, v0;
	v15 =	vadd.s32 v42, v15;
	v46 =	vsel vm0, $0x3F800000, v5  }
0x1f8: {  	v14 =	vnsel vm4, $0x0, v14;
	(xrf0) =	vmax.scan.msk.f32 $0xffff, v46;
	v15 =	vadd.s32 v43, v15  }
0x1f9: {  	(xrf0) =	vadd.scan.msk.s32 $0xffff, v14;
	v47 =	vadd.s32 v44, v15  }
0x1fa: {  	v14 =	vadd.s32 v45, v47;
	(xrf0) =	vadd.scan.msk.s32 $0xffff, v17  }
0x1fb: {  	v48 =	vperm.xlane v14, v4;
	_ =	sdelay $0x1  }
0x1fc: {  	(xrf0) =	vadd.scan.msk.s32 $0xffff, v48  }
0x1fd: {  	v49, _, _ =	vpop (xrf0)  }
0x1fe: {  	v50, _, _ =	vpop (xrf0)  }
0x1ff: {  	v51, _, _ =	vpop (xrf0)  }
0x200: {  	v21 =	vbroadcast v51, $0xF;
	_ =	sdelay $0x1  }
0x201: {  	v52, _, _ =	vpop (xrf0);
	v21 =	vadd.s32 v18, v21  }
0x202: {  	v22 =	vadd.s32 v21, v52  }
0x203: {  	vm4 =	vge.s32 v22, v9  }
0x204: {  	v22 =	vsel vm4, $0x3F800000, v5  }
0x205: {  	(xrf0) =	vmax.scan.msk.f32 $0xffff, v22  }
0x206: {  	(v2sf) =	vpush v37, $0xF;
	_ =	sdelay $0x2  }
0x207: {  	(v2sf) =	vpush v49, $0xF;
	_ =	sdelay $0x1  }
0x208: {  	v53, _, _ =	vpop (xrf0)  }
0x209: {  	(v2sf) =	vpush v53, $0xF;
	_ =	sdelay $0x2  }
0x20a: {  	v54 =	vmctz.xlane vm0;
	_ =	sdelay $0x1  }
0x20b: {  	vm0 =	vgt.s32 v54, v0  }
0x20c: {  	s28 =	spop (v2sf);
	v20 =	vnsel vm0, $0x0, v34;
	v55 =	vmctz.xlane vm4  }
0x20d: {  	v59 =	vsub.s32 s25, v28;
	p0 =	sgt.f32 s28, $0.0e+00;
	v56 =	vbroadcast v39, $0xF;
	vm0 =	vmor vm3, vm2;
	(xrf0) =	vadd.scan.msk.s32 $0xffff, v20  }
0x20e: {  	vm2 =	vmmov vm5;
	v58 =	vbroadcast v50, $0xF;
	vm3 =	vgt.s32 v55, v0;
	(xrf0) =	vadd.scan.msk.s32 $0xffff, v14  }
0x20f: {  	vm2 =	vmneg @p0 vm2;
	s29 =	spop (v2sf);
	vm4 =	vmneg vm0;
	v57 =	vnsel vm3, $0x0, v48  }
0x210: {  	v10 =	vadd.s32 v10, v56;
	p0 =	sgt.f32 s29, $0.0e+00;
	v11 =	vadd.s32 v11, v58;
	vm3 =	vmand vm2, vm4;
	(xrf0) =	vadd.scan.msk.s32 $0xffff, v57  }
0x211: {  	vm0 =	vmor vm0, vm2;
	vm2 =	vmmov vm5;
	v12 =	vsel vm3, v16, v12  }
0x212: {  	v10 =	vsel vm3, v10, v13;
	vm2 =	vmneg @p0 vm2;
	vm3 =	vmneg vm0;
	s30 =	spop (v2sf)  }
0x213: {  	s25 =	simm.s32 $0xA040;
	vm3 =	vmand vm2, vm3;
	vm0 =	vmor vm0, vm2;
	vm2 =	vmmov vm5;
	v60, _, _ =	vpop (xrf0);
	p0 =	sgt.f32 s30, $0.0e+00  }
0x214: {  	[tilespmem:s25+$0xFFFFFFC0] =	vst v1;
	v12 =	vsel vm3, v59, v12;
	v10 =	vsel vm3, v11, v10;
	v61 =	vbroadcast v60, $0xF;
	v11, _, _ =	vpop (xrf0)  }
0x215: {  	[tilespmem:s25+$0x30] =	vst v1;
	vm3 =	vmneg vm0;
	v11 =	vsub.s32 s24, v54;
	vm2 =	vmneg @p0 vm2;
	s31 =	spop (v2sf)  }
0x216: {  	[tilespmem:s25+$0x20] =	vst v1;
	v13 =	vadd.s32 v18, v61;
	vm3 =	vmand vm2, vm3;
	vm0 =	vmor vm0, vm2;
	v62, _, _ =	vpop (xrf0);
	p0 =	sgt.f32 s31, $0.0e+00  }
0x217: {  	[tilespmem:s25+$0x10] =	vst v1;
	vm2 =	vmmov vm5;
	v11 =	vsel vm3, v11, v12;
	v63 =	vbroadcast v62, $0xF  }
0x218: {  	[tilespmem:s25+$0x0] =	vst v1;
	v13 =	vsel vm3, v13, v10;
	vm0 =	vmneg vm0;
	vm2 =	vmneg @p0 vm2  }
0x219: {  	[tilespmem:s25+$0xFFFFFFF0] =	vst v1;
	v10 =	vsub.s32 s23, v55;
	v12 =	vadd.s32 v21, v63;
	vm0 =	vmand vm2, vm0  }
0x21a: {  	[tilespmem:s25+$0xFFFFFFE0] =	vst v1;
	s23 =	simm.s32 $0x0;
	v10 =	vsel vm0, v10, v11;
	v11 =	vsel vm0, v12, v13  }
.LBB2_14:
0x21b: {  	s23 =	sadd.s32 $0x8, s23;
	[tilespmem:s25+$0xFFFFFFD0] =	vst v1;
	s25 =	sadd.s32 $0x80, s25  }
0x21c: {  	[tilespmem:s25+$0xFFFFFFC0] =	vst v1;
	p0 =	slt.u32 s23, $0xF8  }
0x21d: {  	[tilespmem:s25+$0x30] =	vst v1  }
.Ltmp6:
0x21e: {  	[tilespmem:s25+$0x20] =	vst v1;
	(pc) =	sbr.rel @p0 .LBB2_14-.Ltmp6, $4  }
0x21f: {  	[tilespmem:s25+$0x10] =	vst v1  }
0x220: {  	[tilespmem:s25+$0x0] =	vst v1  }
0x221: {  	[tilespmem:s25+$0xFFFFFFF0] =	vst v1  }
0x222: {  	[tilespmem:s25+$0xFFFFFFE0] =	vst v1  }
0x223: {  	s23 =	sadd.s32 $0xF, s22  }
0x224: {  	(xrf0) =	vmax.scan.msk.f32 $0xffff, v7;
	s23 =	sshrl.u32 s23, $0x4  }
0x225: {  	p0 =	seq.s32 s23, $0x0  }
.Ltmp7:
0x226: {  	_ = 	snop;
	(pc) =	sbr.rel @p0 .LBB2_16-.Ltmp7, $3  }
0x227: {  	_ =	sdelay $0x1  }
0x228: {  	v8 =	vshll.u32 v8, $0x8  }
0x229: {  	[tilespmem:s25+$0xFFFFFFD0] =	vst v1;
	v10 =	vadd.s32 v8, v10;
	v7, _, _ =	vpop (xrf0)  }
0x22a: {  	p1 =	seq.s32 s23, $0x1  }
.Ltmp8:
0x22b: {  	_ = 	snop;
	(pc) =	sbr.rel @p1 .LBB2_25-.Ltmp8, $3  }
0x22c: {  	_ =	sdelay $0x1  }
0x22d: {  	s24 =	simm.s32 $0x6000  }
0x22e: {  	v8 =	vmov s22;
	s22 =	simm.s32 $0x0;
	s23 =	sadd.s32 $0xFFFFFFFF, s23;
	p0 =	por $0x0, $0x0;
	v12 =	vld [tilespmem:s24+$0x0]  }
0x22f: {  	_ =	sdelay $0x3  }
0x230: {  	v13 =	vor.u32 s22, v0;
	v14 =	vshrl.u32 v12, $0x10  }
0x231: {  	vm0 =	vlt.s32 v13, v8;
	vm2 =	veq.s32 v14, v10  }
0x232: {  	vm0 =	vmand vm0, vm2  }
0x233: {  	v13 =	vsel vm0, $0x1, v1  }
0x234: {  	(xrf0) =	vadd.scan.msk.s32 $0xffff, v13;
	_ =	sdelay $0x2  }
0x235: {  	v14 =	vmov s22  }
0x236: {  	v14 =	vadd.s32 $0xFFFFFFFF, v14  }
0x237: {  	v14 =	vbroadcast v14, $0x0  }
0x238: {  	v15 =	vshrl.u32 v12, $0x8;
	v16, _, _ =	vpop (xrf0)  }
0x239: {  	v15 =	vand.u32 $0xFF, v15;
	v14 =	vadd.s32 v16, v14;
	(v2sf) =	vpush v16, $0xF  }
0x23a: {  	v15 =	vor.u32 v2, v15  }
0x23b: {  	p1 =	seq.s32 s23, $0x1  }
.Ltmp9:
0x23c: {  	_ = 	snop;
	(pc) =	sbr.rel @p1 .LBB2_27-.Ltmp9, $4  }
0x23d: {  	_ = 	snop  }
0x23e: {  	[tilespmem:v14+s20+$0x0] =	vst.idx.msk vm0, v12  }
0x23f: {  	s25 =	simm.s32 $0x6010;
	s26 =	sadd.s32 $0xFFFFFFFF, s23;
	[tilespmem:v15+s17+$0x0] =	vst.idx.add.s32.msk $0xffff, v13  }
0x240: {  	p0 =	por $0x1, $0x1;
	s24 =	simm.s32 $0x0;
	s23 =	simm.s32 $0x0;
	v12 =	vld [tilespmem:s25+$0x0]  }
.LBB2_28:
0x241: {  	p1 =	seq.s32 s26, $0x1;
	_ =	sdelay $0x2  }
0x242: {  	s24 =	sadd.s32 $0x10, s24  }
0x243: {  	v13 =	vor.u32 s24, v0;
	v14 =	vshrl.u32 v12, $0x10;
	v15 =	vshrl.u32 v12, $0x8  }
0x244: {  	vm0 =	vlt.s32 v13, v8;
	vm2 =	veq.s32 v14, v10  }
0x245: {  	vm0 =	vmand vm0, vm2  }
0x246: {  	v13 =	vsel vm0, $0x1, v1;
	s28 =	spop (v2sf)  }
0x247: {  	(xrf0) =	vadd.scan.msk.s32 $0xffff, v13;
	s23 =	sadd.s32 s23, s28  }
0x248: {  	v14 =	vmov s23  }
0x249: {  	v14 =	vadd.s32 $0xFFFFFFFF, v14  }
0x24a: {  	v14 =	vbroadcast v14, $0x0;
	_ =	sdelay $0x2  }
0x24b: {  	v16, _, _ =	vpop (xrf0)  }
0x24c: {  	v15 =	vand.u32 $0xFF, v15;
	v14 =	vadd.s32 v16, v14;
	(v2sf) =	vpush v16, $0xF  }
0x24d: {  	v15 =	vor.u32 v2, v15;
	_ =	sdelay $0x1  }
.Ltmp10:
0x24e: {  	(pc) =	sbr.rel @!p1 .LBB2_28-.Ltmp10, $4  }
0x24f: {  	_ = 	snop  }
0x250: {  	[tilespmem:v14+s20+$0x0] =	vst.idx.msk vm0, v12  }
0x251: {  	s25 =	sadd.s32 $0x10, s25;
	[tilespmem:v15+s17+$0x0] =	vst.idx.add.s32.msk $0xffff, v13  }
0x252: {  	s26 =	sadd.s32 $0xFFFFFFFF, s26;
	v12 =	vld [tilespmem:s25+$0x0]  }
.LBB2_29:
0x253: {  	_ =	sdelay $0x1  }
0x254: {  	s24 =	sadd.s32 @p0 $0x10, s24;
	s25 =	simm.s32 $0x0  }
0x255: {  	s25 =	smov.u32 @p0 s24  }
0x256: {  	v13 =	vor.u32 s25, v0;
	v14 =	vshrl.u32 v12, $0x10  }
0x257: {  	vm0 =	vlt.s32 v13, v8;
	vm2 =	veq.s32 v14, v10  }
0x258: {  	vm0 =	vmand vm0, vm2  }
0x259: {  	v8 =	vsel vm0, $0x1, v1  }
0x25a: {  	(xrf0) =	vadd.scan.msk.s32 $0xffff, v8;
	_ =	sdelay $0x5  }
0x25b: {  	v61, _, _ =	vpop (xrf0)  }
0x25c: {  	(v2sf) =	vpush v61, $0xF;
	_ =	sdelay $0x2  }
0x25d: {  	s24 =	spop @p0 (v2sf)  }
0x25e: {  	s23 =	sadd.s32 @p0 s23, s24  }
0x25f: {  	s22 =	smov.u32 @p0 s23  }
0x260: {  	v62 =	vmov s22  }
0x261: {  	v14 =	vadd.s32 $0xFFFFFFFF, v62  }
0x262: {  	v14 =	vbroadcast v14, $0x0  }
0x263: {  	v15 =	vshrl.u32 v12, $0x8  }
0x264: {  	v63 =	vand.u32 $0xFF, v15;
	v13 =	vadd.s32 v61, v14  }
0x265: {  	v14 =	vor.u32 v2, v63  }
.Ltmp11:
0x266: {  	_ = 	snop;
	(pc) =	sbr.rel .LBB2_17-.Ltmp11, $3  }
0x267: {  	_ =	sdelay $0x1  }
0x268: {  	[tilespmem:v13+s20+$0x0] =	vst.idx.msk vm0, v12;
	s31 =	spop (v2sf)  }
0x269: {  	[tilespmem:v14+s17+$0x0] =	vst.idx.add.s32.msk $0xffff, v8;
	s22 =	sadd.s32 s22, s31  }
.LBB2_16:
0x26a: {  	s22 =	simm.s32 $0x0  }
.LBB2_17:
0x26b: {  	s24 =	simm.s32 $0xA8F0  }
0x26c: {  	v8 =	vsub.s32 v9, v11;
	v9 =	vld [tilespmem:s24+$0xFFFFF800]  }
0x26d: {  	v11 =	vld [tilespmem:s24+$0xFFFFF900]  }
0x26e: {  	v12 =	vld [tilespmem:s24+$0xFFFFFA00]  }
0x26f: {  	v14 =	vld [tilespmem:s24+$0xFFFFFB00]  }
0x270: {  	v15 =	vld [tilespmem:s24+$0xFFFFFC00]  }
0x271: {  	v16 =	vld [tilespmem:s24+$0xFFFFFD00]  }
0x272: {  	v17 =	vld [tilespmem:s24+$0xFFFFFE00]  }
0x273: {  	s29 =	simm.s32 $0xA8E0;
	v18 =	vld [tilespmem:s24+$0x700]  }
0x274: {  	v20 =	vld [tilespmem:s29+$0x700];
	v9 =	vadd.s32 v9, v11  }
0x275: {  	v11 =	vld [tilespmem:s24+$0xFFFFFF00];
	v9 =	vadd.s32 v12, v9  }
0x276: {  	v12 =	vld [tilespmem:s24+$0x0];
	v9 =	vadd.s32 v14, v9  }
0x277: {  	v14 =	vld [tilespmem:s24+$0x100];
	v9 =	vadd.s32 v15, v9  }
0x278: {  	v15 =	vld [tilespmem:s24+$0x200];
	v9 =	vadd.s32 v16, v9  }
0x279: {  	v16 =	vld [tilespmem:s24+$0x300];
	v9 =	vadd.s32 v17, v9  }
0x27a: {  	v17 =	vld [tilespmem:s24+$0x400];
	v9 =	vadd.s32 v11, v9  }
0x27b: {  	v11 =	vld [tilespmem:s24+$0x500];
	v9 =	vadd.s32 v12, v9  }
0x27c: {  	v12 =	vld [tilespmem:s24+$0x600];
	v9 =	vadd.s32 v14, v9  }
0x27d: {  	v21 =	vld [tilespmem:s29+$0x600];
	v9 =	vadd.s32 v15, v9  }
0x27e: {  	v14 =	vld [tilespmem:s29+$0xFFFFF800];
	v9 =	vadd.s32 v16, v9  }
0x27f: {  	v15 =	vld [tilespmem:s29+$0xFFFFF900];
	v9 =	vadd.s32 v17, v9  }
0x280: {  	v16 =	vld [tilespmem:s29+$0xFFFFFA00];
	v9 =	vadd.s32 v11, v9  }
0x281: {  	v17 =	vld [tilespmem:s29+$0xFFFFFB00];
	v9 =	vadd.s32 v12, v9  }
0x282: {  	v11 =	vld [tilespmem:s29+$0xFFFFFC00];
	v9 =	vadd.s32 v18, v9  }
0x283: {  	v12 =	vld [tilespmem:s29+$0xFFFFFD00];
	v19 =	vperm.xlane v9, v4  }
0x284: {  	v18 =	vld [tilespmem:s29+$0xFFFFFE00];
	v14 =	vadd.s32 v14, v15  }
0x285: {  	v15 =	vld [tilespmem:s29+$0xFFFFFF00];
	v14 =	vadd.s32 v16, v14;
	(xrf0) =	vadd.scan.msk.s32 $0xffff, v19  }
0x286: {  	v16 =	vld [tilespmem:s29+$0x0];
	v14 =	vadd.s32 v17, v14  }
0x287: {  	v17 =	vld [tilespmem:s29+$0x100];
	v11 =	vadd.s32 v11, v14  }
0x288: {  	v14 =	vld [tilespmem:s29+$0x200];
	v11 =	vadd.s32 v12, v11  }
0x289: {  	v12 =	vld [tilespmem:s29+$0x300];
	v11 =	vadd.s32 v18, v11  }
0x28a: {  	v18 =	vld [tilespmem:s29+$0x400];
	v11 =	vadd.s32 v15, v11  }
0x28b: {  	v13 =	vimm.s32 $0x0;
	s30 =	simm.s32 $0xA8D0;
	v15 =	vld [tilespmem:s29+$0x500];
	v11 =	vadd.s32 v16, v11;
	v16, _, _ =	vpop (xrf0)  }
0x28c: {  	v11 =	vadd.s32 v17, v11;
	v17 =	vld [tilespmem:s30+$0xFFFFF800];
	v16 =	vadd.s32 v13, v16  }
0x28d: {  	v11 =	vadd.s32 v14, v11;
	v14 =	vld [tilespmem:s30+$0xFFFFF900];
	vm0 =	vge.s32 v16, v8  }
0x28e: {  	v11 =	vadd.s32 v12, v11;
	v16 =	vld [tilespmem:s30+$0xFFFFFA00];
	v12 =	vsel vm0, $0x3F800000, v5  }
0x28f: {  	v11 =	vadd.s32 v18, v11;
	(xrf0) =	vmax.scan.msk.f32 $0xffff, v12;
	v12 =	vld [tilespmem:s30+$0xFFFFFB00]  }
0x290: {  	v11 =	vadd.s32 v15, v11;
	v15 =	vld [tilespmem:s30+$0xFFFFFC00]  }
0x291: {  	v18 =	vld [tilespmem:s30+$0xFFFFFD00]  }
0x292: {  	v11 =	vadd.s32 v21, v11;
	v14 =	vadd.s32 v17, v14  }
0x293: {  	v11 =	vadd.s32 v20, v11;
	(xrf0) =	vadd.scan.msk.s32 $0xffff, v9;
	v14 =	vadd.s32 v16, v14  }
0x294: {  	s31 =	simm.s32 $0xA8C0;
	v9 =	vld [tilespmem:s30+$0xFFFFFE00];
	v24 =	vperm.xlane v11, v4;
	v12 =	vadd.s32 v12, v14  }
0x295: {  	v23 =	vld [tilespmem:s31+$0xFFFFF800];
	v12 =	vadd.s32 v15, v12  }
0x296: {  	v16 =	vld [tilespmem:s30+$0xFFFFFF00];
	(xrf0) =	vadd.scan.msk.s32 $0xffff, v24;
	v12 =	vadd.s32 v18, v12  }
0x297: {  	v20 =	vld [tilespmem:s30+$0x0];
	v14, _, _ =	vpop (xrf0)  }
0x298: {  	(v2sf) =	vpush v14, $0xF;
	v14 =	vld [tilespmem:s30+$0x100]  }
0x299: {  	v15 =	vld [tilespmem:s30+$0x200];
	v9 =	vadd.s32 v9, v12;
	v12, _, _ =	vpop (xrf0)  }
0x29a: {  	v18 =	vld [tilespmem:s30+$0x300];
	v12 =	vbroadcast v12, $0xF  }
0x29b: {  	v9 =	vadd.s32 v16, v9;
	v16 =	vld [tilespmem:s30+$0x400]  }
0x29c: {  	v21 =	vld [tilespmem:s30+$0x500];
	v20 =	vadd.s32 v20, v9;
	v22, _, _ =	vpop (xrf0);
	v9 =	vadd.s32 v13, v12  }
0x29d: {  	v12 =	vadd.s32 v14, v20;
	v14 =	vld [tilespmem:s30+$0x600];
	v20 =	vadd.s32 v9, v22  }
0x29e: {  	v17 =	vld [tilespmem:s30+$0x700];
	v22 =	vmctz.xlane vm0;
	v12 =	vadd.s32 v15, v12;
	vm3 =	vge.s32 v20, v8  }
0x29f: {  	v20 =	vld [tilespmem:s31+$0xFFFFF900];
	v12 =	vadd.s32 v18, v12;
	v15 =	vsel vm3, $0x3F800000, v5  }
0x2a0: {  	v18 =	vld [tilespmem:s31+$0xFFFFFA00];
	vm0 =	vgt.s32 v22, v0;
	v12 =	vadd.s32 v16, v12;
	(xrf0) =	vmax.scan.msk.f32 $0xffff, v15  }
0x2a1: {  	v16 =	vld [tilespmem:s31+$0xFFFFFB00];
	v15 =	vnsel vm0, $0x0, v19;
	v12 =	vadd.s32 v21, v12  }
0x2a2: {  	v25 =	vld [tilespmem:s31+$0x300];
	(xrf0) =	vadd.scan.msk.s32 $0xffff, v15;
	v12 =	vadd.s32 v14, v12  }
0x2a3: {  	v19 =	vld [tilespmem:s31+$0xFFFFFC00];
	v15 =	vadd.s32 v17, v12;
	(xrf0) =	vadd.scan.msk.s32 $0xffff, v11  }
0x2a4: {  	v21 =	vld [tilespmem:s31+$0xFFFFFD00];
	v14 =	vperm.xlane v15, v4;
	v12 =	vadd.s32 v23, v20  }
0x2a5: {  	v11 =	vld [tilespmem:s31+$0xFFFFFE00];
	v12 =	vadd.s32 v18, v12  }
0x2a6: {  	v18 =	vld [tilespmem:s31+$0xFFFFFF00];
	(xrf0) =	vadd.scan.msk.s32 $0xffff, v14;
	v12 =	vadd.s32 v16, v12;
	v16, _, _ =	vpop (xrf0)  }
0x2a7: {  	s23 =	simm.s32 $0xFF;
	v20 =	vld [tilespmem:s31+$0x0];
	s25 =	spop (v2sf);
	(v2sf) =	vpush v16, $0xF  }
0x2a8: {  	vm2 =	vmmov vm5;
	v22 =	vsub.s32 s23, v22;
	v23 =	vld [tilespmem:s31+$0x100];
	v12 =	vadd.s32 v19, v12;
	p0 =	sgt.f32 s25, $0.0e+00;
	v19, _, _ =	vpop (xrf0)  }
0x2a9: {  	v27 =	vmctz.xlane vm3;
	v12 =	vadd.s32 v21, v12;
	v21 =	vld [tilespmem:s31+$0x200];
	v16 =	vbroadcast v19, $0xF;
	v19, _, _ =	vpop (xrf0)  }
0x2aa: {  	v26 =	vld [tilespmem:s31+$0x400];
	v11 =	vadd.s32 v11, v12;
	vm2 =	vmneg @p0 vm2;
	v19 =	vbroadcast v19, $0xF  }
0x2ab: {  	vm3 =	vmmov vm5;
	v17 =	vld [tilespmem:s31+$0x700];
	vm0 =	vmand vm2, vm1;
	v11 =	vadd.s32 v18, v11  }
0x2ac: {  	v18 =	vld [tilespmem:s31+$0x500];
	v12 =	vsel vm0, v22, v13;
	v20 =	vadd.s32 v20, v11;
	v22, _, _ =	vpop (xrf0);
	v11 =	vadd.s32 v9, v19  }
0x2ad: {  	s26 =	simm.s32 $0xA8B0;
	v16 =	vadd.s32 v13, v16;
	v23 =	vadd.s32 v23, v20;
	v19 =	vld [tilespmem:s31+$0x600];
	v22 =	vadd.s32 v11, v22  }
0x2ae: {  	v13 =	vsel vm0, v16, v13;
	v20 =	vld [tilespmem:s26+$0xFFFFF800];
	v16 =	vadd.s32 v21, v23;
	vm4 =	vge.s32 v22, v8  }
0x2af: {  	s28 =	simm.s32 $0xAF;
	s29 =	simm.s32 $0xEF;
	vm0 =	vgt.s32 v27, v0;
	v21 =	vld [tilespmem:s26+$0xFFFFF900];
	v16 =	vadd.s32 v25, v16;
	v25 =	vsel vm4, $0x3F800000, v5  }
0x2b0: {  	s24 =	simm.s32 $0xCF;
	s23 =	simm.s32 $0xBF;
	s25 =	simm.s32 $0xDF;
	v24 =	vnsel vm0, $0x0, v24;
	v22 =	vld [tilespmem:s26+$0xFFFFFA00];
	v23 =	vadd.s32 v26, v16;
	v16 =	vsub.s32 s29, v27;
	(xrf0) =	vmax.scan.msk.f32 $0xffff, v25  }
.LBB2_18:
0x2b1: {  	p0 =	sne.s32 s28, $0xF;
	v25 =	vld [tilespmem:s26+$0xFFFFFB00];
	v18 =	vadd.s32 v18, v23;
	(xrf0) =	vadd.scan.msk.s32 $0xffff, v24;
	s29 =	smov.u32 s23;
	s23 =	smov.u32 s28  }
0x2b2: {  	v23 =	vld [tilespmem:s26+$0xFFFFFC00];
	v18 =	vadd.s32 v19, v18  }
0x2b3: {  	v19 =	vld [tilespmem:s26+$0xFFFFFD00];
	(xrf0) =	vadd.scan.msk.s32 $0xffff, v15;
	v15 =	vadd.s32 v17, v18  }
0x2b4: {  	v17 =	vadd.s32 v20, v21;
	v18 =	vld [tilespmem:s26+$0xFFFFFE00];
	v26 =	vperm.xlane v15, v4  }
0x2b5: {  	v20 =	vadd.s32 v22, v17;
	v17 =	vld [tilespmem:s26+$0x700]  }
0x2b6: {  	v20 =	vadd.s32 v25, v20;
	v21 =	vld [tilespmem:s26+$0xFFFFFF00];
	(xrf0) =	vadd.scan.msk.s32 $0xffff, v26;
	v22, _, _ =	vpop (xrf0);
	s30 =	spop (v2sf)  }
0x2b7: {  	vm3 =	vmor vm3, vm2;
	v20 =	vadd.s32 v23, v20;
	v23 =	vld [tilespmem:s26+$0x0];
	(v2sf) =	vpush v22, $0xF;
	p1 =	sgt.f32 s30, $0.0e+00;
	v22, _, _ =	vpop (xrf0)  }
0x2b8: {  	vm2 =	vmmov vm5;
	v25 =	vadd.s32 v19, v20;
	v20 =	vld [tilespmem:s26+$0x100];
	v22 =	vbroadcast v22, $0xF  }
0x2b9: {  	vm0 =	vmneg vm3;
	v18 =	vadd.s32 v18, v25;
	v24 =	vld [tilespmem:s26+$0x200];
	v19, _, _ =	vpop (xrf0);
	vm2 =	vmneg @p1 vm2  }
0x2ba: {  	v25 =	vld [tilespmem:s26+$0x300];
	v19 =	vbroadcast v19, $0xF;
	vm0 =	vmand vm2, vm0;
	v22 =	vadd.s32 v9, v22;
	v9 =	vmovc v11  }
0x2bb: {  	v18 =	vadd.s32 v21, v18;
	v27 =	vld [tilespmem:s26+$0x400];
	v12 =	vsel vm0, v16, v12;
	v13 =	vsel vm0, v22, v13  }
.Ltmp12:
0x2bc: {  	v16 =	vadd.s32 v23, v18;
	v18 =	vld [tilespmem:s26+$0x500];
	v21, _, _ =	vpop (xrf0);
	v11 =	vadd.s32 v11, v19;
	(pc) =	sbr.rel @p0 .LBB2_18-.Ltmp12, $4  }
0x2bd: {  	v28 =	vmctz.xlane vm4;
	v16 =	vadd.s32 v20, v16;
	v19 =	vld [tilespmem:s26+$0x600];
	s26 =	sadd.s32 $0xFFFFFFF0, s26;
	v21 =	vadd.s32 v11, v21  }
0x2be: {  	v20 =	vld [tilespmem:s26+$0xFFFFF800];
	v16 =	vadd.s32 v24, v16;
	vm4 =	vge.s32 v21, v8  }
0x2bf: {  	vm0 =	vgt.s32 v28, v0;
	v21 =	vld [tilespmem:s26+$0xFFFFF900];
	v16 =	vadd.s32 v25, v16;
	v24 =	vsel vm4, $0x3F800000, v5  }
0x2c0: {  	s28 =	sadd.s32 $0xFFFFFFF0, s28;
	v22 =	vld [tilespmem:s26+$0xFFFFFA00];
	v23 =	vadd.s32 v27, v16;
	(xrf0) =	vmax.scan.msk.f32 $0xffff, v24;
	v24 =	vnsel vm0, $0x0, v14;
	v16 =	vsub.s32 s25, v28;
	v14 =	vmovc v26;
	s25 =	smov.u32 s24;
	s24 =	smov.u32 s29  }
0x2c1: {  	v25 =	vld [tilespmem:s26+$0xFFFFFB00];
	v18 =	vadd.s32 v18, v23  }
0x2c2: {  	(xrf0) =	vadd.scan.msk.s32 $0xffff, v24;
	v30 =	vld [tilespmem:s26+$0xFFFFFC00];
	v18 =	vadd.s32 v19, v18  }
0x2c3: {  	v31 =	vld [tilespmem:s26+$0xFFFFFD00];
	(xrf0) =	vadd.scan.msk.s32 $0xffff, v15;
	v17 =	vadd.s32 v17, v18  }
0x2c4: {  	v33 =	vld [tilespmem:s26+$0xFFFFFE00];
	v32 =	vadd.s32 v20, v21;
	v34 =	vperm.xlane v17, v4  }
0x2c5: {  	v35 =	vld [tilespmem:s26+$0xFFFFFF00];
	v15 =	vadd.s32 v22, v32  }
0x2c6: {  	v36 =	vld [tilespmem:s26+$0x0];
	v15 =	vadd.s32 v25, v15;
	(xrf0) =	vadd.scan.msk.s32 $0xffff, v34  }
0x2c7: {  	v38 =	vld [tilespmem:s26+$0x100];
	v37, _, _ =	vpop (xrf0);
	v15 =	vadd.s32 v30, v15  }
0x2c8: {  	v40 =	vld [tilespmem:s26+$0x200];
	v39, _, _ =	vpop (xrf0);
	v15 =	vadd.s32 v31, v15  }
0x2c9: {  	v26 =	vld [tilespmem:s26+$0x300];
	v41, _, _ =	vpop (xrf0);
	v15 =	vadd.s32 v33, v15  }
0x2ca: {  	v42 =	vld [tilespmem:s26+$0x400];
	v18 =	vbroadcast v41, $0xF;
	v15 =	vadd.s32 v35, v15  }
0x2cb: {  	v43 =	vld [tilespmem:s26+$0x500];
	v15 =	vadd.s32 v36, v15  }
0x2cc: {  	v44 =	vld [tilespmem:s26+$0x600];
	v18 =	vadd.s32 v11, v18;
	v27, _, _ =	vpop (xrf0);
	v15 =	vadd.s32 v38, v15  }
0x2cd: {  	v45 =	vld [tilespmem:s26+$0x700];
	v28 =	vmctz.xlane vm4;
	v15 =	vadd.s32 v40, v15;
	v27 =	vadd.s32 v18, v27  }
0x2ce: {  	vm0 =	vge.s32 v27, v8;
	v15 =	vadd.s32 v26, v15  }
0x2cf: {  	vm4 =	vgt.s32 v28, v0;
	v15 =	vadd.s32 v42, v15;
	v46 =	vsel vm0, $0x3F800000, v5  }
0x2d0: {  	v14 =	vnsel vm4, $0x0, v14;
	(xrf0) =	vmax.scan.msk.f32 $0xffff, v46;
	v15 =	vadd.s32 v43, v15  }
0x2d1: {  	(xrf0) =	vadd.scan.msk.s32 $0xffff, v14;
	v47 =	vadd.s32 v44, v15  }
0x2d2: {  	v14 =	vadd.s32 v45, v47;
	(xrf0) =	vadd.scan.msk.s32 $0xffff, v17  }
0x2d3: {  	v48 =	vperm.xlane v14, v4;
	_ =	sdelay $0x1  }
0x2d4: {  	(xrf0) =	vadd.scan.msk.s32 $0xffff, v48  }
0x2d5: {  	v49, _, _ =	vpop (xrf0)  }
0x2d6: {  	v50, _, _ =	vpop (xrf0)  }
0x2d7: {  	v51, _, _ =	vpop (xrf0)  }
0x2d8: {  	v21 =	vbroadcast v51, $0xF;
	_ =	sdelay $0x1  }
0x2d9: {  	v52, _, _ =	vpop (xrf0);
	v21 =	vadd.s32 v18, v21  }
0x2da: {  	v22 =	vadd.s32 v21, v52  }
0x2db: {  	vm4 =	vge.s32 v22, v8  }
0x2dc: {  	v22 =	vsel vm4, $0x3F800000, v5  }
0x2dd: {  	(xrf0) =	vmax.scan.msk.f32 $0xffff, v22  }
0x2de: {  	(v2sf) =	vpush v37, $0xF;
	_ =	sdelay $0x2  }
0x2df: {  	(v2sf) =	vpush v49, $0xF;
	_ =	sdelay $0x1  }
0x2e0: {  	v53, _, _ =	vpop (xrf0)  }
0x2e1: {  	(v2sf) =	vpush v53, $0xF;
	_ =	sdelay $0x2  }
0x2e2: {  	v54 =	vmctz.xlane vm0;
	_ =	sdelay $0x1  }
0x2e3: {  	vm0 =	vgt.s32 v54, v0  }
0x2e4: {  	s28 =	spop (v2sf);
	v20 =	vnsel vm0, $0x0, v34;
	v55 =	vmctz.xlane vm4  }
0x2e5: {  	v59 =	vsub.s32 s25, v28;
	p0 =	sgt.f32 s28, $0.0e+00;
	v56 =	vbroadcast v39, $0xF;
	vm0 =	vmor vm3, vm2;
	(xrf0) =	vadd.scan.msk.s32 $0xffff, v20  }
0x2e6: {  	vm2 =	vmmov vm5;
	v58 =	vbroadcast v50, $0xF;
	vm3 =	vgt.s32 v55, v0;
	(xrf0) =	vadd.scan.msk.s32 $0xffff, v14  }
0x2e7: {  	vm2 =	vmneg @p0 vm2;
	s29 =	spop (v2sf);
	vm4 =	vmneg vm0;
	v57 =	vnsel vm3, $0x0, v48  }
0x2e8: {  	v9 =	vadd.s32 v9, v56;
	p0 =	sgt.f32 s29, $0.0e+00;
	v11 =	vadd.s32 v11, v58;
	vm3 =	vmand vm2, vm4;
	(xrf0) =	vadd.scan.msk.s32 $0xffff, v57  }
0x2e9: {  	vm0 =	vmor vm0, vm2;
	vm2 =	vmmov vm5;
	v12 =	vsel vm3, v16, v12  }
0x2ea: {  	v9 =	vsel vm3, v9, v13;
	vm2 =	vmneg @p0 vm2;
	vm3 =	vmneg vm0;
	s30 =	spop (v2sf)  }
0x2eb: {  	s25 =	simm.s32 $0xA040;
	vm3 =	vmand vm2, vm3;
	vm0 =	vmor vm0, vm2;
	vm2 =	vmmov vm5;
	v60, _, _ =	vpop (xrf0);
	p0 =	sgt.f32 s30, $0.0e+00  }
0x2ec: {  	[tilespmem:s25+$0xFFFFFFC0] =	vst v1;
	v12 =	vsel vm3, v59, v12;
	v9 =	vsel vm3, v11, v9;
	v61 =	vbroadcast v60, $0xF;
	v11, _, _ =	vpop (xrf0)  }
0x2ed: {  	[tilespmem:s25+$0x30] =	vst v1;
	vm3 =	vmneg vm0;
	v11 =	vsub.s32 s24, v54;
	vm2 =	vmneg @p0 vm2;
	s31 =	spop (v2sf)  }
0x2ee: {  	[tilespmem:s25+$0x20] =	vst v1;
	v13 =	vadd.s32 v18, v61;
	vm3 =	vmand vm2, vm3;
	vm0 =	vmor vm0, vm2;
	v62, _, _ =	vpop (xrf0);
	p0 =	sgt.f32 s31, $0.0e+00  }
0x2ef: {  	[tilespmem:s25+$0x10] =	vst v1;
	vm2 =	vmmov vm5;
	v11 =	vsel vm3, v11, v12;
	v63 =	vbroadcast v62, $0xF  }
0x2f0: {  	[tilespmem:s25+$0x0] =	vst v1;
	v13 =	vsel vm3, v13, v9;
	vm0 =	vmneg vm0;
	vm2 =	vmneg @p0 vm2  }
0x2f1: {  	[tilespmem:s25+$0xFFFFFFF0] =	vst v1;
	v9 =	vsub.s32 s23, v55;
	v12 =	vadd.s32 v21, v63;
	vm0 =	vmand vm2, vm0  }
0x2f2: {  	[tilespmem:s25+$0xFFFFFFE0] =	vst v1;
	s23 =	simm.s32 $0x0;
	v9 =	vsel vm0, v9, v11;
	v11 =	vsel vm0, v12, v13  }
.LBB2_20:
0x2f3: {  	s23 =	sadd.s32 $0x8, s23;
	[tilespmem:s25+$0xFFFFFFD0] =	vst v1;
	s25 =	sadd.s32 $0x80, s25  }
0x2f4: {  	[tilespmem:s25+$0xFFFFFFC0] =	vst v1;
	p0 =	slt.u32 s23, $0xF8  }
0x2f5: {  	[tilespmem:s25+$0x30] =	vst v1  }
.Ltmp13:
0x2f6: {  	[tilespmem:s25+$0x20] =	vst v1;
	(pc) =	sbr.rel @p0 .LBB2_20-.Ltmp13, $4  }
0x2f7: {  	[tilespmem:s25+$0x10] =	vst v1  }
0x2f8: {  	[tilespmem:s25+$0x0] =	vst v1  }
0x2f9: {  	[tilespmem:s25+$0xFFFFFFF0] =	vst v1  }
0x2fa: {  	[tilespmem:s25+$0xFFFFFFE0] =	vst v1  }
0x2fb: {  	s23 =	sadd.s32 $0xF, s22  }
0x2fc: {  	s23 =	sshrl.u32 s23, $0x4  }
0x2fd: {  	p0 =	seq.s32 s23, $0x0  }
.Ltmp14:
0x2fe: {  	_ = 	snop;
	(pc) =	sbr.rel @p0 .LBB2_34-.Ltmp14, $3  }
0x2ff: {  	_ =	sdelay $0x1  }
0x300: {  	v10 =	vshll.u32 v10, $0x8  }
0x301: {  	[tilespmem:s25+$0xFFFFFFD0] =	vst v1;
	v9 =	vadd.s32 v10, v9  }
0x302: {  	p1 =	sne.s32 s23, $0x1  }
.Ltmp15:
0x303: {  	_ = 	snop;
	(pc) =	sbr.rel @!p1 .LBB2_23-.Ltmp15, $3  }
0x304: {  	_ =	sdelay $0x1  }
0x305: {  	s24 =	simm.s32 $0x8000  }
0x306: {  	v10 =	vmov s22;
	s22 =	simm.s32 $0x0;
	s23 =	sadd.s32 $0xFFFFFFFF, s23;
	p0 =	por $0x0, $0x0;
	v12 =	vld [tilespmem:s24+$0x0]  }
0x307: {  	_ =	sdelay $0x3  }
0x308: {  	v13 =	vand.u32 $0xFF, v12  }
0x309: {  	v13 =	vor.u32 v2, v13  }
0x30a: {  	v14 =	vor.u32 s22, v0;
	p1 =	sne.s32 s23, $0x1;
	v12 =	vshrl.u32 v12, $0x8  }
.Ltmp16:
0x30b: {  	vm0 =	vlt.s32 v14, v10;
	vm2 =	veq.s32 v12, v9;
	(pc) =	sbr.rel @!p1 .LBB2_31-.Ltmp16, $4  }
0x30c: {  	vm0 =	vmand vm0, vm2  }
0x30d: {  	v12 =	vsel vm0, $0x1, v1  }
0x30e: {  	s24 =	simm.s32 $0x8010;
	[tilespmem:v13+s17+$0x0] =	vst.idx.add.s32.msk $0xffff, v12  }
0x30f: {  	s25 =	sadd.s32 $0xFFFFFFFF, s23;
	p0 =	por $0x1, $0x1;
	s23 =	simm.s32 $0x0;
	v12 =	vld [tilespmem:s24+$0x0]  }
.LBB2_32:
0x310: {  	p1 =	sne.s32 s25, $0x1;
	_ =	sdelay $0x3  }
0x311: {  	v13 =	vand.u32 $0xFF, v12  }
0x312: {  	s23 =	sadd.s32 $0x10, s23;
	v13 =	vor.u32 v2, v13  }
0x313: {  	v14 =	vor.u32 s23, v0;
	v12 =	vshrl.u32 v12, $0x8  }
.Ltmp17:
0x314: {  	vm0 =	vlt.s32 v14, v10;
	vm2 =	veq.s32 v12, v9;
	(pc) =	sbr.rel @p1 .LBB2_32-.Ltmp17, $4  }
0x315: {  	vm0 =	vmand vm0, vm2  }
0x316: {  	v12 =	vsel vm0, $0x1, v1  }
0x317: {  	s24 =	sadd.s32 $0x10, s24;
	[tilespmem:v13+s17+$0x0] =	vst.idx.add.s32.msk $0xffff, v12  }
0x318: {  	s25 =	sadd.s32 $0xFFFFFFFF, s25;
	v12 =	vld [tilespmem:s24+$0x0]  }
.LBB2_33:
0x319: {  	_ =	sdelay $0x3  }
0x31a: {  	s23 =	sadd.s32 @p0 $0x10, s23;
	v13 =	vand.u32 $0xFF, v12  }
0x31b: {  	s22 =	smov.u32 @p0 s23;
	v13 =	vor.u32 v2, v13  }
0x31c: {  	v14 =	vor.u32 s22, v0;
	v63 =	vshrl.u32 v12, $0x8  }
0x31d: {  	vm0 =	vlt.s32 v14, v10;
	vm2 =	veq.s32 v63, v9  }
0x31e: {  	vm0 =	vmand vm0, vm2  }
0x31f: {  	v10 =	vsel vm0, $0x1, v1  }
0x320: {  	[tilespmem:v13+s17+$0x0] =	vst.idx.add.s32.msk $0xffff, v10  }
.LBB2_34:
0x321: {  	s22 =	simm.s32 $0xA8F0  }
0x322: {  	v10 =	vld [tilespmem:s22+$0xFFFFF800]  }
0x323: {  	v12 =	vld [tilespmem:s22+$0xFFFFF900]  }
0x324: {  	v13 =	vld [tilespmem:s22+$0xFFFFFA00]  }
0x325: {  	v14 =	vld [tilespmem:s22+$0xFFFFFB00]  }
0x326: {  	v15 =	vld [tilespmem:s22+$0xFFFFFC00]  }
0x327: {  	v16 =	vld [tilespmem:s22+$0xFFFFFD00]  }
0x328: {  	s29 =	simm.s32 $0xA8E0;
	v17 =	vld [tilespmem:s22+$0x700]  }
0x329: {  	v18 =	vld [tilespmem:s29+$0xFFFFF800]  }
0x32a: {  	v10 =	vadd.s32 v10, v12;
	v12 =	vld [tilespmem:s22+$0xFFFFFE00]  }
0x32b: {  	v10 =	vadd.s32 v13, v10;
	v13 =	vld [tilespmem:s22+$0xFFFFFF00]  }
0x32c: {  	v10 =	vadd.s32 v14, v10;
	v14 =	vld [tilespmem:s22+$0x0]  }
0x32d: {  	v10 =	vadd.s32 v15, v10;
	v15 =	vld [tilespmem:s22+$0x100]  }
0x32e: {  	v10 =	vadd.s32 v16, v10;
	v16 =	vld [tilespmem:s22+$0x200]  }
0x32f: {  	v10 =	vadd.s32 v12, v10;
	v12 =	vld [tilespmem:s22+$0x300]  }
0x330: {  	v10 =	vadd.s32 v13, v10;
	v13 =	vld [tilespmem:s22+$0x400]  }
0x331: {  	v10 =	vadd.s32 v14, v10;
	v14 =	vld [tilespmem:s22+$0x500]  }
0x332: {  	v10 =	vadd.s32 v15, v10;
	v15 =	vld [tilespmem:s22+$0x600]  }
0x333: {  	v20 =	vld [tilespmem:s29+$0xFFFFFE00];
	v10 =	vadd.s32 v16, v10  }
0x334: {  	v16 =	vld [tilespmem:s29+$0xFFFFF900];
	v10 =	vadd.s32 v12, v10  }
0x335: {  	v12 =	vld [tilespmem:s29+$0xFFFFFA00];
	v10 =	vadd.s32 v13, v10  }
0x336: {  	v13 =	vld [tilespmem:s29+$0xFFFFFB00];
	v10 =	vadd.s32 v14, v10  }
0x337: {  	v14 =	vld [tilespmem:s29+$0xFFFFFC00];
	v10 =	vadd.s32 v15, v10  }
0x338: {  	v15 =	vld [tilespmem:s29+$0xFFFFFD00];
	v10 =	vadd.s32 v17, v10  }
0x339: {  	v21 =	vld [tilespmem:s29+$0x100];
	v16 =	vadd.s32 v18, v16;
	v19 =	vperm.xlane v10, v4  }
0x33a: {  	v18 =	vld [tilespmem:s29+$0xFFFFFF00];
	v12 =	vadd.s32 v12, v16  }
0x33b: {  	v16 =	vld [tilespmem:s29+$0x0];
	v12 =	vadd.s32 v13, v12;
	(xrf0) =	vadd.scan.msk.s32 $0xffff, v19  }
0x33c: {  	v17 =	vld [tilespmem:s29+$0x700];
	v12 =	vadd.s32 v14, v12  }
0x33d: {  	v14 =	vld [tilespmem:s29+$0x200];
	v12 =	vadd.s32 v15, v12  }
0x33e: {  	v15 =	vld [tilespmem:s29+$0x300];
	v12 =	vadd.s32 v20, v12  }
0x33f: {  	v20 =	vld [tilespmem:s29+$0x400];
	v12 =	vadd.s32 v18, v12  }
0x340: {  	v8 =	vsub.s32 v8, v11;
	v18 =	vld [tilespmem:s29+$0x500];
	v11 =	vadd.s32 v16, v12  }
0x341: {  	s30 =	simm.s32 $0xA8D0;
	v13 =	vimm.s32 $0x0;
	v12 =	vld [tilespmem:s29+$0x600];
	v11 =	vadd.s32 v21, v11;
	v22, _, _ =	vpop (xrf0)  }
0x342: {  	v21 =	vld [tilespmem:s30+$0xFFFFF800];
	v11 =	vadd.s32 v14, v11;
	v16 =	vadd.s32 v13, v22  }
0x343: {  	v14 =	vld [tilespmem:s30+$0xFFFFF900];
	v11 =	vadd.s32 v15, v11;
	vm0 =	vge.s32 v16, v8  }
0x344: {  	v15 =	vld [tilespmem:s30+$0xFFFFFA00];
	v11 =	vadd.s32 v20, v11;
	v16 =	vsel vm0, $0x3F800000, v5  }
0x345: {  	v11 =	vadd.s32 v18, v11;
	(xrf0) =	vmax.scan.msk.f32 $0xffff, v16;
	v16 =	vld [tilespmem:s30+$0xFFFFFB00]  }
0x346: {  	v18 =	vld [tilespmem:s30+$0xFFFFFC00];
	v11 =	vadd.s32 v12, v11  }
0x347: {  	v12 =	vld [tilespmem:s30+$0xFFFFFD00];
	v11 =	vadd.s32 v17, v11;
	(xrf0) =	vadd.scan.msk.s32 $0xffff, v10  }
0x348: {  	v20 =	vld [tilespmem:s30+$0xFFFFFE00];
	v14 =	vadd.s32 v21, v14;
	v10 =	vperm.xlane v11, v4  }
0x349: {  	v14 =	vadd.s32 v15, v14;
	v15 =	vld [tilespmem:s30+$0xFFFFFF00]  }
0x34a: {  	(xrf0) =	vadd.scan.msk.s32 $0xffff, v10;
	v14 =	vadd.s32 v16, v14;
	v16 =	vld [tilespmem:s30+$0x0]  }
0x34b: {  	v21, _, _ =	vpop (xrf0);
	v14 =	vadd.s32 v18, v14;
	v18 =	vld [tilespmem:s30+$0x100]  }
0x34c: {  	(v2sf) =	vpush v21, $0xF;
	v12 =	vadd.s32 v12, v14;
	v14 =	vld [tilespmem:s30+$0x200]  }
0x34d: {  	v22 =	vld [tilespmem:s30+$0x500];
	v21, _, _ =	vpop (xrf0);
	v12 =	vadd.s32 v20, v12  }
0x34e: {  	v20 =	vld [tilespmem:s30+$0x300];
	v21 =	vbroadcast v21, $0xF;
	v12 =	vadd.s32 v15, v12  }
0x34f: {  	v15 =	vld [tilespmem:s30+$0x400];
	v16 =	vadd.s32 v16, v12  }
0x350: {  	v17 =	vld [tilespmem:s30+$0x700];
	v23, _, _ =	vpop (xrf0);
	v12 =	vadd.s32 v13, v21;
	v16 =	vadd.s32 v18, v16  }
0x351: {  	s31 =	simm.s32 $0xA8C0;
	v18 =	vld [tilespmem:s30+$0x600];
	v21 =	vadd.s32 v12, v23;
	v14 =	vadd.s32 v14, v16;
	v16 =	vmctz.xlane vm0  }
0x352: {  	v23 =	vld [tilespmem:s31+$0xFFFFF800];
	vm4 =	vge.s32 v21, v8  }
0x353: {  	v21 =	vld [tilespmem:s31+$0xFFFFF900];
	v14 =	vadd.s32 v20, v14;
	v20 =	vsel vm4, $0x3F800000, v5;
	vm0 =	veq.s32 v16, v0  }
0x354: {  	v24 =	vld [tilespmem:s31+$0xFFFFFA00];
	v14 =	vadd.s32 v15, v14;
	(xrf0) =	vmax.scan.msk.f32 $0xffff, v20;
	v20 =	vnsel vm0, $0x0, v19  }
0x355: {  	v15 =	vld [tilespmem:s31+$0xFFFFFB00];
	v14 =	vadd.s32 v22, v14;
	vm0 =	vgt.s32 v16, v0;
	(xrf0) =	vadd.scan.msk.s32 $0xffff, v20  }
0x356: {  	v22 =	vld [tilespmem:s31+$0xFFFFFC00];
	v14 =	vadd.s32 v18, v14;
	v19 =	vnsel vm0, $0x0, v19;
	(xrf0) =	vadd.scan.msk.s32 $0xffff, v11  }
0x357: {  	v20 =	vld [tilespmem:s31+$0xFFFFFD00];
	v17 =	vadd.s32 v17, v14;
	(xrf0) =	vadd.scan.msk.s32 $0xffff, v19  }
0x358: {  	v14 =	vadd.s32 v23, v21;
	v11 =	vperm.xlane v17, v4;
	v19 =	vld [tilespmem:s31+$0xFFFFFE00]  }
0x359: {  	v21 =	vld [tilespmem:s31+$0xFFFFFF00];
	v14 =	vadd.s32 v24, v14  }
0x35a: {  	v23 =	vld [tilespmem:s31+$0x0];
	v14 =	vadd.s32 v15, v14;
	(xrf0) =	vadd.scan.msk.s32 $0xffff, v11;
	v15, _, _ =	vpop (xrf0)  }
0x35b: {  	s24 =	simm.s32 $0xFF;
	v25 =	vld [tilespmem:s31+$0x300];
	v14 =	vadd.s32 v22, v14;
	s23 =	spop (v2sf);
	(v2sf) =	vpush v15, $0xF;
	v15, _, _ =	vpop (xrf0)  }
0x35c: {  	vm2 =	vmmov vm5;
	v16 =	vsub.s32 s24, v16;
	v24 =	vld [tilespmem:s31+$0x100];
	v14 =	vadd.s32 v20, v14;
	p0 =	sgt.f32 s23, $0.0e+00;
	v22, _, _ =	vpop (xrf0)  }
0x35d: {  	v20 =	vld [tilespmem:s31+$0x200];
	v15 =	vbroadcast v15, $0xF;
	v14 =	vadd.s32 v19, v14;
	v19 =	vbroadcast v22, $0xF;
	v22, _, _ =	vpop (xrf0)  }
0x35e: {  	v26 =	vld [tilespmem:s31+$0x400];
	v21 =	vadd.s32 v21, v14;
	vm2 =	vmneg @p0 vm2;
	v27 =	vbroadcast v22, $0xF  }
0x35f: {  	v18 =	vld [tilespmem:s31+$0x700];
	v21 =	vadd.s32 v23, v21;
	vm0 =	vmand vm2, vm1;
	v19 =	vadd.s32 v12, v19  }
0x360: {  	v22 =	vld [tilespmem:s31+$0x500];
	v28, _, _ =	vpop (xrf0);
	vm1 =	vmmov vm5;
	v14 =	vsel vm0, v15, v13;
	v15 =	vsel vm0, v16, v13  }
0x361: {  	s26 =	simm.s32 $0xA8B0;
	v23 =	vld [tilespmem:s31+$0x600];
	v16 =	vadd.s32 v24, v21;
	v24 =	vadd.s32 v19, v28;
	v27 =	vadd.s32 v13, v27  }
0x362: {  	v21 =	vld [tilespmem:s26+$0xFFFFF800];
	v16 =	vadd.s32 v20, v16;
	vm3 =	vge.s32 v24, v8;
	v20 =	vmctz.xlane vm4  }
0x363: {  	s25 =	simm.s32 $0xEF;
	s28 =	simm.s32 $0xAF;
	v24 =	vld [tilespmem:s26+$0xFFFFF900];
	v63 =	vadd.s32 v25, v16;
	v29 =	vsel vm3, $0x3F800000, v5;
	v16 =	vsel vm0, v27, v13;
	v13 =	vmovc v19  }
0x364: {  	s22 =	simm.s32 $0xCF;
	s24 =	simm.s32 $0xDF;
	s23 =	simm.s32 $0xBF;
	v25 =	vld [tilespmem:s26+$0xFFFFFA00];
	v26 =	vadd.s32 v26, v63;
	(xrf0) =	vmax.scan.msk.f32 $0xffff, v29;
	vm0 =	vgt.s32 v20, v0;
	vm4 =	veq.s32 v20, v0  }
.LBB2_35:
0x365: {  	p0 =	sne.s32 s28, $0xF;
	v27 =	vld [tilespmem:s26+$0xFFFFFB00];
	v22 =	vadd.s32 v22, v26;
	v26 =	vnsel vm0, $0x0, v10;
	v28 =	vnsel vm4, $0x0, v10;
	v10 =	vmovc v11  }
0x366: {  	v20 =	vsub.s32 s25, v20;
	s25 =	smov.u32 s24;
	s24 =	smov.u32 s22;
	s22 =	smov.u32 s23;
	v29 =	vld [tilespmem:s26+$0xFFFFFC00];
	v11 =	vadd.s32 v23, v22;
	(xrf0) =	vadd.scan.msk.s32 $0xffff, v28  }
0x367: {  	s23 =	smov.u32 s28;
	v22 =	vld [tilespmem:s26+$0xFFFFFD00];
	(xrf0) =	vadd.scan.msk.s32 $0xffff, v17;
	v17 =	vadd.s32 v18, v11  }
0x368: {  	v21 =	vadd.s32 v21, v24;
	v18 =	vld [tilespmem:s26+$0x700];
	v11 =	vperm.xlane v17, v4;
	(xrf0) =	vadd.scan.msk.s32 $0xffff, v26  }
0x369: {  	v21 =	vadd.s32 v25, v21;
	v23 =	vld [tilespmem:s26+$0xFFFFFE00]  }
0x36a: {  	v21 =	vadd.s32 v27, v21;
	v24 =	vld [tilespmem:s26+$0xFFFFFF00];
	(xrf0) =	vadd.scan.msk.s32 $0xffff, v11;
	v25, _, _ =	vpop (xrf0);
	s29 =	spop (v2sf)  }
0x36b: {  	v21 =	vadd.s32 v29, v21;
	v26 =	vld [tilespmem:s26+$0x0];
	(v2sf) =	vpush v25, $0xF;
	p1 =	sgt.f32 s29, $0.0e+00  }
0x36c: {  	vm1 =	vmor vm1, vm2;
	vm2 =	vmmov vm5;
	v21 =	vadd.s32 v22, v21;
	v25 =	vld [tilespmem:s26+$0x100];
	v22, _, _ =	vpop (xrf0)  }
0x36d: {  	vm0 =	vmneg vm1;
	v27 =	vld [tilespmem:s26+$0x200];
	v28, _, _ =	vpop (xrf0);
	vm2 =	vmneg @p1 vm2;
	v22 =	vbroadcast v22, $0xF  }
0x36e: {  	v21 =	vadd.s32 v23, v21;
	v29 =	vld [tilespmem:s26+$0x300];
	v23 =	vbroadcast v28, $0xF;
	vm0 =	vmand vm2, vm0;
	v28, _, _ =	vpop (xrf0)  }
0x36f: {  	v21 =	vadd.s32 v24, v21;
	v30 =	vld [tilespmem:s26+$0x400];
	v24 =	vbroadcast v28, $0xF;
	v14 =	vsel vm0, v22, v14  }
.Ltmp18:
0x370: {  	v15 =	vsel vm0, v20, v15;
	v21 =	vadd.s32 v26, v21;
	v22 =	vld [tilespmem:s26+$0x500];
	v26, _, _ =	vpop (xrf0);
	v19 =	vadd.s32 v19, v23;
	(pc) =	sbr.rel @p0 .LBB2_35-.Ltmp18, $4  }
0x371: {  	v20 =	vadd.s32 v25, v21;
	v23 =	vld [tilespmem:s26+$0x600];
	s26 =	sadd.s32 $0xFFFFFFF0, s26;
	v25 =	vadd.s32 v19, v26;
	v26 =	vadd.s32 v12, v24;
	v12 =	vmovc v13  }
0x372: {  	v13 =	vmovc v19;
	v21 =	vld [tilespmem:s26+$0xFFFFF800];
	v27 =	vadd.s32 v27, v20;
	v20 =	vmctz.xlane vm3;
	vm3 =	vge.s32 v25, v8  }
0x373: {  	v16 =	vsel vm0, v26, v16;
	v24 =	vld [tilespmem:s26+$0xFFFFF900];
	v27 =	vadd.s32 v29, v27;
	v28 =	vsel vm3, $0x3F800000, v5  }
0x374: {  	s28 =	sadd.s32 $0xFFFFFFF0, s28;
	v25 =	vld [tilespmem:s26+$0xFFFFFA00];
	v26 =	vadd.s32 v30, v27;
	(xrf0) =	vmax.scan.msk.f32 $0xffff, v28;
	vm0 =	vgt.s32 v20, v0;
	vm4 =	veq.s32 v20, v0  }
0x375: {  	v27 =	vnsel vm4, $0x0, v10;
	v28 =	vld [tilespmem:s26+$0xFFFFFB00];
	v22 =	vadd.s32 v22, v26  }
0x376: {  	v26 =	vld [tilespmem:s26+$0xFFFFFC00];
	v22 =	vadd.s32 v23, v22;
	(xrf0) =	vadd.scan.msk.s32 $0xffff, v27  }
0x377: {  	v23 =	vld [tilespmem:s26+$0xFFFFFD00];
	v18 =	vadd.s32 v18, v22;
	(xrf0) =	vadd.scan.msk.s32 $0xffff, v17  }
0x378: {  	v10 =	vnsel vm0, $0x0, v10;
	v17 =	vadd.s32 v21, v24;
	v22 =	vperm.xlane v18, v4;
	v21 =	vld [tilespmem:s26+$0xFFFFFE00]  }
0x379: {  	(xrf0) =	vadd.scan.msk.s32 $0xffff, v10;
	v10 =	vadd.s32 v25, v17;
	v17 =	vld [tilespmem:s26+$0xFFFFFF00]  }
0x37a: {  	v24 =	vld [tilespmem:s26+$0x0];
	v10 =	vadd.s32 v28, v10;
	(xrf0) =	vadd.scan.msk.s32 $0xffff, v22  }
0x37b: {  	v25, _, _ =	vpop (xrf0);
	v10 =	vadd.s32 v26, v10;
	v26 =	vld [tilespmem:s26+$0x100]  }
0x37c: {  	v10 =	vadd.s32 v23, v10;
	v27, _, _ =	vpop (xrf0);
	v23 =	vld [tilespmem:s26+$0x200]  }
0x37d: {  	v29 =	vld [tilespmem:s26+$0x300];
	v28, _, _ =	vpop (xrf0);
	v10 =	vadd.s32 v21, v10  }
0x37e: {  	v21 =	vbroadcast v28, $0xF;
	v10 =	vadd.s32 v17, v10;
	v17 =	vld [tilespmem:s26+$0x400]  }
0x37f: {  	v28, _, _ =	vpop (xrf0);
	v10 =	vadd.s32 v24, v10;
	v24 =	vld [tilespmem:s26+$0x500]  }
0x380: {  	v30, _, _ =	vpop (xrf0);
	v21 =	vadd.s32 v19, v21;
	v10 =	vadd.s32 v26, v10;
	v19 =	vld [tilespmem:s26+$0x600]  }
0x381: {  	v31 =	vmctz.xlane vm3;
	v26 =	vld [tilespmem:s26+$0x700];
	v30 =	vadd.s32 v21, v30;
	v10 =	vadd.s32 v23, v10  }
0x382: {  	vm0 =	vge.s32 v30, v8;
	v10 =	vadd.s32 v29, v10  }
0x383: {  	vm3 =	veq.s32 v31, v0;
	v23 =	vsel vm0, $0x3F800000, v5;
	v10 =	vadd.s32 v17, v10  }
0x384: {  	v17 =	vnsel vm3, $0x0, v11;
	(xrf0) =	vmax.scan.msk.f32 $0xffff, v23;
	v10 =	vadd.s32 v24, v10  }
0x385: {  	v10 =	vadd.s32 v19, v10;
	(xrf0) =	vadd.scan.msk.s32 $0xffff, v17  }
0x386: {  	vm3 =	vgt.s32 v31, v0;
	v26 =	vadd.s32 v26, v10;
	(xrf0) =	vadd.scan.msk.s32 $0xffff, v18  }
0x387: {  	v10 =	vnsel vm3, $0x0, v11;
	v11 =	vperm.xlane v26, v4  }
0x388: {  	(xrf0) =	vadd.scan.msk.s32 $0xffff, v10  }
0x389: {  	(xrf0) =	vadd.scan.msk.s32 $0xffff, v11  }
0x38a: {  	v29, _, _ =	vpop (xrf0)  }
0x38b: {  	v30, _, _ =	vpop (xrf0)  }
0x38c: {  	v10, _, _ =	vpop (xrf0)  }
0x38d: {  	v17 =	vld [tilespmem:$0xB000];
	v10 =	vbroadcast v10, $0xF  }
0x38e: {  	v32, _, _ =	vpop (xrf0)  }
0x38f: {  	v18, _, _ =	vpop (xrf0);
	v23 =	vadd.s32 v21, v10  }
0x390: {  	s30 =	simm.s32 $0x40;
	(v2sf) =	vpush v25, $0xF;
	v25 =	vsub.s32 s25, v20;
	v10 =	vadd.s32 v23, v18  }
0x391: {  	v20 =	vld [tilespmem:s30+$0x0];
	v28 =	vbroadcast v28, $0xF;
	v33 =	vmctz.xlane vm0;
	vm3 =	vge.s32 v10, v8  }
0x392: {  	vm1 =	vmor vm1, vm2;
	s31 =	spop (v2sf);
	v19 =	vld [tilespmem:s30+$0x10];
	(erf) = vrcp.f32 v17;
	v10 =	vsel vm3, $0x3F800000, v5  }
0x393: {  	v9 =	vshll.u32 v9, $0x8;
	p0 =	sgt.f32 s31, $0.0e+00;
	v12 =	vadd.s32 v12, v28;
	vm0 =	vgt.s32 v33, v0;
	v17 =	vld [tilespmem:s30+$0x30];
	(xrf0) =	vmax.scan.msk.f32 $0xffff, v10  }
0x394: {  	vm2 =	veq.s32 v33, v0;
	v35 =	vnsel vm0, $0x0, v22;
	vm0 =	vmmov vm5;
	v18 =	vld [tilespmem:s30+$0x20]  }
0x395: {  	v36 =	vnsel vm2, $0x0, v22;
	v22 =	vld [tilespmem:s30+$0xFFFFFFF0];
	vm0 =	vmneg @p0 vm0;
	v34 =	vmctz.xlane vm3  }
0x396: {  	v24 =	vld [tilespmem:s30+$0xFFFFFFE0];
	(v2sf) =	vpush v29, $0xF;
	v30 =	vbroadcast v30, $0xF;
	v10 =	vbroadcast v7, $0xF  }
0x397: {  	v39 =	vld [tilespmem:s30+$0xFFFFFFC0];
	v32 =	vbroadcast v32, $0xF;
	v7 =	vbroadcast v27, $0xF;
	vm3 =	vgt.s32 v34, v0  }
0x398: {  	v27 =	vld [tilespmem:s30+$0xFFFFFFD0];
	vm2 =	veq.s32 v34, v0;
	v37 =	vnsel vm3, $0x0, v11;
	v29 =	vsub.f32 v17, v10  }
0x399: {  	v38 =	vnsel vm2, $0x0, v11;
	v40 =	vsub.f32 v19, v10;
	v41 =	vsub.f32 v18, v10;
	v11, _, _ =	vpop (xrf0)  }
0x39a: {  	v13 =	vadd.s32 v13, v32;
	v42 =	vsub.f32 v22, v10;
	(v2sf) =	vpush v11, $0xF  }
0x39b: {  	vm2 =	vmneg vm1;
	v43 =	vsub.f32 v20, v10;
	v44 =	vsub.f32 v24, v10;
	v11 =	vpop (erf)  }
0x39c: {  	v46 =	vsub.f32 v39, v10;
	vm2 =	vmand vm0, vm2;
	v29 =	vmul.f32 v29, v11  }
0x39d: {  	v45 =	vsub.f32 v27, v10;
	v41 =	vmul.f32 v41, v11;
	v43 =	vmul.f32 v43, v11  }
0x39e: {  	vm0 =	vmor vm1, vm0;
	v40 =	vmul.f32 v40, v11;
	v44 =	vmul.f32 v44, v11  }
0x39f: {  	vm1 =	vmmov vm5;
	v42 =	vmul.f32 v42, v11;
	v52 =	vmul.f32 v45, v11  }
0x3a0: {  	s28 =	spop (v2sf);
	(xrf0) =	vadd.scan.msk.s32 $0xffff, v36;
	v7 =	vsel vm2, v7, v14;
	v14 =	vmul.f32 v46, v11;
	v29 =	vmul.f32 $1.442695020e+00, v29  }
0x3a1: {  	p0 =	sgt.f32 s28, $0.0e+00;
	(xrf0) =	vadd.scan.msk.s32 $0xffff, v26;
	v15 =	vsel vm2, v25, v15;
	v26 =	vmul.f32 $1.442695020e+00, v41;
	v25 =	vmul.f32 $1.442695020e+00, v40  }
0x3a2: {  	(xrf0) =	vadd.scan.msk.s32 $0xffff, v35;
	v12 =	vsel vm2, v12, v16;
	v28 =	vmul.f32 $1.442695020e+00, v43;
	(erf) = vpow2.f32 v29  }
0x3a3: {  	(xrf0) =	vadd.scan.msk.s32 $0xffff, v38;
	vm1 =	vmneg @p0 vm1;
	v16 =	vmul.f32 $1.442695020e+00, v42;
	(erf) = vpow2.f32 v26  }
0x3a4: {  	vm2 =	vmneg vm0;
	(xrf0) =	vadd.scan.msk.s32 $0xffff, v37;
	(erf) = vpow2.f32 v25;
	v25 =	vmul.f32 $1.442695020e+00, v44  }
0x3a5: {  	vm2 =	vmand vm1, vm2;
	s29 =	spop (v2sf);
	(erf) = vpow2.f32 v28;
	v28 =	vmul.f32 $1.442695020e+00, v52  }
0x3a6: {  	vm0 =	vmor vm0, vm1;
	vm1 =	vmmov vm5;
	p0 =	sgt.f32 s29, $0.0e+00;
	v26, _, _ =	vpop (xrf0);
	(erf) = vpow2.f32 v16  }
0x3a7: {  	v7 =	vsel vm2, v30, v7;
	v14 =	vmul.f32 $1.442695020e+00, v14;
	v16, _, _ =	vpop (xrf0);
	(erf) = vpow2.f32 v25  }
0x3a8: {  	v12 =	vsel vm2, v13, v12;
	vm1 =	vmneg @p0 vm1;
	v29, _, _ =	vpop (xrf0);
	(erf) = vpow2.f32 v28  }
0x3a9: {  	v16 =	vsub.s32 s24, v31;
	v29 =	vbroadcast v29, $0xF;
	v28, _, _ =	vpop (xrf0);
	(erf) = vpow2.f32 v14;
	s30 =	spop (v2sf)  }
0x3aa: {  	v14 =	vsel vm2, v16, v15;
	v15 =	vsub.s32 s22, v33;
	vm2 =	vmneg vm0;
	v13, _, _ =	vpop (xrf0);
	p0 =	sgt.f32 s30, $0.0e+00  }
0x3ab: {  	vm0 =	vmor vm0, vm1;
	vm2 =	vmand vm1, vm2;
	vm1 =	vmmov vm5;
	v25 =	vpop (erf)  }
0x3ac: {  	v16 =	vbroadcast v26, $0xF;
	vm0 =	vmneg vm0;
	v26 =	vpop (erf);
	vm1 =	vmneg @p0 vm1  }
0x3ad: {  	s22 =	simm.s32 $0x2040;
	v14 =	vsel vm2, v15, v14;
	v15 =	vsub.s32 s23, v34;
	v30 =	vpop (erf);
	vm0 =	vmand vm1, vm0  }
0x3ae: {  	v31 =	vld [tilespmem:s22+$0xFFFFFFC0];
	v21 =	vadd.s32 v21, v29;
	v53 =	vpop (erf);
	v14 =	vsel vm0, v15, v14;
	v15 =	vbroadcast v28, $0xF  }
0x3af: {  	v13 =	vbroadcast v13, $0xF;
	v29 =	vpop (erf);
	v14 =	vadd.s32 v9, v14  }
0x3b0: {  	v7 =	vsel vm2, v16, v7;
	v12 =	vsel vm2, v21, v12;
	v16 =	vld [tilespmem:s22+$0xFFFFFFD0];
	v28 =	vpop (erf);
	vm1 =	vgt.s32 v14, $0xFFFFFFFF  }
0x3b1: {  	v21 =	vpop (erf);
	v9 =	vsel vm0, v15, v7;
	v7 =	vadd.s32 v23, v13;
	v13 =	vsel vm1, $0xFFFFFFFF, v6  }
0x3b2: {  	v23 =	vimm.f32 $0.0e+00;
	v7 =	vsel vm0, v7, v12;
	v15 =	vpop (erf);
	v12 =	vxor.u32 v14, v13  }
0x3b3: {  	v13 =	vld [tilespmem:s22+$0xFFFFFFE0];
	v14 =	vmul.f32 v15, v31;
	vm0 =	vgt.f32 v39, v12;
	vm2 =	veq.f32 v39, v12  }
0x3b4: {  	s31 =	simm.s32 $0xC0;
	vm1 =	vgt.f32 v17, v12;
	v31 =	vld [tilespmem:s22+$0xFFFFFFF0];
	v33 =	vnsel vm0, $0x0, v15;
	v55 =	vnsel vm2, $0x0, v15  }
0x3b5: {  	v39 =	vld [tilespmem:s31+$0x30];
	v15 =	vmul.f32 v21, v16;
	v54 =	vnsel vm0, $0x0, v14;
	vm0 =	vgt.f32 v27, v12  }
0x3b6: {  	v59 =	vnsel vm2, $0x0, v14;
	vm2 =	vgt.f32 v24, v12;
	v33 =	vadd.f32 v33, v23  }
0x3b7: {  	v35 =	vadd.f32 v55, v23;
	v60 =	vnsel vm0, $0x0, v21;
	v61 =	vnsel vm0, $0x0, v15  }
0x3b8: {  	v16 =	vld [tilespmem:s22+$0x0];
	vm0 =	veq.f32 v27, v12;
	v34 =	vadd.f32 v54, v23;
	v27 =	vmul.f32 v28, v13  }
0x3b9: {  	v21 =	vnsel vm0, $0x0, v21;
	v62 =	vnsel vm0, $0x0, v15;
	vm0 =	veq.f32 v24, v12  }
0x3ba: {  	v14 =	vld [tilespmem:s31+$0x10];
	v24 =	vnsel vm2, $0x0, v28;
	v31 =	vmul.f32 v29, v31;
	v58 =	vsub.f32 v39, v10  }
0x3bb: {  	v28 =	vnsel vm0, $0x0, v28;
	v34 =	vadd.f32 v61, v34;
	v21 =	vadd.f32 v21, v35  }
0x3bc: {  	v13 =	vld [tilespmem:s31+$0x20];
	v41 =	vnsel vm2, $0x0, v27;
	vm2 =	vgt.f32 v22, v12;
	v27 =	vnsel vm0, $0x0, v27  }
0x3bd: {  	vm0 =	veq.f32 v22, v12;
	v22 =	vld [tilespmem:s22+$0x10];
	v16 =	vmul.f32 v53, v16;
	v42 =	vnsel vm2, $0x0, v29  }
0x3be: {  	v15 =	vld [tilespmem:s31+$0xFFFFFFF0];
	v63 =	vnsel vm2, $0x0, v31;
	vm2 =	vgt.f32 v20, v12;
	v29 =	vnsel vm0, $0x0, v29  }
0x3bf: {  	v31 =	vnsel vm0, $0x0, v31;
	vm0 =	veq.f32 v20, v12;
	v47 =	vsub.f32 v14, v10  }
0x3c0: {  	v49 =	vld [tilespmem:s22+$0x20];
	v21 =	vadd.f32 v28, v21;
	v20 =	vnsel vm2, $0x0, v53;
	v56 =	vnsel vm2, $0x0, v16  }
0x3c1: {  	vm2 =	veq.f32 v17, v12;
	v17 =	vld [tilespmem:s31+$0x0];
	v32 =	vnsel vm0, $0x0, v53;
	v57 =	vnsel vm0, $0x0, v16  }
0x3c2: {  	vm0 =	vgt.f32 v19, v12;
	v48 =	vsub.f32 v13, v10;
	v22 =	vmul.f32 v30, v22  }
0x3c3: {  	v50 =	vsub.f32 v15, v10;
	v51 =	vnsel vm0, $0x0, v30;
	v21 =	vadd.f32 v29, v21  }
0x3c4: {  	v52 =	vnsel vm0, $0x0, v22;
	vm0 =	veq.f32 v19, v12;
	v19 =	vadd.f32 v59, v23  }
0x3c5: {  	v16 =	vld [tilespmem:s31+$0xFFFFFFE0];
	v21 =	vadd.f32 v32, v21;
	v23 =	vnsel vm0, $0x0, v30;
	v30 =	vadd.f32 v60, v33  }
0x3c6: {  	v61 =	vmul.f32 v26, v49;
	v59 =	vsub.f32 v17, v10;
	v19 =	vadd.f32 v62, v19  }
0x3c7: {  	v22 =	vnsel vm0, $0x0, v22;
	vm0 =	vgt.f32 v18, v12;
	v24 =	vadd.f32 v24, v30  }
0x3c8: {  	v62 =	vnsel vm0, $0x0, v26;
	v30 =	vadd.f32 v41, v34;
	v19 =	vadd.f32 v27, v19  }
0x3c9: {  	v27 =	vnsel vm0, $0x0, v61;
	vm0 =	veq.f32 v18, v12;
	v18 =	vld [tilespmem:s22+$0x30];
	v24 =	vadd.f32 v42, v24  }
0x3ca: {  	v29 =	vnsel vm1, $0x0, v25;
	v60 =	vsub.f32 v16, v10;
	v28 =	vadd.f32 v63, v30  }
0x3cb: {  	v30 =	vmul.f32 v58, v11;
	v19 =	vadd.f32 v31, v19;
	v20 =	vadd.f32 v20, v24  }
0x3cc: {  	v26 =	vnsel vm0, $0x0, v26;
	v63 =	vmul.f32 v47, v11;
	v24 =	vadd.f32 v56, v28  }
0x3cd: {  	v28 =	vnsel vm2, $0x0, v25;
	v19 =	vadd.f32 v57, v19;
	v20 =	vadd.f32 v51, v20  }
0x3ce: {  	v31 =	vadd.f32 v52, v24;
	v25 =	vmul.f32 v25, v18;
	v24 =	vld [tilespmem:s31+$0xFFFFFFD0];
	v18 =	vadd.f32 v23, v21  }
0x3cf: {  	v23 =	vld [tilespmem:s31+$0xFFFFFFC0];
	v19 =	vadd.f32 v22, v19;
	v22 =	vnsel vm0, $0x0, v61;
	v20 =	vadd.f32 v62, v20  }
0x3d0: {  	v21 =	vadd.f32 v27, v31;
	v26 =	vadd.f32 v26, v18;
	v18 =	vnsel vm1, $0x0, v25  }
0x3d1: {  	v31 =	vmul.f32 v48, v11;
	v19 =	vadd.f32 v22, v19;
	v20 =	vadd.f32 v29, v20  }
0x3d2: {  	v22 =	vnsel vm2, $0x0, v25;
	v18 =	vadd.f32 v18, v21;
	v21 =	vadd.f32 v28, v26  }
0x3d3: {  	v27 =	vmul.f32 v60, v11;
	v19 =	vadd.f32 v22, v19;
	v22 =	vsub.f32 v24, v10  }
0x3d4: {  	v28 =	vmul.f32 v59, v11;
	v29 =	vmul.f32 v50, v11;
	v26 =	vsub.f32 v23, v10  }
0x3d5: {  	vm3 =	vgt.f32 v13, v12;
	v25 =	vmul.f32 v22, v11;
	v22 =	vmul.f32 $1.442695020e+00, v30  }
0x3d6: {  	vm1 =	vgt.f32 v39, v12;
	v31 =	vmul.f32 $1.442695020e+00, v31;
	v26 =	vmul.f32 v26, v11  }
0x3d7: {  	s24 =	simm.s32 $0x140;
	s23 =	simm.s32 $0x8;
	vm2 =	veq.f32 v39, v12;
	v30 =	vmul.f32 $1.442695020e+00, v63;
	(erf) = vpow2.f32 v22  }
.LBB2_37:
0x3d8: {  	v22 =	vld [tilespmem:s24+$0x30];
	v28 =	vmul.f32 $1.442695020e+00, v28;
	vm4 =	veq.f32 v13, v12;
	(erf) = vpow2.f32 v31  }
0x3d9: {  	v29 =	vmul.f32 $1.442695020e+00, v29;
	vm5 =	vgt.f32 v14, v12;
	v13 =	vld [tilespmem:s24+$0x20];
	(erf) = vpow2.f32 v30  }
0x3da: {  	v27 =	vmul.f32 $1.442695020e+00, v27;
	vm6 =	veq.f32 v14, v12;
	v14 =	vld [tilespmem:s24+$0x10];
	(erf) = vpow2.f32 v28  }
0x3db: {  	v25 =	vmul.f32 $1.442695020e+00, v25;
	vm7 =	vgt.f32 v17, v12;
	v28 =	vld [tilespmem:s24+$0x0];
	(erf) = vpow2.f32 v29  }
0x3dc: {  	v26 =	vmul.f32 $1.442695020e+00, v26;
	vm8 =	veq.f32 v17, v12;
	v29 =	vld [tilespmem:s24+$0xFFFFFFF0];
	(erf) = vpow2.f32 v27  }
0x3dd: {  	vm10 =	vgt.f32 v15, v12;
	vm9 =	veq.f32 v15, v12;
	s22 =	sadd.s32 $0x80, s22;
	v27 =	vld [tilespmem:s24+$0xFFFFFFE0];
	(erf) = vpow2.f32 v25  }
0x3de: {  	vm12 =	vgt.f32 v16, v12;
	vm11 =	veq.f32 v16, v12;
	v15 =	vld [tilespmem:s22+$0x30];
	(erf) = vpow2.f32 v26  }
0x3df: {  	vm14 =	vgt.f32 v24, v12;
	vm13 =	veq.f32 v24, v12;
	v16 =	vsub.f32 v22, v10;
	v17 =	vld [tilespmem:s22+$0x20]  }
0x3e0: {  	vm15 =	vgt.f32 v23, v12;
	v26 =	vsub.f32 v13, v10;
	v25 =	vsub.f32 v14, v10;
	v24 =	vld [tilespmem:s22+$0x10];
	v30 =	vpop (erf)  }
0x3e1: {  	vm0 =	veq.f32 v23, v12;
	v32 =	vsub.f32 v28, v10;
	v31 =	vsub.f32 v29, v10;
	v23 =	vld [tilespmem:s22+$0x0];
	v33 =	vpop (erf)  }
0x3e2: {  	v35 =	vmul.f32 v16, v11;
	v36 =	vnsel vm1, $0x0, v30;
	v34 =	vsub.f32 v27, v10;
	v16 =	vld [tilespmem:s22+$0xFFFFFFF0];
	v37 =	vpop (erf)  }
0x3e3: {  	v41 =	vnsel vm2, $0x0, v30;
	v39 =	vnsel vm3, $0x0, v33;
	v40 =	vnsel vm4, $0x0, v33;
	v38 =	vld [tilespmem:s22+$0xFFFFFFC0];
	v42 =	vpop (erf)  }
0x3e4: {  	v44 =	vnsel vm5, $0x0, v37;
	v45 =	vnsel vm6, $0x0, v37;
	v30 =	vmul.f32 v30, v15;
	v43 =	vld [tilespmem:s22+$0xFFFFFFE0];
	v15 =	vpop (erf)  }
0x3e5: {  	v47 =	vnsel vm7, $0x0, v42;
	v48 =	vnsel vm8, $0x0, v42;
	v33 =	vmul.f32 v33, v17;
	v46 =	vld [tilespmem:s22+$0xFFFFFFD0];
	v49 =	vpop (erf)  }
0x3e6: {  	v50 =	vnsel vm10, $0x0, v15;
	v51 =	vnsel vm9, $0x0, v15;
	v24 =	vmul.f32 v37, v24;
	v37 =	vpop (erf)  }
0x3e7: {  	v52 =	vnsel vm12, $0x0, v49;
	v53 =	vnsel vm11, $0x0, v49;
	v23 =	vmul.f32 v42, v23;
	v42 =	vpop (erf)  }
0x3e8: {  	v17 =	vmovc v28;
	v54 =	vnsel vm14, $0x0, v37;
	v55 =	vmul.f32 v15, v16;
	v15 =	vmovc v29;
	v38 =	vmul.f32 v42, v38  }
0x3e9: {  	v29 =	vnsel vm13, $0x0, v37;
	v16 =	vmovc v27;
	v28 =	vnsel vm15, $0x0, v42;
	v43 =	vmul.f32 v49, v43  }
0x3ea: {  	v42 =	vnsel vm0, $0x0, v42;
	v27 =	vnsel vm15, $0x0, v38;
	v37 =	vmul.f32 v37, v46  }
0x3eb: {  	v20 =	vadd.f32 v28, v20;
	v18 =	vadd.f32 v27, v18;
	v27 =	vnsel vm0, $0x0, v38  }
0x3ec: {  	v21 =	vadd.f32 v42, v21;
	v19 =	vadd.f32 v27, v19;
	v27 =	vnsel vm14, $0x0, v37  }
0x3ed: {  	v20 =	vadd.f32 v54, v20;
	v18 =	vadd.f32 v27, v18;
	v27 =	vnsel vm13, $0x0, v37  }
0x3ee: {  	v21 =	vadd.f32 v29, v21;
	v19 =	vadd.f32 v27, v19;
	v27 =	vnsel vm12, $0x0, v43  }
0x3ef: {  	v20 =	vadd.f32 v52, v20;
	v18 =	vadd.f32 v27, v18;
	v27 =	vnsel vm11, $0x0, v43  }
0x3f0: {  	v21 =	vadd.f32 v53, v21;
	v19 =	vadd.f32 v27, v19;
	v27 =	vnsel vm10, $0x0, v55  }
0x3f1: {  	v20 =	vadd.f32 v50, v20;
	v18 =	vadd.f32 v27, v18;
	v27 =	vnsel vm9, $0x0, v55  }
0x3f2: {  	v21 =	vadd.f32 v51, v21;
	v19 =	vadd.f32 v27, v19;
	v27 =	vnsel vm7, $0x0, v23  }
0x3f3: {  	v20 =	vadd.f32 v47, v20;
	v23 =	vnsel vm8, $0x0, v23;
	v18 =	vadd.f32 v27, v18  }
0x3f4: {  	v21 =	vadd.f32 v48, v21;
	v19 =	vadd.f32 v23, v19;
	v23 =	vnsel vm5, $0x0, v24  }
0x3f5: {  	v20 =	vadd.f32 v44, v20;
	v18 =	vadd.f32 v23, v18;
	v23 =	vnsel vm6, $0x0, v24  }
0x3f6: {  	v21 =	vadd.f32 v45, v21;
	v27 =	vnsel vm3, $0x0, v33;
	v24 =	vld [tilespmem:s24+$0xFFFFFFD0];
	v19 =	vadd.f32 v23, v19  }
0x3f7: {  	v20 =	vadd.f32 v39, v20;
	v23 =	vld [tilespmem:s24+$0xFFFFFFC0];
	v18 =	vadd.f32 v27, v18;
	v27 =	vnsel vm4, $0x0, v33  }
0x3f8: {  	v21 =	vadd.f32 v40, v21;
	v19 =	vadd.f32 v27, v19;
	v27 =	vnsel vm1, $0x0, v30  }
0x3f9: {  	s23 =	sadd.s32 $0x8, s23;
	v20 =	vadd.f32 v36, v20;
	v18 =	vadd.f32 v27, v18;
	v27 =	vnsel vm2, $0x0, v30  }
0x3fa: {  	p0 =	slt.u32 s23, $0x1F8;
	v21 =	vadd.f32 v41, v21;
	v30 =	vmul.f32 v26, v11;
	v19 =	vadd.f32 v27, v19  }
.Ltmp19:
0x3fb: {  	v28 =	vmul.f32 v32, v11;
	v32 =	vmul.f32 v25, v11;
	v26 =	vsub.f32 v24, v10;
	(pc) =	sbr.rel @p0 .LBB2_37-.Ltmp19, $4  }
0x3fc: {  	v29 =	vmul.f32 v31, v11;
	v27 =	vmul.f32 v34, v11;
	v33 =	vsub.f32 v23, v10  }
0x3fd: {  	vm1 =	vgt.f32 v22, v12;
	v34 =	vmul.f32 $1.442695020e+00, v35;
	v25 =	vmul.f32 v26, v11  }
0x3fe: {  	vm2 =	veq.f32 v22, v12;
	v31 =	vmul.f32 $1.442695020e+00, v30;
	v26 =	vmul.f32 v33, v11  }
0x3ff: {  	vm3 =	vgt.f32 v13, v12;
	s24 =	sadd.s32 $0x80, s24;
	v30 =	vmul.f32 $1.442695020e+00, v32;
	(erf) = vpow2.f32 v34  }
0x400: {  	v10 =	vmul.f32 $1.442695020e+00, v28;
	(erf) = vpow2.f32 v31  }
0x401: {  	v11 =	vmul.f32 $1.442695020e+00, v29;
	(erf) = vpow2.f32 v30  }
0x402: {  	v22 =	vmul.f32 $1.442695020e+00, v27;
	(erf) = vpow2.f32 v10  }
0x403: {  	v43 =	vmul.f32 $1.442695020e+00, v25;
	(erf) = vpow2.f32 v11  }
0x404: {  	v44 =	vmul.f32 $1.442695020e+00, v26;
	(erf) = vpow2.f32 v22  }
0x405: {  	(erf) = vpow2.f32 v43  }
0x406: {  	(erf) = vpow2.f32 v44;
	_ =	sdelay $0x1  }
0x407: {  	v10 =	vpop (erf)  }
0x408: {  	v11 =	vpop (erf)  }
0x409: {  	v22 =	vpop (erf)  }
0x40a: {  	vm4 =	veq.f32 v13, v12;
	vm6 =	vgt.f32 v14, v12;
	vm5 =	veq.f32 v14, v12;
	v45 =	vpop (erf)  }
0x40b: {  	vm8 =	vgt.f32 v17, v12;
	vm7 =	veq.f32 v17, v12;
	vm10 =	vgt.f32 v15, v12;
	v46 =	vpop (erf)  }
0x40c: {  	vm9 =	veq.f32 v15, v12;
	vm12 =	vgt.f32 v16, v12;
	vm11 =	veq.f32 v16, v12;
	v47 =	vpop (erf)  }
0x40d: {  	vm13 =	vgt.f32 v24, v12;
	vm0 =	veq.f32 v24, v12;
	vm15 =	vgt.f32 v23, v12;
	s22 =	sadd.s32 $0x80, s22;
	v48 =	vpop (erf)  }
0x40e: {  	vm14 =	veq.f32 v23, v12;
	v52 =	vld [tilespmem:s22+$0x0];
	v49 =	vnsel vm1, $0x0, v10;
	v54 =	vnsel vm2, $0x0, v10;
	v51 =	vpop (erf)  }
0x40f: {  	v56 =	vld [tilespmem:s22+$0xFFFFFFC0];
	v50 =	vnsel vm3, $0x0, v11;
	v53 =	vnsel vm4, $0x0, v11;
	v55 =	vnsel vm15, $0x0, v51  }
0x410: {  	v59 =	vld [tilespmem:s22+$0xFFFFFFE0];
	v57 =	vnsel vm6, $0x0, v22;
	v58 =	vnsel vm14, $0x0, v51;
	v20 =	vadd.f32 v55, v20  }
0x411: {  	v39 =	vld [tilespmem:s22+$0xFFFFFFF0];
	v60 =	vnsel vm5, $0x0, v22;
	v32 =	vnsel vm13, $0x0, v48;
	v21 =	vadd.f32 v58, v21  }
0x412: {  	v61 =	vld [tilespmem:s22+$0xFFFFFFD0];
	v33 =	vnsel vm8, $0x0, v45;
	v34 =	vnsel vm0, $0x0, v48;
	v20 =	vadd.f32 v32, v20  }
0x413: {  	v62 =	vnsel vm7, $0x0, v45;
	v35 =	vnsel vm12, $0x0, v47;
	v21 =	vadd.f32 v34, v21  }
0x414: {  	v13 =	vmul.f32 v45, v52;
	v36 =	vnsel vm11, $0x0, v47;
	v20 =	vadd.f32 v35, v20  }
0x415: {  	v63 =	vnsel vm10, $0x0, v46;
	v38 =	vnsel vm9, $0x0, v46;
	v21 =	vadd.f32 v36, v21  }
0x416: {  	v14 =	vmul.f32 v46, v39;
	v15 =	vmul.f32 v47, v59;
	v20 =	vadd.f32 v63, v20  }
0x417: {  	v16 =	vmul.f32 v48, v61;
	v23 =	vmul.f32 v51, v56;
	v21 =	vadd.f32 v38, v21  }
0x418: {  	v44 =	vnsel vm12, $0x0, v15;
	v15 =	vnsel vm11, $0x0, v15;
	v20 =	vadd.f32 v33, v20  }
0x419: {  	v41 =	vnsel vm13, $0x0, v16;
	v40 =	vnsel vm15, $0x0, v23;
	v21 =	vadd.f32 v62, v21  }
0x41a: {  	v23 =	vnsel vm14, $0x0, v23;
	v18 =	vadd.f32 v40, v18;
	v20 =	vadd.f32 v57, v20  }
0x41b: {  	v16 =	vnsel vm0, $0x0, v16;
	v19 =	vadd.f32 v23, v19;
	v42 =	vadd.f32 v60, v21  }
0x41c: {  	v43 =	vld [tilespmem:s22+$0x10];
	vm14 =	vgt.s32 v9, $0x1;
	v18 =	vadd.f32 v41, v18;
	v17 =	vadd.f32 v50, v20  }
0x41d: {  	v9 =	vnsel vm14, $0x1, v9;
	v16 =	vadd.f32 v16, v19;
	v19 =	vadd.f32 v53, v42  }
0x41e: {  	v45 =	vld [tilespmem:s22+$0x20];
	v9 =	vcvt.s32.f32 v9;
	v18 =	vadd.f32 v44, v18;
	v12 =	vadd.f32 v49, v17  }
0x41f: {  	v46 =	vnsel vm10, $0x0, v14;
	v15 =	vadd.f32 v15, v16;
	v47 =	vadd.f32 v54, v19  }
0x420: {  	v48 =	vld [tilespmem:s22+$0x30];
	v14 =	vnsel vm9, $0x0, v14;
	(erf) = vrcp.f32 v9;
	v16 =	vadd.f32 v46, v18;
	(xrf2) =	vadd.scan.msk.f32 $0xffff, v12  }
0x421: {  	v51 =	vnsel vm8, $0x0, v13;
	v50 =	vadd.f32 v14, v15;
	v49 =	vmul.f32 v22, v43;
	(xrf2) =	vadd.scan.msk.f32 $0xffff, v47  }
0x422: {  	v13 =	vnsel vm7, $0x0, v13;
	v14 =	vadd.f32 v51, v16  }
0x423: {  	v11 =	vmul.f32 v11, v45;
	v12 =	vadd.f32 v13, v50;
	v52 =	vnsel vm6, $0x0, v49  }
0x424: {  	v9 =	vnsel vm5, $0x0, v49;
	v13 =	vadd.f32 v52, v14  }
0x425: {  	v10 =	vmul.f32 v10, v48;
	v53 =	vnsel vm3, $0x0, v11;
	v9 =	vadd.f32 v9, v12  }
0x426: {  	v11 =	vnsel vm4, $0x0, v11;
	v12 =	vadd.f32 v53, v13  }
0x427: {  	v54 =	vnsel vm1, $0x0, v10;
	v9 =	vadd.f32 v11, v9  }
0x428: {  	v10 =	vnsel vm2, $0x0, v10;
	v11 =	vadd.f32 v54, v12  }
0x429: {  	v7 =	vsub.s32 v8, v7;
	v8 =	vpop (erf);
	v9 =	vadd.f32 v10, v9  }
0x42a: {  	v7 =	vcvt.s32.f32 v7;
	v55, _, _ =	vpop (xrf2);
	(xrf2) =	vadd.scan.msk.f32 $0xffff, v11  }
0x42b: {  	v56, _, _ =	vpop (xrf2);
	(xrf2) =	vadd.scan.msk.f32 $0xffff, v9  }
0x42c: {  	v7 =	vmul.f32 v7, v8;
	v8 =	vbroadcast v56, $0xF;
	_ =	sdelay $0x1  }
0x42d: {  	v57 =	vbroadcast v55, $0xF;
	v8 =	vmul.f32 v8, v7;
	_ =	sdelay $0x1  }
0x42e: {  	v8 =	vadd.f32 v8, v57;
	_ =	sdelay $0x1  }
0x42f: {  	(erf) = vrcp.f32 v8;
	_ =	sdelay $0x1  }
0x430: {  	v8, _, _ =	vpop (xrf2)  }
0x431: {  	v58, _, _ =	vpop (xrf2)  }
0x432: {  	v9 =	vbroadcast v58, $0xF  }
0x433: {  	v8 =	vbroadcast v8, $0xF  }
0x434: {  	v7 =	vmul.f32 v9, v7;
	_ =	sdelay $0x1  }
0x435: {  	v7 =	vadd.f32 v7, v8  }
0x436: {  	v8 =	vpop (erf)  }
0x437: {  	v7 =	vmul.f32 v8, v7;
	_ =	sdelay $0x1  }
0x438: {  	v7 =	vmax.f32 v7, $9.999999740e-05  }
0x439: {  	v7 =	vmin.f32 v7, $9.998999830e-01  }
0x43a: {  	v8 =	vsub.f32 $1.000000000e+00, v7;
	_ =	sdelay $0x1  }
0x43b: {  	(erf) = vrcp.f32 v8;
	_ =	sdelay $0x8  }
0x43c: {  	v8 =	vpop (erf)  }
0x43d: {  	v7 =	vmul.f32 v8, v7;
	_ =	sdelay $0x1  }
0x43e: {  	v8 =	vand.u32 $0x7FFFFF, v7  }
0x43f: {  	v8 =	vor.u32 $0x3F800000, v8  }
0x440: {  	v59 =	vmul.f32 $5.000000000e-01, v8  }
0x441: {  	vm15 =	vgt.f32 v8, $1.414213540e+00  }
0x442: {  	v8 =	vsel vm15, v59, v8  }
0x443: {  	v9 =	vadd.f32 $1.000000000e+00, v8;
	_ =	sdelay $0x1  }
0x444: {  	(erf) = vrcp.f32 v9;
	_ =	sdelay $0x7  }
0x445: {  	v8 =	vadd.f32 $-1.000000000e+00, v8  }
0x446: {  	v9 =	vpop (erf)  }
0x447: {  	v8 =	vmul.f32 v9, v8;
	_ =	sdelay $0x1  }
0x448: {  	v9 =	vmul.f32 v8, v8;
	_ =	sdelay $0x1  }
0x449: {  	v60 =	vmul.f32 $1.111111120e-01, v9;
	_ =	sdelay $0x1  }
0x44a: {  	v10 =	vadd.f32 $1.428571490e-01, v60;
	_ =	sdelay $0x1  }
0x44b: {  	v10 =	vmul.f32 v10, v9;
	_ =	sdelay $0x1  }
0x44c: {  	v10 =	vadd.f32 $2.000000030e-01, v10;
	_ =	sdelay $0x1  }
0x44d: {  	v10 =	vmul.f32 v10, v9;
	_ =	sdelay $0x1  }
0x44e: {  	v10 =	vadd.f32 $3.333333430e-01, v10  }
0x44f: {  	v7 =	vshrl.u32 v7, $0x17;
	v61 =	vsel vm15, $0x1, v1  }
0x450: {  	v7 =	vadd.s32 v61, v7;
	v9 =	vmul.f32 v10, v9  }
0x451: {  	v7 =	vadd.s32 $0xFFFFFF81, v7  }
0x452: {  	v7 =	vcvt.s32.f32 v7;
	v8 =	vadd.f32 v8, v8;
	v9 =	vadd.f32 $1.000000000e+00, v9  }
0x453: {  	v62 =	vld [tilespmem:$0xB100]  }
0x454: {  	v7 =	vmul.f32 $6.931471820e-01, v7;
	v8 =	vmul.f32 v9, v8  }
0x455: {  	v63 =	vld [tilespmem:$0xB080]  }
0x456: {  	v7 =	vadd.f32 v8, v7;
	_ =	sdelay $0x1  }
0x457: {  	v7 =	vmul.f32 v62, v7;
	_ =	sdelay $0x1  }
0x458: {  	v7 =	vadd.f32 v63, v7;
	_ =	sdelay $0x1  }
0x459: {  	v7 =	vsub.f32 $0.0e+00, v7;
	_ =	sdelay $0x1  }
0x45a: {  	v7 =	vmul.f32 $1.442695020e+00, v7;
	_ =	sdelay $0x1  }
0x45b: {  	(erf) = vpow2.f32 v7;
	_ =	sdelay $0x8  }
0x45c: {  	v7 =	vpop (erf)  }
0x45d: {  	v7 =	vadd.f32 $1.000000000e+00, v7;
	_ =	sdelay $0x1  }
0x45e: {  	(erf) = vrcp.f32 v7;
	_ =	sdelay $0x8  }
0x45f: {  	s21 =	sadd.s32 $0x1, s21;
	v7 =	vpop (erf)  }
0x460: {  	p0 =	sne.s32 s21, s9;
	[tilespmem:$0xB180] =	vst v7  }
0x461: {  	[hbm4b:s8+s3] =	stream.linear.scatter [tilespmem:s19], [sflag:$0x1], $0x80, $0x38;
	[tilespmem:$0xB200] =	vst v63  }
.Ltmp20:
0x462: {  	_ = 	snop;
	(pc) =	sbr.rel @p0 .LBB2_1-.Ltmp20, $4  }
.Ltmp21:
0x463: {  	_ = 	snop;
	(pc) =	sbr.rel @!p0 .LBB2_39-.Ltmp21, $4  }
0x464: {  	_ =	swait.ge [sflag:s12], $0x80  }
0x465: {  	[sflag:s12] =	ssyncset.done $0x0  }
0x466: {  	vm5 =	vmxor vm5, vm5;
	[sflag:s12] =	ssyncadd.s32 $0xFFFFFF80  }
0x467: {  	_ = 	snop  }
.LBB2_25:
.Ltmp22:
0x468: {  	(pc) =	sbr.rel .LBB2_29-.Ltmp22, $2  }
0x469: {  	_ =	sdelay $0x2  }
0x46a: {  	s24 =	simm.s32 $0x0;
	s23 =	simm.s32 $0x0  }
.LBB2_23:
.Ltmp23:
0x46b: {  	(pc) =	sbr.rel .LBB2_33-.Ltmp23, $2  }
0x46c: {  	_ =	sdelay $0x2  }
0x46d: {  	s23 =	simm.s32 $0x0  }
.LBB2_27:
.Ltmp24:
0x46e: {  	(pc) =	sbr.rel .LBB2_29-.Ltmp24, $2  }
0x46f: {  	_ =	sdelay $0x2  }
0x470: {  	s24 =	simm.s32 $0x0;
	s23 =	simm.s32 $0x0  }
.LBB2_31:
.Ltmp25:
0x471: {  	(pc) =	sbr.rel .LBB2_33-.Ltmp25, $2  }
0x472: {  	_ =	sdelay $0x2  }
0x473: {  	s23 =	simm.s32 $0x0  }
.LBB2_39:
0x474: {  	_ =	sfence.sel $0x180000  }
0x475: {  	[bflag:$0x0] =	sbarrier.arrive $0xFFFF  }
0x476: {  	p0 =	sne.s32 s0, $0x0;
	_ =	strace $0x90000047  }
0x477: {  	s0 =	sadd.s32 @!p0 $0x100000, s1;
	[bflag:$0x2] =	sbarrier.arrive $0xFFFF  }
0x478: {  	[sflag:s0] =	ssyncadd.tile.s32 @!p0 $0x1;
	_ =	shalt  }
.Lfunc_end2:
_tile_overlayer_lowered:
.L_overlay_start_2:
0x479: {  	(tag) =	ssettag $0x2  }
0x47a: {  	s0 =	rddreg [dreg:$0x0];
	s2 =	stileid.u32  }
0x47b: {  	s1 =	rddreg [dreg:$0x1];
	p0 =	sne.s32 s2, $0x0  }
0x47c: {  	s3 =	rddreg [dreg:$0x2];
	[bflag:$0x3] =	sbarrier.arrive $0xFFFF;
	s2 =	simm.s32 @!p0 $0x1C01  }
0x47d: {  	[timem:s3], [sflag:s2] =	dma.local @!p0 [hbm:s0], s1  }
0x47e: {  	s0 =	simm.s32 @!p0 $0x1  }
0x47f: {  	_ =	swait.ge @!p0 [sflag:s0], s1  }
0x480: {  	s1 =	ssub.s32 @!p0 $0x0, s1;
	[sflag:s0] =	ssyncset.done @!p0 $0x0  }
0x481: {  	[sflag:s0] =	ssyncadd.s32 @!p0 s1  }
0x482: {  	[bflag:$0x3] =	sbarrier.arrive $0xFFFF  }
0x483: {  	_ =	shalt  }

</sc_bundles>
